<compile_context>
chip_gen: v7x
topology: tpu7x:2x2x1
jax: 0.10.2.dev20260603
libtpu: 0.0.44.dev20260713+nightly
codegen_flags: <defaults>
</compile_context>

<pallas_src>
import functools

import jax
import jax.numpy as jnp
from jax import lax
from jax.experimental import pallas as pl
from jax.experimental.pallas import tpu as pltpu
from jax.experimental.pallas import tpu_sc as plsc

N_CORES = 2
N_SUBCORES = 16
NW = N_CORES * N_SUBCORES
L = 16
EMBED = 128
NV = EMBED // L
CH = 64
TOK = 8192
NCH = TOK // (NW * CH)
EPS = 1e-12


def _newton_rsqrt(x):
    i = plsc.bitcast(x, jnp.int32)
    y = plsc.bitcast(jnp.int32(0x5F3759DF) - (i >> 1), jnp.float32)
    for _ in range(2):
        y = y * (1.5 - 0.5 * x * y * y)
    return y


_GATHER_DNUMS = lax.GatherDimensionNumbers(
    offset_dims=(), collapsed_slice_dims=(0,), start_index_map=(0,))


def _vperm(v, idx):
    return lax.gather(v, idx[:, None], dimension_numbers=_GATHER_DNUMS,
                      slice_sizes=(1,),
                      mode=lax.GatherScatterMode.PROMISE_IN_BOUNDS)


def _lane_sum(v, perms):
    for p in perms:
        v = v + _vperm(v, p)
    return v


def _body(idx_hbm, word_hbm, postab_hbm, gb_hbm, ttab_hbm, out_hbm,
          idxv, wrows, prows, orows, consts, postab_sp,
          sem_i, sem_w0, sem_p0, sem_w1, sem_p1, sem_o):
    wid = lax.axis_index("s") * N_CORES + lax.axis_index("c")
    base = wid * (NCH * CH)
    gsem = ((sem_w0, sem_p0), (sem_w1, sem_p1))

    ci = [pltpu.async_copy(idx_hbm.at[:, pl.ds(base + j * CH, CH)],
                           idxv[j].at[:, pl.ds(0, CH)], sem_i)
          for j in range(NCH)]
    pltpu.sync_copy(gb_hbm, consts.at[pl.ds(0, 2)])
    pltpu.sync_copy(ttab_hbm, consts.at[pl.ds(2, 2)])

    @pl.when(lax.axis_index("s") == 0)
    def _fill():
        pltpu.sync_copy(postab_hbm, postab_sp)

    plsc.subcore_barrier()
    for c in ci:
        c.wait()

    def _fire(j):
        sw, sp = gsem[j % 2]
        return (pltpu.async_copy(word_hbm.at[idxv[j].at[0, pl.ds(0, CH)]],
                                 wrows[j % 2], sw),
                pltpu.async_copy(postab_sp.at[idxv[j].at[1, pl.ds(0, CH)]],
                                 prows[j % 2], sp))

    g = [consts[0, pl.ds(k * L, L)] for k in range(NV)]
    b = [consts[1, pl.ds(k * L, L)] for k in range(NV)]
    t0 = [consts[2, pl.ds(k * L, L)] for k in range(NV)]
    td = [consts[3, pl.ds(k * L, L)] - t0[k] for k in range(NV)]
    iota = lax.iota(jnp.int32, L)
    perms = [iota ^ sh for sh in (8, 4, 2, 1)]
    zeros = jnp.zeros((L,), jnp.int32)

    inflight = [_fire(0), _fire(1)]
    out_copies = []
    for j in range(NCH):
        gw, gp = inflight[j % 2]
        gw.wait()
        gp.wait()
        wr, pr, orow = wrows[j % 2], prows[j % 2], orows[j]

        @plsc.parallel_loop(0, CH, unroll=2)
        def tok_body(t, wr=wr, pr=pr, orow=orow, j=j):
            ttf = _vperm(idxv[j][2, pl.ds(t, L)], zeros).astype(jnp.float32)
            e = []
            for k in range(NV):
                ek = (wr[t, pl.ds(k * L, L)] + pr[t, pl.ds(k * L, L)]
                      + (t0[k] + ttf * td[k]))
                e.append(ek)
            s = ((e[0] + e[1]) + (e[2] + e[3])) + ((e[4] + e[5]) + (e[6] + e[7]))
            q01 = e[0] * e[0] + e[1] * e[1]
            q23 = e[2] * e[2] + e[3] * e[3]
            q45 = e[4] * e[4] + e[5] * e[5]
            q67 = e[6] * e[6] + e[7] * e[7]
            q = (q01 + q23) + (q45 + q67)
            s = _lane_sum(s, perms)
            q = _lane_sum(q, perms)
            mean = s * (1.0 / EMBED)
            var = q * (1.0 / EMBED) - mean * mean
            inv = _newton_rsqrt(var + EPS)
            for k in range(NV):
                orow[t, pl.ds(k * L, L)] = (e[k] - mean) * inv * g[k] + b[k]

        if j + 2 < NCH:
            inflight[j % 2] = _fire(j + 2)
        out_copies.append(
            pltpu.async_copy(orow, out_hbm.at[pl.ds(base + j * CH, CH)],
                             sem_o))

    for c in out_copies:
        c.wait()


@functools.partial(jax.jit, static_argnums=())
def _sc_embed(idx_all, word, postab, gb, ttab):
    call = pl.kernel(
        _body,
        out_type=jax.ShapeDtypeStruct((TOK, EMBED), jnp.float32),
        mesh=plsc.VectorSubcoreMesh(
            core_axis_name="c", subcore_axis_name="s",
            num_cores=N_CORES, num_subcores=N_SUBCORES),
        scratch_types=[
            [pltpu.VMEM((3, CH + L), jnp.int32) for _ in range(NCH)],
            [pltpu.VMEM((CH, EMBED), jnp.float32) for _ in range(2)],
            [pltpu.VMEM((CH, EMBED), jnp.float32) for _ in range(2)],
            [pltpu.VMEM((CH, EMBED), jnp.float32) for _ in range(NCH)],
            pltpu.VMEM((4, EMBED), jnp.float32),
            pltpu.VMEM_SHARED((2048, EMBED), jnp.float32),
            pltpu.SemaphoreType.DMA,
            pltpu.SemaphoreType.DMA,
            pltpu.SemaphoreType.DMA,
            pltpu.SemaphoreType.DMA,
            pltpu.SemaphoreType.DMA,
            pltpu.SemaphoreType.DMA,
        ],
        compiler_params=pltpu.CompilerParams(needs_layout_passes=False),
    )
    return call(idx_all, word, postab, gb, ttab)


def kernel(input_ids, position_ids, token_type_ids, word_embeddings,
           position_table, type_table, gamma, beta):
    B, S = input_ids.shape
    idx_all = jnp.stack([input_ids.reshape(-1), position_ids.reshape(-1),
                         token_type_ids.reshape(-1)])
    gb = jnp.stack([gamma, beta])
    out = _sc_embed(idx_all, word_embeddings, position_table, gb, type_table)
    return out.reshape(B, S, EMBED)

# --- scband reference (transcript-rebuilt; emitter-appended) ---
"""Pipeline reference for scband-albert-embedding-91250875171418 (READ-ONLY COPY).

The authoritative reference and input builder live on the scoring server;
editing this copy changes nothing except your own understanding.
"""

import jax, jax.numpy as jnp
import numpy as np

VOCAB = 100000
EMBED = 128
MAX_POS = 2048
TYPE_VOCAB = 2
B = 4
S = 2048
EPS = 1e-12


def setup_inputs(seed: int = 0) -> dict:
    key = jax.random.key(seed)
    ks = jax.random.split(key, 8)
    input_ids = jax.random.randint(ks[0], (B, S), 0, VOCAB, dtype=jnp.int32)
    position_ids = jax.random.randint(ks[1], (B, S), 0, MAX_POS, dtype=jnp.int32)
    token_type_ids = jax.random.randint(ks[2], (B, S), 0, TYPE_VOCAB, dtype=jnp.int32)
    word_embeddings = jax.random.normal(ks[3], (VOCAB, EMBED), dtype=jnp.float32) * 0.02
    position_table = jax.random.normal(ks[4], (MAX_POS, EMBED), dtype=jnp.float32) * 0.02
    type_table = jax.random.normal(ks[5], (TYPE_VOCAB, EMBED), dtype=jnp.float32) * 0.02
    gamma = jnp.ones((EMBED,), dtype=jnp.float32)
    beta = jnp.zeros((EMBED,), dtype=jnp.float32)
    return {
        "input_ids": input_ids,
        "position_ids": position_ids,
        "token_type_ids": token_type_ids,
        "word_embeddings": word_embeddings,
        "position_table": position_table,
        "type_table": type_table,
        "gamma": gamma,
        "beta": beta,
    }


def reference(input_ids, position_ids, token_type_ids, word_embeddings, position_table, type_table, gamma, beta):
    # mode == 'embedding', training=False (dropout is identity)
    inputs_embeds = jnp.take(word_embeddings, input_ids, axis=0)
    position_embeddings = jnp.take(position_table, position_ids, axis=0)
    token_type_embeddings = jnp.take(type_table, token_type_ids, axis=0)
    embeddings = inputs_embeds + position_embeddings + token_type_embeddings
    # LayerNormalization over last axis, epsilon=1e-12
    mean = jnp.mean(embeddings, axis=-1, keepdims=True)
    var = jnp.mean(jnp.square(embeddings - mean), axis=-1, keepdims=True)
    normed = (embeddings - mean) * jax.lax.rsqrt(var + EPS)
    out = normed * gamma + beta
    return out

if __name__ == "__main__":
    import jax
    _d = setup_inputs()
    print(jax.jit(kernel)(*tuple(_d.values())))

</pallas_src>

<mosaic_0001>
#map = affine_map<(d0, d1) -> (0, 0)>
module attributes {stable_mosaic.version = 14 : i64} {
  func.func @_body(%arg0: i32, %arg1: i32, %arg2: memref<3x8192xi32, #tpu.memory_space<hbm>>, %arg3: memref<100000x128xf32, #tpu.memory_space<hbm>>, %arg4: memref<2048x128xf32, #tpu.memory_space<hbm>>, %arg5: memref<2x128xf32, #tpu.memory_space<hbm>>, %arg6: memref<2x128xf32, #tpu.memory_space<hbm>>, %arg7: memref<8192x128xf32, #tpu.memory_space<hbm>>, %arg8: memref<3x80xi32, #tpu.memory_space<vmem>>, %arg9: memref<3x80xi32, #tpu.memory_space<vmem>>, %arg10: memref<3x80xi32, #tpu.memory_space<vmem>>, %arg11: memref<3x80xi32, #tpu.memory_space<vmem>>, %arg12: memref<64x128xf32, #tpu.memory_space<vmem>>, %arg13: memref<64x128xf32, #tpu.memory_space<vmem>>, %arg14: memref<64x128xf32, #tpu.memory_space<vmem>>, %arg15: memref<64x128xf32, #tpu.memory_space<vmem>>, %arg16: memref<64x128xf32, #tpu.memory_space<vmem>>, %arg17: memref<64x128xf32, #tpu.memory_space<vmem>>, %arg18: memref<64x128xf32, #tpu.memory_space<vmem>>, %arg19: memref<64x128xf32, #tpu.memory_space<vmem>>, %arg20: memref<4x128xf32, #tpu.memory_space<vmem>>, %arg21: memref<2048x128xf32, #tpu.memory_space<vmem_shared>>, %arg22: memref<!tpu.dma_semaphore, #tpu.memory_space<semaphore_mem>>, %arg23: memref<!tpu.dma_semaphore, #tpu.memory_space<semaphore_mem>>, %arg24: memref<!tpu.dma_semaphore, #tpu.memory_space<semaphore_mem>>, %arg25: memref<!tpu.dma_semaphore, #tpu.memory_space<semaphore_mem>>, %arg26: memref<!tpu.dma_semaphore, #tpu.memory_space<semaphore_mem>>, %arg27: memref<!tpu.dma_semaphore, #tpu.memory_space<semaphore_mem>>) attributes {dimension_semantics = [#tpu.dimension_semantics<core_parallel>, #tpu.dimension_semantics<subcore_parallel>], iteration_bounds = array<i64: 2, 16>, scalar_prefetch = 0 : i64, scratch_operands = 20 : i64, tpu.core_type = #tpu.core_type<sc_vector_subcore>, window_params = [{transform_indices = #map}, {transform_indices = #map}, {transform_indices = #map}, {transform_indices = #map}, {transform_indices = #map}, {transform_indices = #map}]} {
    %mul3A = arith.constant 2 : i32
    %mul3A_0 = arith.muli %arg1, %mul3A : i32
    %add3A = arith.addi %mul3A_0, %arg0 : i32
    %mul3A_1 = arith.constant 256 : i32
    %mul3A_2 = arith.muli %add3A, %mul3A_1 : i32
    %add3A_3 = arith.constant 0 : i32
    %add3A_4 = arith.addi %mul3A_2, %add3A_3 : i32
    %dma_start3A = arith.constant 0 : i32
    %dma_start3A_5 = arith.constant 0 : i32
    %dma_start3A_6 = tpu.memref_slice %arg8[%dma_start3A, %dma_start3A_5] : memref<3x80xi32, #tpu.memory_space<vmem>> -> memref<3x64xi32, #tpu.memory_space<vmem>>
    %dma_start3A_7 = arith.constant 0 : i32
    %dma_start3A_8 = tpu.memref_slice %arg2[%dma_start3A_7, %add3A_4] : memref<3x8192xi32, #tpu.memory_space<hbm>> -> memref<3x64xi32, #tpu.memory_space<hbm>>
    %dma_start3A_9 = arith.constant 0 : i32
    %dma_start3A_10 = arith.constant 0 : i32
    %dma_start3A_11 = tpu.memref_slice %arg8[%dma_start3A_9, %dma_start3A_10] : memref<3x80xi32, #tpu.memory_space<vmem>> -> memref<3x64xi32, #tpu.memory_space<vmem>>
    %dma_start3A_12 = arith.constant 0 : i32
    %dma_start3A_13 = tpu.memref_slice %arg2[%dma_start3A_12, %add3A_4] : memref<3x8192xi32, #tpu.memory_space<hbm>> -> memref<3x64xi32, #tpu.memory_space<hbm>>
    tpu.enqueue_dma source(%dma_start3A_13 : memref<3x64xi32, #tpu.memory_space<hbm>>) target(%dma_start3A_11 : memref<3x64xi32, #tpu.memory_space<vmem>>) target_semaphore(%arg22 : memref<!tpu.dma_semaphore, #tpu.memory_space<semaphore_mem>>)
    %add3A_14 = arith.constant 64 : i32
    %add3A_15 = arith.addi %mul3A_2, %add3A_14 : i32
    %dma_start3A_16 = arith.constant 0 : i32
    %dma_start3A_17 = arith.constant 0 : i32
    %dma_start3A_18 = tpu.memref_slice %arg9[%dma_start3A_16, %dma_start3A_17] : memref<3x80xi32, #tpu.memory_space<vmem>> -> memref<3x64xi32, #tpu.memory_space<vmem>>
    %dma_start3A_19 = arith.constant 0 : i32
    %dma_start3A_20 = tpu.memref_slice %arg2[%dma_start3A_19, %add3A_15] : memref<3x8192xi32, #tpu.memory_space<hbm>> -> memref<3x64xi32, #tpu.memory_space<hbm>>
    %dma_start3A_21 = arith.constant 0 : i32
    %dma_start3A_22 = arith.constant 0 : i32
    %dma_start3A_23 = tpu.memref_slice %arg9[%dma_start3A_21, %dma_start3A_22] : memref<3x80xi32, #tpu.memory_space<vmem>> -> memref<3x64xi32, #tpu.memory_space<vmem>>
    %dma_start3A_24 = arith.constant 0 : i32
    %dma_start3A_25 = tpu.memref_slice %arg2[%dma_start3A_24, %add3A_15] : memref<3x8192xi32, #tpu.memory_space<hbm>> -> memref<3x64xi32, #tpu.memory_space<hbm>>
    tpu.enqueue_dma source(%dma_start3A_25 : memref<3x64xi32, #tpu.memory_space<hbm>>) target(%dma_start3A_23 : memref<3x64xi32, #tpu.memory_space<vmem>>) target_semaphore(%arg22 : memref<!tpu.dma_semaphore, #tpu.memory_space<semaphore_mem>>)
    %add3A_26 = arith.constant 128 : i32
    %add3A_27 = arith.addi %mul3A_2, %add3A_26 : i32
    %dma_start3A_28 = arith.constant 0 : i32
    %dma_start3A_29 = arith.constant 0 : i32
    %dma_start3A_30 = tpu.memref_slice %arg10[%dma_start3A_28, %dma_start3A_29] : memref<3x80xi32, #tpu.memory_space<vmem>> -> memref<3x64xi32, #tpu.memory_space<vmem>>
    %dma_start3A_31 = arith.constant 0 : i32
    %dma_start3A_32 = tpu.memref_slice %arg2[%dma_start3A_31, %add3A_27] : memref<3x8192xi32, #tpu.memory_space<hbm>> -> memref<3x64xi32, #tpu.memory_space<hbm>>
    %dma_start3A_33 = arith.constant 0 : i32
    %dma_start3A_34 = arith.constant 0 : i32
    %dma_start3A_35 = tpu.memref_slice %arg10[%dma_start3A_33, %dma_start3A_34] : memref<3x80xi32, #tpu.memory_space<vmem>> -> memref<3x64xi32, #tpu.memory_space<vmem>>
    %dma_start3A_36 = arith.constant 0 : i32
    %dma_start3A_37 = tpu.memref_slice %arg2[%dma_start3A_36, %add3A_27] : memref<3x8192xi32, #tpu.memory_space<hbm>> -> memref<3x64xi32, #tpu.memory_space<hbm>>
    tpu.enqueue_dma source(%dma_start3A_37 : memref<3x64xi32, #tpu.memory_space<hbm>>) target(%dma_start3A_35 : memref<3x64xi32, #tpu.memory_space<vmem>>) target_semaphore(%arg22 : memref<!tpu.dma_semaphore, #tpu.memory_space<semaphore_mem>>)
    %add3A_38 = arith.constant 192 : i32
    %add3A_39 = arith.addi %mul3A_2, %add3A_38 : i32
    %dma_start3A_40 = arith.constant 0 : i32
    %dma_start3A_41 = arith.constant 0 : i32
    %dma_start3A_42 = tpu.memref_slice %arg11[%dma_start3A_40, %dma_start3A_41] : memref<3x80xi32, #tpu.memory_space<vmem>> -> memref<3x64xi32, #tpu.memory_space<vmem>>
    %dma_start3A_43 = arith.constant 0 : i32
    %dma_start3A_44 = tpu.memref_slice %arg2[%dma_start3A_43, %add3A_39] : memref<3x8192xi32, #tpu.memory_space<hbm>> -> memref<3x64xi32, #tpu.memory_space<hbm>>
    %dma_start3A_45 = arith.constant 0 : i32
    %dma_start3A_46 = arith.constant 0 : i32
    %dma_start3A_47 = tpu.memref_slice %arg11[%dma_start3A_45, %dma_start3A_46] : memref<3x80xi32, #tpu.memory_space<vmem>> -> memref<3x64xi32, #tpu.memory_space<vmem>>
    %dma_start3A_48 = arith.constant 0 : i32
    %dma_start3A_49 = tpu.memref_slice %arg2[%dma_start3A_48, %add3A_39] : memref<3x8192xi32, #tpu.memory_space<hbm>> -> memref<3x64xi32, #tpu.memory_space<hbm>>
    tpu.enqueue_dma source(%dma_start3A_49 : memref<3x64xi32, #tpu.memory_space<hbm>>) target(%dma_start3A_47 : memref<3x64xi32, #tpu.memory_space<vmem>>) target_semaphore(%arg22 : memref<!tpu.dma_semaphore, #tpu.memory_space<semaphore_mem>>)
    "tpu.region"() ({
      %run_scoped3A = tpu.sem_alloc : memref<!tpu.dma_semaphore, #tpu.memory_space<semaphore_mem>>
      %dma_start3A_400 = arith.constant 0 : i32
      %dma_start3A_401 = arith.constant 0 : i32
      %dma_start3A_402 = tpu.memref_slice %arg20[%dma_start3A_400, %dma_start3A_401] : memref<4x128xf32, #tpu.memory_space<vmem>> -> memref<2x128xf32, #tpu.memory_space<vmem>>
      %dma_start3A_403 = arith.constant 0 : i32
      %dma_start3A_404 = arith.constant 0 : i32
      %dma_start3A_405 = tpu.memref_slice %arg20[%dma_start3A_403, %dma_start3A_404] : memref<4x128xf32, #tpu.memory_space<vmem>> -> memref<2x128xf32, #tpu.memory_space<vmem>>
      tpu.enqueue_dma source(%arg5 : memref<2x128xf32, #tpu.memory_space<hbm>>) target(%dma_start3A_405 : memref<2x128xf32, #tpu.memory_space<vmem>>) target_semaphore(%run_scoped3A : memref<!tpu.dma_semaphore, #tpu.memory_space<semaphore_mem>>)
      %dma_wait3A_406 = arith.constant 0 : i32
      %dma_wait3A_407 = arith.constant 0 : i32
      %dma_wait3A_408 = tpu.memref_slice %arg20[%dma_wait3A_406, %dma_wait3A_407] : memref<4x128xf32, #tpu.memory_space<vmem>> -> memref<2x128xf32, #tpu.memory_space<vmem>>
      %dma_wait3A_409 = arith.constant 0 : i32
      %dma_wait3A_410 = arith.constant 0 : i32
      %dma_wait3A_411 = tpu.memref_slice %arg20[%dma_wait3A_409, %dma_wait3A_410] : memref<4x128xf32, #tpu.memory_space<vmem>> -> memref<2x128xf32, #tpu.memory_space<vmem>>
      tpu.wait_dma2 semaphore(%run_scoped3A : memref<!tpu.dma_semaphore, #tpu.memory_space<semaphore_mem>>) src(%arg5 : memref<2x128xf32, #tpu.memory_space<hbm>>) dst(%dma_wait3A_411 : memref<2x128xf32, #tpu.memory_space<vmem>>)
      tpu.yield
    }) : () -> ()
    "tpu.region"() ({
      %run_scoped3A = tpu.sem_alloc : memref<!tpu.dma_semaphore, #tpu.memory_space<semaphore_mem>>
      %dma_start3A_400 = arith.constant 2 : i32
      %dma_start3A_401 = arith.constant 0 : i32
      %dma_start3A_402 = tpu.memref_slice %arg20[%dma_start3A_400, %dma_start3A_401] : memref<4x128xf32, #tpu.memory_space<vmem>> -> memref<2x128xf32, #tpu.memory_space<vmem>>
      %dma_start3A_403 = arith.constant 2 : i32
      %dma_start3A_404 = arith.constant 0 : i32
      %dma_start3A_405 = tpu.memref_slice %arg20[%dma_start3A_403, %dma_start3A_404] : memref<4x128xf32, #tpu.memory_space<vmem>> -> memref<2x128xf32, #tpu.memory_space<vmem>>
      tpu.enqueue_dma source(%arg6 : memref<2x128xf32, #tpu.memory_space<hbm>>) target(%dma_start3A_405 : memref<2x128xf32, #tpu.memory_space<vmem>>) target_semaphore(%run_scoped3A : memref<!tpu.dma_semaphore, #tpu.memory_space<semaphore_mem>>)
      %dma_wait3A_406 = arith.constant 2 : i32
      %dma_wait3A_407 = arith.constant 0 : i32
      %dma_wait3A_408 = tpu.memref_slice %arg20[%dma_wait3A_406, %dma_wait3A_407] : memref<4x128xf32, #tpu.memory_space<vmem>> -> memref<2x128xf32, #tpu.memory_space<vmem>>
      %dma_wait3A_409 = arith.constant 2 : i32
      %dma_wait3A_410 = arith.constant 0 : i32
      %dma_wait3A_411 = tpu.memref_slice %arg20[%dma_wait3A_409, %dma_wait3A_410] : memref<4x128xf32, #tpu.memory_space<vmem>> -> memref<2x128xf32, #tpu.memory_space<vmem>>
      tpu.wait_dma2 semaphore(%run_scoped3A : memref<!tpu.dma_semaphore, #tpu.memory_space<semaphore_mem>>) src(%arg6 : memref<2x128xf32, #tpu.memory_space<hbm>>) dst(%dma_wait3A_411 : memref<2x128xf32, #tpu.memory_space<vmem>>)
      tpu.yield
    }) : () -> ()
    %eq3A = arith.constant 0 : i32
    %eq3A_50 = arith.cmpi eq, %arg1, %eq3A : i32
    %convert_element_type3A = arith.extui %eq3A_50 : i1 to i32
    %cond3A = arith.constant 0 : i32
    %cond3A_51 = arith.cmpi ne, %convert_element_type3A, %cond3A : i32
    scf.if %cond3A_51 {
      "tpu.region"() ({
        %run_scoped3A = tpu.sem_alloc : memref<!tpu.dma_semaphore, #tpu.memory_space<semaphore_mem>>
        tpu.enqueue_dma source(%arg4 : memref<2048x128xf32, #tpu.memory_space<hbm>>) target(%arg21 : memref<2048x128xf32, #tpu.memory_space<vmem_shared>>) target_semaphore(%run_scoped3A : memref<!tpu.dma_semaphore, #tpu.memory_space<semaphore_mem>>)
        tpu.wait_dma2 semaphore(%run_scoped3A : memref<!tpu.dma_semaphore, #tpu.memory_space<semaphore_mem>>) src(%arg4 : memref<2048x128xf32, #tpu.memory_space<hbm>>) dst(%arg21 : memref<2048x128xf32, #tpu.memory_space<vmem_shared>>)
        tpu.yield
      }) : () -> ()
    } else {
    }
    %barrier3A = arith.constant 0 : index
    tpu.barrier barrier_id(%barrier3A)
    %dma_wait3A = arith.constant 0 : i32
    %dma_wait3A_52 = arith.constant 0 : i32
    %dma_wait3A_53 = tpu.memref_slice %arg8[%dma_wait3A, %dma_wait3A_52] : memref<3x80xi32, #tpu.memory_space<vmem>> -> memref<3x64xi32, #tpu.memory_space<vmem>>
    %dma_wait3A_54 = arith.constant 0 : i32
    %dma_wait3A_55 = tpu.memref_slice %arg2[%dma_wait3A_54, %add3A_4] : memref<3x8192xi32, #tpu.memory_space<hbm>> -> memref<3x64xi32, #tpu.memory_space<hbm>>
    %dma_wait3A_56 = arith.constant 0 : i32
    %dma_wait3A_57 = arith.constant 0 : i32
    %dma_wait3A_58 = tpu.memref_slice %arg8[%dma_wait3A_56, %dma_wait3A_57] : memref<3x80xi32, #tpu.memory_space<vmem>> -> memref<3x64xi32, #tpu.memory_space<vmem>>
    %dma_wait3A_59 = arith.constant 0 : i32
    %dma_wait3A_60 = tpu.memref_slice %arg2[%dma_wait3A_59, %add3A_4] : memref<3x8192xi32, #tpu.memory_space<hbm>> -> memref<3x64xi32, #tpu.memory_space<hbm>>
    tpu.wait_dma2 semaphore(%arg22 : memref<!tpu.dma_semaphore, #tpu.memory_space<semaphore_mem>>) src(%dma_wait3A_60 : memref<3x64xi32, #tpu.memory_space<hbm>>) dst(%dma_wait3A_58 : memref<3x64xi32, #tpu.memory_space<vmem>>)
    %dma_wait3A_61 = arith.constant 0 : i32
    %dma_wait3A_62 = arith.constant 0 : i32
    %dma_wait3A_63 = tpu.memref_slice %arg9[%dma_wait3A_61, %dma_wait3A_62] : memref<3x80xi32, #tpu.memory_space<vmem>> -> memref<3x64xi32, #tpu.memory_space<vmem>>
    %dma_wait3A_64 = arith.constant 0 : i32
    %dma_wait3A_65 = tpu.memref_slice %arg2[%dma_wait3A_64, %add3A_15] : memref<3x8192xi32, #tpu.memory_space<hbm>> -> memref<3x64xi32, #tpu.memory_space<hbm>>
    %dma_wait3A_66 = arith.constant 0 : i32
    %dma_wait3A_67 = arith.constant 0 : i32
    %dma_wait3A_68 = tpu.memref_slice %arg9[%dma_wait3A_66, %dma_wait3A_67] : memref<3x80xi32, #tpu.memory_space<vmem>> -> memref<3x64xi32, #tpu.memory_space<vmem>>
    %dma_wait3A_69 = arith.constant 0 : i32
    %dma_wait3A_70 = tpu.memref_slice %arg2[%dma_wait3A_69, %add3A_15] : memref<3x8192xi32, #tpu.memory_space<hbm>> -> memref<3x64xi32, #tpu.memory_space<hbm>>
    tpu.wait_dma2 semaphore(%arg22 : memref<!tpu.dma_semaphore, #tpu.memory_space<semaphore_mem>>) src(%dma_wait3A_70 : memref<3x64xi32, #tpu.memory_space<hbm>>) dst(%dma_wait3A_68 : memref<3x64xi32, #tpu.memory_space<vmem>>)
    %dma_wait3A_71 = arith.constant 0 : i32
    %dma_wait3A_72 = arith.constant 0 : i32
    %dma_wait3A_73 = tpu.memref_slice %arg10[%dma_wait3A_71, %dma_wait3A_72] : memref<3x80xi32, #tpu.memory_space<vmem>> -> memref<3x64xi32, #tpu.memory_space<vmem>>
    %dma_wait3A_74 = arith.constant 0 : i32
    %dma_wait3A_75 = tpu.memref_slice %arg2[%dma_wait3A_74, %add3A_27] : memref<3x8192xi32, #tpu.memory_space<hbm>> -> memref<3x64xi32, #tpu.memory_space<hbm>>
    %dma_wait3A_76 = arith.constant 0 : i32
    %dma_wait3A_77 = arith.constant 0 : i32
    %dma_wait3A_78 = tpu.memref_slice %arg10[%dma_wait3A_76, %dma_wait3A_77] : memref<3x80xi32, #tpu.memory_space<vmem>> -> memref<3x64xi32, #tpu.memory_space<vmem>>
    %dma_wait3A_79 = arith.constant 0 : i32
    %dma_wait3A_80 = tpu.memref_slice %arg2[%dma_wait3A_79, %add3A_27] : memref<3x8192xi32, #tpu.memory_space<hbm>> -> memref<3x64xi32, #tpu.memory_space<hbm>>
    tpu.wait_dma2 semaphore(%arg22 : memref<!tpu.dma_semaphore, #tpu.memory_space<semaphore_mem>>) src(%dma_wait3A_80 : memref<3x64xi32, #tpu.memory_space<hbm>>) dst(%dma_wait3A_78 : memref<3x64xi32, #tpu.memory_space<vmem>>)
    %dma_wait3A_81 = arith.constant 0 : i32
    %dma_wait3A_82 = arith.constant 0 : i32
    %dma_wait3A_83 = tpu.memref_slice %arg11[%dma_wait3A_81, %dma_wait3A_82] : memref<3x80xi32, #tpu.memory_space<vmem>> -> memref<3x64xi32, #tpu.memory_space<vmem>>
    %dma_wait3A_84 = arith.constant 0 : i32
    %dma_wait3A_85 = tpu.memref_slice %arg2[%dma_wait3A_84, %add3A_39] : memref<3x8192xi32, #tpu.memory_space<hbm>> -> memref<3x64xi32, #tpu.memory_space<hbm>>
    %dma_wait3A_86 = arith.constant 0 : i32
    %dma_wait3A_87 = arith.constant 0 : i32
    %dma_wait3A_88 = tpu.memref_slice %arg11[%dma_wait3A_86, %dma_wait3A_87] : memref<3x80xi32, #tpu.memory_space<vmem>> -> memref<3x64xi32, #tpu.memory_space<vmem>>
    %dma_wait3A_89 = arith.constant 0 : i32
    %dma_wait3A_90 = tpu.memref_slice %arg2[%dma_wait3A_89, %add3A_39] : memref<3x8192xi32, #tpu.memory_space<hbm>> -> memref<3x64xi32, #tpu.memory_space<hbm>>
    tpu.wait_dma2 semaphore(%arg22 : memref<!tpu.dma_semaphore, #tpu.memory_space<semaphore_mem>>) src(%dma_wait3A_90 : memref<3x64xi32, #tpu.memory_space<hbm>>) dst(%dma_wait3A_88 : memref<3x64xi32, #tpu.memory_space<vmem>>)
    %get3A = arith.constant 0 : i32
    %get3A_91 = arith.index_cast %get3A : i32 to index
    %get3A_92 = arith.constant 0 : index
    %get3A_93 = tpu.vector_load %arg20[%get3A_91, %get3A_92] {strides = array<i32>} : memref<4x128xf32, #tpu.memory_space<vmem>>, vector<16xf32>,
    %get3A_94 = arith.constant 0 : i32
    %get3A_95 = arith.index_cast %get3A_94 : i32 to index
    %get3A_96 = arith.constant 16 : index
    %get3A_97 = tpu.vector_load %arg20[%get3A_95, %get3A_96] {strides = array<i32>} : memref<4x128xf32, #tpu.memory_space<vmem>>, vector<16xf32>,
    %get3A_98 = arith.constant 0 : i32
    %get3A_99 = arith.index_cast %get3A_98 : i32 to index
    %get3A_100 = arith.constant 32 : index
    %get3A_101 = tpu.vector_load %arg20[%get3A_99, %get3A_100] {strides = array<i32>} : memref<4x128xf32, #tpu.memory_space<vmem>>, vector<16xf32>,
    %get3A_102 = arith.constant 0 : i32
    %get3A_103 = arith.index_cast %get3A_102 : i32 to index
    %get3A_104 = arith.constant 48 : index
    %get3A_105 = tpu.vector_load %arg20[%get3A_103, %get3A_104] {strides = array<i32>} : memref<4x128xf32, #tpu.memory_space<vmem>>, vector<16xf32>,
    %get3A_106 = arith.constant 0 : i32
    %get3A_107 = arith.index_cast %get3A_106 : i32 to index
    %get3A_108 = arith.constant 64 : index
    %get3A_109 = tpu.vector_load %arg20[%get3A_107, %get3A_108] {strides = array<i32>} : memref<4x128xf32, #tpu.memory_space<vmem>>, vector<16xf32>,
    %get3A_110 = arith.constant 0 : i32
    %get3A_111 = arith.index_cast %get3A_110 : i32 to index
    %get3A_112 = arith.constant 80 : index
    %get3A_113 = tpu.vector_load %arg20[%get3A_111, %get3A_112] {strides = array<i32>} : memref<4x128xf32, #tpu.memory_space<vmem>>, vector<16xf32>,
    %get3A_114 = arith.constant 0 : i32
    %get3A_115 = arith.index_cast %get3A_114 : i32 to index
    %get3A_116 = arith.constant 96 : index
    %get3A_117 = tpu.vector_load %arg20[%get3A_115, %get3A_116] {strides = array<i32>} : memref<4x128xf32, #tpu.memory_space<vmem>>, vector<16xf32>,
    %get3A_118 = arith.constant 0 : i32
    %get3A_119 = arith.index_cast %get3A_118 : i32 to index
    %get3A_120 = arith.constant 112 : index
    %get3A_121 = tpu.vector_load %arg20[%get3A_119, %get3A_120] {strides = array<i32>} : memref<4x128xf32, #tpu.memory_space<vmem>>, vector<16xf32>,
    %get3A_122 = arith.constant 1 : i32
    %get3A_123 = arith.index_cast %get3A_122 : i32 to index
    %get3A_124 = arith.constant 0 : index
    %get3A_125 = tpu.vector_load %arg20[%get3A_123, %get3A_124] {strides = array<i32>} : memref<4x128xf32, #tpu.memory_space<vmem>>, vector<16xf32>,
    %get3A_126 = arith.constant 1 : i32
    %get3A_127 = arith.index_cast %get3A_126 : i32 to index
    %get3A_128 = arith.constant 16 : index
    %get3A_129 = tpu.vector_load %arg20[%get3A_127, %get3A_128] {strides = array<i32>} : memref<4x128xf32, #tpu.memory_space<vmem>>, vector<16xf32>,
    %get3A_130 = arith.constant 1 : i32
    %get3A_131 = arith.index_cast %get3A_130 : i32 to index
    %get3A_132 = arith.constant 32 : index
    %get3A_133 = tpu.vector_load %arg20[%get3A_131, %get3A_132] {strides = array<i32>} : memref<4x128xf32, #tpu.memory_space<vmem>>, vector<16xf32>,
    %get3A_134 = arith.constant 1 : i32
    %get3A_135 = arith.index_cast %get3A_134 : i32 to index
    %get3A_136 = arith.constant 48 : index
    %get3A_137 = tpu.vector_load %arg20[%get3A_135, %get3A_136] {strides = array<i32>} : memref<4x128xf32, #tpu.memory_space<vmem>>, vector<16xf32>,
    %get3A_138 = arith.constant 1 : i32
    %get3A_139 = arith.index_cast %get3A_138 : i32 to index
    %get3A_140 = arith.constant 64 : index
    %get3A_141 = tpu.vector_load %arg20[%get3A_139, %get3A_140] {strides = array<i32>} : memref<4x128xf32, #tpu.memory_space<vmem>>, vector<16xf32>,
    %get3A_142 = arith.constant 1 : i32
    %get3A_143 = arith.index_cast %get3A_142 : i32 to index
    %get3A_144 = arith.constant 80 : index
    %get3A_145 = tpu.vector_load %arg20[%get3A_143, %get3A_144] {strides = array<i32>} : memref<4x128xf32, #tpu.memory_space<vmem>>, vector<16xf32>,
    %get3A_146 = arith.constant 1 : i32
    %get3A_147 = arith.index_cast %get3A_146 : i32 to index
    %get3A_148 = arith.constant 96 : index
    %get3A_149 = tpu.vector_load %arg20[%get3A_147, %get3A_148] {strides = array<i32>} : memref<4x128xf32, #tpu.memory_space<vmem>>, vector<16xf32>,
    %get3A_150 = arith.constant 1 : i32
    %get3A_151 = arith.index_cast %get3A_150 : i32 to index
    %get3A_152 = arith.constant 112 : index
    %get3A_153 = tpu.vector_load %arg20[%get3A_151, %get3A_152] {strides = array<i32>} : memref<4x128xf32, #tpu.memory_space<vmem>>, vector<16xf32>,
    %get3A_154 = arith.constant 2 : i32
    %get3A_155 = arith.index_cast %get3A_154 : i32 to index
    %get3A_156 = arith.constant 0 : index
    %get3A_157 = tpu.vector_load %arg20[%get3A_155, %get3A_156] {strides = array<i32>} : memref<4x128xf32, #tpu.memory_space<vmem>>, vector<16xf32>,
    %get3A_158 = arith.constant 2 : i32
    %get3A_159 = arith.index_cast %get3A_158 : i32 to index
    %get3A_160 = arith.constant 16 : index
    %get3A_161 = tpu.vector_load %arg20[%get3A_159, %get3A_160] {strides = array<i32>} : memref<4x128xf32, #tpu.memory_space<vmem>>, vector<16xf32>,
    %get3A_162 = arith.constant 2 : i32
    %get3A_163 = arith.index_cast %get3A_162 : i32 to index
    %get3A_164 = arith.constant 32 : index
    %get3A_165 = tpu.vector_load %arg20[%get3A_163, %get3A_164] {strides = array<i32>} : memref<4x128xf32, #tpu.memory_space<vmem>>, vector<16xf32>,
    %get3A_166 = arith.constant 2 : i32
    %get3A_167 = arith.index_cast %get3A_166 : i32 to index
    %get3A_168 = arith.constant 48 : index
    %get3A_169 = tpu.vector_load %arg20[%get3A_167, %get3A_168] {strides = array<i32>} : memref<4x128xf32, #tpu.memory_space<vmem>>, vector<16xf32>,
    %get3A_170 = arith.constant 2 : i32
    %get3A_171 = arith.index_cast %get3A_170 : i32 to index
    %get3A_172 = arith.constant 64 : index
    %get3A_173 = tpu.vector_load %arg20[%get3A_171, %get3A_172] {strides = array<i32>} : memref<4x128xf32, #tpu.memory_space<vmem>>, vector<16xf32>,
    %get3A_174 = arith.constant 2 : i32
    %get3A_175 = arith.index_cast %get3A_174 : i32 to index
    %get3A_176 = arith.constant 80 : index
    %get3A_177 = tpu.vector_load %arg20[%get3A_175, %get3A_176] {strides = array<i32>} : memref<4x128xf32, #tpu.memory_space<vmem>>, vector<16xf32>,
    %get3A_178 = arith.constant 2 : i32
    %get3A_179 = arith.index_cast %get3A_178 : i32 to index
    %get3A_180 = arith.constant 96 : index
    %get3A_181 = tpu.vector_load %arg20[%get3A_179, %get3A_180] {strides = array<i32>} : memref<4x128xf32, #tpu.memory_space<vmem>>, vector<16xf32>,
    %get3A_182 = arith.constant 2 : i32
    %get3A_183 = arith.index_cast %get3A_182 : i32 to index
    %get3A_184 = arith.constant 112 : index
    %get3A_185 = tpu.vector_load %arg20[%get3A_183, %get3A_184] {strides = array<i32>} : memref<4x128xf32, #tpu.memory_space<vmem>>, vector<16xf32>,
    %get3A_186 = arith.constant 3 : i32
    %get3A_187 = arith.index_cast %get3A_186 : i32 to index
    %get3A_188 = arith.constant 0 : index
    %get3A_189 = tpu.vector_load %arg20[%get3A_187, %get3A_188] {strides = array<i32>} : memref<4x128xf32, #tpu.memory_space<vmem>>, vector<16xf32>,
    %sub3A = arith.subf %get3A_189, %get3A_157 : vector<16xf32>
    %get3A_190 = arith.constant 3 : i32
    %get3A_191 = arith.index_cast %get3A_190 : i32 to index
    %get3A_192 = arith.constant 16 : index
    %get3A_193 = tpu.vector_load %arg20[%get3A_191, %get3A_192] {strides = array<i32>} : memref<4x128xf32, #tpu.memory_space<vmem>>, vector<16xf32>,
    %sub3A_194 = arith.subf %get3A_193, %get3A_161 : vector<16xf32>
    %get3A_195 = arith.constant 3 : i32
    %get3A_196 = arith.index_cast %get3A_195 : i32 to index
    %get3A_197 = arith.constant 32 : index
    %get3A_198 = tpu.vector_load %arg20[%get3A_196, %get3A_197] {strides = array<i32>} : memref<4x128xf32, #tpu.memory_space<vmem>>, vector<16xf32>,
    %sub3A_199 = arith.subf %get3A_198, %get3A_165 : vector<16xf32>
    %get3A_200 = arith.constant 3 : i32
    %get3A_201 = arith.index_cast %get3A_200 : i32 to index
    %get3A_202 = arith.constant 48 : index
    %get3A_203 = tpu.vector_load %arg20[%get3A_201, %get3A_202] {strides = array<i32>} : memref<4x128xf32, #tpu.memory_space<vmem>>, vector<16xf32>,
    %sub3A_204 = arith.subf %get3A_203, %get3A_169 : vector<16xf32>
    %get3A_205 = arith.constant 3 : i32
    %get3A_206 = arith.index_cast %get3A_205 : i32 to index
    %get3A_207 = arith.constant 64 : index
    %get3A_208 = tpu.vector_load %arg20[%get3A_206, %get3A_207] {strides = array<i32>} : memref<4x128xf32, #tpu.memory_space<vmem>>, vector<16xf32>,
    %sub3A_209 = arith.subf %get3A_208, %get3A_173 : vector<16xf32>
    %get3A_210 = arith.constant 3 : i32
    %get3A_211 = arith.index_cast %get3A_210 : i32 to index
    %get3A_212 = arith.constant 80 : index
    %get3A_213 = tpu.vector_load %arg20[%get3A_211, %get3A_212] {strides = array<i32>} : memref<4x128xf32, #tpu.memory_space<vmem>>, vector<16xf32>,
    %sub3A_214 = arith.subf %get3A_213, %get3A_177 : vector<16xf32>
    %get3A_215 = arith.constant 3 : i32
    %get3A_216 = arith.index_cast %get3A_215 : i32 to index
    %get3A_217 = arith.constant 96 : index
    %get3A_218 = tpu.vector_load %arg20[%get3A_216, %get3A_217] {strides = array<i32>} : memref<4x128xf32, #tpu.memory_space<vmem>>, vector<16xf32>,
    %sub3A_219 = arith.subf %get3A_218, %get3A_181 : vector<16xf32>
    %get3A_220 = arith.constant 3 : i32
    %get3A_221 = arith.index_cast %get3A_220 : i32 to index
    %get3A_222 = arith.constant 112 : index
    %get3A_223 = tpu.vector_load %arg20[%get3A_221, %get3A_222] {strides = array<i32>} : memref<4x128xf32, #tpu.memory_space<vmem>>, vector<16xf32>,
    %sub3A_224 = arith.subf %get3A_223, %get3A_185 : vector<16xf32>
    %iota3A = tpu.iota {dimensions = array<i32: 0>} : vector<16xi32>
    %xor3A = arith.constant 8 : i32
    %xor3A_225 = vector.broadcast %xor3A : i32 to vector<16xi32>
    %xor3A_226 = arith.xori %iota3A, %xor3A_225 : vector<16xi32>
    %xor3A_227 = arith.constant 4 : i32
    %xor3A_228 = vector.broadcast %xor3A_227 : i32 to vector<16xi32>
    %xor3A_229 = arith.xori %iota3A, %xor3A_228 : vector<16xi32>
    %xor3A_230 = arith.constant 2 : i32
    %xor3A_231 = vector.broadcast %xor3A_230 : i32 to vector<16xi32>
    %xor3A_232 = arith.xori %iota3A, %xor3A_231 : vector<16xi32>
    %xor3A_233 = arith.constant 1 : i32
    %xor3A_234 = vector.broadcast %xor3A_233 : i32 to vector<16xi32>
    %xor3A_235 = arith.xori %iota3A, %xor3A_234 : vector<16xi32>
    %broadcast_in_dim3A = arith.constant 0 : i32
    %broadcast_in_dim3A_236 = vector.broadcast %broadcast_in_dim3A : i32 to vector<16xi32>
    %dma_start3A_237 = arith.constant 0 : i32
    %dma_start3A_238 = arith.constant 0 : i32
    %dma_start3A_239 = tpu.memref_slice %arg8[%dma_start3A_237, %dma_start3A_238] : memref<3x80xi32, #tpu.memory_space<vmem>> -> memref<1x64xi32, #tpu.memory_space<vmem>>
    %dma_start3A_240 = tpu.memref_squeeze %dma_start3A_239 : memref<1x64xi32, #tpu.memory_space<vmem>> -> memref<64xi32, #tpu.memory_space<vmem>>
    %dma_start3A_241 = arith.constant 0 : i32
    %dma_start3A_242 = arith.constant 0 : i32
    %dma_start3A_243 = tpu.memref_slice %arg3[%dma_start3A_241, %dma_start3A_242] : memref<100000x128xf32, #tpu.memory_space<hbm>> -> memref<100000x128xf32, #tpu.memory_space<hbm>>
    tpu.enqueue_indirect_dma source(%dma_start3A_243 : memref<100000x128xf32, #tpu.memory_space<hbm>>) target(%arg12 : memref<64x128xf32, #tpu.memory_space<vmem>>) offsets(%dma_start3A_240 : memref<64xi32, #tpu.memory_space<vmem>>) semaphore(%arg23 : memref<!tpu.dma_semaphore, #tpu.memory_space<semaphore_mem>>)
    %dma_start3A_244 = arith.constant 1 : i32
    %dma_start3A_245 = arith.constant 0 : i32
    %dma_start3A_246 = tpu.memref_slice %arg8[%dma_start3A_244, %dma_start3A_245] : memref<3x80xi32, #tpu.memory_space<vmem>> -> memref<1x64xi32, #tpu.memory_space<vmem>>
    %dma_start3A_247 = tpu.memref_squeeze %dma_start3A_246 : memref<1x64xi32, #tpu.memory_space<vmem>> -> memref<64xi32, #tpu.memory_space<vmem>>
    %dma_start3A_248 = arith.constant 0 : i32
    %dma_start3A_249 = arith.constant 0 : i32
    %dma_start3A_250 = tpu.memref_slice %arg21[%dma_start3A_248, %dma_start3A_249] : memref<2048x128xf32, #tpu.memory_space<vmem_shared>> -> memref<2048x128xf32, #tpu.memory_space<vmem_shared>>
    tpu.enqueue_indirect_dma source(%dma_start3A_250 : memref<2048x128xf32, #tpu.memory_space<vmem_shared>>) target(%arg14 : memref<64x128xf32, #tpu.memory_space<vmem>>) offsets(%dma_start3A_247 : memref<64xi32, #tpu.memory_space<vmem>>) semaphore(%arg24 : memref<!tpu.dma_semaphore, #tpu.memory_space<semaphore_mem>>)
    %dma_start3A_251 = arith.constant 0 : i32
    %dma_start3A_252 = arith.constant 0 : i32
    %dma_start3A_253 = tpu.memref_slice %arg9[%dma_start3A_251, %dma_start3A_252] : memref<3x80xi32, #tpu.memory_space<vmem>> -> memref<1x64xi32, #tpu.memory_space<vmem>>
    %dma_start3A_254 = tpu.memref_squeeze %dma_start3A_253 : memref<1x64xi32, #tpu.memory_space<vmem>> -> memref<64xi32, #tpu.memory_space<vmem>>
    %dma_start3A_255 = arith.constant 0 : i32
    %dma_start3A_256 = arith.constant 0 : i32
    %dma_start3A_257 = tpu.memref_slice %arg3[%dma_start3A_255, %dma_start3A_256] : memref<100000x128xf32, #tpu.memory_space<hbm>> -> memref<100000x128xf32, #tpu.memory_space<hbm>>
    tpu.enqueue_indirect_dma source(%dma_start3A_257 : memref<100000x128xf32, #tpu.memory_space<hbm>>) target(%arg13 : memref<64x128xf32, #tpu.memory_space<vmem>>) offsets(%dma_start3A_254 : memref<64xi32, #tpu.memory_space<vmem>>) semaphore(%arg25 : memref<!tpu.dma_semaphore, #tpu.memory_space<semaphore_mem>>)
    %dma_start3A_258 = arith.constant 1 : i32
    %dma_start3A_259 = arith.constant 0 : i32
    %dma_start3A_260 = tpu.memref_slice %arg9[%dma_start3A_258, %dma_start3A_259] : memref<3x80xi32, #tpu.memory_space<vmem>> -> memref<1x64xi32, #tpu.memory_space<vmem>>
    %dma_start3A_261 = tpu.memref_squeeze %dma_start3A_260 : memref<1x64xi32, #tpu.memory_space<vmem>> -> memref<64xi32, #tpu.memory_space<vmem>>
    %dma_start3A_262 = arith.constant 0 : i32
    %dma_start3A_263 = arith.constant 0 : i32
    %dma_start3A_264 = tpu.memref_slice %arg21[%dma_start3A_262, %dma_start3A_263] : memref<2048x128xf32, #tpu.memory_space<vmem_shared>> -> memref<2048x128xf32, #tpu.memory_space<vmem_shared>>
    tpu.enqueue_indirect_dma source(%dma_start3A_264 : memref<2048x128xf32, #tpu.memory_space<vmem_shared>>) target(%arg15 : memref<64x128xf32, #tpu.memory_space<vmem>>) offsets(%dma_start3A_261 : memref<64xi32, #tpu.memory_space<vmem>>) semaphore(%arg26 : memref<!tpu.dma_semaphore, #tpu.memory_space<semaphore_mem>>)
    %dma_wait3A_265 = arith.constant 0 : i32
    %dma_wait3A_266 = arith.constant 0 : i32
    %dma_wait3A_267 = tpu.memref_slice %arg8[%dma_wait3A_265, %dma_wait3A_266] : memref<3x80xi32, #tpu.memory_space<vmem>> -> memref<1x64xi32, #tpu.memory_space<vmem>>
    %dma_wait3A_268 = tpu.memref_squeeze %dma_wait3A_267 : memref<1x64xi32, #tpu.memory_space<vmem>> -> memref<64xi32, #tpu.memory_space<vmem>>
    %dma_wait3A_269 = arith.constant 0 : i32
    %dma_wait3A_270 = arith.constant 0 : i32
    %dma_wait3A_271 = tpu.memref_slice %arg3[%dma_wait3A_269, %dma_wait3A_270] : memref<100000x128xf32, #tpu.memory_space<hbm>> -> memref<100000x128xf32, #tpu.memory_space<hbm>>
    tpu.wait_indirect_dma semaphore(%arg23 : memref<!tpu.dma_semaphore, #tpu.memory_space<semaphore_mem>>) src(%dma_wait3A_271 : memref<100000x128xf32, #tpu.memory_space<hbm>>) dst(%arg12 : memref<64x128xf32, #tpu.memory_space<vmem>>)
    %dma_wait3A_272 = arith.constant 1 : i32
    %dma_wait3A_273 = arith.constant 0 : i32
    %dma_wait3A_274 = tpu.memref_slice %arg8[%dma_wait3A_272, %dma_wait3A_273] : memref<3x80xi32, #tpu.memory_space<vmem>> -> memref<1x64xi32, #tpu.memory_space<vmem>>
    %dma_wait3A_275 = tpu.memref_squeeze %dma_wait3A_274 : memref<1x64xi32, #tpu.memory_space<vmem>> -> memref<64xi32, #tpu.memory_space<vmem>>
    %dma_wait3A_276 = arith.constant 0 : i32
    %dma_wait3A_277 = arith.constant 0 : i32
    %dma_wait3A_278 = tpu.memref_slice %arg21[%dma_wait3A_276, %dma_wait3A_277] : memref<2048x128xf32, #tpu.memory_space<vmem_shared>> -> memref<2048x128xf32, #tpu.memory_space<vmem_shared>>
    tpu.wait_indirect_dma semaphore(%arg24 : memref<!tpu.dma_semaphore, #tpu.memory_space<semaphore_mem>>) src(%dma_wait3A_278 : memref<2048x128xf32, #tpu.memory_space<vmem_shared>>) dst(%arg14 : memref<64x128xf32, #tpu.memory_space<vmem>>)
    %parallel_loop3A = arith.constant 0 : i32
    %parallel_loop3A_279 = arith.constant 64 : i32
    %parallel_loop3A_280 = arith.constant 1 : i32
    scf.for %parallel_loop3A_400 = %parallel_loop3A to %parallel_loop3A_279 step %parallel_loop3A_280  : i32 {
      %parallel_loop3A_401 = arith.constant 2 : i32
      %parallel_loop3A_402 = arith.index_cast %parallel_loop3A_401 : i32 to index
      %parallel_loop3A_403 = arith.index_cast %parallel_loop3A_400 : i32 to index
      %parallel_loop3A_404 = tpu.vector_load %arg8[%parallel_loop3A_402, %parallel_loop3A_403] {strides = array<i32>} : memref<3x80xi32, #tpu.memory_space<vmem>>, vector<16xi32>,
      %parallel_loop3A_405 = vector.shape_cast %broadcast_in_dim3A_236 : vector<16xi32> to vector<16x1xi32>
      %parallel_loop3A_406 = vector.shape_cast %parallel_loop3A_405 : vector<16x1xi32> to vector<16xi32>
      %parallel_loop3A_407 = tpu.dynamic_gather %parallel_loop3A_404[%parallel_loop3A_406] in [0] : vector<16xi32>, vector<16xi32> -> vector<16xi32>
      %parallel_loop3A_408 = arith.sitofp %parallel_loop3A_407 : vector<16xi32> to vector<16xf32>
      %parallel_loop3A_409 = arith.index_cast %parallel_loop3A_400 : i32 to index
      %parallel_loop3A_410 = arith.constant 0 : index
      %parallel_loop3A_411 = tpu.vector_load %arg12[%parallel_loop3A_409, %parallel_loop3A_410] {strides = array<i32>} : memref<64x128xf32, #tpu.memory_space<vmem>>, vector<16xf32>,
      %parallel_loop3A_412 = arith.index_cast %parallel_loop3A_400 : i32 to index
      %parallel_loop3A_413 = arith.constant 0 : index
      %parallel_loop3A_414 = tpu.vector_load %arg14[%parallel_loop3A_412, %parallel_loop3A_413] {strides = array<i32>} : memref<64x128xf32, #tpu.memory_space<vmem>>, vector<16xf32>,
      %parallel_loop3A_415 = arith.addf %parallel_loop3A_411, %parallel_loop3A_414 : vector<16xf32>
      %parallel_loop3A_416 = arith.mulf %parallel_loop3A_408, %sub3A : vector<16xf32>
      %parallel_loop3A_417 = arith.addf %get3A_157, %parallel_loop3A_416 : vector<16xf32>
      %parallel_loop3A_418 = arith.addf %parallel_loop3A_415, %parallel_loop3A_417 : vector<16xf32>
      %parallel_loop3A_419 = arith.index_cast %parallel_loop3A_400 : i32 to index
      %parallel_loop3A_420 = arith.constant 16 : index
      %parallel_loop3A_421 = tpu.vector_load %arg12[%parallel_loop3A_419, %parallel_loop3A_420] {strides = array<i32>} : memref<64x128xf32, #tpu.memory_space<vmem>>, vector<16xf32>,
      %parallel_loop3A_422 = arith.index_cast %parallel_loop3A_400 : i32 to index
      %parallel_loop3A_423 = arith.constant 16 : index
      %parallel_loop3A_424 = tpu.vector_load %arg14[%parallel_loop3A_422, %parallel_loop3A_423] {strides = array<i32>} : memref<64x128xf32, #tpu.memory_space<vmem>>, vector<16xf32>,
      %parallel_loop3A_425 = arith.addf %parallel_loop3A_421, %parallel_loop3A_424 : vector<16xf32>
      %parallel_loop3A_426 = arith.mulf %parallel_loop3A_408, %sub3A_194 : vector<16xf32>
      %parallel_loop3A_427 = arith.addf %get3A_161, %parallel_loop3A_426 : vector<16xf32>
      %parallel_loop3A_428 = arith.addf %parallel_loop3A_425, %parallel_loop3A_427 : vector<16xf32>
      %parallel_loop3A_429 = arith.index_cast %parallel_loop3A_400 : i32 to index
      %parallel_loop3A_430 = arith.constant 32 : index
      %parallel_loop3A_431 = tpu.vector_load %arg12[%parallel_loop3A_429, %parallel_loop3A_430] {strides = array<i32>} : memref<64x128xf32, #tpu.memory_space<vmem>>, vector<16xf32>,
      %parallel_loop3A_432 = arith.index_cast %parallel_loop3A_400 : i32 to index
      %parallel_loop3A_433 = arith.constant 32 : index
      %parallel_loop3A_434 = tpu.vector_load %arg14[%parallel_loop3A_432, %parallel_loop3A_433] {strides = array<i32>} : memref<64x128xf32, #tpu.memory_space<vmem>>, vector<16xf32>,
      %parallel_loop3A_435 = arith.addf %parallel_loop3A_431, %parallel_loop3A_434 : vector<16xf32>
      %parallel_loop3A_436 = arith.mulf %parallel_loop3A_408, %sub3A_199 : vector<16xf32>
      %parallel_loop3A_437 = arith.addf %get3A_165, %parallel_loop3A_436 : vector<16xf32>
      %parallel_loop3A_438 = arith.addf %parallel_loop3A_435, %parallel_loop3A_437 : vector<16xf32>
      %parallel_loop3A_439 = arith.index_cast %parallel_loop3A_400 : i32 to index
      %parallel_loop3A_440 = arith.constant 48 : index
      %parallel_loop3A_441 = tpu.vector_load %arg12[%parallel_loop3A_439, %parallel_loop3A_440] {strides = array<i32>} : memref<64x128xf32, #tpu.memory_space<vmem>>, vector<16xf32>,
      %parallel_loop3A_442 = arith.index_cast %parallel_loop3A_400 : i32 to index
      %parallel_loop3A_443 = arith.constant 48 : index
      %parallel_loop3A_444 = tpu.vector_load %arg14[%parallel_loop3A_442, %parallel_loop3A_443] {strides = array<i32>} : memref<64x128xf32, #tpu.memory_space<vmem>>, vector<16xf32>,
      %parallel_loop3A_445 = arith.addf %parallel_loop3A_441, %parallel_loop3A_444 : vector<16xf32>
      %parallel_loop3A_446 = arith.mulf %parallel_loop3A_408, %sub3A_204 : vector<16xf32>
      %parallel_loop3A_447 = arith.addf %get3A_169, %parallel_loop3A_446 : vector<16xf32>
      %parallel_loop3A_448 = arith.addf %parallel_loop3A_445, %parallel_loop3A_447 : vector<16xf32>
      %parallel_loop3A_449 = arith.index_cast %parallel_loop3A_400 : i32 to index
      %parallel_loop3A_450 = arith.constant 64 : index
      %parallel_loop3A_451 = tpu.vector_load %arg12[%parallel_loop3A_449, %parallel_loop3A_450] {strides = array<i32>} : memref<64x128xf32, #tpu.memory_space<vmem>>, vector<16xf32>,
      %parallel_loop3A_452 = arith.index_cast %parallel_loop3A_400 : i32 to index
      %parallel_loop3A_453 = arith.constant 64 : index
      %parallel_loop3A_454 = tpu.vector_load %arg14[%parallel_loop3A_452, %parallel_loop3A_453] {strides = array<i32>} : memref<64x128xf32, #tpu.memory_space<vmem>>, vector<16xf32>,
      %parallel_loop3A_455 = arith.addf %parallel_loop3A_451, %parallel_loop3A_454 : vector<16xf32>
      %parallel_loop3A_456 = arith.mulf %parallel_loop3A_408, %sub3A_209 : vector<16xf32>
      %parallel_loop3A_457 = arith.addf %get3A_173, %parallel_loop3A_456 : vector<16xf32>
      %parallel_loop3A_458 = arith.addf %parallel_loop3A_455, %parallel_loop3A_457 : vector<16xf32>
      %parallel_loop3A_459 = arith.index_cast %parallel_loop3A_400 : i32 to index
      %parallel_loop3A_460 = arith.constant 80 : index
      %parallel_loop3A_461 = tpu.vector_load %arg12[%parallel_loop3A_459, %parallel_loop3A_460] {strides = array<i32>} : memref<64x128xf32, #tpu.memory_space<vmem>>, vector<16xf32>,
      %parallel_loop3A_462 = arith.index_cast %parallel_loop3A_400 : i32 to index
      %parallel_loop3A_463 = arith.constant 80 : index
      %parallel_loop3A_464 = tpu.vector_load %arg14[%parallel_loop3A_462, %parallel_loop3A_463] {strides = array<i32>} : memref<64x128xf32, #tpu.memory_space<vmem>>, vector<16xf32>,
      %parallel_loop3A_465 = arith.addf %parallel_loop3A_461, %parallel_loop3A_464 : vector<16xf32>
      %parallel_loop3A_466 = arith.mulf %parallel_loop3A_408, %sub3A_214 : vector<16xf32>
      %parallel_loop3A_467 = arith.addf %get3A_177, %parallel_loop3A_466 : vector<16xf32>
      %parallel_loop3A_468 = arith.addf %parallel_loop3A_465, %parallel_loop3A_467 : vector<16xf32>
      %parallel_loop3A_469 = arith.index_cast %parallel_loop3A_400 : i32 to index
      %parallel_loop3A_470 = arith.constant 96 : index
      %parallel_loop3A_471 = tpu.vector_load %arg12[%parallel_loop3A_469, %parallel_loop3A_470] {strides = array<i32>} : memref<64x128xf32, #tpu.memory_space<vmem>>, vector<16xf32>,
      %parallel_loop3A_472 = arith.index_cast %parallel_loop3A_400 : i32 to index
      %parallel_loop3A_473 = arith.constant 96 : index
      %parallel_loop3A_474 = tpu.vector_load %arg14[%parallel_loop3A_472, %parallel_loop3A_473] {strides = array<i32>} : memref<64x128xf32, #tpu.memory_space<vmem>>, vector<16xf32>,
      %parallel_loop3A_475 = arith.addf %parallel_loop3A_471, %parallel_loop3A_474 : vector<16xf32>
      %parallel_loop3A_476 = arith.mulf %parallel_loop3A_408, %sub3A_219 : vector<16xf32>
      %parallel_loop3A_477 = arith.addf %get3A_181, %parallel_loop3A_476 : vector<16xf32>
      %parallel_loop3A_478 = arith.addf %parallel_loop3A_475, %parallel_loop3A_477 : vector<16xf32>
      %parallel_loop3A_479 = arith.index_cast %parallel_loop3A_400 : i32 to index
      %parallel_loop3A_480 = arith.constant 112 : index
      %parallel_loop3A_481 = tpu.vector_load %arg12[%parallel_loop3A_479, %parallel_loop3A_480] {strides = array<i32>} : memref<64x128xf32, #tpu.memory_space<vmem>>, vector<16xf32>,
      %parallel_loop3A_482 = arith.index_cast %parallel_loop3A_400 : i32 to index
      %parallel_loop3A_483 = arith.constant 112 : index
      %parallel_loop3A_484 = tpu.vector_load %arg14[%parallel_loop3A_482, %parallel_loop3A_483] {strides = array<i32>} : memref<64x128xf32, #tpu.memory_space<vmem>>, vector<16xf32>,
      %parallel_loop3A_485 = arith.addf %parallel_loop3A_481, %parallel_loop3A_484 : vector<16xf32>
      %parallel_loop3A_486 = arith.mulf %parallel_loop3A_408, %sub3A_224 : vector<16xf32>
      %parallel_loop3A_487 = arith.addf %get3A_185, %parallel_loop3A_486 : vector<16xf32>
      %parallel_loop3A_488 = arith.addf %parallel_loop3A_485, %parallel_loop3A_487 : vector<16xf32>
      %parallel_loop3A_489 = arith.addf %parallel_loop3A_418, %parallel_loop3A_428 : vector<16xf32>
      %parallel_loop3A_490 = arith.addf %parallel_loop3A_438, %parallel_loop3A_448 : vector<16xf32>
      %parallel_loop3A_491 = arith.addf %parallel_loop3A_489, %parallel_loop3A_490 : vector<16xf32>
      %parallel_loop3A_492 = arith.addf %parallel_loop3A_458, %parallel_loop3A_468 : vector<16xf32>
      %parallel_loop3A_493 = arith.addf %parallel_loop3A_478, %parallel_loop3A_488 : vector<16xf32>
      %parallel_loop3A_494 = arith.addf %parallel_loop3A_492, %parallel_loop3A_493 : vector<16xf32>
      %parallel_loop3A_495 = arith.addf %parallel_loop3A_491, %parallel_loop3A_494 : vector<16xf32>
      %parallel_loop3A_496 = arith.mulf %parallel_loop3A_418, %parallel_loop3A_418 : vector<16xf32>
      %parallel_loop3A_497 = arith.mulf %parallel_loop3A_428, %parallel_loop3A_428 : vector<16xf32>
      %parallel_loop3A_498 = arith.addf %parallel_loop3A_496, %parallel_loop3A_497 : vector<16xf32>
      %parallel_loop3A_499 = arith.mulf %parallel_loop3A_438, %parallel_loop3A_438 : vector<16xf32>
      %parallel_loop3A_500 = arith.mulf %parallel_loop3A_448, %parallel_loop3A_448 : vector<16xf32>
      %parallel_loop3A_501 = arith.addf %parallel_loop3A_499, %parallel_loop3A_500 : vector<16xf32>
      %parallel_loop3A_502 = arith.mulf %parallel_loop3A_458, %parallel_loop3A_458 : vector<16xf32>
      %parallel_loop3A_503 = arith.mulf %parallel_loop3A_468, %parallel_loop3A_468 : vector<16xf32>
      %parallel_loop3A_504 = arith.addf %parallel_loop3A_502, %parallel_loop3A_503 : vector<16xf32>
      %parallel_loop3A_505 = arith.mulf %parallel_loop3A_478, %parallel_loop3A_478 : vector<16xf32>
      %parallel_loop3A_506 = arith.mulf %parallel_loop3A_488, %parallel_loop3A_488 : vector<16xf32>
      %parallel_loop3A_507 = arith.addf %parallel_loop3A_505, %parallel_loop3A_506 : vector<16xf32>
      %parallel_loop3A_508 = arith.addf %parallel_loop3A_498, %parallel_loop3A_501 : vector<16xf32>
      %parallel_loop3A_509 = arith.addf %parallel_loop3A_504, %parallel_loop3A_507 : vector<16xf32>
      %parallel_loop3A_510 = arith.addf %parallel_loop3A_508, %parallel_loop3A_509 : vector<16xf32>
      %parallel_loop3A_511 = vector.shape_cast %xor3A_226 : vector<16xi32> to vector<16x1xi32>
      %parallel_loop3A_512 = vector.shape_cast %parallel_loop3A_511 : vector<16x1xi32> to vector<16xi32>
      %parallel_loop3A_513 = tpu.dynamic_gather %parallel_loop3A_495[%parallel_loop3A_512] in [0] : vector<16xf32>, vector<16xi32> -> vector<16xf32>
      %parallel_loop3A_514 = arith.addf %parallel_loop3A_495, %parallel_loop3A_513 : vector<16xf32>
      %parallel_loop3A_515 = vector.shape_cast %xor3A_229 : vector<16xi32> to vector<16x1xi32>
      %parallel_loop3A_516 = vector.shape_cast %parallel_loop3A_515 : vector<16x1xi32> to vector<16xi32>
      %parallel_loop3A_517 = tpu.dynamic_gather %parallel_loop3A_514[%parallel_loop3A_516] in [0] : vector<16xf32>, vector<16xi32> -> vector<16xf32>
      %parallel_loop3A_518 = arith.addf %parallel_loop3A_514, %parallel_loop3A_517 : vector<16xf32>
      %parallel_loop3A_519 = vector.shape_cast %xor3A_232 : vector<16xi32> to vector<16x1xi32>
      %parallel_loop3A_520 = vector.shape_cast %parallel_loop3A_519 : vector<16x1xi32> to vector<16xi32>
      %parallel_loop3A_521 = tpu.dynamic_gather %parallel_loop3A_518[%parallel_loop3A_520] in [0] : vector<16xf32>, vector<16xi32> -> vector<16xf32>
      %parallel_loop3A_522 = arith.addf %parallel_loop3A_518, %parallel_loop3A_521 : vector<16xf32>
      %parallel_loop3A_523 = vector.shape_cast %xor3A_235 : vector<16xi32> to vector<16x1xi32>
      %parallel_loop3A_524 = vector.shape_cast %parallel_loop3A_523 : vector<16x1xi32> to vector<16xi32>
      %parallel_loop3A_525 = tpu.dynamic_gather %parallel_loop3A_522[%parallel_loop3A_524] in [0] : vector<16xf32>, vector<16xi32> -> vector<16xf32>
      %parallel_loop3A_526 = arith.addf %parallel_loop3A_522, %parallel_loop3A_525 : vector<16xf32>
      %parallel_loop3A_527 = vector.shape_cast %xor3A_226 : vector<16xi32> to vector<16x1xi32>
      %parallel_loop3A_528 = vector.shape_cast %parallel_loop3A_527 : vector<16x1xi32> to vector<16xi32>
      %parallel_loop3A_529 = tpu.dynamic_gather %parallel_loop3A_510[%parallel_loop3A_528] in [0] : vector<16xf32>, vector<16xi32> -> vector<16xf32>
      %parallel_loop3A_530 = arith.addf %parallel_loop3A_510, %parallel_loop3A_529 : vector<16xf32>
      %parallel_loop3A_531 = vector.shape_cast %xor3A_229 : vector<16xi32> to vector<16x1xi32>
      %parallel_loop3A_532 = vector.shape_cast %parallel_loop3A_531 : vector<16x1xi32> to vector<16xi32>
      %parallel_loop3A_533 = tpu.dynamic_gather %parallel_loop3A_530[%parallel_loop3A_532] in [0] : vector<16xf32>, vector<16xi32> -> vector<16xf32>
      %parallel_loop3A_534 = arith.addf %parallel_loop3A_530, %parallel_loop3A_533 : vector<16xf32>
      %parallel_loop3A_535 = vector.shape_cast %xor3A_232 : vector<16xi32> to vector<16x1xi32>
      %parallel_loop3A_536 = vector.shape_cast %parallel_loop3A_535 : vector<16x1xi32> to vector<16xi32>
      %parallel_loop3A_537 = tpu.dynamic_gather %parallel_loop3A_534[%parallel_loop3A_536] in [0] : vector<16xf32>, vector<16xi32> -> vector<16xf32>
      %parallel_loop3A_538 = arith.addf %parallel_loop3A_534, %parallel_loop3A_537 : vector<16xf32>
      %parallel_loop3A_539 = vector.shape_cast %xor3A_235 : vector<16xi32> to vector<16x1xi32>
      %parallel_loop3A_540 = vector.shape_cast %parallel_loop3A_539 : vector<16x1xi32> to vector<16xi32>
      %parallel_loop3A_541 = tpu.dynamic_gather %parallel_loop3A_538[%parallel_loop3A_540] in [0] : vector<16xf32>, vector<16xi32> -> vector<16xf32>
      %parallel_loop3A_542 = arith.addf %parallel_loop3A_538, %parallel_loop3A_541 : vector<16xf32>
      %parallel_loop3A_543 = arith.constant 7.812500e-03 : f32
      %parallel_loop3A_544 = vector.broadcast %parallel_loop3A_543 : f32 to vector<16xf32>
      %parallel_loop3A_545 = arith.mulf %parallel_loop3A_526, %parallel_loop3A_544 : vector<16xf32>
      %parallel_loop3A_546 = arith.constant 7.812500e-03 : f32
      %parallel_loop3A_547 = vector.broadcast %parallel_loop3A_546 : f32 to vector<16xf32>
      %parallel_loop3A_548 = arith.mulf %parallel_loop3A_542, %parallel_loop3A_547 : vector<16xf32>
      %parallel_loop3A_549 = arith.mulf %parallel_loop3A_545, %parallel_loop3A_545 : vector<16xf32>
      %parallel_loop3A_550 = arith.subf %parallel_loop3A_548, %parallel_loop3A_549 : vector<16xf32>
      %parallel_loop3A_551 = arith.constant 9.99999996E-13 : f32
      %parallel_loop3A_552 = vector.broadcast %parallel_loop3A_551 : f32 to vector<16xf32>
      %parallel_loop3A_553 = arith.addf %parallel_loop3A_550, %parallel_loop3A_552 : vector<16xf32>
      %parallel_loop3A_554 = vector.bitcast %parallel_loop3A_553 : vector<16xf32> to vector<16xi32>
      %parallel_loop3A_555 = arith.constant 1 : i32
      %parallel_loop3A_556 = vector.broadcast %parallel_loop3A_555 : i32 to vector<16xi32>
      %parallel_loop3A_557 = arith.shrsi %parallel_loop3A_554, %parallel_loop3A_556 : vector<16xi32>
      %parallel_loop3A_558 = arith.constant 1597463007 : i32
      %parallel_loop3A_559 = vector.broadcast %parallel_loop3A_558 : i32 to vector<16xi32>
      %parallel_loop3A_560 = arith.subi %parallel_loop3A_559, %parallel_loop3A_557 : vector<16xi32>
      %parallel_loop3A_561 = vector.bitcast %parallel_loop3A_560 : vector<16xi32> to vector<16xf32>
      %parallel_loop3A_562 = arith.constant 5.000000e-01 : f32
      %parallel_loop3A_563 = vector.broadcast %parallel_loop3A_562 : f32 to vector<16xf32>
      %parallel_loop3A_564 = arith.mulf %parallel_loop3A_563, %parallel_loop3A_553 : vector<16xf32>
      %parallel_loop3A_565 = arith.mulf %parallel_loop3A_564, %parallel_loop3A_561 : vector<16xf32>
      %parallel_loop3A_566 = arith.mulf %parallel_loop3A_565, %parallel_loop3A_561 : vector<16xf32>
      %parallel_loop3A_567 = arith.constant 1.500000e+00 : f32
      %parallel_loop3A_568 = vector.broadcast %parallel_loop3A_567 : f32 to vector<16xf32>
      %parallel_loop3A_569 = arith.subf %parallel_loop3A_568, %parallel_loop3A_566 : vector<16xf32>
      %parallel_loop3A_570 = arith.mulf %parallel_loop3A_561, %parallel_loop3A_569 : vector<16xf32>
      %parallel_loop3A_571 = arith.constant 5.000000e-01 : f32
      %parallel_loop3A_572 = vector.broadcast %parallel_loop3A_571 : f32 to vector<16xf32>
      %parallel_loop3A_573 = arith.mulf %parallel_loop3A_572, %parallel_loop3A_553 : vector<16xf32>
      %parallel_loop3A_574 = arith.mulf %parallel_loop3A_573, %parallel_loop3A_570 : vector<16xf32>
      %parallel_loop3A_575 = arith.mulf %parallel_loop3A_574, %parallel_loop3A_570 : vector<16xf32>
      %parallel_loop3A_576 = arith.constant 1.500000e+00 : f32
      %parallel_loop3A_577 = vector.broadcast %parallel_loop3A_576 : f32 to vector<16xf32>
      %parallel_loop3A_578 = arith.subf %parallel_loop3A_577, %parallel_loop3A_575 : vector<16xf32>
      %parallel_loop3A_579 = arith.mulf %parallel_loop3A_570, %parallel_loop3A_578 : vector<16xf32>
      %parallel_loop3A_580 = arith.subf %parallel_loop3A_418, %parallel_loop3A_545 : vector<16xf32>
      %parallel_loop3A_581 = arith.mulf %parallel_loop3A_580, %parallel_loop3A_579 : vector<16xf32>
      %parallel_loop3A_582 = arith.mulf %parallel_loop3A_581, %get3A_93 : vector<16xf32>
      %parallel_loop3A_583 = arith.addf %parallel_loop3A_582, %get3A_125 : vector<16xf32>
      %parallel_loop3A_584 = arith.index_cast %parallel_loop3A_400 : i32 to index
      %parallel_loop3A_585 = arith.constant 0 : index
      %parallel_loop3A_586 = tpu.vector_load %arg16[%parallel_loop3A_584, %parallel_loop3A_585] {strides = array<i32>} : memref<64x128xf32, #tpu.memory_space<vmem>>, vector<16xf32>,
      tpu.vector_store %arg16[%parallel_loop3A_584, %parallel_loop3A_585], %parallel_loop3A_583 {strides = array<i32>} : memref<64x128xf32, #tpu.memory_space<vmem>>, vector<16xf32>,
      %parallel_loop3A_587 = arith.subf %parallel_loop3A_428, %parallel_loop3A_545 : vector<16xf32>
      %parallel_loop3A_588 = arith.mulf %parallel_loop3A_587, %parallel_loop3A_579 : vector<16xf32>
      %parallel_loop3A_589 = arith.mulf %parallel_loop3A_588, %get3A_97 : vector<16xf32>
      %parallel_loop3A_590 = arith.addf %parallel_loop3A_589, %get3A_129 : vector<16xf32>
      %parallel_loop3A_591 = arith.index_cast %parallel_loop3A_400 : i32 to index
      %parallel_loop3A_592 = arith.constant 16 : index
      %parallel_loop3A_593 = tpu.vector_load %arg16[%parallel_loop3A_591, %parallel_loop3A_592] {strides = array<i32>} : memref<64x128xf32, #tpu.memory_space<vmem>>, vector<16xf32>,
      tpu.vector_store %arg16[%parallel_loop3A_591, %parallel_loop3A_592], %parallel_loop3A_590 {strides = array<i32>} : memref<64x128xf32, #tpu.memory_space<vmem>>, vector<16xf32>,
      %parallel_loop3A_594 = arith.subf %parallel_loop3A_438, %parallel_loop3A_545 : vector<16xf32>
      %parallel_loop3A_595 = arith.mulf %parallel_loop3A_594, %parallel_loop3A_579 : vector<16xf32>
      %parallel_loop3A_596 = arith.mulf %parallel_loop3A_595, %get3A_101 : vector<16xf32>
      %parallel_loop3A_597 = arith.addf %parallel_loop3A_596, %get3A_133 : vector<16xf32>
      %parallel_loop3A_598 = arith.index_cast %parallel_loop3A_400 : i32 to index
      %parallel_loop3A_599 = arith.constant 32 : index
      %parallel_loop3A_600 = tpu.vector_load %arg16[%parallel_loop3A_598, %parallel_loop3A_599] {strides = array<i32>} : memref<64x128xf32, #tpu.memory_space<vmem>>, vector<16xf32>,
      tpu.vector_store %arg16[%parallel_loop3A_598, %parallel_loop3A_599], %parallel_loop3A_597 {strides = array<i32>} : memref<64x128xf32, #tpu.memory_space<vmem>>, vector<16xf32>,
      %parallel_loop3A_601 = arith.subf %parallel_loop3A_448, %parallel_loop3A_545 : vector<16xf32>
      %parallel_loop3A_602 = arith.mulf %parallel_loop3A_601, %parallel_loop3A_579 : vector<16xf32>
      %parallel_loop3A_603 = arith.mulf %parallel_loop3A_602, %get3A_105 : vector<16xf32>
      %parallel_loop3A_604 = arith.addf %parallel_loop3A_603, %get3A_137 : vector<16xf32>
      %parallel_loop3A_605 = arith.index_cast %parallel_loop3A_400 : i32 to index
      %parallel_loop3A_606 = arith.constant 48 : index
      %parallel_loop3A_607 = tpu.vector_load %arg16[%parallel_loop3A_605, %parallel_loop3A_606] {strides = array<i32>} : memref<64x128xf32, #tpu.memory_space<vmem>>, vector<16xf32>,
      tpu.vector_store %arg16[%parallel_loop3A_605, %parallel_loop3A_606], %parallel_loop3A_604 {strides = array<i32>} : memref<64x128xf32, #tpu.memory_space<vmem>>, vector<16xf32>,
      %parallel_loop3A_608 = arith.subf %parallel_loop3A_458, %parallel_loop3A_545 : vector<16xf32>
      %parallel_loop3A_609 = arith.mulf %parallel_loop3A_608, %parallel_loop3A_579 : vector<16xf32>
      %parallel_loop3A_610 = arith.mulf %parallel_loop3A_609, %get3A_109 : vector<16xf32>
      %parallel_loop3A_611 = arith.addf %parallel_loop3A_610, %get3A_141 : vector<16xf32>
      %parallel_loop3A_612 = arith.index_cast %parallel_loop3A_400 : i32 to index
      %parallel_loop3A_613 = arith.constant 64 : index
      %parallel_loop3A_614 = tpu.vector_load %arg16[%parallel_loop3A_612, %parallel_loop3A_613] {strides = array<i32>} : memref<64x128xf32, #tpu.memory_space<vmem>>, vector<16xf32>,
      tpu.vector_store %arg16[%parallel_loop3A_612, %parallel_loop3A_613], %parallel_loop3A_611 {strides = array<i32>} : memref<64x128xf32, #tpu.memory_space<vmem>>, vector<16xf32>,
      %parallel_loop3A_615 = arith.subf %parallel_loop3A_468, %parallel_loop3A_545 : vector<16xf32>
      %parallel_loop3A_616 = arith.mulf %parallel_loop3A_615, %parallel_loop3A_579 : vector<16xf32>
      %parallel_loop3A_617 = arith.mulf %parallel_loop3A_616, %get3A_113 : vector<16xf32>
      %parallel_loop3A_618 = arith.addf %parallel_loop3A_617, %get3A_145 : vector<16xf32>
      %parallel_loop3A_619 = arith.index_cast %parallel_loop3A_400 : i32 to index
      %parallel_loop3A_620 = arith.constant 80 : index
      %parallel_loop3A_621 = tpu.vector_load %arg16[%parallel_loop3A_619, %parallel_loop3A_620] {strides = array<i32>} : memref<64x128xf32, #tpu.memory_space<vmem>>, vector<16xf32>,
      tpu.vector_store %arg16[%parallel_loop3A_619, %parallel_loop3A_620], %parallel_loop3A_618 {strides = array<i32>} : memref<64x128xf32, #tpu.memory_space<vmem>>, vector<16xf32>,
      %parallel_loop3A_622 = arith.subf %parallel_loop3A_478, %parallel_loop3A_545 : vector<16xf32>
      %parallel_loop3A_623 = arith.mulf %parallel_loop3A_622, %parallel_loop3A_579 : vector<16xf32>
      %parallel_loop3A_624 = arith.mulf %parallel_loop3A_623, %get3A_117 : vector<16xf32>
      %parallel_loop3A_625 = arith.addf %parallel_loop3A_624, %get3A_149 : vector<16xf32>
      %parallel_loop3A_626 = arith.index_cast %parallel_loop3A_400 : i32 to index
      %parallel_loop3A_627 = arith.constant 96 : index
      %parallel_loop3A_628 = tpu.vector_load %arg16[%parallel_loop3A_626, %parallel_loop3A_627] {strides = array<i32>} : memref<64x128xf32, #tpu.memory_space<vmem>>, vector<16xf32>,
      tpu.vector_store %arg16[%parallel_loop3A_626, %parallel_loop3A_627], %parallel_loop3A_625 {strides = array<i32>} : memref<64x128xf32, #tpu.memory_space<vmem>>, vector<16xf32>,
      %parallel_loop3A_629 = arith.subf %parallel_loop3A_488, %parallel_loop3A_545 : vector<16xf32>
      %parallel_loop3A_630 = arith.mulf %parallel_loop3A_629, %parallel_loop3A_579 : vector<16xf32>
      %parallel_loop3A_631 = arith.mulf %parallel_loop3A_630, %get3A_121 : vector<16xf32>
      %parallel_loop3A_632 = arith.addf %parallel_loop3A_631, %get3A_153 : vector<16xf32>
      %parallel_loop3A_633 = arith.index_cast %parallel_loop3A_400 : i32 to index
      %parallel_loop3A_634 = arith.constant 112 : index
      %parallel_loop3A_635 = tpu.vector_load %arg16[%parallel_loop3A_633, %parallel_loop3A_634] {strides = array<i32>} : memref<64x128xf32, #tpu.memory_space<vmem>>, vector<16xf32>,
      tpu.vector_store %arg16[%parallel_loop3A_633, %parallel_loop3A_634], %parallel_loop3A_632 {strides = array<i32>} : memref<64x128xf32, #tpu.memory_space<vmem>>, vector<16xf32>,
    } {sc.loop_unroll_factor = 2 : i64, sc.parallel_access}
    %dma_start3A_281 = arith.constant 0 : i32
    %dma_start3A_282 = arith.constant 0 : i32
    %dma_start3A_283 = tpu.memref_slice %arg10[%dma_start3A_281, %dma_start3A_282] : memref<3x80xi32, #tpu.memory_space<vmem>> -> memref<1x64xi32, #tpu.memory_space<vmem>>
    %dma_start3A_284 = tpu.memref_squeeze %dma_start3A_283 : memref<1x64xi32, #tpu.memory_space<vmem>> -> memref<64xi32, #tpu.memory_space<vmem>>
    %dma_start3A_285 = arith.constant 0 : i32
    %dma_start3A_286 = arith.constant 0 : i32
    %dma_start3A_287 = tpu.memref_slice %arg3[%dma_start3A_285, %dma_start3A_286] : memref<100000x128xf32, #tpu.memory_space<hbm>> -> memref<100000x128xf32, #tpu.memory_space<hbm>>
    tpu.enqueue_indirect_dma source(%dma_start3A_287 : memref<100000x128xf32, #tpu.memory_space<hbm>>) target(%arg12 : memref<64x128xf32, #tpu.memory_space<vmem>>) offsets(%dma_start3A_284 : memref<64xi32, #tpu.memory_space<vmem>>) semaphore(%arg23 : memref<!tpu.dma_semaphore, #tpu.memory_space<semaphore_mem>>)
    %dma_start3A_288 = arith.constant 1 : i32
    %dma_start3A_289 = arith.constant 0 : i32
    %dma_start3A_290 = tpu.memref_slice %arg10[%dma_start3A_288, %dma_start3A_289] : memref<3x80xi32, #tpu.memory_space<vmem>> -> memref<1x64xi32, #tpu.memory_space<vmem>>
    %dma_start3A_291 = tpu.memref_squeeze %dma_start3A_290 : memref<1x64xi32, #tpu.memory_space<vmem>> -> memref<64xi32, #tpu.memory_space<vmem>>
    %dma_start3A_292 = arith.constant 0 : i32
    %dma_start3A_293 = arith.constant 0 : i32
    %dma_start3A_294 = tpu.memref_slice %arg21[%dma_start3A_292, %dma_start3A_293] : memref<2048x128xf32, #tpu.memory_space<vmem_shared>> -> memref<2048x128xf32, #tpu.memory_space<vmem_shared>>
    tpu.enqueue_indirect_dma source(%dma_start3A_294 : memref<2048x128xf32, #tpu.memory_space<vmem_shared>>) target(%arg14 : memref<64x128xf32, #tpu.memory_space<vmem>>) offsets(%dma_start3A_291 : memref<64xi32, #tpu.memory_space<vmem>>) semaphore(%arg24 : memref<!tpu.dma_semaphore, #tpu.memory_space<semaphore_mem>>)
    %add3A_295 = arith.constant 0 : i32
    %add3A_296 = arith.addi %mul3A_2, %add3A_295 : i32
    %dma_start3A_297 = arith.constant 0 : i32
    %dma_start3A_298 = tpu.memref_slice %arg7[%add3A_296, %dma_start3A_297] : memref<8192x128xf32, #tpu.memory_space<hbm>> -> memref<64x128xf32, #tpu.memory_space<hbm>>
    %dma_start3A_299 = arith.constant 0 : i32
    %dma_start3A_300 = tpu.memref_slice %arg7[%add3A_296, %dma_start3A_299] : memref<8192x128xf32, #tpu.memory_space<hbm>> -> memref<64x128xf32, #tpu.memory_space<hbm>>
    tpu.enqueue_dma source(%arg16 : memref<64x128xf32, #tpu.memory_space<vmem>>) target(%dma_start3A_300 : memref<64x128xf32, #tpu.memory_space<hbm>>) target_semaphore(%arg27 : memref<!tpu.dma_semaphore, #tpu.memory_space<semaphore_mem>>)
    %dma_wait3A_301 = arith.constant 0 : i32
    %dma_wait3A_302 = arith.constant 0 : i32
    %dma_wait3A_303 = tpu.memref_slice %arg9[%dma_wait3A_301, %dma_wait3A_302] : memref<3x80xi32, #tpu.memory_space<vmem>> -> memref<1x64xi32, #tpu.memory_space<vmem>>
    %dma_wait3A_304 = tpu.memref_squeeze %dma_wait3A_303 : memref<1x64xi32, #tpu.memory_space<vmem>> -> memref<64xi32, #tpu.memory_space<vmem>>
    %dma_wait3A_305 = arith.constant 0 : i32
    %dma_wait3A_306 = arith.constant 0 : i32
    %dma_wait3A_307 = tpu.memref_slice %arg3[%dma_wait3A_305, %dma_wait3A_306] : memref<100000x128xf32, #tpu.memory_space<hbm>> -> memref<100000x128xf32, #tpu.memory_space<hbm>>
    tpu.wait_indirect_dma semaphore(%arg25 : memref<!tpu.dma_semaphore, #tpu.memory_space<semaphore_mem>>) src(%dma_wait3A_307 : memref<100000x128xf32, #tpu.memory_space<hbm>>) dst(%arg13 : memref<64x128xf32, #tpu.memory_space<vmem>>)
    %dma_wait3A_308 = arith.constant 1 : i32
    %dma_wait3A_309 = arith.constant 0 : i32
    %dma_wait3A_310 = tpu.memref_slice %arg9[%dma_wait3A_308, %dma_wait3A_309] : memref<3x80xi32, #tpu.memory_space<vmem>> -> memref<1x64xi32, #tpu.memory_space<vmem>>
    %dma_wait3A_311 = tpu.memref_squeeze %dma_wait3A_310 : memref<1x64xi32, #tpu.memory_space<vmem>> -> memref<64xi32, #tpu.memory_space<vmem>>
    %dma_wait3A_312 = arith.constant 0 : i32
    %dma_wait3A_313 = arith.constant 0 : i32
    %dma_wait3A_314 = tpu.memref_slice %arg21[%dma_wait3A_312, %dma_wait3A_313] : memref<2048x128xf32, #tpu.memory_space<vmem_shared>> -> memref<2048x128xf32, #tpu.memory_space<vmem_shared>>
    tpu.wait_indirect_dma semaphore(%arg26 : memref<!tpu.dma_semaphore, #tpu.memory_space<semaphore_mem>>) src(%dma_wait3A_314 : memref<2048x128xf32, #tpu.memory_space<vmem_shared>>) dst(%arg15 : memref<64x128xf32, #tpu.memory_space<vmem>>)
    %parallel_loop3A_315 = arith.constant 0 : i32
    %parallel_loop3A_316 = arith.constant 64 : i32
    %parallel_loop3A_317 = arith.constant 1 : i32
    scf.for %parallel_loop3A_400 = %parallel_loop3A_315 to %parallel_loop3A_316 step %parallel_loop3A_317  : i32 {
      %parallel_loop3A_401 = arith.constant 2 : i32
      %parallel_loop3A_402 = arith.index_cast %parallel_loop3A_401 : i32 to index
      %parallel_loop3A_403 = arith.index_cast %parallel_loop3A_400 : i32 to index
      %parallel_loop3A_404 = tpu.vector_load %arg9[%parallel_loop3A_402, %parallel_loop3A_403] {strides = array<i32>} : memref<3x80xi32, #tpu.memory_space<vmem>>, vector<16xi32>,
      %parallel_loop3A_405 = vector.shape_cast %broadcast_in_dim3A_236 : vector<16xi32> to vector<16x1xi32>
      %parallel_loop3A_406 = vector.shape_cast %parallel_loop3A_405 : vector<16x1xi32> to vector<16xi32>
      %parallel_loop3A_407 = tpu.dynamic_gather %parallel_loop3A_404[%parallel_loop3A_406] in [0] : vector<16xi32>, vector<16xi32> -> vector<16xi32>
      %parallel_loop3A_408 = arith.sitofp %parallel_loop3A_407 : vector<16xi32> to vector<16xf32>
      %parallel_loop3A_409 = arith.index_cast %parallel_loop3A_400 : i32 to index
      %parallel_loop3A_410 = arith.constant 0 : index
      %parallel_loop3A_411 = tpu.vector_load %arg13[%parallel_loop3A_409, %parallel_loop3A_410] {strides = array<i32>} : memref<64x128xf32, #tpu.memory_space<vmem>>, vector<16xf32>,
      %parallel_loop3A_412 = arith.index_cast %parallel_loop3A_400 : i32 to index
      %parallel_loop3A_413 = arith.constant 0 : index
      %parallel_loop3A_414 = tpu.vector_load %arg15[%parallel_loop3A_412, %parallel_loop3A_413] {strides = array<i32>} : memref<64x128xf32, #tpu.memory_space<vmem>>, vector<16xf32>,
      %parallel_loop3A_415 = arith.addf %parallel_loop3A_411, %parallel_loop3A_414 : vector<16xf32>
      %parallel_loop3A_416 = arith.mulf %parallel_loop3A_408, %sub3A : vector<16xf32>
      %parallel_loop3A_417 = arith.addf %get3A_157, %parallel_loop3A_416 : vector<16xf32>
      %parallel_loop3A_418 = arith.addf %parallel_loop3A_415, %parallel_loop3A_417 : vector<16xf32>
      %parallel_loop3A_419 = arith.index_cast %parallel_loop3A_400 : i32 to index
      %parallel_loop3A_420 = arith.constant 16 : index
      %parallel_loop3A_421 = tpu.vector_load %arg13[%parallel_loop3A_419, %parallel_loop3A_420] {strides = array<i32>} : memref<64x128xf32, #tpu.memory_space<vmem>>, vector<16xf32>,
      %parallel_loop3A_422 = arith.index_cast %parallel_loop3A_400 : i32 to index
      %parallel_loop3A_423 = arith.constant 16 : index
      %parallel_loop3A_424 = tpu.vector_load %arg15[%parallel_loop3A_422, %parallel_loop3A_423] {strides = array<i32>} : memref<64x128xf32, #tpu.memory_space<vmem>>, vector<16xf32>,
      %parallel_loop3A_425 = arith.addf %parallel_loop3A_421, %parallel_loop3A_424 : vector<16xf32>
      %parallel_loop3A_426 = arith.mulf %parallel_loop3A_408, %sub3A_194 : vector<16xf32>
      %parallel_loop3A_427 = arith.addf %get3A_161, %parallel_loop3A_426 : vector<16xf32>
      %parallel_loop3A_428 = arith.addf %parallel_loop3A_425, %parallel_loop3A_427 : vector<16xf32>
      %parallel_loop3A_429 = arith.index_cast %parallel_loop3A_400 : i32 to index
      %parallel_loop3A_430 = arith.constant 32 : index
      %parallel_loop3A_431 = tpu.vector_load %arg13[%parallel_loop3A_429, %parallel_loop3A_430] {strides = array<i32>} : memref<64x128xf32, #tpu.memory_space<vmem>>, vector<16xf32>,
      %parallel_loop3A_432 = arith.index_cast %parallel_loop3A_400 : i32 to index
      %parallel_loop3A_433 = arith.constant 32 : index
      %parallel_loop3A_434 = tpu.vector_load %arg15[%parallel_loop3A_432, %parallel_loop3A_433] {strides = array<i32>} : memref<64x128xf32, #tpu.memory_space<vmem>>, vector<16xf32>,
      %parallel_loop3A_435 = arith.addf %parallel_loop3A_431, %parallel_loop3A_434 : vector<16xf32>
      %parallel_loop3A_436 = arith.mulf %parallel_loop3A_408, %sub3A_199 : vector<16xf32>
      %parallel_loop3A_437 = arith.addf %get3A_165, %parallel_loop3A_436 : vector<16xf32>
      %parallel_loop3A_438 = arith.addf %parallel_loop3A_435, %parallel_loop3A_437 : vector<16xf32>
      %parallel_loop3A_439 = arith.index_cast %parallel_loop3A_400 : i32 to index
      %parallel_loop3A_440 = arith.constant 48 : index
      %parallel_loop3A_441 = tpu.vector_load %arg13[%parallel_loop3A_439, %parallel_loop3A_440] {strides = array<i32>} : memref<64x128xf32, #tpu.memory_space<vmem>>, vector<16xf32>,
      %parallel_loop3A_442 = arith.index_cast %parallel_loop3A_400 : i32 to index
      %parallel_loop3A_443 = arith.constant 48 : index
      %parallel_loop3A_444 = tpu.vector_load %arg15[%parallel_loop3A_442, %parallel_loop3A_443] {strides = array<i32>} : memref<64x128xf32, #tpu.memory_space<vmem>>, vector<16xf32>,
      %parallel_loop3A_445 = arith.addf %parallel_loop3A_441, %parallel_loop3A_444 : vector<16xf32>
      %parallel_loop3A_446 = arith.mulf %parallel_loop3A_408, %sub3A_204 : vector<16xf32>
      %parallel_loop3A_447 = arith.addf %get3A_169, %parallel_loop3A_446 : vector<16xf32>
      %parallel_loop3A_448 = arith.addf %parallel_loop3A_445, %parallel_loop3A_447 : vector<16xf32>
      %parallel_loop3A_449 = arith.index_cast %parallel_loop3A_400 : i32 to index
      %parallel_loop3A_450 = arith.constant 64 : index
      %parallel_loop3A_451 = tpu.vector_load %arg13[%parallel_loop3A_449, %parallel_loop3A_450] {strides = array<i32>} : memref<64x128xf32, #tpu.memory_space<vmem>>, vector<16xf32>,
      %parallel_loop3A_452 = arith.index_cast %parallel_loop3A_400 : i32 to index
      %parallel_loop3A_453 = arith.constant 64 : index
      %parallel_loop3A_454 = tpu.vector_load %arg15[%parallel_loop3A_452, %parallel_loop3A_453] {strides = array<i32>} : memref<64x128xf32, #tpu.memory_space<vmem>>, vector<16xf32>,
      %parallel_loop3A_455 = arith.addf %parallel_loop3A_451, %parallel_loop3A_454 : vector<16xf32>
      %parallel_loop3A_456 = arith.mulf %parallel_loop3A_408, %sub3A_209 : vector<16xf32>
      %parallel_loop3A_457 = arith.addf %get3A_173, %parallel_loop3A_456 : vector<16xf32>
      %parallel_loop3A_458 = arith.addf %parallel_loop3A_455, %parallel_loop3A_457 : vector<16xf32>
      %parallel_loop3A_459 = arith.index_cast %parallel_loop3A_400 : i32 to index
      %parallel_loop3A_460 = arith.constant 80 : index
      %parallel_loop3A_461 = tpu.vector_load %arg13[%parallel_loop3A_459, %parallel_loop3A_460] {strides = array<i32>} : memref<64x128xf32, #tpu.memory_space<vmem>>, vector<16xf32>,
      %parallel_loop3A_462 = arith.index_cast %parallel_loop3A_400 : i32 to index
      %parallel_loop3A_463 = arith.constant 80 : index
      %parallel_loop3A_464 = tpu.vector_load %arg15[%parallel_loop3A_462, %parallel_loop3A_463] {strides = array<i32>} : memref<64x128xf32, #tpu.memory_space<vmem>>, vector<16xf32>,
      %parallel_loop3A_465 = arith.addf %parallel_loop3A_461, %parallel_loop3A_464 : vector<16xf32>
      %parallel_loop3A_466 = arith.mulf %parallel_loop3A_408, %sub3A_214 : vector<16xf32>
      %parallel_loop3A_467 = arith.addf %get3A_177, %parallel_loop3A_466 : vector<16xf32>
      %parallel_loop3A_468 = arith.addf %parallel_loop3A_465, %parallel_loop3A_467 : vector<16xf32>
      %parallel_loop3A_469 = arith.index_cast %parallel_loop3A_400 : i32 to index
      %parallel_loop3A_470 = arith.constant 96 : index
      %parallel_loop3A_471 = tpu.vector_load %arg13[%parallel_loop3A_469, %parallel_loop3A_470] {strides = array<i32>} : memref<64x128xf32, #tpu.memory_space<vmem>>, vector<16xf32>,
      %parallel_loop3A_472 = arith.index_cast %parallel_loop3A_400 : i32 to index
      %parallel_loop3A_473 = arith.constant 96 : index
      %parallel_loop3A_474 = tpu.vector_load %arg15[%parallel_loop3A_472, %parallel_loop3A_473] {strides = array<i32>} : memref<64x128xf32, #tpu.memory_space<vmem>>, vector<16xf32>,
      %parallel_loop3A_475 = arith.addf %parallel_loop3A_471, %parallel_loop3A_474 : vector<16xf32>
      %parallel_loop3A_476 = arith.mulf %parallel_loop3A_408, %sub3A_219 : vector<16xf32>
      %parallel_loop3A_477 = arith.addf %get3A_181, %parallel_loop3A_476 : vector<16xf32>
      %parallel_loop3A_478 = arith.addf %parallel_loop3A_475, %parallel_loop3A_477 : vector<16xf32>
      %parallel_loop3A_479 = arith.index_cast %parallel_loop3A_400 : i32 to index
      %parallel_loop3A_480 = arith.constant 112 : index
      %parallel_loop3A_481 = tpu.vector_load %arg13[%parallel_loop3A_479, %parallel_loop3A_480] {strides = array<i32>} : memref<64x128xf32, #tpu.memory_space<vmem>>, vector<16xf32>,
      %parallel_loop3A_482 = arith.index_cast %parallel_loop3A_400 : i32 to index
      %parallel_loop3A_483 = arith.constant 112 : index
      %parallel_loop3A_484 = tpu.vector_load %arg15[%parallel_loop3A_482, %parallel_loop3A_483] {strides = array<i32>} : memref<64x128xf32, #tpu.memory_space<vmem>>, vector<16xf32>,
      %parallel_loop3A_485 = arith.addf %parallel_loop3A_481, %parallel_loop3A_484 : vector<16xf32>
      %parallel_loop3A_486 = arith.mulf %parallel_loop3A_408, %sub3A_224 : vector<16xf32>
      %parallel_loop3A_487 = arith.addf %get3A_185, %parallel_loop3A_486 : vector<16xf32>
      %parallel_loop3A_488 = arith.addf %parallel_loop3A_485, %parallel_loop3A_487 : vector<16xf32>
      %parallel_loop3A_489 = arith.addf %parallel_loop3A_418, %parallel_loop3A_428 : vector<16xf32>
      %parallel_loop3A_490 = arith.addf %parallel_loop3A_438, %parallel_loop3A_448 : vector<16xf32>
      %parallel_loop3A_491 = arith.addf %parallel_loop3A_489, %parallel_loop3A_490 : vector<16xf32>
      %parallel_loop3A_492 = arith.addf %parallel_loop3A_458, %parallel_loop3A_468 : vector<16xf32>
      %parallel_loop3A_493 = arith.addf %parallel_loop3A_478, %parallel_loop3A_488 : vector<16xf32>
      %parallel_loop3A_494 = arith.addf %parallel_loop3A_492, %parallel_loop3A_493 : vector<16xf32>
      %parallel_loop3A_495 = arith.addf %parallel_loop3A_491, %parallel_loop3A_494 : vector<16xf32>
      %parallel_loop3A_496 = arith.mulf %parallel_loop3A_418, %parallel_loop3A_418 : vector<16xf32>
      %parallel_loop3A_497 = arith.mulf %parallel_loop3A_428, %parallel_loop3A_428 : vector<16xf32>
      %parallel_loop3A_498 = arith.addf %parallel_loop3A_496, %parallel_loop3A_497 : vector<16xf32>
      %parallel_loop3A_499 = arith.mulf %parallel_loop3A_438, %parallel_loop3A_438 : vector<16xf32>
      %parallel_loop3A_500 = arith.mulf %parallel_loop3A_448, %parallel_loop3A_448 : vector<16xf32>
      %parallel_loop3A_501 = arith.addf %parallel_loop3A_499, %parallel_loop3A_500 : vector<16xf32>
      %parallel_loop3A_502 = arith.mulf %parallel_loop3A_458, %parallel_loop3A_458 : vector<16xf32>
      %parallel_loop3A_503 = arith.mulf %parallel_loop3A_468, %parallel_loop3A_468 : vector<16xf32>
      %parallel_loop3A_504 = arith.addf %parallel_loop3A_502, %parallel_loop3A_503 : vector<16xf32>
      %parallel_loop3A_505 = arith.mulf %parallel_loop3A_478, %parallel_loop3A_478 : vector<16xf32>
      %parallel_loop3A_506 = arith.mulf %parallel_loop3A_488, %parallel_loop3A_488 : vector<16xf32>
      %parallel_loop3A_507 = arith.addf %parallel_loop3A_505, %parallel_loop3A_506 : vector<16xf32>
      %parallel_loop3A_508 = arith.addf %parallel_loop3A_498, %parallel_loop3A_501 : vector<16xf32>
      %parallel_loop3A_509 = arith.addf %parallel_loop3A_504, %parallel_loop3A_507 : vector<16xf32>
      %parallel_loop3A_510 = arith.addf %parallel_loop3A_508, %parallel_loop3A_509 : vector<16xf32>
      %parallel_loop3A_511 = vector.shape_cast %xor3A_226 : vector<16xi32> to vector<16x1xi32>
      %parallel_loop3A_512 = vector.shape_cast %parallel_loop3A_511 : vector<16x1xi32> to vector<16xi32>
      %parallel_loop3A_513 = tpu.dynamic_gather %parallel_loop3A_495[%parallel_loop3A_512] in [0] : vector<16xf32>, vector<16xi32> -> vector<16xf32>
      %parallel_loop3A_514 = arith.addf %parallel_loop3A_495, %parallel_loop3A_513 : vector<16xf32>
      %parallel_loop3A_515 = vector.shape_cast %xor3A_229 : vector<16xi32> to vector<16x1xi32>
      %parallel_loop3A_516 = vector.shape_cast %parallel_loop3A_515 : vector<16x1xi32> to vector<16xi32>
      %parallel_loop3A_517 = tpu.dynamic_gather %parallel_loop3A_514[%parallel_loop3A_516] in [0] : vector<16xf32>, vector<16xi32> -> vector<16xf32>
      %parallel_loop3A_518 = arith.addf %parallel_loop3A_514, %parallel_loop3A_517 : vector<16xf32>
      %parallel_loop3A_519 = vector.shape_cast %xor3A_232 : vector<16xi32> to vector<16x1xi32>
      %parallel_loop3A_520 = vector.shape_cast %parallel_loop3A_519 : vector<16x1xi32> to vector<16xi32>
      %parallel_loop3A_521 = tpu.dynamic_gather %parallel_loop3A_518[%parallel_loop3A_520] in [0] : vector<16xf32>, vector<16xi32> -> vector<16xf32>
      %parallel_loop3A_522 = arith.addf %parallel_loop3A_518, %parallel_loop3A_521 : vector<16xf32>
      %parallel_loop3A_523 = vector.shape_cast %xor3A_235 : vector<16xi32> to vector<16x1xi32>
      %parallel_loop3A_524 = vector.shape_cast %parallel_loop3A_523 : vector<16x1xi32> to vector<16xi32>
      %parallel_loop3A_525 = tpu.dynamic_gather %parallel_loop3A_522[%parallel_loop3A_524] in [0] : vector<16xf32>, vector<16xi32> -> vector<16xf32>
      %parallel_loop3A_526 = arith.addf %parallel_loop3A_522, %parallel_loop3A_525 : vector<16xf32>
      %parallel_loop3A_527 = vector.shape_cast %xor3A_226 : vector<16xi32> to vector<16x1xi32>
      %parallel_loop3A_528 = vector.shape_cast %parallel_loop3A_527 : vector<16x1xi32> to vector<16xi32>
      %parallel_loop3A_529 = tpu.dynamic_gather %parallel_loop3A_510[%parallel_loop3A_528] in [0] : vector<16xf32>, vector<16xi32> -> vector<16xf32>
      %parallel_loop3A_530 = arith.addf %parallel_loop3A_510, %parallel_loop3A_529 : vector<16xf32>
      %parallel_loop3A_531 = vector.shape_cast %xor3A_229 : vector<16xi32> to vector<16x1xi32>
      %parallel_loop3A_532 = vector.shape_cast %parallel_loop3A_531 : vector<16x1xi32> to vector<16xi32>
      %parallel_loop3A_533 = tpu.dynamic_gather %parallel_loop3A_530[%parallel_loop3A_532] in [0] : vector<16xf32>, vector<16xi32> -> vector<16xf32>
      %parallel_loop3A_534 = arith.addf %parallel_loop3A_530, %parallel_loop3A_533 : vector<16xf32>
      %parallel_loop3A_535 = vector.shape_cast %xor3A_232 : vector<16xi32> to vector<16x1xi32>
      %parallel_loop3A_536 = vector.shape_cast %parallel_loop3A_535 : vector<16x1xi32> to vector<16xi32>
      %parallel_loop3A_537 = tpu.dynamic_gather %parallel_loop3A_534[%parallel_loop3A_536] in [0] : vector<16xf32>, vector<16xi32> -> vector<16xf32>
      %parallel_loop3A_538 = arith.addf %parallel_loop3A_534, %parallel_loop3A_537 : vector<16xf32>
      %parallel_loop3A_539 = vector.shape_cast %xor3A_235 : vector<16xi32> to vector<16x1xi32>
      %parallel_loop3A_540 = vector.shape_cast %parallel_loop3A_539 : vector<16x1xi32> to vector<16xi32>
      %parallel_loop3A_541 = tpu.dynamic_gather %parallel_loop3A_538[%parallel_loop3A_540] in [0] : vector<16xf32>, vector<16xi32> -> vector<16xf32>
      %parallel_loop3A_542 = arith.addf %parallel_loop3A_538, %parallel_loop3A_541 : vector<16xf32>
      %parallel_loop3A_543 = arith.constant 7.812500e-03 : f32
      %parallel_loop3A_544 = vector.broadcast %parallel_loop3A_543 : f32 to vector<16xf32>
      %parallel_loop3A_545 = arith.mulf %parallel_loop3A_526, %parallel_loop3A_544 : vector<16xf32>
      %parallel_loop3A_546 = arith.constant 7.812500e-03 : f32
      %parallel_loop3A_547 = vector.broadcast %parallel_loop3A_546 : f32 to vector<16xf32>
      %parallel_loop3A_548 = arith.mulf %parallel_loop3A_542, %parallel_loop3A_547 : vector<16xf32>
      %parallel_loop3A_549 = arith.mulf %parallel_loop3A_545, %parallel_loop3A_545 : vector<16xf32>
      %parallel_loop3A_550 = arith.subf %parallel_loop3A_548, %parallel_loop3A_549 : vector<16xf32>
      %parallel_loop3A_551 = arith.constant 9.99999996E-13 : f32
      %parallel_loop3A_552 = vector.broadcast %parallel_loop3A_551 : f32 to vector<16xf32>
      %parallel_loop3A_553 = arith.addf %parallel_loop3A_550, %parallel_loop3A_552 : vector<16xf32>
      %parallel_loop3A_554 = vector.bitcast %parallel_loop3A_553 : vector<16xf32> to vector<16xi32>
      %parallel_loop3A_555 = arith.constant 1 : i32
      %parallel_loop3A_556 = vector.broadcast %parallel_loop3A_555 : i32 to vector<16xi32>
      %parallel_loop3A_557 = arith.shrsi %parallel_loop3A_554, %parallel_loop3A_556 : vector<16xi32>
      %parallel_loop3A_558 = arith.constant 1597463007 : i32
      %parallel_loop3A_559 = vector.broadcast %parallel_loop3A_558 : i32 to vector<16xi32>
      %parallel_loop3A_560 = arith.subi %parallel_loop3A_559, %parallel_loop3A_557 : vector<16xi32>
      %parallel_loop3A_561 = vector.bitcast %parallel_loop3A_560 : vector<16xi32> to vector<16xf32>
      %parallel_loop3A_562 = arith.constant 5.000000e-01 : f32
      %parallel_loop3A_563 = vector.broadcast %parallel_loop3A_562 : f32 to vector<16xf32>
      %parallel_loop3A_564 = arith.mulf %parallel_loop3A_563, %parallel_loop3A_553 : vector<16xf32>
      %parallel_loop3A_565 = arith.mulf %parallel_loop3A_564, %parallel_loop3A_561 : vector<16xf32>
      %parallel_loop3A_566 = arith.mulf %parallel_loop3A_565, %parallel_loop3A_561 : vector<16xf32>
      %parallel_loop3A_567 = arith.constant 1.500000e+00 : f32
      %parallel_loop3A_568 = vector.broadcast %parallel_loop3A_567 : f32 to vector<16xf32>
      %parallel_loop3A_569 = arith.subf %parallel_loop3A_568, %parallel_loop3A_566 : vector<16xf32>
      %parallel_loop3A_570 = arith.mulf %parallel_loop3A_561, %parallel_loop3A_569 : vector<16xf32>
      %parallel_loop3A_571 = arith.constant 5.000000e-01 : f32
      %parallel_loop3A_572 = vector.broadcast %parallel_loop3A_571 : f32 to vector<16xf32>
      %parallel_loop3A_573 = arith.mulf %parallel_loop3A_572, %parallel_loop3A_553 : vector<16xf32>
      %parallel_loop3A_574 = arith.mulf %parallel_loop3A_573, %parallel_loop3A_570 : vector<16xf32>
      %parallel_loop3A_575 = arith.mulf %parallel_loop3A_574, %parallel_loop3A_570 : vector<16xf32>
      %parallel_loop3A_576 = arith.constant 1.500000e+00 : f32
      %parallel_loop3A_577 = vector.broadcast %parallel_loop3A_576 : f32 to vector<16xf32>
      %parallel_loop3A_578 = arith.subf %parallel_loop3A_577, %parallel_loop3A_575 : vector<16xf32>
      %parallel_loop3A_579 = arith.mulf %parallel_loop3A_570, %parallel_loop3A_578 : vector<16xf32>
      %parallel_loop3A_580 = arith.subf %parallel_loop3A_418, %parallel_loop3A_545 : vector<16xf32>
      %parallel_loop3A_581 = arith.mulf %parallel_loop3A_580, %parallel_loop3A_579 : vector<16xf32>
      %parallel_loop3A_582 = arith.mulf %parallel_loop3A_581, %get3A_93 : vector<16xf32>
      %parallel_loop3A_583 = arith.addf %parallel_loop3A_582, %get3A_125 : vector<16xf32>
      %parallel_loop3A_584 = arith.index_cast %parallel_loop3A_400 : i32 to index
      %parallel_loop3A_585 = arith.constant 0 : index
      %parallel_loop3A_586 = tpu.vector_load %arg17[%parallel_loop3A_584, %parallel_loop3A_585] {strides = array<i32>} : memref<64x128xf32, #tpu.memory_space<vmem>>, vector<16xf32>,
      tpu.vector_store %arg17[%parallel_loop3A_584, %parallel_loop3A_585], %parallel_loop3A_583 {strides = array<i32>} : memref<64x128xf32, #tpu.memory_space<vmem>>, vector<16xf32>,
      %parallel_loop3A_587 = arith.subf %parallel_loop3A_428, %parallel_loop3A_545 : vector<16xf32>
      %parallel_loop3A_588 = arith.mulf %parallel_loop3A_587, %parallel_loop3A_579 : vector<16xf32>
      %parallel_loop3A_589 = arith.mulf %parallel_loop3A_588, %get3A_97 : vector<16xf32>
      %parallel_loop3A_590 = arith.addf %parallel_loop3A_589, %get3A_129 : vector<16xf32>
      %parallel_loop3A_591 = arith.index_cast %parallel_loop3A_400 : i32 to index
      %parallel_loop3A_592 = arith.constant 16 : index
      %parallel_loop3A_593 = tpu.vector_load %arg17[%parallel_loop3A_591, %parallel_loop3A_592] {strides = array<i32>} : memref<64x128xf32, #tpu.memory_space<vmem>>, vector<16xf32>,
      tpu.vector_store %arg17[%parallel_loop3A_591, %parallel_loop3A_592], %parallel_loop3A_590 {strides = array<i32>} : memref<64x128xf32, #tpu.memory_space<vmem>>, vector<16xf32>,
      %parallel_loop3A_594 = arith.subf %parallel_loop3A_438, %parallel_loop3A_545 : vector<16xf32>
      %parallel_loop3A_595 = arith.mulf %parallel_loop3A_594, %parallel_loop3A_579 : vector<16xf32>
      %parallel_loop3A_596 = arith.mulf %parallel_loop3A_595, %get3A_101 : vector<16xf32>
      %parallel_loop3A_597 = arith.addf %parallel_loop3A_596, %get3A_133 : vector<16xf32>
      %parallel_loop3A_598 = arith.index_cast %parallel_loop3A_400 : i32 to index
      %parallel_loop3A_599 = arith.constant 32 : index
      %parallel_loop3A_600 = tpu.vector_load %arg17[%parallel_loop3A_598, %parallel_loop3A_599] {strides = array<i32>} : memref<64x128xf32, #tpu.memory_space<vmem>>, vector<16xf32>,
      tpu.vector_store %arg17[%parallel_loop3A_598, %parallel_loop3A_599], %parallel_loop3A_597 {strides = array<i32>} : memref<64x128xf32, #tpu.memory_space<vmem>>, vector<16xf32>,
      %parallel_loop3A_601 = arith.subf %parallel_loop3A_448, %parallel_loop3A_545 : vector<16xf32>
      %parallel_loop3A_602 = arith.mulf %parallel_loop3A_601, %parallel_loop3A_579 : vector<16xf32>
      %parallel_loop3A_603 = arith.mulf %parallel_loop3A_602, %get3A_105 : vector<16xf32>
      %parallel_loop3A_604 = arith.addf %parallel_loop3A_603, %get3A_137 : vector<16xf32>
      %parallel_loop3A_605 = arith.index_cast %parallel_loop3A_400 : i32 to index
      %parallel_loop3A_606 = arith.constant 48 : index
      %parallel_loop3A_607 = tpu.vector_load %arg17[%parallel_loop3A_605, %parallel_loop3A_606] {strides = array<i32>} : memref<64x128xf32, #tpu.memory_space<vmem>>, vector<16xf32>,
      tpu.vector_store %arg17[%parallel_loop3A_605, %parallel_loop3A_606], %parallel_loop3A_604 {strides = array<i32>} : memref<64x128xf32, #tpu.memory_space<vmem>>, vector<16xf32>,
      %parallel_loop3A_608 = arith.subf %parallel_loop3A_458, %parallel_loop3A_545 : vector<16xf32>
      %parallel_loop3A_609 = arith.mulf %parallel_loop3A_608, %parallel_loop3A_579 : vector<16xf32>
      %parallel_loop3A_610 = arith.mulf %parallel_loop3A_609, %get3A_109 : vector<16xf32>
      %parallel_loop3A_611 = arith.addf %parallel_loop3A_610, %get3A_141 : vector<16xf32>
      %parallel_loop3A_612 = arith.index_cast %parallel_loop3A_400 : i32 to index
      %parallel_loop3A_613 = arith.constant 64 : index
      %parallel_loop3A_614 = tpu.vector_load %arg17[%parallel_loop3A_612, %parallel_loop3A_613] {strides = array<i32>} : memref<64x128xf32, #tpu.memory_space<vmem>>, vector<16xf32>,
      tpu.vector_store %arg17[%parallel_loop3A_612, %parallel_loop3A_613], %parallel_loop3A_611 {strides = array<i32>} : memref<64x128xf32, #tpu.memory_space<vmem>>, vector<16xf32>,
      %parallel_loop3A_615 = arith.subf %parallel_loop3A_468, %parallel_loop3A_545 : vector<16xf32>
      %parallel_loop3A_616 = arith.mulf %parallel_loop3A_615, %parallel_loop3A_579 : vector<16xf32>
      %parallel_loop3A_617 = arith.mulf %parallel_loop3A_616, %get3A_113 : vector<16xf32>
      %parallel_loop3A_618 = arith.addf %parallel_loop3A_617, %get3A_145 : vector<16xf32>
      %parallel_loop3A_619 = arith.index_cast %parallel_loop3A_400 : i32 to index
      %parallel_loop3A_620 = arith.constant 80 : index
      %parallel_loop3A_621 = tpu.vector_load %arg17[%parallel_loop3A_619, %parallel_loop3A_620] {strides = array<i32>} : memref<64x128xf32, #tpu.memory_space<vmem>>, vector<16xf32>,
      tpu.vector_store %arg17[%parallel_loop3A_619, %parallel_loop3A_620], %parallel_loop3A_618 {strides = array<i32>} : memref<64x128xf32, #tpu.memory_space<vmem>>, vector<16xf32>,
      %parallel_loop3A_622 = arith.subf %parallel_loop3A_478, %parallel_loop3A_545 : vector<16xf32>
      %parallel_loop3A_623 = arith.mulf %parallel_loop3A_622, %parallel_loop3A_579 : vector<16xf32>
      %parallel_loop3A_624 = arith.mulf %parallel_loop3A_623, %get3A_117 : vector<16xf32>
      %parallel_loop3A_625 = arith.addf %parallel_loop3A_624, %get3A_149 : vector<16xf32>
      %parallel_loop3A_626 = arith.index_cast %parallel_loop3A_400 : i32 to index
      %parallel_loop3A_627 = arith.constant 96 : index
      %parallel_loop3A_628 = tpu.vector_load %arg17[%parallel_loop3A_626, %parallel_loop3A_627] {strides = array<i32>} : memref<64x128xf32, #tpu.memory_space<vmem>>, vector<16xf32>,
      tpu.vector_store %arg17[%parallel_loop3A_626, %parallel_loop3A_627], %parallel_loop3A_625 {strides = array<i32>} : memref<64x128xf32, #tpu.memory_space<vmem>>, vector<16xf32>,
      %parallel_loop3A_629 = arith.subf %parallel_loop3A_488, %parallel_loop3A_545 : vector<16xf32>
      %parallel_loop3A_630 = arith.mulf %parallel_loop3A_629, %parallel_loop3A_579 : vector<16xf32>
      %parallel_loop3A_631 = arith.mulf %parallel_loop3A_630, %get3A_121 : vector<16xf32>
      %parallel_loop3A_632 = arith.addf %parallel_loop3A_631, %get3A_153 : vector<16xf32>
      %parallel_loop3A_633 = arith.index_cast %parallel_loop3A_400 : i32 to index
      %parallel_loop3A_634 = arith.constant 112 : index
      %parallel_loop3A_635 = tpu.vector_load %arg17[%parallel_loop3A_633, %parallel_loop3A_634] {strides = array<i32>} : memref<64x128xf32, #tpu.memory_space<vmem>>, vector<16xf32>,
      tpu.vector_store %arg17[%parallel_loop3A_633, %parallel_loop3A_634], %parallel_loop3A_632 {strides = array<i32>} : memref<64x128xf32, #tpu.memory_space<vmem>>, vector<16xf32>,
    } {sc.loop_unroll_factor = 2 : i64, sc.parallel_access}
    %dma_start3A_318 = arith.constant 0 : i32
    %dma_start3A_319 = arith.constant 0 : i32
    %dma_start3A_320 = tpu.memref_slice %arg11[%dma_start3A_318, %dma_start3A_319] : memref<3x80xi32, #tpu.memory_space<vmem>> -> memref<1x64xi32, #tpu.memory_space<vmem>>
    %dma_start3A_321 = tpu.memref_squeeze %dma_start3A_320 : memref<1x64xi32, #tpu.memory_space<vmem>> -> memref<64xi32, #tpu.memory_space<vmem>>
    %dma_start3A_322 = arith.constant 0 : i32
    %dma_start3A_323 = arith.constant 0 : i32
    %dma_start3A_324 = tpu.memref_slice %arg3[%dma_start3A_322, %dma_start3A_323] : memref<100000x128xf32, #tpu.memory_space<hbm>> -> memref<100000x128xf32, #tpu.memory_space<hbm>>
    tpu.enqueue_indirect_dma source(%dma_start3A_324 : memref<100000x128xf32, #tpu.memory_space<hbm>>) target(%arg13 : memref<64x128xf32, #tpu.memory_space<vmem>>) offsets(%dma_start3A_321 : memref<64xi32, #tpu.memory_space<vmem>>) semaphore(%arg25 : memref<!tpu.dma_semaphore, #tpu.memory_space<semaphore_mem>>)
    %dma_start3A_325 = arith.constant 1 : i32
    %dma_start3A_326 = arith.constant 0 : i32
    %dma_start3A_327 = tpu.memref_slice %arg11[%dma_start3A_325, %dma_start3A_326] : memref<3x80xi32, #tpu.memory_space<vmem>> -> memref<1x64xi32, #tpu.memory_space<vmem>>
    %dma_start3A_328 = tpu.memref_squeeze %dma_start3A_327 : memref<1x64xi32, #tpu.memory_space<vmem>> -> memref<64xi32, #tpu.memory_space<vmem>>
    %dma_start3A_329 = arith.constant 0 : i32
    %dma_start3A_330 = arith.constant 0 : i32
    %dma_start3A_331 = tpu.memref_slice %arg21[%dma_start3A_329, %dma_start3A_330] : memref<2048x128xf32, #tpu.memory_space<vmem_shared>> -> memref<2048x128xf32, #tpu.memory_space<vmem_shared>>
    tpu.enqueue_indirect_dma source(%dma_start3A_331 : memref<2048x128xf32, #tpu.memory_space<vmem_shared>>) target(%arg15 : memref<64x128xf32, #tpu.memory_space<vmem>>) offsets(%dma_start3A_328 : memref<64xi32, #tpu.memory_space<vmem>>) semaphore(%arg26 : memref<!tpu.dma_semaphore, #tpu.memory_space<semaphore_mem>>)
    %add3A_332 = arith.constant 64 : i32
    %add3A_333 = arith.addi %mul3A_2, %add3A_332 : i32
    %dma_start3A_334 = arith.constant 0 : i32
    %dma_start3A_335 = tpu.memref_slice %arg7[%add3A_333, %dma_start3A_334] : memref<8192x128xf32, #tpu.memory_space<hbm>> -> memref<64x128xf32, #tpu.memory_space<hbm>>
    %dma_start3A_336 = arith.constant 0 : i32
    %dma_start3A_337 = tpu.memref_slice %arg7[%add3A_333, %dma_start3A_336] : memref<8192x128xf32, #tpu.memory_space<hbm>> -> memref<64x128xf32, #tpu.memory_space<hbm>>
    tpu.enqueue_dma source(%arg17 : memref<64x128xf32, #tpu.memory_space<vmem>>) target(%dma_start3A_337 : memref<64x128xf32, #tpu.memory_space<hbm>>) target_semaphore(%arg27 : memref<!tpu.dma_semaphore, #tpu.memory_space<semaphore_mem>>)
    %dma_wait3A_338 = arith.constant 0 : i32
    %dma_wait3A_339 = arith.constant 0 : i32
    %dma_wait3A_340 = tpu.memref_slice %arg10[%dma_wait3A_338, %dma_wait3A_339] : memref<3x80xi32, #tpu.memory_space<vmem>> -> memref<1x64xi32, #tpu.memory_space<vmem>>
    %dma_wait3A_341 = tpu.memref_squeeze %dma_wait3A_340 : memref<1x64xi32, #tpu.memory_space<vmem>> -> memref<64xi32, #tpu.memory_space<vmem>>
    %dma_wait3A_342 = arith.constant 0 : i32
    %dma_wait3A_343 = arith.constant 0 : i32
    %dma_wait3A_344 = tpu.memref_slice %arg3[%dma_wait3A_342, %dma_wait3A_343] : memref<100000x128xf32, #tpu.memory_space<hbm>> -> memref<100000x128xf32, #tpu.memory_space<hbm>>
    tpu.wait_indirect_dma semaphore(%arg23 : memref<!tpu.dma_semaphore, #tpu.memory_space<semaphore_mem>>) src(%dma_wait3A_344 : memref<100000x128xf32, #tpu.memory_space<hbm>>) dst(%arg12 : memref<64x128xf32, #tpu.memory_space<vmem>>)
    %dma_wait3A_345 = arith.constant 1 : i32
    %dma_wait3A_346 = arith.constant 0 : i32
    %dma_wait3A_347 = tpu.memref_slice %arg10[%dma_wait3A_345, %dma_wait3A_346] : memref<3x80xi32, #tpu.memory_space<vmem>> -> memref<1x64xi32, #tpu.memory_space<vmem>>
    %dma_wait3A_348 = tpu.memref_squeeze %dma_wait3A_347 : memref<1x64xi32, #tpu.memory_space<vmem>> -> memref<64xi32, #tpu.memory_space<vmem>>
    %dma_wait3A_349 = arith.constant 0 : i32
    %dma_wait3A_350 = arith.constant 0 : i32
    %dma_wait3A_351 = tpu.memref_slice %arg21[%dma_wait3A_349, %dma_wait3A_350] : memref<2048x128xf32, #tpu.memory_space<vmem_shared>> -> memref<2048x128xf32, #tpu.memory_space<vmem_shared>>
    tpu.wait_indirect_dma semaphore(%arg24 : memref<!tpu.dma_semaphore, #tpu.memory_space<semaphore_mem>>) src(%dma_wait3A_351 : memref<2048x128xf32, #tpu.memory_space<vmem_shared>>) dst(%arg14 : memref<64x128xf32, #tpu.memory_space<vmem>>)
    %parallel_loop3A_352 = arith.constant 0 : i32
    %parallel_loop3A_353 = arith.constant 64 : i32
    %parallel_loop3A_354 = arith.constant 1 : i32
    scf.for %parallel_loop3A_400 = %parallel_loop3A_352 to %parallel_loop3A_353 step %parallel_loop3A_354  : i32 {
      %parallel_loop3A_401 = arith.constant 2 : i32
      %parallel_loop3A_402 = arith.index_cast %parallel_loop3A_401 : i32 to index
      %parallel_loop3A_403 = arith.index_cast %parallel_loop3A_400 : i32 to index
      %parallel_loop3A_404 = tpu.vector_load %arg10[%parallel_loop3A_402, %parallel_loop3A_403] {strides = array<i32>} : memref<3x80xi32, #tpu.memory_space<vmem>>, vector<16xi32>,
      %parallel_loop3A_405 = vector.shape_cast %broadcast_in_dim3A_236 : vector<16xi32> to vector<16x1xi32>
      %parallel_loop3A_406 = vector.shape_cast %parallel_loop3A_405 : vector<16x1xi32> to vector<16xi32>
      %parallel_loop3A_407 = tpu.dynamic_gather %parallel_loop3A_404[%parallel_loop3A_406] in [0] : vector<16xi32>, vector<16xi32> -> vector<16xi32>
      %parallel_loop3A_408 = arith.sitofp %parallel_loop3A_407 : vector<16xi32> to vector<16xf32>
      %parallel_loop3A_409 = arith.index_cast %parallel_loop3A_400 : i32 to index
      %parallel_loop3A_410 = arith.constant 0 : index
      %parallel_loop3A_411 = tpu.vector_load %arg12[%parallel_loop3A_409, %parallel_loop3A_410] {strides = array<i32>} : memref<64x128xf32, #tpu.memory_space<vmem>>, vector<16xf32>,
      %parallel_loop3A_412 = arith.index_cast %parallel_loop3A_400 : i32 to index
      %parallel_loop3A_413 = arith.constant 0 : index
      %parallel_loop3A_414 = tpu.vector_load %arg14[%parallel_loop3A_412, %parallel_loop3A_413] {strides = array<i32>} : memref<64x128xf32, #tpu.memory_space<vmem>>, vector<16xf32>,
      %parallel_loop3A_415 = arith.addf %parallel_loop3A_411, %parallel_loop3A_414 : vector<16xf32>
      %parallel_loop3A_416 = arith.mulf %parallel_loop3A_408, %sub3A : vector<16xf32>
      %parallel_loop3A_417 = arith.addf %get3A_157, %parallel_loop3A_416 : vector<16xf32>
      %parallel_loop3A_418 = arith.addf %parallel_loop3A_415, %parallel_loop3A_417 : vector<16xf32>
      %parallel_loop3A_419 = arith.index_cast %parallel_loop3A_400 : i32 to index
      %parallel_loop3A_420 = arith.constant 16 : index
      %parallel_loop3A_421 = tpu.vector_load %arg12[%parallel_loop3A_419, %parallel_loop3A_420] {strides = array<i32>} : memref<64x128xf32, #tpu.memory_space<vmem>>, vector<16xf32>,
      %parallel_loop3A_422 = arith.index_cast %parallel_loop3A_400 : i32 to index
      %parallel_loop3A_423 = arith.constant 16 : index
      %parallel_loop3A_424 = tpu.vector_load %arg14[%parallel_loop3A_422, %parallel_loop3A_423] {strides = array<i32>} : memref<64x128xf32, #tpu.memory_space<vmem>>, vector<16xf32>,
      %parallel_loop3A_425 = arith.addf %parallel_loop3A_421, %parallel_loop3A_424 : vector<16xf32>
      %parallel_loop3A_426 = arith.mulf %parallel_loop3A_408, %sub3A_194 : vector<16xf32>
      %parallel_loop3A_427 = arith.addf %get3A_161, %parallel_loop3A_426 : vector<16xf32>
      %parallel_loop3A_428 = arith.addf %parallel_loop3A_425, %parallel_loop3A_427 : vector<16xf32>
      %parallel_loop3A_429 = arith.index_cast %parallel_loop3A_400 : i32 to index
      %parallel_loop3A_430 = arith.constant 32 : index
      %parallel_loop3A_431 = tpu.vector_load %arg12[%parallel_loop3A_429, %parallel_loop3A_430] {strides = array<i32>} : memref<64x128xf32, #tpu.memory_space<vmem>>, vector<16xf32>,
      %parallel_loop3A_432 = arith.index_cast %parallel_loop3A_400 : i32 to index
      %parallel_loop3A_433 = arith.constant 32 : index
      %parallel_loop3A_434 = tpu.vector_load %arg14[%parallel_loop3A_432, %parallel_loop3A_433] {strides = array<i32>} : memref<64x128xf32, #tpu.memory_space<vmem>>, vector<16xf32>,
      %parallel_loop3A_435 = arith.addf %parallel_loop3A_431, %parallel_loop3A_434 : vector<16xf32>
      %parallel_loop3A_436 = arith.mulf %parallel_loop3A_408, %sub3A_199 : vector<16xf32>
      %parallel_loop3A_437 = arith.addf %get3A_165, %parallel_loop3A_436 : vector<16xf32>
      %parallel_loop3A_438 = arith.addf %parallel_loop3A_435, %parallel_loop3A_437 : vector<16xf32>
      %parallel_loop3A_439 = arith.index_cast %parallel_loop3A_400 : i32 to index
      %parallel_loop3A_440 = arith.constant 48 : index
      %parallel_loop3A_441 = tpu.vector_load %arg12[%parallel_loop3A_439, %parallel_loop3A_440] {strides = array<i32>} : memref<64x128xf32, #tpu.memory_space<vmem>>, vector<16xf32>,
      %parallel_loop3A_442 = arith.index_cast %parallel_loop3A_400 : i32 to index
      %parallel_loop3A_443 = arith.constant 48 : index
      %parallel_loop3A_444 = tpu.vector_load %arg14[%parallel_loop3A_442, %parallel_loop3A_443] {strides = array<i32>} : memref<64x128xf32, #tpu.memory_space<vmem>>, vector<16xf32>,
      %parallel_loop3A_445 = arith.addf %parallel_loop3A_441, %parallel_loop3A_444 : vector<16xf32>
      %parallel_loop3A_446 = arith.mulf %parallel_loop3A_408, %sub3A_204 : vector<16xf32>
      %parallel_loop3A_447 = arith.addf %get3A_169, %parallel_loop3A_446 : vector<16xf32>
      %parallel_loop3A_448 = arith.addf %parallel_loop3A_445, %parallel_loop3A_447 : vector<16xf32>
      %parallel_loop3A_449 = arith.index_cast %parallel_loop3A_400 : i32 to index
      %parallel_loop3A_450 = arith.constant 64 : index
      %parallel_loop3A_451 = tpu.vector_load %arg12[%parallel_loop3A_449, %parallel_loop3A_450] {strides = array<i32>} : memref<64x128xf32, #tpu.memory_space<vmem>>, vector<16xf32>,
      %parallel_loop3A_452 = arith.index_cast %parallel_loop3A_400 : i32 to index
      %parallel_loop3A_453 = arith.constant 64 : index
      %parallel_loop3A_454 = tpu.vector_load %arg14[%parallel_loop3A_452, %parallel_loop3A_453] {strides = array<i32>} : memref<64x128xf32, #tpu.memory_space<vmem>>, vector<16xf32>,
      %parallel_loop3A_455 = arith.addf %parallel_loop3A_451, %parallel_loop3A_454 : vector<16xf32>
      %parallel_loop3A_456 = arith.mulf %parallel_loop3A_408, %sub3A_209 : vector<16xf32>
      %parallel_loop3A_457 = arith.addf %get3A_173, %parallel_loop3A_456 : vector<16xf32>
      %parallel_loop3A_458 = arith.addf %parallel_loop3A_455, %parallel_loop3A_457 : vector<16xf32>
      %parallel_loop3A_459 = arith.index_cast %parallel_loop3A_400 : i32 to index
      %parallel_loop3A_460 = arith.constant 80 : index
      %parallel_loop3A_461 = tpu.vector_load %arg12[%parallel_loop3A_459, %parallel_loop3A_460] {strides = array<i32>} : memref<64x128xf32, #tpu.memory_space<vmem>>, vector<16xf32>,
      %parallel_loop3A_462 = arith.index_cast %parallel_loop3A_400 : i32 to index
      %parallel_loop3A_463 = arith.constant 80 : index
      %parallel_loop3A_464 = tpu.vector_load %arg14[%parallel_loop3A_462, %parallel_loop3A_463] {strides = array<i32>} : memref<64x128xf32, #tpu.memory_space<vmem>>, vector<16xf32>,
      %parallel_loop3A_465 = arith.addf %parallel_loop3A_461, %parallel_loop3A_464 : vector<16xf32>
      %parallel_loop3A_466 = arith.mulf %parallel_loop3A_408, %sub3A_214 : vector<16xf32>
      %parallel_loop3A_467 = arith.addf %get3A_177, %parallel_loop3A_466 : vector<16xf32>
      %parallel_loop3A_468 = arith.addf %parallel_loop3A_465, %parallel_loop3A_467 : vector<16xf32>
      %parallel_loop3A_469 = arith.index_cast %parallel_loop3A_400 : i32 to index
      %parallel_loop3A_470 = arith.constant 96 : index
      %parallel_loop3A_471 = tpu.vector_load %arg12[%parallel_loop3A_469, %parallel_loop3A_470] {strides = array<i32>} : memref<64x128xf32, #tpu.memory_space<vmem>>, vector<16xf32>,
      %parallel_loop3A_472 = arith.index_cast %parallel_loop3A_400 : i32 to index
      %parallel_loop3A_473 = arith.constant 96 : index
      %parallel_loop3A_474 = tpu.vector_load %arg14[%parallel_loop3A_472, %parallel_loop3A_473] {strides = array<i32>} : memref<64x128xf32, #tpu.memory_space<vmem>>, vector<16xf32>,
      %parallel_loop3A_475 = arith.addf %parallel_loop3A_471, %parallel_loop3A_474 : vector<16xf32>
      %parallel_loop3A_476 = arith.mulf %parallel_loop3A_408, %sub3A_219 : vector<16xf32>
      %parallel_loop3A_477 = arith.addf %get3A_181, %parallel_loop3A_476 : vector<16xf32>
      %parallel_loop3A_478 = arith.addf %parallel_loop3A_475, %parallel_loop3A_477 : vector<16xf32>
      %parallel_loop3A_479 = arith.index_cast %parallel_loop3A_400 : i32 to index
      %parallel_loop3A_480 = arith.constant 112 : index
      %parallel_loop3A_481 = tpu.vector_load %arg12[%parallel_loop3A_479, %parallel_loop3A_480] {strides = array<i32>} : memref<64x128xf32, #tpu.memory_space<vmem>>, vector<16xf32>,
      %parallel_loop3A_482 = arith.index_cast %parallel_loop3A_400 : i32 to index
      %parallel_loop3A_483 = arith.constant 112 : index
      %parallel_loop3A_484 = tpu.vector_load %arg14[%parallel_loop3A_482, %parallel_loop3A_483] {strides = array<i32>} : memref<64x128xf32, #tpu.memory_space<vmem>>, vector<16xf32>,
      %parallel_loop3A_485 = arith.addf %parallel_loop3A_481, %parallel_loop3A_484 : vector<16xf32>
      %parallel_loop3A_486 = arith.mulf %parallel_loop3A_408, %sub3A_224 : vector<16xf32>
      %parallel_loop3A_487 = arith.addf %get3A_185, %parallel_loop3A_486 : vector<16xf32>
      %parallel_loop3A_488 = arith.addf %parallel_loop3A_485, %parallel_loop3A_487 : vector<16xf32>
      %parallel_loop3A_489 = arith.addf %parallel_loop3A_418, %parallel_loop3A_428 : vector<16xf32>
      %parallel_loop3A_490 = arith.addf %parallel_loop3A_438, %parallel_loop3A_448 : vector<16xf32>
      %parallel_loop3A_491 = arith.addf %parallel_loop3A_489, %parallel_loop3A_490 : vector<16xf32>
      %parallel_loop3A_492 = arith.addf %parallel_loop3A_458, %parallel_loop3A_468 : vector<16xf32>
      %parallel_loop3A_493 = arith.addf %parallel_loop3A_478, %parallel_loop3A_488 : vector<16xf32>
      %parallel_loop3A_494 = arith.addf %parallel_loop3A_492, %parallel_loop3A_493 : vector<16xf32>
      %parallel_loop3A_495 = arith.addf %parallel_loop3A_491, %parallel_loop3A_494 : vector<16xf32>
      %parallel_loop3A_496 = arith.mulf %parallel_loop3A_418, %parallel_loop3A_418 : vector<16xf32>
      %parallel_loop3A_497 = arith.mulf %parallel_loop3A_428, %parallel_loop3A_428 : vector<16xf32>
      %parallel_loop3A_498 = arith.addf %parallel_loop3A_496, %parallel_loop3A_497 : vector<16xf32>
      %parallel_loop3A_499 = arith.mulf %parallel_loop3A_438, %parallel_loop3A_438 : vector<16xf32>
      %parallel_loop3A_500 = arith.mulf %parallel_loop3A_448, %parallel_loop3A_448 : vector<16xf32>
      %parallel_loop3A_501 = arith.addf %parallel_loop3A_499, %parallel_loop3A_500 : vector<16xf32>
      %parallel_loop3A_502 = arith.mulf %parallel_loop3A_458, %parallel_loop3A_458 : vector<16xf32>
      %parallel_loop3A_503 = arith.mulf %parallel_loop3A_468, %parallel_loop3A_468 : vector<16xf32>
      %parallel_loop3A_504 = arith.addf %parallel_loop3A_502, %parallel_loop3A_503 : vector<16xf32>
      %parallel_loop3A_505 = arith.mulf %parallel_loop3A_478, %parallel_loop3A_478 : vector<16xf32>
      %parallel_loop3A_506 = arith.mulf %parallel_loop3A_488, %parallel_loop3A_488 : vector<16xf32>
      %parallel_loop3A_507 = arith.addf %parallel_loop3A_505, %parallel_loop3A_506 : vector<16xf32>
      %parallel_loop3A_508 = arith.addf %parallel_loop3A_498, %parallel_loop3A_501 : vector<16xf32>
      %parallel_loop3A_509 = arith.addf %parallel_loop3A_504, %parallel_loop3A_507 : vector<16xf32>
      %parallel_loop3A_510 = arith.addf %parallel_loop3A_508, %parallel_loop3A_509 : vector<16xf32>
      %parallel_loop3A_511 = vector.shape_cast %xor3A_226 : vector<16xi32> to vector<16x1xi32>
      %parallel_loop3A_512 = vector.shape_cast %parallel_loop3A_511 : vector<16x1xi32> to vector<16xi32>
      %parallel_loop3A_513 = tpu.dynamic_gather %parallel_loop3A_495[%parallel_loop3A_512] in [0] : vector<16xf32>, vector<16xi32> -> vector<16xf32>
      %parallel_loop3A_514 = arith.addf %parallel_loop3A_495, %parallel_loop3A_513 : vector<16xf32>
      %parallel_loop3A_515 = vector.shape_cast %xor3A_229 : vector<16xi32> to vector<16x1xi32>
      %parallel_loop3A_516 = vector.shape_cast %parallel_loop3A_515 : vector<16x1xi32> to vector<16xi32>
      %parallel_loop3A_517 = tpu.dynamic_gather %parallel_loop3A_514[%parallel_loop3A_516] in [0] : vector<16xf32>, vector<16xi32> -> vector<16xf32>
      %parallel_loop3A_518 = arith.addf %parallel_loop3A_514, %parallel_loop3A_517 : vector<16xf32>
      %parallel_loop3A_519 = vector.shape_cast %xor3A_232 : vector<16xi32> to vector<16x1xi32>
      %parallel_loop3A_520 = vector.shape_cast %parallel_loop3A_519 : vector<16x1xi32> to vector<16xi32>
      %parallel_loop3A_521 = tpu.dynamic_gather %parallel_loop3A_518[%parallel_loop3A_520] in [0] : vector<16xf32>, vector<16xi32> -> vector<16xf32>
      %parallel_loop3A_522 = arith.addf %parallel_loop3A_518, %parallel_loop3A_521 : vector<16xf32>
      %parallel_loop3A_523 = vector.shape_cast %xor3A_235 : vector<16xi32> to vector<16x1xi32>
      %parallel_loop3A_524 = vector.shape_cast %parallel_loop3A_523 : vector<16x1xi32> to vector<16xi32>
      %parallel_loop3A_525 = tpu.dynamic_gather %parallel_loop3A_522[%parallel_loop3A_524] in [0] : vector<16xf32>, vector<16xi32> -> vector<16xf32>
      %parallel_loop3A_526 = arith.addf %parallel_loop3A_522, %parallel_loop3A_525 : vector<16xf32>
      %parallel_loop3A_527 = vector.shape_cast %xor3A_226 : vector<16xi32> to vector<16x1xi32>
      %parallel_loop3A_528 = vector.shape_cast %parallel_loop3A_527 : vector<16x1xi32> to vector<16xi32>
      %parallel_loop3A_529 = tpu.dynamic_gather %parallel_loop3A_510[%parallel_loop3A_528] in [0] : vector<16xf32>, vector<16xi32> -> vector<16xf32>
      %parallel_loop3A_530 = arith.addf %parallel_loop3A_510, %parallel_loop3A_529 : vector<16xf32>
      %parallel_loop3A_531 = vector.shape_cast %xor3A_229 : vector<16xi32> to vector<16x1xi32>
      %parallel_loop3A_532 = vector.shape_cast %parallel_loop3A_531 : vector<16x1xi32> to vector<16xi32>
      %parallel_loop3A_533 = tpu.dynamic_gather %parallel_loop3A_530[%parallel_loop3A_532] in [0] : vector<16xf32>, vector<16xi32> -> vector<16xf32>
      %parallel_loop3A_534 = arith.addf %parallel_loop3A_530, %parallel_loop3A_533 : vector<16xf32>
      %parallel_loop3A_535 = vector.shape_cast %xor3A_232 : vector<16xi32> to vector<16x1xi32>
      %parallel_loop3A_536 = vector.shape_cast %parallel_loop3A_535 : vector<16x1xi32> to vector<16xi32>
      %parallel_loop3A_537 = tpu.dynamic_gather %parallel_loop3A_534[%parallel_loop3A_536] in [0] : vector<16xf32>, vector<16xi32> -> vector<16xf32>
      %parallel_loop3A_538 = arith.addf %parallel_loop3A_534, %parallel_loop3A_537 : vector<16xf32>
      %parallel_loop3A_539 = vector.shape_cast %xor3A_235 : vector<16xi32> to vector<16x1xi32>
      %parallel_loop3A_540 = vector.shape_cast %parallel_loop3A_539 : vector<16x1xi32> to vector<16xi32>
      %parallel_loop3A_541 = tpu.dynamic_gather %parallel_loop3A_538[%parallel_loop3A_540] in [0] : vector<16xf32>, vector<16xi32> -> vector<16xf32>
      %parallel_loop3A_542 = arith.addf %parallel_loop3A_538, %parallel_loop3A_541 : vector<16xf32>
      %parallel_loop3A_543 = arith.constant 7.812500e-03 : f32
      %parallel_loop3A_544 = vector.broadcast %parallel_loop3A_543 : f32 to vector<16xf32>
      %parallel_loop3A_545 = arith.mulf %parallel_loop3A_526, %parallel_loop3A_544 : vector<16xf32>
      %parallel_loop3A_546 = arith.constant 7.812500e-03 : f32
      %parallel_loop3A_547 = vector.broadcast %parallel_loop3A_546 : f32 to vector<16xf32>
      %parallel_loop3A_548 = arith.mulf %parallel_loop3A_542, %parallel_loop3A_547 : vector<16xf32>
      %parallel_loop3A_549 = arith.mulf %parallel_loop3A_545, %parallel_loop3A_545 : vector<16xf32>
      %parallel_loop3A_550 = arith.subf %parallel_loop3A_548, %parallel_loop3A_549 : vector<16xf32>
      %parallel_loop3A_551 = arith.constant 9.99999996E-13 : f32
      %parallel_loop3A_552 = vector.broadcast %parallel_loop3A_551 : f32 to vector<16xf32>
      %parallel_loop3A_553 = arith.addf %parallel_loop3A_550, %parallel_loop3A_552 : vector<16xf32>
      %parallel_loop3A_554 = vector.bitcast %parallel_loop3A_553 : vector<16xf32> to vector<16xi32>
      %parallel_loop3A_555 = arith.constant 1 : i32
      %parallel_loop3A_556 = vector.broadcast %parallel_loop3A_555 : i32 to vector<16xi32>
      %parallel_loop3A_557 = arith.shrsi %parallel_loop3A_554, %parallel_loop3A_556 : vector<16xi32>
      %parallel_loop3A_558 = arith.constant 1597463007 : i32
      %parallel_loop3A_559 = vector.broadcast %parallel_loop3A_558 : i32 to vector<16xi32>
      %parallel_loop3A_560 = arith.subi %parallel_loop3A_559, %parallel_loop3A_557 : vector<16xi32>
      %parallel_loop3A_561 = vector.bitcast %parallel_loop3A_560 : vector<16xi32> to vector<16xf32>
      %parallel_loop3A_562 = arith.constant 5.000000e-01 : f32
      %parallel_loop3A_563 = vector.broadcast %parallel_loop3A_562 : f32 to vector<16xf32>
      %parallel_loop3A_564 = arith.mulf %parallel_loop3A_563, %parallel_loop3A_553 : vector<16xf32>
      %parallel_loop3A_565 = arith.mulf %parallel_loop3A_564, %parallel_loop3A_561 : vector<16xf32>
      %parallel_loop3A_566 = arith.mulf %parallel_loop3A_565, %parallel_loop3A_561 : vector<16xf32>
      %parallel_loop3A_567 = arith.constant 1.500000e+00 : f32
      %parallel_loop3A_568 = vector.broadcast %parallel_loop3A_567 : f32 to vector<16xf32>
      %parallel_loop3A_569 = arith.subf %parallel_loop3A_568, %parallel_loop3A_566 : vector<16xf32>
      %parallel_loop3A_570 = arith.mulf %parallel_loop3A_561, %parallel_loop3A_569 : vector<16xf32>
      %parallel_loop3A_571 = arith.constant 5.000000e-01 : f32
      %parallel_loop3A_572 = vector.broadcast %parallel_loop3A_571 : f32 to vector<16xf32>
      %parallel_loop3A_573 = arith.mulf %parallel_loop3A_572, %parallel_loop3A_553 : vector<16xf32>
      %parallel_loop3A_574 = arith.mulf %parallel_loop3A_573, %parallel_loop3A_570 : vector<16xf32>
      %parallel_loop3A_575 = arith.mulf %parallel_loop3A_574, %parallel_loop3A_570 : vector<16xf32>
      %parallel_loop3A_576 = arith.constant 1.500000e+00 : f32
      %parallel_loop3A_577 = vector.broadcast %parallel_loop3A_576 : f32 to vector<16xf32>
      %parallel_loop3A_578 = arith.subf %parallel_loop3A_577, %parallel_loop3A_575 : vector<16xf32>
      %parallel_loop3A_579 = arith.mulf %parallel_loop3A_570, %parallel_loop3A_578 : vector<16xf32>
      %parallel_loop3A_580 = arith.subf %parallel_loop3A_418, %parallel_loop3A_545 : vector<16xf32>
      %parallel_loop3A_581 = arith.mulf %parallel_loop3A_580, %parallel_loop3A_579 : vector<16xf32>
      %parallel_loop3A_582 = arith.mulf %parallel_loop3A_581, %get3A_93 : vector<16xf32>
      %parallel_loop3A_583 = arith.addf %parallel_loop3A_582, %get3A_125 : vector<16xf32>
      %parallel_loop3A_584 = arith.index_cast %parallel_loop3A_400 : i32 to index
      %parallel_loop3A_585 = arith.constant 0 : index
      %parallel_loop3A_586 = tpu.vector_load %arg18[%parallel_loop3A_584, %parallel_loop3A_585] {strides = array<i32>} : memref<64x128xf32, #tpu.memory_space<vmem>>, vector<16xf32>,
      tpu.vector_store %arg18[%parallel_loop3A_584, %parallel_loop3A_585], %parallel_loop3A_583 {strides = array<i32>} : memref<64x128xf32, #tpu.memory_space<vmem>>, vector<16xf32>,
      %parallel_loop3A_587 = arith.subf %parallel_loop3A_428, %parallel_loop3A_545 : vector<16xf32>
      %parallel_loop3A_588 = arith.mulf %parallel_loop3A_587, %parallel_loop3A_579 : vector<16xf32>
      %parallel_loop3A_589 = arith.mulf %parallel_loop3A_588, %get3A_97 : vector<16xf32>
      %parallel_loop3A_590 = arith.addf %parallel_loop3A_589, %get3A_129 : vector<16xf32>
      %parallel_loop3A_591 = arith.index_cast %parallel_loop3A_400 : i32 to index
      %parallel_loop3A_592 = arith.constant 16 : index
      %parallel_loop3A_593 = tpu.vector_load %arg18[%parallel_loop3A_591, %parallel_loop3A_592] {strides = array<i32>} : memref<64x128xf32, #tpu.memory_space<vmem>>, vector<16xf32>,
      tpu.vector_store %arg18[%parallel_loop3A_591, %parallel_loop3A_592], %parallel_loop3A_590 {strides = array<i32>} : memref<64x128xf32, #tpu.memory_space<vmem>>, vector<16xf32>,
      %parallel_loop3A_594 = arith.subf %parallel_loop3A_438, %parallel_loop3A_545 : vector<16xf32>
      %parallel_loop3A_595 = arith.mulf %parallel_loop3A_594, %parallel_loop3A_579 : vector<16xf32>
      %parallel_loop3A_596 = arith.mulf %parallel_loop3A_595, %get3A_101 : vector<16xf32>
      %parallel_loop3A_597 = arith.addf %parallel_loop3A_596, %get3A_133 : vector<16xf32>
      %parallel_loop3A_598 = arith.index_cast %parallel_loop3A_400 : i32 to index
      %parallel_loop3A_599 = arith.constant 32 : index
      %parallel_loop3A_600 = tpu.vector_load %arg18[%parallel_loop3A_598, %parallel_loop3A_599] {strides = array<i32>} : memref<64x128xf32, #tpu.memory_space<vmem>>, vector<16xf32>,
      tpu.vector_store %arg18[%parallel_loop3A_598, %parallel_loop3A_599], %parallel_loop3A_597 {strides = array<i32>} : memref<64x128xf32, #tpu.memory_space<vmem>>, vector<16xf32>,
      %parallel_loop3A_601 = arith.subf %parallel_loop3A_448, %parallel_loop3A_545 : vector<16xf32>
      %parallel_loop3A_602 = arith.mulf %parallel_loop3A_601, %parallel_loop3A_579 : vector<16xf32>
      %parallel_loop3A_603 = arith.mulf %parallel_loop3A_602, %get3A_105 : vector<16xf32>
      %parallel_loop3A_604 = arith.addf %parallel_loop3A_603, %get3A_137 : vector<16xf32>
      %parallel_loop3A_605 = arith.index_cast %parallel_loop3A_400 : i32 to index
      %parallel_loop3A_606 = arith.constant 48 : index
      %parallel_loop3A_607 = tpu.vector_load %arg18[%parallel_loop3A_605, %parallel_loop3A_606] {strides = array<i32>} : memref<64x128xf32, #tpu.memory_space<vmem>>, vector<16xf32>,
      tpu.vector_store %arg18[%parallel_loop3A_605, %parallel_loop3A_606], %parallel_loop3A_604 {strides = array<i32>} : memref<64x128xf32, #tpu.memory_space<vmem>>, vector<16xf32>,
      %parallel_loop3A_608 = arith.subf %parallel_loop3A_458, %parallel_loop3A_545 : vector<16xf32>
      %parallel_loop3A_609 = arith.mulf %parallel_loop3A_608, %parallel_loop3A_579 : vector<16xf32>
      %parallel_loop3A_610 = arith.mulf %parallel_loop3A_609, %get3A_109 : vector<16xf32>
      %parallel_loop3A_611 = arith.addf %parallel_loop3A_610, %get3A_141 : vector<16xf32>
      %parallel_loop3A_612 = arith.index_cast %parallel_loop3A_400 : i32 to index
      %parallel_loop3A_613 = arith.constant 64 : index
      %parallel_loop3A_614 = tpu.vector_load %arg18[%parallel_loop3A_612, %parallel_loop3A_613] {strides = array<i32>} : memref<64x128xf32, #tpu.memory_space<vmem>>, vector<16xf32>,
      tpu.vector_store %arg18[%parallel_loop3A_612, %parallel_loop3A_613], %parallel_loop3A_611 {strides = array<i32>} : memref<64x128xf32, #tpu.memory_space<vmem>>, vector<16xf32>,
      %parallel_loop3A_615 = arith.subf %parallel_loop3A_468, %parallel_loop3A_545 : vector<16xf32>
      %parallel_loop3A_616 = arith.mulf %parallel_loop3A_615, %parallel_loop3A_579 : vector<16xf32>
      %parallel_loop3A_617 = arith.mulf %parallel_loop3A_616, %get3A_113 : vector<16xf32>
      %parallel_loop3A_618 = arith.addf %parallel_loop3A_617, %get3A_145 : vector<16xf32>
      %parallel_loop3A_619 = arith.index_cast %parallel_loop3A_400 : i32 to index
      %parallel_loop3A_620 = arith.constant 80 : index
      %parallel_loop3A_621 = tpu.vector_load %arg18[%parallel_loop3A_619, %parallel_loop3A_620] {strides = array<i32>} : memref<64x128xf32, #tpu.memory_space<vmem>>, vector<16xf32>,
      tpu.vector_store %arg18[%parallel_loop3A_619, %parallel_loop3A_620], %parallel_loop3A_618 {strides = array<i32>} : memref<64x128xf32, #tpu.memory_space<vmem>>, vector<16xf32>,
      %parallel_loop3A_622 = arith.subf %parallel_loop3A_478, %parallel_loop3A_545 : vector<16xf32>
      %parallel_loop3A_623 = arith.mulf %parallel_loop3A_622, %parallel_loop3A_579 : vector<16xf32>
      %parallel_loop3A_624 = arith.mulf %parallel_loop3A_623, %get3A_117 : vector<16xf32>
      %parallel_loop3A_625 = arith.addf %parallel_loop3A_624, %get3A_149 : vector<16xf32>
      %parallel_loop3A_626 = arith.index_cast %parallel_loop3A_400 : i32 to index
      %parallel_loop3A_627 = arith.constant 96 : index
      %parallel_loop3A_628 = tpu.vector_load %arg18[%parallel_loop3A_626, %parallel_loop3A_627] {strides = array<i32>} : memref<64x128xf32, #tpu.memory_space<vmem>>, vector<16xf32>,
      tpu.vector_store %arg18[%parallel_loop3A_626, %parallel_loop3A_627], %parallel_loop3A_625 {strides = array<i32>} : memref<64x128xf32, #tpu.memory_space<vmem>>, vector<16xf32>,
      %parallel_loop3A_629 = arith.subf %parallel_loop3A_488, %parallel_loop3A_545 : vector<16xf32>
      %parallel_loop3A_630 = arith.mulf %parallel_loop3A_629, %parallel_loop3A_579 : vector<16xf32>
      %parallel_loop3A_631 = arith.mulf %parallel_loop3A_630, %get3A_121 : vector<16xf32>
      %parallel_loop3A_632 = arith.addf %parallel_loop3A_631, %get3A_153 : vector<16xf32>
      %parallel_loop3A_633 = arith.index_cast %parallel_loop3A_400 : i32 to index
      %parallel_loop3A_634 = arith.constant 112 : index
      %parallel_loop3A_635 = tpu.vector_load %arg18[%parallel_loop3A_633, %parallel_loop3A_634] {strides = array<i32>} : memref<64x128xf32, #tpu.memory_space<vmem>>, vector<16xf32>,
      tpu.vector_store %arg18[%parallel_loop3A_633, %parallel_loop3A_634], %parallel_loop3A_632 {strides = array<i32>} : memref<64x128xf32, #tpu.memory_space<vmem>>, vector<16xf32>,
    } {sc.loop_unroll_factor = 2 : i64, sc.parallel_access}
    %add3A_355 = arith.constant 128 : i32
    %add3A_356 = arith.addi %mul3A_2, %add3A_355 : i32
    %dma_start3A_357 = arith.constant 0 : i32
    %dma_start3A_358 = tpu.memref_slice %arg7[%add3A_356, %dma_start3A_357] : memref<8192x128xf32, #tpu.memory_space<hbm>> -> memref<64x128xf32, #tpu.memory_space<hbm>>
    %dma_start3A_359 = arith.constant 0 : i32
    %dma_start3A_360 = tpu.memref_slice %arg7[%add3A_356, %dma_start3A_359] : memref<8192x128xf32, #tpu.memory_space<hbm>> -> memref<64x128xf32, #tpu.memory_space<hbm>>
    tpu.enqueue_dma source(%arg18 : memref<64x128xf32, #tpu.memory_space<vmem>>) target(%dma_start3A_360 : memref<64x128xf32, #tpu.memory_space<hbm>>) target_semaphore(%arg27 : memref<!tpu.dma_semaphore, #tpu.memory_space<semaphore_mem>>)
    %dma_wait3A_361 = arith.constant 0 : i32
    %dma_wait3A_362 = arith.constant 0 : i32
    %dma_wait3A_363 = tpu.memref_slice %arg11[%dma_wait3A_361, %dma_wait3A_362] : memref<3x80xi32, #tpu.memory_space<vmem>> -> memref<1x64xi32, #tpu.memory_space<vmem>>
    %dma_wait3A_364 = tpu.memref_squeeze %dma_wait3A_363 : memref<1x64xi32, #tpu.memory_space<vmem>> -> memref<64xi32, #tpu.memory_space<vmem>>
    %dma_wait3A_365 = arith.constant 0 : i32
    %dma_wait3A_366 = arith.constant 0 : i32
    %dma_wait3A_367 = tpu.memref_slice %arg3[%dma_wait3A_365, %dma_wait3A_366] : memref<100000x128xf32, #tpu.memory_space<hbm>> -> memref<100000x128xf32, #tpu.memory_space<hbm>>
    tpu.wait_indirect_dma semaphore(%arg25 : memref<!tpu.dma_semaphore, #tpu.memory_space<semaphore_mem>>) src(%dma_wait3A_367 : memref<100000x128xf32, #tpu.memory_space<hbm>>) dst(%arg13 : memref<64x128xf32, #tpu.memory_space<vmem>>)
    %dma_wait3A_368 = arith.constant 1 : i32
    %dma_wait3A_369 = arith.constant 0 : i32
    %dma_wait3A_370 = tpu.memref_slice %arg11[%dma_wait3A_368, %dma_wait3A_369] : memref<3x80xi32, #tpu.memory_space<vmem>> -> memref<1x64xi32, #tpu.memory_space<vmem>>
    %dma_wait3A_371 = tpu.memref_squeeze %dma_wait3A_370 : memref<1x64xi32, #tpu.memory_space<vmem>> -> memref<64xi32, #tpu.memory_space<vmem>>
    %dma_wait3A_372 = arith.constant 0 : i32
    %dma_wait3A_373 = arith.constant 0 : i32
    %dma_wait3A_374 = tpu.memref_slice %arg21[%dma_wait3A_372, %dma_wait3A_373] : memref<2048x128xf32, #tpu.memory_space<vmem_shared>> -> memref<2048x128xf32, #tpu.memory_space<vmem_shared>>
    tpu.wait_indirect_dma semaphore(%arg26 : memref<!tpu.dma_semaphore, #tpu.memory_space<semaphore_mem>>) src(%dma_wait3A_374 : memref<2048x128xf32, #tpu.memory_space<vmem_shared>>) dst(%arg15 : memref<64x128xf32, #tpu.memory_space<vmem>>)
    %parallel_loop3A_375 = arith.constant 0 : i32
    %parallel_loop3A_376 = arith.constant 64 : i32
    %parallel_loop3A_377 = arith.constant 1 : i32
    scf.for %parallel_loop3A_400 = %parallel_loop3A_375 to %parallel_loop3A_376 step %parallel_loop3A_377  : i32 {
      %parallel_loop3A_401 = arith.constant 2 : i32
      %parallel_loop3A_402 = arith.index_cast %parallel_loop3A_401 : i32 to index
      %parallel_loop3A_403 = arith.index_cast %parallel_loop3A_400 : i32 to index
      %parallel_loop3A_404 = tpu.vector_load %arg11[%parallel_loop3A_402, %parallel_loop3A_403] {strides = array<i32>} : memref<3x80xi32, #tpu.memory_space<vmem>>, vector<16xi32>,
      %parallel_loop3A_405 = vector.shape_cast %broadcast_in_dim3A_236 : vector<16xi32> to vector<16x1xi32>
      %parallel_loop3A_406 = vector.shape_cast %parallel_loop3A_405 : vector<16x1xi32> to vector<16xi32>
      %parallel_loop3A_407 = tpu.dynamic_gather %parallel_loop3A_404[%parallel_loop3A_406] in [0] : vector<16xi32>, vector<16xi32> -> vector<16xi32>
      %parallel_loop3A_408 = arith.sitofp %parallel_loop3A_407 : vector<16xi32> to vector<16xf32>
      %parallel_loop3A_409 = arith.index_cast %parallel_loop3A_400 : i32 to index
      %parallel_loop3A_410 = arith.constant 0 : index
      %parallel_loop3A_411 = tpu.vector_load %arg13[%parallel_loop3A_409, %parallel_loop3A_410] {strides = array<i32>} : memref<64x128xf32, #tpu.memory_space<vmem>>, vector<16xf32>,
      %parallel_loop3A_412 = arith.index_cast %parallel_loop3A_400 : i32 to index
      %parallel_loop3A_413 = arith.constant 0 : index
      %parallel_loop3A_414 = tpu.vector_load %arg15[%parallel_loop3A_412, %parallel_loop3A_413] {strides = array<i32>} : memref<64x128xf32, #tpu.memory_space<vmem>>, vector<16xf32>,
      %parallel_loop3A_415 = arith.addf %parallel_loop3A_411, %parallel_loop3A_414 : vector<16xf32>
      %parallel_loop3A_416 = arith.mulf %parallel_loop3A_408, %sub3A : vector<16xf32>
      %parallel_loop3A_417 = arith.addf %get3A_157, %parallel_loop3A_416 : vector<16xf32>
      %parallel_loop3A_418 = arith.addf %parallel_loop3A_415, %parallel_loop3A_417 : vector<16xf32>
      %parallel_loop3A_419 = arith.index_cast %parallel_loop3A_400 : i32 to index
      %parallel_loop3A_420 = arith.constant 16 : index
      %parallel_loop3A_421 = tpu.vector_load %arg13[%parallel_loop3A_419, %parallel_loop3A_420] {strides = array<i32>} : memref<64x128xf32, #tpu.memory_space<vmem>>, vector<16xf32>,
      %parallel_loop3A_422 = arith.index_cast %parallel_loop3A_400 : i32 to index
      %parallel_loop3A_423 = arith.constant 16 : index
      %parallel_loop3A_424 = tpu.vector_load %arg15[%parallel_loop3A_422, %parallel_loop3A_423] {strides = array<i32>} : memref<64x128xf32, #tpu.memory_space<vmem>>, vector<16xf32>,
      %parallel_loop3A_425 = arith.addf %parallel_loop3A_421, %parallel_loop3A_424 : vector<16xf32>
      %parallel_loop3A_426 = arith.mulf %parallel_loop3A_408, %sub3A_194 : vector<16xf32>
      %parallel_loop3A_427 = arith.addf %get3A_161, %parallel_loop3A_426 : vector<16xf32>
      %parallel_loop3A_428 = arith.addf %parallel_loop3A_425, %parallel_loop3A_427 : vector<16xf32>
      %parallel_loop3A_429 = arith.index_cast %parallel_loop3A_400 : i32 to index
      %parallel_loop3A_430 = arith.constant 32 : index
      %parallel_loop3A_431 = tpu.vector_load %arg13[%parallel_loop3A_429, %parallel_loop3A_430] {strides = array<i32>} : memref<64x128xf32, #tpu.memory_space<vmem>>, vector<16xf32>,
      %parallel_loop3A_432 = arith.index_cast %parallel_loop3A_400 : i32 to index
      %parallel_loop3A_433 = arith.constant 32 : index
      %parallel_loop3A_434 = tpu.vector_load %arg15[%parallel_loop3A_432, %parallel_loop3A_433] {strides = array<i32>} : memref<64x128xf32, #tpu.memory_space<vmem>>, vector<16xf32>,
      %parallel_loop3A_435 = arith.addf %parallel_loop3A_431, %parallel_loop3A_434 : vector<16xf32>
      %parallel_loop3A_436 = arith.mulf %parallel_loop3A_408, %sub3A_199 : vector<16xf32>
      %parallel_loop3A_437 = arith.addf %get3A_165, %parallel_loop3A_436 : vector<16xf32>
      %parallel_loop3A_438 = arith.addf %parallel_loop3A_435, %parallel_loop3A_437 : vector<16xf32>
      %parallel_loop3A_439 = arith.index_cast %parallel_loop3A_400 : i32 to index
      %parallel_loop3A_440 = arith.constant 48 : index
      %parallel_loop3A_441 = tpu.vector_load %arg13[%parallel_loop3A_439, %parallel_loop3A_440] {strides = array<i32>} : memref<64x128xf32, #tpu.memory_space<vmem>>, vector<16xf32>,
      %parallel_loop3A_442 = arith.index_cast %parallel_loop3A_400 : i32 to index
      %parallel_loop3A_443 = arith.constant 48 : index
      %parallel_loop3A_444 = tpu.vector_load %arg15[%parallel_loop3A_442, %parallel_loop3A_443] {strides = array<i32>} : memref<64x128xf32, #tpu.memory_space<vmem>>, vector<16xf32>,
      %parallel_loop3A_445 = arith.addf %parallel_loop3A_441, %parallel_loop3A_444 : vector<16xf32>
      %parallel_loop3A_446 = arith.mulf %parallel_loop3A_408, %sub3A_204 : vector<16xf32>
      %parallel_loop3A_447 = arith.addf %get3A_169, %parallel_loop3A_446 : vector<16xf32>
      %parallel_loop3A_448 = arith.addf %parallel_loop3A_445, %parallel_loop3A_447 : vector<16xf32>
      %parallel_loop3A_449 = arith.index_cast %parallel_loop3A_400 : i32 to index
      %parallel_loop3A_450 = arith.constant 64 : index
      %parallel_loop3A_451 = tpu.vector_load %arg13[%parallel_loop3A_449, %parallel_loop3A_450] {strides = array<i32>} : memref<64x128xf32, #tpu.memory_space<vmem>>, vector<16xf32>,
      %parallel_loop3A_452 = arith.index_cast %parallel_loop3A_400 : i32 to index
      %parallel_loop3A_453 = arith.constant 64 : index
      %parallel_loop3A_454 = tpu.vector_load %arg15[%parallel_loop3A_452, %parallel_loop3A_453] {strides = array<i32>} : memref<64x128xf32, #tpu.memory_space<vmem>>, vector<16xf32>,
      %parallel_loop3A_455 = arith.addf %parallel_loop3A_451, %parallel_loop3A_454 : vector<16xf32>
      %parallel_loop3A_456 = arith.mulf %parallel_loop3A_408, %sub3A_209 : vector<16xf32>
      %parallel_loop3A_457 = arith.addf %get3A_173, %parallel_loop3A_456 : vector<16xf32>
      %parallel_loop3A_458 = arith.addf %parallel_loop3A_455, %parallel_loop3A_457 : vector<16xf32>
      %parallel_loop3A_459 = arith.index_cast %parallel_loop3A_400 : i32 to index
      %parallel_loop3A_460 = arith.constant 80 : index
      %parallel_loop3A_461 = tpu.vector_load %arg13[%parallel_loop3A_459, %parallel_loop3A_460] {strides = array<i32>} : memref<64x128xf32, #tpu.memory_space<vmem>>, vector<16xf32>,
      %parallel_loop3A_462 = arith.index_cast %parallel_loop3A_400 : i32 to index
      %parallel_loop3A_463 = arith.constant 80 : index
      %parallel_loop3A_464 = tpu.vector_load %arg15[%parallel_loop3A_462, %parallel_loop3A_463] {strides = array<i32>} : memref<64x128xf32, #tpu.memory_space<vmem>>, vector<16xf32>,
      %parallel_loop3A_465 = arith.addf %parallel_loop3A_461, %parallel_loop3A_464 : vector<16xf32>
      %parallel_loop3A_466 = arith.mulf %parallel_loop3A_408, %sub3A_214 : vector<16xf32>
      %parallel_loop3A_467 = arith.addf %get3A_177, %parallel_loop3A_466 : vector<16xf32>
      %parallel_loop3A_468 = arith.addf %parallel_loop3A_465, %parallel_loop3A_467 : vector<16xf32>
      %parallel_loop3A_469 = arith.index_cast %parallel_loop3A_400 : i32 to index
      %parallel_loop3A_470 = arith.constant 96 : index
      %parallel_loop3A_471 = tpu.vector_load %arg13[%parallel_loop3A_469, %parallel_loop3A_470] {strides = array<i32>} : memref<64x128xf32, #tpu.memory_space<vmem>>, vector<16xf32>,
      %parallel_loop3A_472 = arith.index_cast %parallel_loop3A_400 : i32 to index
      %parallel_loop3A_473 = arith.constant 96 : index
      %parallel_loop3A_474 = tpu.vector_load %arg15[%parallel_loop3A_472, %parallel_loop3A_473] {strides = array<i32>} : memref<64x128xf32, #tpu.memory_space<vmem>>, vector<16xf32>,
      %parallel_loop3A_475 = arith.addf %parallel_loop3A_471, %parallel_loop3A_474 : vector<16xf32>
      %parallel_loop3A_476 = arith.mulf %parallel_loop3A_408, %sub3A_219 : vector<16xf32>
      %parallel_loop3A_477 = arith.addf %get3A_181, %parallel_loop3A_476 : vector<16xf32>
      %parallel_loop3A_478 = arith.addf %parallel_loop3A_475, %parallel_loop3A_477 : vector<16xf32>
      %parallel_loop3A_479 = arith.index_cast %parallel_loop3A_400 : i32 to index
      %parallel_loop3A_480 = arith.constant 112 : index
      %parallel_loop3A_481 = tpu.vector_load %arg13[%parallel_loop3A_479, %parallel_loop3A_480] {strides = array<i32>} : memref<64x128xf32, #tpu.memory_space<vmem>>, vector<16xf32>,
      %parallel_loop3A_482 = arith.index_cast %parallel_loop3A_400 : i32 to index
      %parallel_loop3A_483 = arith.constant 112 : index
      %parallel_loop3A_484 = tpu.vector_load %arg15[%parallel_loop3A_482, %parallel_loop3A_483] {strides = array<i32>} : memref<64x128xf32, #tpu.memory_space<vmem>>, vector<16xf32>,
      %parallel_loop3A_485 = arith.addf %parallel_loop3A_481, %parallel_loop3A_484 : vector<16xf32>
      %parallel_loop3A_486 = arith.mulf %parallel_loop3A_408, %sub3A_224 : vector<16xf32>
      %parallel_loop3A_487 = arith.addf %get3A_185, %parallel_loop3A_486 : vector<16xf32>
      %parallel_loop3A_488 = arith.addf %parallel_loop3A_485, %parallel_loop3A_487 : vector<16xf32>
      %parallel_loop3A_489 = arith.addf %parallel_loop3A_418, %parallel_loop3A_428 : vector<16xf32>
      %parallel_loop3A_490 = arith.addf %parallel_loop3A_438, %parallel_loop3A_448 : vector<16xf32>
      %parallel_loop3A_491 = arith.addf %parallel_loop3A_489, %parallel_loop3A_490 : vector<16xf32>
      %parallel_loop3A_492 = arith.addf %parallel_loop3A_458, %parallel_loop3A_468 : vector<16xf32>
      %parallel_loop3A_493 = arith.addf %parallel_loop3A_478, %parallel_loop3A_488 : vector<16xf32>
      %parallel_loop3A_494 = arith.addf %parallel_loop3A_492, %parallel_loop3A_493 : vector<16xf32>
      %parallel_loop3A_495 = arith.addf %parallel_loop3A_491, %parallel_loop3A_494 : vector<16xf32>
      %parallel_loop3A_496 = arith.mulf %parallel_loop3A_418, %parallel_loop3A_418 : vector<16xf32>
      %parallel_loop3A_497 = arith.mulf %parallel_loop3A_428, %parallel_loop3A_428 : vector<16xf32>
      %parallel_loop3A_498 = arith.addf %parallel_loop3A_496, %parallel_loop3A_497 : vector<16xf32>
      %parallel_loop3A_499 = arith.mulf %parallel_loop3A_438, %parallel_loop3A_438 : vector<16xf32>
      %parallel_loop3A_500 = arith.mulf %parallel_loop3A_448, %parallel_loop3A_448 : vector<16xf32>
      %parallel_loop3A_501 = arith.addf %parallel_loop3A_499, %parallel_loop3A_500 : vector<16xf32>
      %parallel_loop3A_502 = arith.mulf %parallel_loop3A_458, %parallel_loop3A_458 : vector<16xf32>
      %parallel_loop3A_503 = arith.mulf %parallel_loop3A_468, %parallel_loop3A_468 : vector<16xf32>
      %parallel_loop3A_504 = arith.addf %parallel_loop3A_502, %parallel_loop3A_503 : vector<16xf32>
      %parallel_loop3A_505 = arith.mulf %parallel_loop3A_478, %parallel_loop3A_478 : vector<16xf32>
      %parallel_loop3A_506 = arith.mulf %parallel_loop3A_488, %parallel_loop3A_488 : vector<16xf32>
      %parallel_loop3A_507 = arith.addf %parallel_loop3A_505, %parallel_loop3A_506 : vector<16xf32>
      %parallel_loop3A_508 = arith.addf %parallel_loop3A_498, %parallel_loop3A_501 : vector<16xf32>
      %parallel_loop3A_509 = arith.addf %parallel_loop3A_504, %parallel_loop3A_507 : vector<16xf32>
      %parallel_loop3A_510 = arith.addf %parallel_loop3A_508, %parallel_loop3A_509 : vector<16xf32>
      %parallel_loop3A_511 = vector.shape_cast %xor3A_226 : vector<16xi32> to vector<16x1xi32>
      %parallel_loop3A_512 = vector.shape_cast %parallel_loop3A_511 : vector<16x1xi32> to vector<16xi32>
      %parallel_loop3A_513 = tpu.dynamic_gather %parallel_loop3A_495[%parallel_loop3A_512] in [0] : vector<16xf32>, vector<16xi32> -> vector<16xf32>
      %parallel_loop3A_514 = arith.addf %parallel_loop3A_495, %parallel_loop3A_513 : vector<16xf32>
      %parallel_loop3A_515 = vector.shape_cast %xor3A_229 : vector<16xi32> to vector<16x1xi32>
      %parallel_loop3A_516 = vector.shape_cast %parallel_loop3A_515 : vector<16x1xi32> to vector<16xi32>
      %parallel_loop3A_517 = tpu.dynamic_gather %parallel_loop3A_514[%parallel_loop3A_516] in [0] : vector<16xf32>, vector<16xi32> -> vector<16xf32>
      %parallel_loop3A_518 = arith.addf %parallel_loop3A_514, %parallel_loop3A_517 : vector<16xf32>
      %parallel_loop3A_519 = vector.shape_cast %xor3A_232 : vector<16xi32> to vector<16x1xi32>
      %parallel_loop3A_520 = vector.shape_cast %parallel_loop3A_519 : vector<16x1xi32> to vector<16xi32>
      %parallel_loop3A_521 = tpu.dynamic_gather %parallel_loop3A_518[%parallel_loop3A_520] in [0] : vector<16xf32>, vector<16xi32> -> vector<16xf32>
      %parallel_loop3A_522 = arith.addf %parallel_loop3A_518, %parallel_loop3A_521 : vector<16xf32>
      %parallel_loop3A_523 = vector.shape_cast %xor3A_235 : vector<16xi32> to vector<16x1xi32>
      %parallel_loop3A_524 = vector.shape_cast %parallel_loop3A_523 : vector<16x1xi32> to vector<16xi32>
      %parallel_loop3A_525 = tpu.dynamic_gather %parallel_loop3A_522[%parallel_loop3A_524] in [0] : vector<16xf32>, vector<16xi32> -> vector<16xf32>
      %parallel_loop3A_526 = arith.addf %parallel_loop3A_522, %parallel_loop3A_525 : vector<16xf32>
      %parallel_loop3A_527 = vector.shape_cast %xor3A_226 : vector<16xi32> to vector<16x1xi32>
      %parallel_loop3A_528 = vector.shape_cast %parallel_loop3A_527 : vector<16x1xi32> to vector<16xi32>
      %parallel_loop3A_529 = tpu.dynamic_gather %parallel_loop3A_510[%parallel_loop3A_528] in [0] : vector<16xf32>, vector<16xi32> -> vector<16xf32>
      %parallel_loop3A_530 = arith.addf %parallel_loop3A_510, %parallel_loop3A_529 : vector<16xf32>
      %parallel_loop3A_531 = vector.shape_cast %xor3A_229 : vector<16xi32> to vector<16x1xi32>
      %parallel_loop3A_532 = vector.shape_cast %parallel_loop3A_531 : vector<16x1xi32> to vector<16xi32>
      %parallel_loop3A_533 = tpu.dynamic_gather %parallel_loop3A_530[%parallel_loop3A_532] in [0] : vector<16xf32>, vector<16xi32> -> vector<16xf32>
      %parallel_loop3A_534 = arith.addf %parallel_loop3A_530, %parallel_loop3A_533 : vector<16xf32>
      %parallel_loop3A_535 = vector.shape_cast %xor3A_232 : vector<16xi32> to vector<16x1xi32>
      %parallel_loop3A_536 = vector.shape_cast %parallel_loop3A_535 : vector<16x1xi32> to vector<16xi32>
      %parallel_loop3A_537 = tpu.dynamic_gather %parallel_loop3A_534[%parallel_loop3A_536] in [0] : vector<16xf32>, vector<16xi32> -> vector<16xf32>
      %parallel_loop3A_538 = arith.addf %parallel_loop3A_534, %parallel_loop3A_537 : vector<16xf32>
      %parallel_loop3A_539 = vector.shape_cast %xor3A_235 : vector<16xi32> to vector<16x1xi32>
      %parallel_loop3A_540 = vector.shape_cast %parallel_loop3A_539 : vector<16x1xi32> to vector<16xi32>
      %parallel_loop3A_541 = tpu.dynamic_gather %parallel_loop3A_538[%parallel_loop3A_540] in [0] : vector<16xf32>, vector<16xi32> -> vector<16xf32>
      %parallel_loop3A_542 = arith.addf %parallel_loop3A_538, %parallel_loop3A_541 : vector<16xf32>
      %parallel_loop3A_543 = arith.constant 7.812500e-03 : f32
      %parallel_loop3A_544 = vector.broadcast %parallel_loop3A_543 : f32 to vector<16xf32>
      %parallel_loop3A_545 = arith.mulf %parallel_loop3A_526, %parallel_loop3A_544 : vector<16xf32>
      %parallel_loop3A_546 = arith.constant 7.812500e-03 : f32
      %parallel_loop3A_547 = vector.broadcast %parallel_loop3A_546 : f32 to vector<16xf32>
      %parallel_loop3A_548 = arith.mulf %parallel_loop3A_542, %parallel_loop3A_547 : vector<16xf32>
      %parallel_loop3A_549 = arith.mulf %parallel_loop3A_545, %parallel_loop3A_545 : vector<16xf32>
      %parallel_loop3A_550 = arith.subf %parallel_loop3A_548, %parallel_loop3A_549 : vector<16xf32>
      %parallel_loop3A_551 = arith.constant 9.99999996E-13 : f32
      %parallel_loop3A_552 = vector.broadcast %parallel_loop3A_551 : f32 to vector<16xf32>
      %parallel_loop3A_553 = arith.addf %parallel_loop3A_550, %parallel_loop3A_552 : vector<16xf32>
      %parallel_loop3A_554 = vector.bitcast %parallel_loop3A_553 : vector<16xf32> to vector<16xi32>
      %parallel_loop3A_555 = arith.constant 1 : i32
      %parallel_loop3A_556 = vector.broadcast %parallel_loop3A_555 : i32 to vector<16xi32>
      %parallel_loop3A_557 = arith.shrsi %parallel_loop3A_554, %parallel_loop3A_556 : vector<16xi32>
      %parallel_loop3A_558 = arith.constant 1597463007 : i32
      %parallel_loop3A_559 = vector.broadcast %parallel_loop3A_558 : i32 to vector<16xi32>
      %parallel_loop3A_560 = arith.subi %parallel_loop3A_559, %parallel_loop3A_557 : vector<16xi32>
      %parallel_loop3A_561 = vector.bitcast %parallel_loop3A_560 : vector<16xi32> to vector<16xf32>
      %parallel_loop3A_562 = arith.constant 5.000000e-01 : f32
      %parallel_loop3A_563 = vector.broadcast %parallel_loop3A_562 : f32 to vector<16xf32>
      %parallel_loop3A_564 = arith.mulf %parallel_loop3A_563, %parallel_loop3A_553 : vector<16xf32>
      %parallel_loop3A_565 = arith.mulf %parallel_loop3A_564, %parallel_loop3A_561 : vector<16xf32>
      %parallel_loop3A_566 = arith.mulf %parallel_loop3A_565, %parallel_loop3A_561 : vector<16xf32>
      %parallel_loop3A_567 = arith.constant 1.500000e+00 : f32
      %parallel_loop3A_568 = vector.broadcast %parallel_loop3A_567 : f32 to vector<16xf32>
      %parallel_loop3A_569 = arith.subf %parallel_loop3A_568, %parallel_loop3A_566 : vector<16xf32>
      %parallel_loop3A_570 = arith.mulf %parallel_loop3A_561, %parallel_loop3A_569 : vector<16xf32>
      %parallel_loop3A_571 = arith.constant 5.000000e-01 : f32
      %parallel_loop3A_572 = vector.broadcast %parallel_loop3A_571 : f32 to vector<16xf32>
      %parallel_loop3A_573 = arith.mulf %parallel_loop3A_572, %parallel_loop3A_553 : vector<16xf32>
      %parallel_loop3A_574 = arith.mulf %parallel_loop3A_573, %parallel_loop3A_570 : vector<16xf32>
      %parallel_loop3A_575 = arith.mulf %parallel_loop3A_574, %parallel_loop3A_570 : vector<16xf32>
      %parallel_loop3A_576 = arith.constant 1.500000e+00 : f32
      %parallel_loop3A_577 = vector.broadcast %parallel_loop3A_576 : f32 to vector<16xf32>
      %parallel_loop3A_578 = arith.subf %parallel_loop3A_577, %parallel_loop3A_575 : vector<16xf32>
      %parallel_loop3A_579 = arith.mulf %parallel_loop3A_570, %parallel_loop3A_578 : vector<16xf32>
      %parallel_loop3A_580 = arith.subf %parallel_loop3A_418, %parallel_loop3A_545 : vector<16xf32>
      %parallel_loop3A_581 = arith.mulf %parallel_loop3A_580, %parallel_loop3A_579 : vector<16xf32>
      %parallel_loop3A_582 = arith.mulf %parallel_loop3A_581, %get3A_93 : vector<16xf32>
      %parallel_loop3A_583 = arith.addf %parallel_loop3A_582, %get3A_125 : vector<16xf32>
      %parallel_loop3A_584 = arith.index_cast %parallel_loop3A_400 : i32 to index
      %parallel_loop3A_585 = arith.constant 0 : index
      %parallel_loop3A_586 = tpu.vector_load %arg19[%parallel_loop3A_584, %parallel_loop3A_585] {strides = array<i32>} : memref<64x128xf32, #tpu.memory_space<vmem>>, vector<16xf32>,
      tpu.vector_store %arg19[%parallel_loop3A_584, %parallel_loop3A_585], %parallel_loop3A_583 {strides = array<i32>} : memref<64x128xf32, #tpu.memory_space<vmem>>, vector<16xf32>,
      %parallel_loop3A_587 = arith.subf %parallel_loop3A_428, %parallel_loop3A_545 : vector<16xf32>
      %parallel_loop3A_588 = arith.mulf %parallel_loop3A_587, %parallel_loop3A_579 : vector<16xf32>
      %parallel_loop3A_589 = arith.mulf %parallel_loop3A_588, %get3A_97 : vector<16xf32>
      %parallel_loop3A_590 = arith.addf %parallel_loop3A_589, %get3A_129 : vector<16xf32>
      %parallel_loop3A_591 = arith.index_cast %parallel_loop3A_400 : i32 to index
      %parallel_loop3A_592 = arith.constant 16 : index
      %parallel_loop3A_593 = tpu.vector_load %arg19[%parallel_loop3A_591, %parallel_loop3A_592] {strides = array<i32>} : memref<64x128xf32, #tpu.memory_space<vmem>>, vector<16xf32>,
      tpu.vector_store %arg19[%parallel_loop3A_591, %parallel_loop3A_592], %parallel_loop3A_590 {strides = array<i32>} : memref<64x128xf32, #tpu.memory_space<vmem>>, vector<16xf32>,
      %parallel_loop3A_594 = arith.subf %parallel_loop3A_438, %parallel_loop3A_545 : vector<16xf32>
      %parallel_loop3A_595 = arith.mulf %parallel_loop3A_594, %parallel_loop3A_579 : vector<16xf32>
      %parallel_loop3A_596 = arith.mulf %parallel_loop3A_595, %get3A_101 : vector<16xf32>
      %parallel_loop3A_597 = arith.addf %parallel_loop3A_596, %get3A_133 : vector<16xf32>
      %parallel_loop3A_598 = arith.index_cast %parallel_loop3A_400 : i32 to index
      %parallel_loop3A_599 = arith.constant 32 : index
      %parallel_loop3A_600 = tpu.vector_load %arg19[%parallel_loop3A_598, %parallel_loop3A_599] {strides = array<i32>} : memref<64x128xf32, #tpu.memory_space<vmem>>, vector<16xf32>,
      tpu.vector_store %arg19[%parallel_loop3A_598, %parallel_loop3A_599], %parallel_loop3A_597 {strides = array<i32>} : memref<64x128xf32, #tpu.memory_space<vmem>>, vector<16xf32>,
      %parallel_loop3A_601 = arith.subf %parallel_loop3A_448, %parallel_loop3A_545 : vector<16xf32>
      %parallel_loop3A_602 = arith.mulf %parallel_loop3A_601, %parallel_loop3A_579 : vector<16xf32>
      %parallel_loop3A_603 = arith.mulf %parallel_loop3A_602, %get3A_105 : vector<16xf32>
      %parallel_loop3A_604 = arith.addf %parallel_loop3A_603, %get3A_137 : vector<16xf32>
      %parallel_loop3A_605 = arith.index_cast %parallel_loop3A_400 : i32 to index
      %parallel_loop3A_606 = arith.constant 48 : index
      %parallel_loop3A_607 = tpu.vector_load %arg19[%parallel_loop3A_605, %parallel_loop3A_606] {strides = array<i32>} : memref<64x128xf32, #tpu.memory_space<vmem>>, vector<16xf32>,
      tpu.vector_store %arg19[%parallel_loop3A_605, %parallel_loop3A_606], %parallel_loop3A_604 {strides = array<i32>} : memref<64x128xf32, #tpu.memory_space<vmem>>, vector<16xf32>,
      %parallel_loop3A_608 = arith.subf %parallel_loop3A_458, %parallel_loop3A_545 : vector<16xf32>
      %parallel_loop3A_609 = arith.mulf %parallel_loop3A_608, %parallel_loop3A_579 : vector<16xf32>
      %parallel_loop3A_610 = arith.mulf %parallel_loop3A_609, %get3A_109 : vector<16xf32>
      %parallel_loop3A_611 = arith.addf %parallel_loop3A_610, %get3A_141 : vector<16xf32>
      %parallel_loop3A_612 = arith.index_cast %parallel_loop3A_400 : i32 to index
      %parallel_loop3A_613 = arith.constant 64 : index
      %parallel_loop3A_614 = tpu.vector_load %arg19[%parallel_loop3A_612, %parallel_loop3A_613] {strides = array<i32>} : memref<64x128xf32, #tpu.memory_space<vmem>>, vector<16xf32>,
      tpu.vector_store %arg19[%parallel_loop3A_612, %parallel_loop3A_613], %parallel_loop3A_611 {strides = array<i32>} : memref<64x128xf32, #tpu.memory_space<vmem>>, vector<16xf32>,
      %parallel_loop3A_615 = arith.subf %parallel_loop3A_468, %parallel_loop3A_545 : vector<16xf32>
      %parallel_loop3A_616 = arith.mulf %parallel_loop3A_615, %parallel_loop3A_579 : vector<16xf32>
      %parallel_loop3A_617 = arith.mulf %parallel_loop3A_616, %get3A_113 : vector<16xf32>
      %parallel_loop3A_618 = arith.addf %parallel_loop3A_617, %get3A_145 : vector<16xf32>
      %parallel_loop3A_619 = arith.index_cast %parallel_loop3A_400 : i32 to index
      %parallel_loop3A_620 = arith.constant 80 : index
      %parallel_loop3A_621 = tpu.vector_load %arg19[%parallel_loop3A_619, %parallel_loop3A_620] {strides = array<i32>} : memref<64x128xf32, #tpu.memory_space<vmem>>, vector<16xf32>,
      tpu.vector_store %arg19[%parallel_loop3A_619, %parallel_loop3A_620], %parallel_loop3A_618 {strides = array<i32>} : memref<64x128xf32, #tpu.memory_space<vmem>>, vector<16xf32>,
      %parallel_loop3A_622 = arith.subf %parallel_loop3A_478, %parallel_loop3A_545 : vector<16xf32>
      %parallel_loop3A_623 = arith.mulf %parallel_loop3A_622, %parallel_loop3A_579 : vector<16xf32>
      %parallel_loop3A_624 = arith.mulf %parallel_loop3A_623, %get3A_117 : vector<16xf32>
      %parallel_loop3A_625 = arith.addf %parallel_loop3A_624, %get3A_149 : vector<16xf32>
      %parallel_loop3A_626 = arith.index_cast %parallel_loop3A_400 : i32 to index
      %parallel_loop3A_627 = arith.constant 96 : index
      %parallel_loop3A_628 = tpu.vector_load %arg19[%parallel_loop3A_626, %parallel_loop3A_627] {strides = array<i32>} : memref<64x128xf32, #tpu.memory_space<vmem>>, vector<16xf32>,
      tpu.vector_store %arg19[%parallel_loop3A_626, %parallel_loop3A_627], %parallel_loop3A_625 {strides = array<i32>} : memref<64x128xf32, #tpu.memory_space<vmem>>, vector<16xf32>,
      %parallel_loop3A_629 = arith.subf %parallel_loop3A_488, %parallel_loop3A_545 : vector<16xf32>
      %parallel_loop3A_630 = arith.mulf %parallel_loop3A_629, %parallel_loop3A_579 : vector<16xf32>
      %parallel_loop3A_631 = arith.mulf %parallel_loop3A_630, %get3A_121 : vector<16xf32>
      %parallel_loop3A_632 = arith.addf %parallel_loop3A_631, %get3A_153 : vector<16xf32>
      %parallel_loop3A_633 = arith.index_cast %parallel_loop3A_400 : i32 to index
      %parallel_loop3A_634 = arith.constant 112 : index
      %parallel_loop3A_635 = tpu.vector_load %arg19[%parallel_loop3A_633, %parallel_loop3A_634] {strides = array<i32>} : memref<64x128xf32, #tpu.memory_space<vmem>>, vector<16xf32>,
      tpu.vector_store %arg19[%parallel_loop3A_633, %parallel_loop3A_634], %parallel_loop3A_632 {strides = array<i32>} : memref<64x128xf32, #tpu.memory_space<vmem>>, vector<16xf32>,
    } {sc.loop_unroll_factor = 2 : i64, sc.parallel_access}
    %add3A_378 = arith.constant 192 : i32
    %add3A_379 = arith.addi %mul3A_2, %add3A_378 : i32
    %dma_start3A_380 = arith.constant 0 : i32
    %dma_start3A_381 = tpu.memref_slice %arg7[%add3A_379, %dma_start3A_380] : memref<8192x128xf32, #tpu.memory_space<hbm>> -> memref<64x128xf32, #tpu.memory_space<hbm>>
    %dma_start3A_382 = arith.constant 0 : i32
    %dma_start3A_383 = tpu.memref_slice %arg7[%add3A_379, %dma_start3A_382] : memref<8192x128xf32, #tpu.memory_space<hbm>> -> memref<64x128xf32, #tpu.memory_space<hbm>>
    tpu.enqueue_dma source(%arg19 : memref<64x128xf32, #tpu.memory_space<vmem>>) target(%dma_start3A_383 : memref<64x128xf32, #tpu.memory_space<hbm>>) target_semaphore(%arg27 : memref<!tpu.dma_semaphore, #tpu.memory_space<semaphore_mem>>)
    %dma_wait3A_384 = arith.constant 0 : i32
    %dma_wait3A_385 = tpu.memref_slice %arg7[%add3A_296, %dma_wait3A_384] : memref<8192x128xf32, #tpu.memory_space<hbm>> -> memref<64x128xf32, #tpu.memory_space<hbm>>
    %dma_wait3A_386 = arith.constant 0 : i32
    %dma_wait3A_387 = tpu.memref_slice %arg7[%add3A_296, %dma_wait3A_386] : memref<8192x128xf32, #tpu.memory_space<hbm>> -> memref<64x128xf32, #tpu.memory_space<hbm>>
    tpu.wait_dma2 semaphore(%arg27 : memref<!tpu.dma_semaphore, #tpu.memory_space<semaphore_mem>>) src(%arg16 : memref<64x128xf32, #tpu.memory_space<vmem>>) dst(%dma_wait3A_387 : memref<64x128xf32, #tpu.memory_space<hbm>>)
    %dma_wait3A_388 = arith.constant 0 : i32
    %dma_wait3A_389 = tpu.memref_slice %arg7[%add3A_333, %dma_wait3A_388] : memref<8192x128xf32, #tpu.memory_space<hbm>> -> memref<64x128xf32, #tpu.memory_space<hbm>>
    %dma_wait3A_390 = arith.constant 0 : i32
    %dma_wait3A_391 = tpu.memref_slice %arg7[%add3A_333, %dma_wait3A_390] : memref<8192x128xf32, #tpu.memory_space<hbm>> -> memref<64x128xf32, #tpu.memory_space<hbm>>
    tpu.wait_dma2 semaphore(%arg27 : memref<!tpu.dma_semaphore, #tpu.memory_space<semaphore_mem>>) src(%arg17 : memref<64x128xf32, #tpu.memory_space<vmem>>) dst(%dma_wait3A_391 : memref<64x128xf32, #tpu.memory_space<hbm>>)
    %dma_wait3A_392 = arith.constant 0 : i32
    %dma_wait3A_393 = tpu.memref_slice %arg7[%add3A_356, %dma_wait3A_392] : memref<8192x128xf32, #tpu.memory_space<hbm>> -> memref<64x128xf32, #tpu.memory_space<hbm>>
    %dma_wait3A_394 = arith.constant 0 : i32
    %dma_wait3A_395 = tpu.memref_slice %arg7[%add3A_356, %dma_wait3A_394] : memref<8192x128xf32, #tpu.memory_space<hbm>> -> memref<64x128xf32, #tpu.memory_space<hbm>>
    tpu.wait_dma2 semaphore(%arg27 : memref<!tpu.dma_semaphore, #tpu.memory_space<semaphore_mem>>) src(%arg18 : memref<64x128xf32, #tpu.memory_space<vmem>>) dst(%dma_wait3A_395 : memref<64x128xf32, #tpu.memory_space<hbm>>)
    %dma_wait3A_396 = arith.constant 0 : i32
    %dma_wait3A_397 = tpu.memref_slice %arg7[%add3A_379, %dma_wait3A_396] : memref<8192x128xf32, #tpu.memory_space<hbm>> -> memref<64x128xf32, #tpu.memory_space<hbm>>
    %dma_wait3A_398 = arith.constant 0 : i32
    %dma_wait3A_399 = tpu.memref_slice %arg7[%add3A_379, %dma_wait3A_398] : memref<8192x128xf32, #tpu.memory_space<hbm>> -> memref<64x128xf32, #tpu.memory_space<hbm>>
    tpu.wait_dma2 semaphore(%arg27 : memref<!tpu.dma_semaphore, #tpu.memory_space<semaphore_mem>>) src(%arg19 : memref<64x128xf32, #tpu.memory_space<vmem>>) dst(%dma_wait3A_399 : memref<64x128xf32, #tpu.memory_space<hbm>>)
    return
  }
}

</mosaic_0001>

<sc_bundles>
// kernel: _sc_embed.3.cloned.1.call-start
scs
__scs_entry_jumppad:
0x0: {  	(pc) =	sbr.rel $0x88, $3  }
0x1: {  	(tag) =	ssettag $0x0;
	lr =	simm.s32 $0x1  }
0x2: {  	[smem:$0x3F9C] =	sst lr;
	_ =	strace $0xD0000000  }
0x3: {  	_ = 	snop  }
0x4: {  	_ = 	snop  }
0x5: {  	_ = 	snop  }
0x6: {  	_ = 	snop  }
0x7: {  	_ = 	snop  }
__scs_overlays_trampoline_lowered:
0x8: {  	[smem:$0x3FAB] =	sst s0  }
0x9: {  	[smem:$0x3FAC] =	sst s1  }
0xa: {  	[smem:$0x3FAD] =	sst s2  }
0xb: {  	[smem:$0x3FAE] =	sst s3  }
0xc: {  	[smem:$0x3FAF] =	sst s4  }
0xd: {  	[smem:$0x3FB0] =	sst s5  }
0xe: {  	[smem:$0x3FB1] =	sst s6  }
0xf: {  	[smem:$0x3FB2] =	sst s7  }
0x10: {  	[smem:$0x3FB3] =	sst s8  }
0x11: {  	[smem:$0x3FB4] =	sst s9;
	s0 =	simm.s32 @!p0 $0x0  }
0x12: {  	s1 =	sld [smem:$0x3F9A];
	s0 =	simm.s32 @p0 $0x1  }
0x13: {  	[smem:$0x3FB5] =	sst s0;
	s0 =	simm.s32 @!p1 $0x0  }
0x14: {  	s2 =	sld [smem:$0x3F99];
	s0 =	simm.s32 @p1 $0x1  }
0x15: {  	[smem:$0x3FB6] =	sst s0;
	s0 =	simm.s32 @!p2 $0x0  }
0x16: {  	s3 =	sld [smem:$0x3FDB];
	s0 =	simm.s32 @p2 $0x1  }
0x17: {  	s4 =	simm.s32 $0x1BF5;
	[smem:$0x3FB8] =	sst s0  }
0x18: {  	s0 =	sld [smem:$0x3F9B];
	_ =	swait.ge [sflag:s4], $0x0  }
0x19: {  	s7 =	sld [smem:$0x3F9C]  }
0x1a: {  	s8 =	sadd.s32 $0xFFFFE003, lr  }
0x1b: {  	s9 =	sadd.s32 $0xFFFFFEF7, lr;
	s5 =	simm.s32 $0xFFFFFFFF;
	p2 =	slt.u32 s8, $0xFFFFF086  }
0x1c: {  	p1 =	slt.u32 s9, $0xF7A;
	s5 =	simm.s32 @!p2 $0x0  }
0x1d: {  	s5 =	simm.s32 @p1 $0x1;
	p0 =	seq.s32 s7, s2  }
0x1e: {  	s7 =	smul.u32 @!p0 $0xF7A, s2;
	p2 =	seq.s32 @!p0 s5, $0x0  }
0x1f: {  	s9 =	smul.u32 $0xF7A, s1;
	s8 =	simm.s32 @!p0 $0x1BF5;
	p2 =	por !p2, p0  }
0x20: {  	[sflag:s8] =	ssyncset.s32 @!p0 $0xFFFFF086;
	s6 =	sadd.s32 @!p0 s3, s7;
	s7 =	simm.s32 @!p0 $0x108  }
0x21: {  	s3 =	sadd.s32 s3, s9;
	s6 =	sadd.s32 @!p0 $0x88, s6;
	s7 =	simm.s32 @p2 $0x1082  }
0x22: {  	[simem:s7], [sflag:s8] =	dma.local @!p0 [hbm:s6], $0xF7A  }
0x23: {  	s9 =	sor.u32 $0xD0000000, s2;
	s6 =	simm.s32 $0x108;
	_ =	swait.ge @!p0 [sflag:s8], $0x0  }
0x24: {  	s3 =	sadd.s32 $0x88, s3;
	s6 =	simm.s32 @!p1 $0x1082;
	[sflag:s4] =	ssyncset.s32 $0xFFFFF086  }
0x25: {  	[simem:s6], [sflag:s4] =	dma.local [hbm:s3], $0xF7A  }
0x26: {  	[smem:$0x3F9C] =	sst s1;
	(tag) =	ssettag s2;
	_ =	strace s9  }
0x27: {  	s1 =	sld [smem:$0x3FAC]  }
0x28: {  	s2 =	sld [smem:$0x3FAD]  }
0x29: {  	s4 =	sld [smem:$0x3FAF]  }
0x2a: {  	p0 =	seq.s32 s5, $0x0;
	s5 =	sld [smem:$0x3FB0]  }
0x2b: {  	s6 =	sld [smem:$0x3FB1]  }
0x2c: {  	s7 =	sld [smem:$0x3FB2]  }
0x2d: {  	s3 =	simm.s32 $0x108;
	s8 =	sld [smem:$0x3FB3]  }
0x2e: {  	s3 =	simm.s32 @!p0 $0x1082;
	s9 =	sld [smem:$0x3FB4]  }
0x2f: {  	lr =	sadd.s32 s0, s3;
	s0 =	sld [smem:$0x3FAB]  }
0x30: {  	s3 =	sld [smem:$0x3FAE]  }
0x31: {  	[smem:$0x3FB7] =	sst s10  }
0x32: {  	s10 =	sld [smem:$0x3FB5];
	_ =	sdelay $0x3  }
0x33: {  	p0 =	seq.s32 s10, $0x1;
	s10 =	sld [smem:$0x3FB7];
	_ =	sdelay $0x3  }
0x34: {  	[smem:$0x3FB7] =	sst s10  }
0x35: {  	s10 =	sld [smem:$0x3FB6];
	_ =	sdelay $0x3  }
0x36: {  	p1 =	seq.s32 s10, $0x1;
	s10 =	sld [smem:$0x3FB7];
	_ =	sdelay $0x3  }
0x37: {  	[smem:$0x3FB7] =	sst s10  }
0x38: {  	s10 =	sld [smem:$0x3FB8]  }
0x39: {  	_ = 	snop;
	(pc) =	sbr.ind lr, $3  }
0x3a: {  	_ = 	snop  }
0x3b: {  	_ = 	snop  }
0x3c: {  	p2 =	seq.s32 s10, $0x1;
	s10 =	sld [smem:$0x3FB7]  }
0x3d: {  	_ =	shalt  }
0x3e: {  	_ =	shalt  }
0x3f: {  	_ =	shalt  }
0x40: {  	_ =	shalt  }
0x41: {  	_ =	shalt  }
0x42: {  	_ =	shalt  }
0x43: {  	_ =	shalt  }
0x44: {  	_ =	shalt  }
0x45: {  	_ =	shalt  }
0x46: {  	_ =	shalt  }
0x47: {  	_ =	shalt  }
0x48: {  	_ =	shalt  }
0x49: {  	_ =	shalt  }
0x4a: {  	_ =	shalt  }
0x4b: {  	_ =	shalt  }
0x4c: {  	_ =	shalt  }
0x4d: {  	_ =	shalt  }
0x4e: {  	_ =	shalt  }
0x4f: {  	_ =	shalt  }
0x50: {  	_ =	shalt  }
0x51: {  	_ =	shalt  }
0x52: {  	_ =	shalt  }
0x53: {  	_ =	shalt  }
0x54: {  	_ =	shalt  }
0x55: {  	_ =	shalt  }
0x56: {  	_ =	shalt  }
0x57: {  	_ =	shalt  }
0x58: {  	_ =	shalt  }
0x59: {  	_ =	shalt  }
0x5a: {  	_ =	shalt  }
0x5b: {  	_ =	shalt  }
0x5c: {  	_ =	shalt  }
0x5d: {  	_ =	shalt  }
0x5e: {  	_ =	shalt  }
0x5f: {  	_ =	shalt  }
0x60: {  	_ =	shalt  }
0x61: {  	_ =	shalt  }
0x62: {  	_ =	shalt  }
0x63: {  	_ =	shalt  }
0x64: {  	_ =	shalt  }
0x65: {  	_ =	shalt  }
0x66: {  	_ =	shalt  }
0x67: {  	_ =	shalt  }
0x68: {  	_ =	shalt  }
0x69: {  	_ =	shalt  }
0x6a: {  	_ =	shalt  }
0x6b: {  	_ =	shalt  }
0x6c: {  	_ =	shalt  }
0x6d: {  	_ =	shalt  }
0x6e: {  	_ =	shalt  }
0x6f: {  	_ =	shalt  }
0x70: {  	_ =	shalt  }
0x71: {  	_ =	shalt  }
0x72: {  	_ =	shalt  }
0x73: {  	_ =	shalt  }
0x74: {  	_ =	shalt  }
0x75: {  	_ =	shalt  }
0x76: {  	_ =	shalt  }
0x77: {  	_ =	shalt  }
0x78: {  	_ =	shalt  }
0x79: {  	_ =	shalt  }
0x7a: {  	_ =	shalt  }
0x7b: {  	_ =	shalt  }
0x7c: {  	_ =	shalt  }
0x7d: {  	_ =	shalt  }
0x7e: {  	_ =	shalt  }
0x7f: {  	_ =	shalt  }
0x80: {  	_ =	shalt  }
0x81: {  	_ =	shalt  }
0x82: {  	_ =	shalt  }
0x83: {  	_ =	shalt  }
0x84: {  	_ =	shalt  }
0x85: {  	_ =	shalt  }
0x86: {  	_ =	shalt  }
0x87: {  	_ =	shalt  }
.Lfunc_end0:
.L_simem_size_0:
called_computation_lowered:
.L_overlay_start_0:
0x88: {  	s2 =	sld [smem:$0x3FD9]  }
0x89: {  	s3 =	sld [smem:$0x3FFE];
	_ =	sdelay $0x1  }
0x8a: {  	s1 =	srdreg.scid  }
0x8b: {  	s0 =	sand.u32 $0x1, s1  }
0x8c: {  	s18 =	sshll.u32 s0, $0xA;
	s2 =	sadd.s32 s3, s2  }
0x8d: {  	s2 =	sadd.s32 s2, s18  }
0x8e: {  	[smem:$0x3FC3] =	sst s2  }
0x8f: {  	_ = 	snop  }
0x90: {  	s2 =	sld [smem:$0x3FC9]  }
0x91: {  	s19 =	sld [smem:$0x3FC8]  }
0x92: {  	s4 =	sld [smem:$0x3FC7]  }
0x93: {  	s5 =	sld [smem:$0x3FC6]  }
0x94: {  	s6 =	sld [smem:$0x3FC5]  }
0x95: {  	s7 =	sld [smem:$0x3FD0];
	(tm) =	ssettm $0x1  }
0x96: {  	s8 =	sld [smem:$0x3FFB];
	_ =	sdelay $0x3  }
0x97: {  	_ =	strace s8  }
0x98: {  	s8 =	sld [smem:$0x3FFC];
	_ =	sdelay $0x3  }
0x99: {  	_ =	strace s8  }
0x9a: {  	s8 =	sld [smem:$0x3FFD];
	_ =	sdelay $0x3  }
0x9b: {  	_ =	strace s8  }
0x9c: {  	_ =	strace $0x8FFFFFFF  }
0x9d: {  	s20 =	sld [smem:$0x3FDB];
	_ =	sdelay $0x1  }
0x9e: {  	s9 =	simm.s32 $_scs_section_size  }
0x9f: {  	s10 =	simm.s32 $_size__tile_overlayer_lowered;
	s11 =	simm.s32 $_tile_overlayer_lowered  }
0xa0: {  	s23 =	simm.s32 $0x1BFF;
	s22 =	sshll.u32 s11, $0x1;
	s8 =	sadd.s32 s9, s20  }
0xa1: {  	s12 =	simm.s32 $0x0;
	s21 =	sshll.u32 s10, $0x1;
	s10 =	sadd.s32 s22, s8  }
0xa2: {  	[timem:s12], [sflag:s23] =	dma.local [hbm:s10], s21  }
0xa3: {  	_ =	swait.ge [sflag:s23], s21  }
0xa4: {  	s9 =	ssub.s32 $0x0, s21;
	[sflag:s23] =	ssyncset.done $0x0  }
0xa5: {  	[sflag:s23] =	ssyncadd.s32 s9;
	_ =	sdelay $0x1  }
0xa6: {  	s24 =	simm.s32 $0x1B8B  }
0xa7: {  	_ =	swait.ge [sflag:s24], $0x1  }
0xa8: {  	[sflag:s24] =	ssyncset.done $0x0  }
0xa9: {  	s25 =	simm.s32 $0x1B8E;
	[sflag:s24] =	ssyncadd.s32 $0xFFFFFFFF  }
0xaa: {  	s26 =	simm.s32 $execute0_lowered;
	[smem:$0x3FD2] =	sst s25  }
0xab: {  	s9 =	sshll.u32 s26, $0x1;
	_ =	strace $0x80000046;
	[dreg:$0x1] =	wrdreg $0xFFFFFFFF  }
0xac: {  	s28 =	simm.s32 $_size_execute0_lowered;
	s8 =	sadd.s32 s8, s9;
	[dreg:$0x0] =	wrdreg $0x0  }
0xad: {  	s9 =	sshll.u32 s28, $0x1;
	[dreg:$0x2] =	wrdreg s8  }
0xae: {  	[dreg:$0x3] =	wrdreg s9  }
0xaf: {  	[dreg:$0x4] =	wrdreg $0xC0  }
0xb0: {  	_ =	task [dreg:s12], $0x5FFFF  }
0xb1: {  	[dreg:$0x1] =	wrdreg $0xFFFFFFFF  }
0xb2: {  	[dreg:$0x0] =	wrdreg $0x60  }
0xb3: {  	[dreg:$0x2] =	wrdreg s2  }
0xb4: {  	[dreg:$0x3] =	wrdreg s19  }
0xb5: {  	[dreg:$0x4] =	wrdreg s4  }
0xb6: {  	[dreg:$0x5] =	wrdreg s5  }
0xb7: {  	[dreg:$0x6] =	wrdreg s6  }
0xb8: {  	[dreg:$0x7] =	wrdreg s7  }
0xb9: {  	[dreg:$0x8] =	wrdreg $0x10A000  }
0xba: {  	[dreg:$0x9] =	wrdreg $0x9  }
0xbb: {  	_ =	task.clear_ibuf [dreg:s12], $0xAFFFF;
	_ =	strace $0x90000046  }
0xbc: {  	s29 =	simm.s32 $0x9;
	_ =	strace $0x80000048  }
0xbd: {  	_ =	swait.ge [sflag:s29], $0x1  }
0xbe: {  	[sflag:s29] =	ssyncadd.s32 $0xFFFFFFFF  }
0xbf: {  	_ =	strace $0x90000048  }
0xc0: {  	_ =	sfence  }
0xc1: {  	s30 =	sld [smem:$0x0];
	_ =	sdelay $0x2  }
0xc2: {  	s31 =	sshll.u32 s1, $0xD;
	s1 =	sshrl.u32 s1, $0x2  }
0xc3: {  	s3 =	sand.u32 $0x4000, s31;
	s1 =	sadd.s32 s1, s30  }
0xc4: {  	s0 =	sor.u32 s3, s0;
	s1 =	sshll.u32 s1, $0x11  }
0xc5: {  	s0 =	sor.u32 s1, s0  }
0xc6: {  	s0 =	sadd.s32 $0x8F2B, s0  }
0xc7: {  	[sflag:s0] =	ssyncadd.remote.s32 $0x1  }
0xc8: {  	_ =	sfence.sel $0xFFFF  }
0xc9: {  	[dreg:$0x0] =	wrdreg $0xFFFFFFFF;
	(pc) =	sbr.abs _section_cstart, $3  }
0xca: {  	[dreg:$0x1] =	wrdreg $0xFFFFFFFF  }
0xcb: {  	_ =	task.clear_ibuf [dreg:s12], $0x2FFFF;
	_ =	strace $0x9FFFFFFF  }
0xcc: {  	(tm) =	ssettm $0x7FFFFFFF  }
0xcd: {  	_ =	shalt  }
tec
execute0_lowered:
.L_overlay_start_1:
0x0: {  	(tag) =	ssettag $0x1  }
0x1: {  	s1 =	rddreg [dreg:$0x0]  }
0x2: {  	s0 =	rddreg [dreg:$0x1]  }
0x3: {  	s2 =	rddreg [dreg:$0x5]  }
0x4: {  	s5 =	rddreg [dreg:$0x6];
	s3 =	srdreg.scid;
	s6 =	simm.s32 $0x0  }
0x5: {  	s4 =	stileid.u32;
	s29 =	simm.s32 $0x7;
	s30 =	simm.s32 $0x2  }
0x6: {  	s31 =	simm.s32 $0x3;
	s3 =	sand.u32 $0x1, s3;
	s8 =	sshll.u32 s4, $0x9  }
0x7: {  	v0 =	vimm.s32 $0x76543210;
	[smem:$0x7FF] =	sst s6;
	s10 =	sadd.s32 $0x8, s1;
	p0 =	sne.s32 s4, $0x0  }
0x8: {  	v1 =	vimm.s32 $0xFEDCBA98;
	v2 =	vimm.s32 $0xBA98FEDC;
	v3 =	vimm.s32 $0x32107654;
	s4 =	simm.s32 $0x1;
	s7 =	ssub.s32 $0x2, s3;
	s3 =	sshll.u32 s3, $0x8  }
0x9: {  	v4 =	vimm.s32 $0xDCFE98BA;
	v5 =	vimm.s32 $0x54761032;
	_ =	strace $0x80000047;
	s9 =	sshrl.u32 s7, $0x1;
	s3 =	sor.u32 s3, s8  }
0xa: {  	v6 =	vimm.s32 $0xEFCDAB89;
	v7 =	vimm.s32 $0x67452301;
	s12 =	ssub.s32 s7, s9;
	s8 =	sshrl.u32 s3, $0x1;
	s13 =	sor.u32 $0xC0, s3  }
0xb: {  	v1 =	vunpack.c.l.s4.s8 v1;
	v2 =	vunpack.c.l.s4.s8 v2;
	v3 =	vunpack.c.l.s4.s8 v3;
	s14 =	sor.u32 $0x80, s3;
	s3 =	sshll.u32 s3, $0x4;
	s7 =	sadd.s32 s1, s8  }
0xc: {  	v0 =	vunpack.c.l.s4.s8 v0;
	v4 =	vunpack.c.l.s4.s8 v4;
	v5 =	vunpack.c.l.s4.s8 v5;
	s8 =	sadd.s32 s8, s10;
	s22 =	sshrl.u32 s13, $0x1;
	s11 =	sshrl.u32 s14, $0x1  }
0xd: {  	v6 =	vunpack.c.l.s4.s8 v6;
	v2 =	vunpack.c.0.s8.s32 v2;
	v3 =	vunpack.c.0.s8.s32 v3;
	s24 =	sshll.u32 s14, $0x4;
	s25 =	sshll.u32 s13, $0x4;
	s28 =	smax.u32 s12, $0x1  }
0xe: {  	v7 =	vunpack.c.l.s4.s8 v7;
	v1 =	vunpack.c.0.s8.s32 v1;
	v4 =	vunpack.c.0.s8.s32 v4;
	s15 =	sand.u32 $0xFC0, s22;
	s9 =	sadd.s32 s1, s11;
	s11 =	sadd.s32 s2, s3  }
0xf: {  	v5 =	vunpack.c.0.s8.s32 v5;
	v0 =	vunpack.c.0.s8.s32 v0;
	v2 =	vcombine.low v3, v2;
	s1 =	sadd.s32 s2, s24;
	s26 =	sadd.s32 s2, s25;
	[dreg:$0xb] =	wrdreg s28  }
0x10: {  	v6 =	vunpack.c.0.s8.s32 v6;
	v7 =	vunpack.c.0.s8.s32 v7;
	v1 =	vand.u32 $0xF, v1;
	s16 =	sadd.s32 $0x10, s7;
	s17 =	sadd.s32 $0x20, s7;
	s18 =	sadd.s32 $0x10, s8  }
0x11: {  	v3 =	vcombine.low v5, v4;
	s19 =	sadd.s32 $0x20, s8;
	s25 =	simm.s32 $0x40;
	s2 =	simm.s32 $0x4;
	v1 =	vcombine.low v1, v0;
	v0 =	vand.u32 $0xF, v2  }
0x12: {  	v4 =	vcombine.low v7, v6;
	s3 =	simm.s32 $0x5;
	s24 =	simm.s32 $0x0;
	[dreg:$0x9] =	wrdreg s1;
	[tilespmem:$0x1FFC0] =	vst v0  }
0x13: {  	s10 =	sadd.s32 s15, s10;
	s23 =	sadd.s32 $0x400, s11;
	[dreg:$0xa] =	wrdreg s26;
	v0 =	vand.u32 $0xF, v3;
	[tilespmem:$0x1FFF0] =	vst v1  }
0x14: {  	s20 =	sadd.s32 $0x10, s9;
	s21 =	sadd.s32 $0x20, s9;
	s1 =	simm.s32 $0x6;
	[tilespmem:$0x1FFD0] =	vst v0;
	v0 =	vand.u32 $0xF, v4  }
0x15: {  	v5 =	vimm.s32 $0x0;
	[dreg:$0x8] =	wrdreg s23;
	s22 =	sadd.s32 $0x10, s10;
	s23 =	sadd.s32 $0x20, s10;
	[tilespmem:$0x1FFE0] =	vst v0  }
.LBB2_1:
0x16: {  	[tilespmem:s6], [sflag:$0x1] =	stream.linear.gather [hbm4b:s7+s6], $0x40, $0x38;
	[tilespmem:$0x14A00] =	vst v63  }
0x17: {  	s15 =	simm.s32 $0x80  }
0x18: {  	[tilespmem:s15], [sflag:$0x1] =	stream.linear.gather [hbm4b:s16+s6], $0x40, $0x38;
	[tilespmem:$0x14A00] =	vst v63  }
0x19: {  	s12 =	simm.s32 $0x100  }
0x1a: {  	[tilespmem:s12], [sflag:$0x1] =	stream.linear.gather [hbm4b:s17+s6], $0x40, $0x38;
	[tilespmem:$0x14A00] =	vst v63  }
0x1b: {  	s26 =	simm.s32 $0x200  }
0x1c: {  	[tilespmem:s26], [sflag:$0x1] =	stream.linear.gather [hbm4b:s8+s6], $0x40, $0x38;
	[tilespmem:$0x14A00] =	vst v63  }
0x1d: {  	s28 =	simm.s32 $0x280  }
0x1e: {  	[tilespmem:s28], [sflag:$0x1] =	stream.linear.gather [hbm4b:s18+s6], $0x40, $0x38;
	[tilespmem:$0x14A00] =	vst v63  }
0x1f: {  	s13 =	simm.s32 $0x300  }
0x20: {  	[tilespmem:s13], [sflag:$0x1] =	stream.linear.gather [hbm4b:s19+s6], $0x40, $0x38;
	[tilespmem:$0x14A00] =	vst v63  }
0x21: {  	s14 =	simm.s32 $0x400  }
0x22: {  	[tilespmem:s14], [sflag:$0x1] =	stream.linear.gather [hbm4b:s9+s6], $0x40, $0x38;
	[tilespmem:$0x14A00] =	vst v63  }
0x23: {  	s13 =	simm.s32 $0x480  }
0x24: {  	[tilespmem:s13], [sflag:$0x1] =	stream.linear.gather [hbm4b:s20+s6], $0x40, $0x38;
	[tilespmem:$0x14A00] =	vst v63  }
0x25: {  	s14 =	simm.s32 $0x500  }
0x26: {  	[tilespmem:s14], [sflag:$0x1] =	stream.linear.gather [hbm4b:s21+s6], $0x40, $0x38;
	[tilespmem:$0x14A00] =	vst v63  }
0x27: {  	s13 =	simm.s32 $0x600  }
0x28: {  	[tilespmem:s13], [sflag:$0x1] =	stream.linear.gather [hbm4b:s10+s6], $0x40, $0x38;
	[tilespmem:$0x14A00] =	vst v63  }
0x29: {  	s14 =	simm.s32 $0x680  }
0x2a: {  	[tilespmem:s14], [sflag:$0x1] =	stream.linear.gather [hbm4b:s22+s6], $0x40, $0x38;
	[tilespmem:$0x14A00] =	vst v63  }
0x2b: {  	s13 =	simm.s32 $0x700  }
0x2c: {  	[tilespmem:s13], [sflag:$0x1] =	stream.linear.gather [hbm4b:s23+s6], $0x40, $0x38;
	[tilespmem:$0x14A00] =	vst v63  }
0x2d: {  	s14 =	rddreg [dreg:$0x3];
	s13 =	simm.s32 $0x10800  }
0x2e: {  	[tilespmem:s13], [sflag:$0x7] =	stream.linear.gather [hbm4b:s14+s6], $0x100, $0x38;
	[tilespmem:$0x14A00] =	vst v63  }
0x2f: {  	_ =	swait.ge [sflag:s29], $0x100  }
0x30: {  	[sflag:s29] =	ssyncset.done $0x0  }
0x31: {  	[sflag:s29] =	ssyncadd.s32 $0xFFFFFF00  }
0x32: {  	s14 =	simm.s32 $0x10900;
	s13 =	rddreg [dreg:$0x4]  }
0x33: {  	[tilespmem:s14], [sflag:$0x7] =	stream.linear.gather [hbm4b:s13+s6], $0x100, $0x38;
	[tilespmem:$0x14A00] =	vst v63  }
0x34: {  	_ =	swait.ge [sflag:s29], $0x100  }
0x35: {  	[sflag:s29] =	ssyncset.done $0x0  }
0x36: {  	[sflag:s29] =	ssyncadd.s32 $0xFFFFFF00  }
0x37: {  	s12 =	sshrl.u32 @!p0 s5, $0x3;
	s13 =	simm.s32 @!p0 $0x1C07;
	s14 =	rddreg [dreg:$0x2]  }
0x38: {  	[spmem:s12], [sflag:s13] =	dma.local @!p0 [hbm:s14], $0x8000  }
0x39: {  	s12 =	simm.s32 @!p0 $0x7  }
0x3a: {  	_ =	swait.ge @!p0 [sflag:s12], $0x8000  }
0x3b: {  	[sflag:s12] =	ssyncset.done @!p0 $0x0  }
0x3c: {  	[sflag:s12] =	ssyncadd.s32 @!p0 $0xFFFF8000  }
0x3d: {  	[bflag:$0x0] =	sbarrier.arrive $0xFFFF  }
0x3e: {  	_ =	swait.ge [sflag:s4], $0xC0  }
0x3f: {  	[sflag:s4] =	ssyncset.done $0x0  }
0x40: {  	[sflag:s4] =	ssyncadd.s32 $0xFFFFFF40  }
0x41: {  	_ =	swait.ge [sflag:s4], $0xC0  }
0x42: {  	[sflag:s4] =	ssyncset.done $0x0  }
0x43: {  	[sflag:s4] =	ssyncadd.s32 $0xFFFFFF40  }
0x44: {  	_ =	swait.ge [sflag:s4], $0xC0  }
0x45: {  	[sflag:s4] =	ssyncset.done $0x0  }
0x46: {  	[sflag:s4] =	ssyncadd.s32 $0xFFFFFF40  }
0x47: {  	_ =	swait.ge [sflag:s4], $0xC0  }
0x48: {  	[sflag:s4] =	ssyncset.done $0x0  }
0x49: {  	[sflag:s4] =	ssyncadd.s32 $0xFFFFFF40  }
0x4a: {  	v0 =	vld [tilespmem:$0x10820];
	_ =	sdelay $0x4  }
0x4b: {  	[tilespmem:$0x1FED0] =	vst v0;
	v0 =	vld [tilespmem:$0x10830];
	_ =	sdelay $0x4  }
0x4c: {  	[tilespmem:$0x1FEF0] =	vst v0;
	v0 =	vld [tilespmem:$0x10840];
	_ =	sdelay $0x4  }
0x4d: {  	[tilespmem:$0x1FF00] =	vst v0;
	v0 =	vld [tilespmem:$0x10850];
	_ =	sdelay $0x4  }
0x4e: {  	[tilespmem:$0x1FF60] =	vst v0;
	v0 =	vld [tilespmem:$0x10860];
	_ =	sdelay $0x4  }
0x4f: {  	[tilespmem:$0x1FF70] =	vst v0;
	v0 =	vld [tilespmem:$0x10870];
	_ =	sdelay $0x4  }
0x50: {  	[tilespmem:$0x1FEC0] =	vst v0;
	v0 =	vld [tilespmem:$0x10880];
	_ =	sdelay $0x4  }
0x51: {  	[tilespmem:$0x1FF10] =	vst v0;
	v0 =	vld [tilespmem:$0x10890];
	_ =	sdelay $0x4  }
0x52: {  	[tilespmem:$0x1FF20] =	vst v0;
	v0 =	vld [tilespmem:$0x108A0];
	_ =	sdelay $0x4  }
0x53: {  	[tilespmem:$0x1FF30] =	vst v0;
	v0 =	vld [tilespmem:$0x108B0];
	_ =	sdelay $0x3  }
0x54: {  	v20 =	vld [tilespmem:$0x10800]  }
0x55: {  	[tilespmem:$0x1FF40] =	vst v0;
	v0 =	vld [tilespmem:$0x108C0]  }
0x56: {  	v18 =	vld [tilespmem:$0x10810]  }
0x57: {  	v22 =	vld [tilespmem:$0x10900]  }
0x58: {  	v23 =	vld [tilespmem:$0x10910]  }
0x59: {  	v24 =	vld [tilespmem:$0x10920]  }
0x5a: {  	[tilespmem:$0x1FF50] =	vst v0;
	v0 =	vld [tilespmem:$0x108D0]  }
0x5b: {  	v25 =	vld [tilespmem:$0x10930]  }
0x5c: {  	v26 =	vld [tilespmem:$0x10940]  }
0x5d: {  	v27 =	vld [tilespmem:$0x10950]  }
0x5e: {  	v28 =	vld [tilespmem:$0x10960]  }
0x5f: {  	[tilespmem:$0x1FF80] =	vst v0;
	v0 =	vld [tilespmem:$0x108E0]  }
0x60: {  	v29 =	vld [tilespmem:$0x10970]  }
0x61: {  	v30 =	vld [tilespmem:$0x10990]  }
0x62: {  	v31 =	vld [tilespmem:$0x109A0]  }
0x63: {  	v32 =	vld [tilespmem:$0x109B0]  }
0x64: {  	[tilespmem:$0x1FF90] =	vst v0;
	v0 =	vld [tilespmem:$0x108F0]  }
0x65: {  	v33 =	vld [tilespmem:$0x109C0]  }
0x66: {  	v34 =	vld [tilespmem:$0x109D0]  }
0x67: {  	v35 =	vld [tilespmem:$0x109E0]  }
0x68: {  	s13 =	simm.s32 $0x800;
	v36 =	vld [tilespmem:$0x109F0]  }
0x69: {  	[tilespmem:$0x1FEE0] =	vst v0;
	v0 =	vld [tilespmem:$0x10980];
	[tilespmem:s13], [sflag:$0x2] =	stream.indirect.gather [hbm4b:s0+s25], $0x80, s6, s25, $0xb8  }
0x6a: {  	s14 =	simm.s32 $0x4800  }
0x6b: {  	[tilespmem:s14], [sflag:$0x3] =	stream.indirect.gather [spmem:s5], $0x80, s15, s25, $0xb8;
	[tilespmem:$0x14A00] =	vst v63  }
0x6c: {  	s15 =	simm.s32 $0x2800  }
0x6d: {  	[tilespmem:s15], [sflag:$0x4] =	stream.indirect.gather [hbm4b:s0+s25], $0x80, s26, s25, $0xb8;
	[tilespmem:$0x14A00] =	vst v63  }
0x6e: {  	s26 =	simm.s32 $0x6800  }
0x6f: {  	[tilespmem:s26], [sflag:$0x5] =	stream.indirect.gather [spmem:s5], $0x80, s28, s25, $0xb8;
	[tilespmem:$0x14A00] =	vst v63  }
0x70: {  	_ =	swait.ge [sflag:s30], $0x2000  }
0x71: {  	[sflag:s30] =	ssyncset.done $0x0  }
0x72: {  	[sflag:s30] =	ssyncadd.s32 $0xFFFFE000  }
0x73: {  	_ =	swait.ge [sflag:s31], $0x2000  }
0x74: {  	[sflag:s31] =	ssyncset.done $0x0  }
0x75: {  	s12 =	simm.s32 $0x880;
	[sflag:s31] =	ssyncadd.s32 $0xFFFFE000  }
0x76: {  	s15 =	simm.s32 $0x4880;
	v37 =	vld [tilespmem:s12+$0x0]  }
0x77: {  	v38 =	vld [tilespmem:s15+$0x0]  }
0x78: {  	v39 =	vld [tilespmem:s12+$0x10]  }
0x79: {  	v40 =	vld [tilespmem:s15+$0x10]  }
0x7a: {  	v41 =	vld [tilespmem:s12+$0x20]  }
0x7b: {  	v42 =	vld [tilespmem:s15+$0x20]  }
0x7c: {  	v43 =	vld [tilespmem:s12+$0x30]  }
0x7d: {  	v44 =	vld [tilespmem:s15+$0x30]  }
0x7e: {  	s26 =	simm.s32 $0x101;
	v45 =	vld [tilespmem:s12+$0x40]  }
0x7f: {  	v46 =	vld [tilespmem:s26+$0x0]  }
0x80: {  	v47 =	vld [tilespmem:s15+$0x40]  }
0x81: {  	v48 =	vld [tilespmem:s12+$0x50]  }
0x82: {  	v57 =	vsub.f32 v0, v22;
	v0 =	vld [tilespmem:s15+$0x50]  }
0x83: {  	v49 =	vld [tilespmem:s12+$0x60]  }
0x84: {  	v30 =	vsub.f32 v30, v23;
	v31 =	vsub.f32 v31, v24;
	v50 =	vld [tilespmem:s15+$0x60]  }
0x85: {  	v32 =	vsub.f32 v32, v25;
	v33 =	vsub.f32 v33, v26;
	v51 =	vld [tilespmem:s12+$0x70];
	v46 =	vperm.xlane v46, v5  }
0x86: {  	v34 =	vsub.f32 v34, v27;
	v35 =	vsub.f32 v35, v28;
	v21 =	vld [tilespmem:s15+$0x70]  }
0x87: {  	v36 =	vsub.f32 v36, v29;
	v63 =	vld [tilespmem:s26+$0xFFFFFFFF];
	v37 =	vadd.f32 v38, v37;
	v46 =	vcvt.s32.f32 v46  }
0x88: {  	v39 =	vadd.f32 v40, v39;
	v56 =	vadd.f32 v42, v41  }
0x89: {  	v58 =	vadd.f32 v44, v43;
	v59 =	vadd.f32 v47, v45;
	v60 =	vmul.f32 v46, v57  }
0x8a: {  	v0 =	vadd.f32 v0, v48;
	v49 =	vadd.f32 v50, v49;
	v61 =	vmul.f32 v46, v30  }
0x8b: {  	v38 =	vadd.f32 v21, v51;
	v62 =	vmul.f32 v46, v31;
	v43 =	vadd.f32 v60, v22  }
0x8c: {  	v47 =	vperm.xlane v63, v5;
	v4 =	vmul.f32 v46, v32;
	v44 =	vadd.f32 v61, v23  }
0x8d: {  	v7 =	vmul.f32 v46, v35;
	v45 =	vadd.f32 v62, v24;
	v9 =	vadd.f32 v43, v37  }
0x8e: {  	v40 =	vcvt.s32.f32 v47;
	v48 =	vadd.f32 v4, v25;
	v10 =	vadd.f32 v39, v44  }
0x8f: {  	v53 =	vld [tilespmem:s12+$0xFFFFFF80];
	v6 =	vmul.f32 v46, v33;
	v51 =	vadd.f32 v7, v28;
	v2 =	vadd.f32 v56, v45;
	[tilespmem:$0x1FE20] =	vst v9  }
0x90: {  	v52 =	vmul.f32 v46, v34;
	v46 =	vmul.f32 v46, v36;
	v3 =	vadd.f32 v58, v48;
	v37 =	vld [tilespmem:s15+$0xFFFFFF80];
	[tilespmem:$0x1FE30] =	vst v10  }
0x91: {  	v8 =	vmul.f32 v40, v57;
	v50 =	vadd.f32 v6, v26;
	v6 =	vadd.f32 v49, v51;
	[tilespmem:$0x1FE40] =	vst v2  }
0x92: {  	v52 =	vadd.f32 v52, v27;
	v39 =	vld [tilespmem:s12+$0xFFFFFF90];
	[tilespmem:$0x1FE50] =	vst v3  }
0x93: {  	v46 =	vadd.f32 v46, v29;
	v42 =	vadd.f32 v8, v22;
	v8 =	vmul.f32 v40, v30;
	v41 =	vld [tilespmem:s15+$0xFFFFFF90];
	[tilespmem:$0x1FE80] =	vst v6  }
0x94: {  	v4 =	vadd.f32 v59, v50;
	v11 =	vadd.f32 v0, v52;
	v0 =	vld [tilespmem:s12+$0xFFFFFFA0]  }
0x95: {  	v12 =	vadd.f32 v38, v46;
	v50 =	vadd.f32 v8, v23;
	v43 =	vld [tilespmem:s15+$0xFFFFFFA0]  }
0x96: {  	v58 =	vmul.f32 v40, v35;
	v38 =	vadd.f32 v10, v9;
	v44 =	vadd.f32 v3, v2;
	v47 =	vld [tilespmem:s12+$0xFFFFFFB0];
	[tilespmem:$0x1FE60] =	vst v4  }
0x97: {  	v13 =	vmul.f32 v9, v9;
	v14 =	vmul.f32 v10, v10;
	v15 =	vadd.f32 v11, v4;
	[tilespmem:$0x1FE70] =	vst v11  }
0x98: {  	v21 =	vadd.f32 v12, v6;
	v54 =	vmul.f32 v4, v4;
	v55 =	vmul.f32 v11, v11;
	v19 =	vld [tilespmem:s15+$0xFFFFFFB0];
	[tilespmem:$0x1FE90] =	vst v12  }
0x99: {  	v59 =	vmul.f32 v6, v6;
	v60 =	vmul.f32 v12, v12;
	v51 =	vadd.f32 v58, v28;
	v56 =	vld [tilespmem:s12+$0xFFFFFFC0]  }
0x9a: {  	v16 =	vmul.f32 v2, v2;
	v45 =	vadd.f32 v14, v13;
	v54 =	vadd.f32 v55, v54;
	v61 =	vld [tilespmem:s15+$0xFFFFFFC0]  }
0x9b: {  	v17 =	vmul.f32 v3, v3;
	v9 =	vadd.f32 v60, v59;
	v38 =	vadd.f32 v44, v38;
	v7 =	vld [tilespmem:s12+$0xFFFFFFD0]  }
0x9c: {  	v44 =	vadd.f32 v21, v15;
	v13 =	vmul.f32 v40, v32;
	v15 =	vmul.f32 v40, v33;
	v10 =	vld [tilespmem:s15+$0xFFFFFFD0]  }
0x9d: {  	v6 =	vadd.f32 v17, v16;
	v46 =	vadd.f32 v9, v54;
	v12 =	vld [tilespmem:s12+$0xFFFFFFE0]  }
0x9e: {  	v17 =	vmul.f32 v40, v34;
	v60 =	vadd.f32 v13, v25;
	v62 =	vadd.f32 v15, v26;
	v14 =	vld [tilespmem:s15+$0xFFFFFFE0]  }
0x9f: {  	v11 =	vmul.f32 v40, v31;
	v38 =	vadd.f32 v44, v38;
	v45 =	vadd.f32 v6, v45;
	v16 =	vld [tilespmem:s12+$0xFFFFFFF0]  }
0xa0: {  	v40 =	vmul.f32 v40, v36;
	v63 =	vadd.f32 v17, v27;
	v37 =	vadd.f32 v37, v53;
	v21 =	vld [tilespmem:s15+$0xFFFFFFF0]  }
0xa1: {  	v48 =	vadd.f32 v11, v24;
	v39 =	vadd.f32 v41, v39  }
0xa2: {  	v40 =	vadd.f32 v40, v29;
	v0 =	vadd.f32 v43, v0  }
0xa3: {  	v19 =	vadd.f32 v19, v47;
	v15 =	vadd.f32 v39, v50  }
0xa4: {  	v56 =	vadd.f32 v61, v56;
	v59 =	vadd.f32 v10, v7  }
0xa5: {  	v52 =	vadd.f32 v14, v12;
	v41 =	vadd.f32 v21, v16  }
0xa6: {  	v14 =	vadd.f32 v42, v37;
	v21 =	vadd.f32 v0, v48  }
0xa7: {  	v16 =	vadd.f32 v19, v60;
	v7 =	vmul.f32 v15, v15;
	v17 =	vadd.f32 v56, v62  }
0xa8: {  	v0 =	vmul.f32 v14, v14;
	v63 =	vadd.f32 v59, v63;
	v19 =	vadd.f32 v52, v51  }
0xa9: {  	v3 =	vadd.f32 v41, v40;
	v39 =	vadd.f32 v15, v14;
	v9 =	vmul.f32 v21, v21  }
0xaa: {  	v2 =	vld [tilespmem:$0x1FFE0];
	v62 =	vadd.f32 v46, v45;
	v8 =	vadd.f32 v16, v21;
	v10 =	vmul.f32 v16, v16;
	[tilespmem:$0x1FEA0] =	vst v63  }
0xab: {  	s26 =	simm.s32 $0x4980;
	[tilespmem:$0x1FEB0] =	vst v3;
	v12 =	vmul.f32 v17, v17;
	v51 =	vadd.f32 v3, v19;
	v53 =	vmul.f32 v3, v3;
	v3 =	vld [tilespmem:$0x1FFC0]  }
0xac: {  	s15 =	simm.s32 $0x980;
	v11 =	vadd.f32 v63, v17;
	v13 =	vmul.f32 v63, v63;
	v52 =	vmul.f32 v19, v19;
	v49 =	vld [tilespmem:s26+$0x10]  }
0xad: {  	v0 =	vadd.f32 v7, v0;
	v55 =	vadd.f32 v10, v9;
	v48 =	vld [tilespmem:s15+$0x20]  }
0xae: {  	v47 =	vld [tilespmem:s26+$0x20];
	v58 =	vadd.f32 v13, v12;
	v59 =	vadd.f32 v53, v52  }
0xaf: {  	v63 =	vperm.xlane v38, v1;
	v39 =	vadd.f32 v8, v39;
	v56 =	vld [tilespmem:s15+$0x40];
	v60 =	vadd.f32 v51, v11  }
0xb0: {  	v4 =	vperm.xlane v62, v1;
	v45 =	vld [tilespmem:s26+$0x40];
	v0 =	vadd.f32 v55, v0;
	v61 =	vadd.f32 v59, v58  }
0xb1: {  	v53 =	vld [tilespmem:s15+$0x10];
	v38 =	vadd.f32 v38, v63;
	v39 =	vadd.f32 v60, v39  }
0xb2: {  	s28 =	simm.s32 $0x103;
	v8 =	vadd.f32 v62, v4;
	v4 =	vld [tilespmem:$0x1FFD0];
	v0 =	vadd.f32 v61, v0  }
0xb3: {  	v13 =	vld [tilespmem:s28+$0x0];
	v9 =	vperm.xlane v38, v3;
	v6 =	vperm.xlane v39, v1  }
0xb4: {  	v46 =	vld [tilespmem:s26+$0x30];
	v47 =	vadd.f32 v47, v48;
	v7 =	vperm.xlane v0, v1  }
0xb5: {  	v52 =	vld [tilespmem:s15+$0x30];
	v10 =	vperm.xlane v8, v3;
	v38 =	vadd.f32 v38, v9;
	v39 =	vadd.f32 v39, v6  }
0xb6: {  	v54 =	vld [tilespmem:s26+$0x0];
	v45 =	vadd.f32 v45, v56;
	v0 =	vadd.f32 v0, v7  }
0xb7: {  	v55 =	vld [tilespmem:s15+$0x0];
	v40 =	vadd.f32 v8, v10;
	v42 =	vperm.xlane v38, v4;
	v11 =	vperm.xlane v39, v3  }
0xb8: {  	v44 =	vperm.xlane v13, v5;
	v49 =	vadd.f32 v49, v53;
	v12 =	vperm.xlane v0, v3  }
0xb9: {  	v50 =	vld [tilespmem:s15+$0x50];
	v43 =	vperm.xlane v40, v4;
	v38 =	vadd.f32 v38, v42;
	v39 =	vadd.f32 v39, v11  }
0xba: {  	v46 =	vadd.f32 v46, v52;
	v6 =	vld [tilespmem:s26+$0x50];
	v41 =	vcvt.s32.f32 v44;
	v0 =	vadd.f32 v0, v12  }
0xbb: {  	v9 =	vld [tilespmem:s15+$0x60];
	v61 =	vmovc v1;
	v40 =	vadd.f32 v40, v43;
	v7 =	vperm.xlane v38, v2;
	v58 =	vperm.xlane v39, v4  }
0xbc: {  	v1 =	vmovc v3;
	v37 =	vadd.f32 v54, v55;
	v56 =	vmul.f32 v41, v31;
	v12 =	vld [tilespmem:s26+$0x60];
	v59 =	vperm.xlane v0, v4  }
0xbd: {  	v3 =	vmovc v57;
	v8 =	vperm.xlane v40, v2;
	v39 =	vadd.f32 v39, v58;
	v58 =	vadd.f32 v38, v7  }
0xbe: {  	v38 =	vmul.f32 v41, v3;
	v7 =	vmul.f32 v41, v32;
	v0 =	vadd.f32 v0, v59  }
0xbf: {  	v51 =	vadd.f32 v6, v50;
	v60 =	vadd.f32 v40, v8;
	v10 =	vperm.xlane v39, v2  }
0xc0: {  	v55 =	vadd.f32 v38, v22;
	v42 =	vadd.f32 v7, v25;
	v11 =	vperm.xlane v0, v2  }
0xc1: {  	v13 =	vld [tilespmem:s15+$0x70];
	v38 =	vmul.f32 v41, v35;
	v53 =	vadd.f32 v12, v9;
	v12 =	vadd.f32 v56, v24  }
0xc2: {  	v57 =	vadd.f32 v39, v10;
	v39 =	vmul.f32 v41, v30;
	v59 =	vadd.f32 v0, v11;
	v0 =	vld [tilespmem:s26+$0x70]  }
0xc3: {  	v8 =	vadd.f32 v55, v37;
	v37 =	vmul.f32 v41, v34;
	v44 =	vadd.f32 v38, v28  }
0xc4: {  	v43 =	vld [tilespmem:s15+$0xFFFFFFB0];
	v50 =	vadd.f32 v39, v23;
	v11 =	vadd.f32 v47, v12  }
0xc5: {  	v54 =	vadd.f32 v37, v27;
	v12 =	vadd.f32 v46, v42;
	v46 =	vld [tilespmem:s15+$0xFFFFFF80]  }
0xc6: {  	v9 =	vadd.f32 v53, v44;
	v44 =	vld [tilespmem:s15+$0xFFFFFF90];
	v10 =	vadd.f32 v49, v50  }
0xc7: {  	v49 =	vld [tilespmem:s26+$0xFFFFFF90];
	v63 =	vadd.f32 v0, v13;
	v13 =	vmul.f32 v41, v33;
	v41 =	vmul.f32 v41, v36  }
0xc8: {  	v42 =	vld [tilespmem:s26+$0xFFFFFFB0];
	v7 =	vadd.f32 v51, v54;
	v56 =	vadd.f32 v12, v11  }
0xc9: {  	v50 =	vld [tilespmem:s28+$0xFFFFFFFF];
	v37 =	vmul.f32 v11, v11;
	v38 =	vmul.f32 v12, v12;
	v41 =	vadd.f32 v41, v29  }
0xca: {  	v62 =	vmul.f32 v8, v8;
	v51 =	vld [tilespmem:s15+$0xFFFFFFA0];
	v55 =	vadd.f32 v10, v8;
	v52 =	vadd.f32 v13, v26  }
0xcb: {  	v54 =	vld [tilespmem:s26+$0xFFFFFFA0];
	v53 =	vadd.f32 v38, v37;
	v13 =	vadd.f32 v63, v41;
	v63 =	vmul.f32 v10, v10  }
0xcc: {  	v40 =	vmul.f32 v7, v7;
	v44 =	vadd.f32 v49, v44;
	v49 =	vld [tilespmem:s26+$0xFFFFFFF0];
	v6 =	vadd.f32 v45, v52  }
0xcd: {  	v47 =	vadd.f32 v56, v55;
	v56 =	vmul.f32 v9, v9;
	v45 =	vld [tilespmem:s26+$0xFFFFFF80];
	v48 =	vadd.f32 v63, v62  }
0xce: {  	v41 =	vld [tilespmem:s26+$0xFFFFFFC0];
	v55 =	vmul.f32 v6, v6;
	v62 =	vmul.f32 v13, v13;
	v63 =	vadd.f32 v7, v6  }
0xcf: {  	v39 =	vmul.f32 $7.812500000e-03, v57;
	v0 =	vadd.f32 v13, v9;
	v48 =	vadd.f32 v53, v48;
	v53 =	vld [tilespmem:s15+$0xFFFFFFC0]  }
0xd0: {  	v40 =	vadd.f32 v40, v55;
	v38 =	vadd.f32 v62, v56;
	v55 =	vmul.f32 $7.812500000e-03, v58;
	v58 =	vld [tilespmem:s15+$0xFFFFFFD0]  }
0xd1: {  	v42 =	vadd.f32 v42, v43;
	v0 =	vadd.f32 v0, v63;
	v63 =	vld [tilespmem:s26+$0xFFFFFFE0];
	v56 =	vperm.xlane v50, v5  }
0xd2: {  	v57 =	vmul.f32 $7.812500000e-03, v59;
	v37 =	vadd.f32 v45, v46;
	v46 =	vld [tilespmem:s15+$0xFFFFFFF0];
	v38 =	vadd.f32 v38, v40  }
0xd3: {  	v0 =	vadd.f32 v0, v47;
	v47 =	vmul.f32 $7.812500000e-03, v60;
	v60 =	vld [tilespmem:s26+$0xFFFFFFD0];
	v45 =	vcvt.s32.f32 v56  }
0xd4: {  	v52 =	vmul.f32 v39, v39;
	v40 =	vld [tilespmem:s15+$0xFFFFFFE0];
	v38 =	vadd.f32 v38, v48;
	v48 =	vmul.f32 v55, v55  }
0xd5: {  	v50 =	vadd.f32 v54, v51;
	v62 =	vperm.xlane v0, v61;
	v56 =	vmul.f32 v45, v32  }
0xd6: {  	[tilespmem:$0x1FD80] =	vst v32;
	v32 =	vmul.f32 v45, v35;
	v43 =	vadd.f32 v41, v53;
	v47 =	vsub.f32 v47, v48  }
0xd7: {  	v48 =	vsub.f32 v57, v52;
	v52 =	vperm.xlane v38, v61;
	v0 =	vadd.f32 v0, v62  }
0xd8: {  	v62 =	vmul.f32 v45, v3;
	v46 =	vadd.f32 v49, v46;
	v53 =	vadd.f32 v60, v58  }
0xd9: {  	v54 =	vadd.f32 v63, v40;
	v38 =	vadd.f32 v38, v52;
	v59 =	vperm.xlane v0, v1  }
0xda: {  	[tilespmem:$0x1FD20] =	vst v3;
	v63 =	vmul.f32 v45, v30;
	v58 =	vmul.f32 v45, v33;
	v60 =	vadd.f32 v56, v25  }
0xdb: {  	[tilespmem:$0x1FD90] =	vst v33;
	v33 =	vmul.f32 v45, v36;
	v0 =	vadd.f32 v0, v59;
	v5 =	vperm.xlane v38, v1  }
0xdc: {  	[tilespmem:$0x1FD40] =	vst v22;
	v41 =	vadd.f32 v62, v22;
	v22 =	vmul.f32 v45, v31;
	v62 =	vadd.f32 $9.999999960e-13, v47  }
0xdd: {  	[tilespmem:$0x1FD60] =	vst v23;
	v40 =	vadd.f32 v63, v23;
	v57 =	vadd.f32 v38, v5;
	v59 =	vperm.xlane v0, v4  }
0xde: {  	[tilespmem:$0x1FDC0] =	vst v34;
	v23 =	vadd.f32 v42, v60;
	v63 =	vmul.f32 v45, v34;
	v3 =	vadd.f32 v41, v37  }
0xdf: {  	[tilespmem:$0x1FDE0] =	vst v36;
	v41 =	vadd.f32 v22, v24;
	v38 =	vadd.f32 v0, v59;
	v36 =	vperm.xlane v57, v4  }
0xe0: {  	[tilespmem:$0x1FDD0] =	vst v35;
	v35 =	vshra.s32 v62, $0x1;
	v42 =	vmul.f32 $5.000000000e-01, v62;
	v34 =	vadd.f32 v63, v27  }
0xe1: {  	v22 =	vadd.f32 v50, v41;
	v50 =	vadd.f32 v57, v36;
	v52 =	vperm.xlane v38, v2  }
0xe2: {  	v49 =	vsub.s32 $0x5F3759DF, v35;
	v5 =	vadd.f32 v44, v40;
	v44 =	vadd.f32 v58, v26  }
0xe3: {  	v47 =	vadd.f32 v53, v34;
	v0 =	vperm.xlane v50, v2;
	v38 =	vadd.f32 v38, v52  }
0xe4: {  	[tilespmem:$0x1FD70] =	vst v24;
	v37 =	vmul.f32 v49, v42;
	v24 =	vadd.f32 v43, v44;
	v43 =	vadd.f32 v32, v28  }
0xe5: {  	v40 =	vmul.f32 v47, v47;
	v0 =	vadd.f32 v50, v0;
	v38 =	vmul.f32 $7.812500000e-03, v38  }
0xe6: {  	v45 =	vadd.f32 v54, v43;
	v43 =	vmul.f32 v49, v37;
	v37 =	vmul.f32 v24, v24  }
0xe7: {  	v0 =	vmul.f32 $7.812500000e-03, v0;
	v63 =	vmul.f32 v38, v38;
	_ =	sdelay $0x1  }
0xe8: {  	v57 =	vadd.f32 v40, v37;
	v40 =	vsub.f32 v0, v63;
	v0 =	vld [tilespmem:$0x1FE20];
	_ =	sdelay $0x1  }
0xe9: {  	v44 =	vadd.f32 v33, v29  }
0xea: {  	[tilespmem:$0x1FDA0] =	vst v25;
	v25 =	vmul.f32 v3, v3;
	v32 =	vmul.f32 v5, v5  }
0xeb: {  	v46 =	vadd.f32 v46, v44  }
0xec: {  	v44 =	vadd.f32 v32, v25;
	v32 =	vsub.f32 v0, v55;
	v0 =	vld [tilespmem:$0x1FE30];
	_ =	sdelay $0x2  }
0xed: {  	v33 =	vadd.f32 v47, v24;
	v34 =	vadd.f32 v46, v45;
	_ =	sdelay $0x1  }
0xee: {  	v58 =	vadd.f32 v34, v33;
	v33 =	vsub.f32 v0, v55;
	v0 =	vld [tilespmem:$0x1FE40];
	_ =	sdelay $0x4  }
0xef: {  	v34 =	vsub.f32 v0, v55;
	v0 =	vld [tilespmem:$0x1FE50];
	_ =	sdelay $0x2  }
0xf0: {  	v35 =	vmul.f32 v22, v22;
	v36 =	vmul.f32 v23, v23;
	_ =	sdelay $0x1  }
0xf1: {  	v54 =	vadd.f32 v36, v35;
	v35 =	vsub.f32 v0, v55;
	v0 =	vld [tilespmem:$0x1FE60]  }
0xf2: {  	[tilespmem:$0x1FDB0] =	vst v26  }
0xf3: {  	[tilespmem:$0x1FDF0] =	vst v27;
	v26 =	vadd.f32 v5, v3;
	v27 =	vadd.f32 v23, v22  }
0xf4: {  	v48 =	vadd.f32 $9.999999960e-13, v48  }
0xf5: {  	v53 =	vadd.f32 v27, v26;
	v43 =	vsub.f32 $1.500000000e+00, v43  }
0xf6: {  	v41 =	vmul.f32 v45, v45;
	v51 =	vmul.f32 v46, v46;
	v59 =	vsub.f32 v0, v55;
	v0 =	vld [tilespmem:$0x1FE70]  }
0xf7: {  	v43 =	vmul.f32 v49, v43;
	v53 =	vadd.f32 v58, v53  }
0xf8: {  	v49 =	vmul.f32 $5.000000000e-01, v48;
	v48 =	vshra.s32 v48, $0x1;
	v58 =	vadd.f32 v51, v41  }
0xf9: {  	v48 =	vsub.s32 $0x5F3759DF, v48;
	v60 =	vperm.xlane v53, v61  }
0xfa: {  	v44 =	vadd.f32 v54, v44;
	v27 =	vmul.f32 v48, v49;
	v62 =	vadd.f32 v58, v57  }
0xfb: {  	v50 =	vadd.f32 v53, v60;
	v60 =	vsub.f32 v0, v55;
	v0 =	vld [tilespmem:$0x1FE80]  }
0xfc: {  	v44 =	vadd.f32 v62, v44;
	v53 =	vmul.f32 v48, v27;
	_ =	sdelay $0x1  }
0xfd: {  	v26 =	vperm.xlane v44, v61;
	v53 =	vsub.f32 $1.500000000e+00, v53  }
0xfe: {  	v42 =	vmul.f32 v43, v42  }
0xff: {  	v44 =	vadd.f32 v44, v26;
	v48 =	vmul.f32 v48, v53;
	v26 =	vsub.f32 v0, v55;
	v0 =	vld [tilespmem:$0x1FE90]  }
0x100: {  	v42 =	vmul.f32 v42, v43  }
0x101: {  	v25 =	vperm.xlane v50, v1;
	v49 =	vmul.f32 v48, v49  }
0x102: {  	v42 =	vsub.f32 $1.500000000e+00, v42  }
0x103: {  	v63 =	vsub.f32 v14, v39;
	v50 =	vadd.f32 v50, v25;
	v49 =	vmul.f32 v49, v48  }
0x104: {  	v42 =	vmul.f32 v42, v43;
	v55 =	vsub.f32 v0, v55;
	v0 =	vperm.xlane v44, v1  }
0x105: {  	v57 =	vsub.f32 v15, v39;
	v25 =	vperm.xlane v50, v4;
	v49 =	vsub.f32 $1.500000000e+00, v49;
	v1 =	vld [tilespmem:$0x1FEB0]  }
0x106: {  	v52 =	vmul.f32 v42, v32;
	v32 =	vmul.f32 v42, v33;
	v43 =	vadd.f32 v44, v0;
	v0 =	vld [tilespmem:$0x1FEA0]  }
0x107: {  	v41 =	vadd.f32 v50, v25;
	v48 =	vmul.f32 v49, v48;
	v33 =	vmul.f32 v42, v34  }
0x108: {  	v49 =	vsub.f32 v17, v39;
	v35 =	vmul.f32 v42, v35;
	v59 =	vmul.f32 v42, v59  }
0x109: {  	v61 =	vmul.f32 v42, v60;
	v60 =	vsub.f32 v16, v39;
	v14 =	vmul.f32 v42, v26  }
0x10a: {  	v56 =	vmul.f32 v42, v55;
	v42 =	vsub.f32 v21, v39;
	v21 =	vsub.f32 v19, v39  }
0x10b: {  	v50 =	vsub.f32 v0, v39;
	v39 =	vsub.f32 v1, v39;
	v1 =	vld [tilespmem:$0x1FED0]  }
0x10c: {  	v0 =	vperm.xlane v41, v2;
	_ =	sdelay $0x1  }
0x10d: {  	v26 =	vperm.xlane v43, v4;
	v4 =	vadd.f32 v41, v0;
	v0 =	vld [tilespmem:$0x1FEC0];
	_ =	sdelay $0x1  }
0x10e: {  	v40 =	vadd.f32 $9.999999960e-13, v40;
	v33 =	vmul.f32 v33, v1;
	v1 =	vld [tilespmem:$0x1FEE0];
	_ =	sdelay $0x1  }
0x10f: {  	v27 =	vshra.s32 v40, $0x1  }
0x110: {  	v53 =	vsub.s32 $0x5F3759DF, v27;
	v27 =	vmul.f32 v56, v0;
	_ =	sdelay $0x1  }
0x111: {  	v41 =	vadd.f32 v27, v1;
	v1 =	vld [tilespmem:$0x1FEF0];
	_ =	sdelay $0x4  }
0x112: {  	v44 =	vmul.f32 v35, v1;
	v1 =	vld [tilespmem:$0x1FF00]  }
0x113: {  	v40 =	vmul.f32 $5.000000000e-01, v40;
	_ =	sdelay $0x1  }
0x114: {  	v34 =	vmul.f32 v53, v40;
	_ =	sdelay $0x1  }
0x115: {  	v58 =	vmul.f32 v53, v34;
	v34 =	vmul.f32 v59, v1;
	v1 =	vld [tilespmem:$0x1FF10];
	_ =	sdelay $0x2  }
0x116: {  	v52 =	vmul.f32 v52, v20;
	_ =	sdelay $0x1  }
0x117: {  	v52 =	vadd.f32 v52, v1;
	v1 =	vld [tilespmem:$0x1FF20];
	_ =	sdelay $0x2  }
0x118: {  	v32 =	vmul.f32 v32, v18;
	_ =	sdelay $0x1  }
0x119: {  	v0 =	vadd.f32 v43, v26;
	v43 =	vadd.f32 v32, v1;
	v1 =	vld [tilespmem:$0x1FF30];
	_ =	sdelay $0x4  }
0x11a: {  	v35 =	vadd.f32 v33, v1;
	v1 =	vld [tilespmem:$0x1FF40];
	_ =	sdelay $0x4  }
0x11b: {  	[tilespmem:$0x1FD30] =	vst v30;
	v44 =	vadd.f32 v44, v1;
	v1 =	vld [tilespmem:$0x1FF50]  }
0x11c: {  	[tilespmem:$0x1FD50] =	vst v31  }
0x11d: {  	[tilespmem:$0x1FE00] =	vst v28  }
0x11e: {  	s12 =	simm.s32 $0x8880;
	[tilespmem:$0x1FE10] =	vst v29  }
0x11f: {  	[tilespmem:s12+$0x70] =	vst v41  }
0x120: {  	v58 =	vsub.f32 $1.500000000e+00, v58;
	v17 =	vadd.f32 v34, v1;
	v1 =	vld [tilespmem:$0x1FF60];
	_ =	sdelay $0x1  }
0x121: {  	v25 =	vmul.f32 v53, v58  }
0x122: {  	[tilespmem:s12+$0x0] =	vst v52  }
0x123: {  	v40 =	vmul.f32 v25, v40;
	[tilespmem:s12+$0x10] =	vst v43  }
0x124: {  	v54 =	vmul.f32 v48, v21;
	v21 =	vmul.f32 v61, v1;
	v1 =	vld [tilespmem:$0x1FF70]  }
0x125: {  	v40 =	vmul.f32 v40, v25;
	_ =	sdelay $0x1  }
0x126: {  	v19 =	vsub.f32 $1.500000000e+00, v40;
	_ =	sdelay $0x1  }
0x127: {  	v61 =	vmul.f32 v19, v25;
	v25 =	vmul.f32 v14, v1;
	v1 =	vld [tilespmem:$0x1FF80]  }
0x128: {  	v63 =	vmul.f32 v48, v63  }
0x129: {  	v15 =	vmul.f32 v48, v57  }
0x12a: {  	v63 =	vmul.f32 v63, v20;
	[tilespmem:s12+$0x20] =	vst v35  }
0x12b: {  	v8 =	vsub.f32 v8, v38;
	v62 =	vmul.f32 v15, v18;
	v53 =	vmul.f32 v48, v49;
	[tilespmem:s12+$0x30] =	vst v44  }
0x12c: {  	v57 =	vmul.f32 v48, v60;
	v60 =	vsub.f32 v10, v38;
	v26 =	vadd.f32 v21, v1;
	v1 =	vld [tilespmem:$0x1FF90]  }
0x12d: {  	v55 =	vsub.f32 v6, v38;
	v49 =	vmul.f32 v48, v50;
	v50 =	vsub.f32 v9, v38  }
0x12e: {  	v56 =	vsub.f32 v12, v38;
	v27 =	vsub.f32 v13, v38;
	v43 =	vmul.f32 $7.812500000e-03, v4  }
0x12f: {  	v58 =	vmul.f32 v48, v42;
	v59 =	vsub.f32 v11, v38;
	v52 =	vsub.f32 v7, v38;
	[tilespmem:$0x1FFA0] =	vst v20  }
0x130: {  	v48 =	vmul.f32 v48, v39;
	v40 =	vsub.f32 v5, v43;
	v32 =	vsub.f32 v22, v43;
	[tilespmem:$0x1FFB0] =	vst v18  }
0x131: {  	v41 =	vperm.xlane v0, v2;
	v33 =	vsub.f32 v23, v43;
	[tilespmem:s12+$0x40] =	vst v17;
	v37 =	vadd.f32 v25, v1  }
0x132: {  	v31 =	vsub.f32 v24, v43;
	v42 =	vmul.f32 v61, v27;
	v51 =	vmul.f32 v61, v8;
	[tilespmem:s12+$0x50] =	vst v26  }
0x133: {  	s13 =	simm.s32 $0x8880;
	s14 =	simm.s32 $0x2;
	s15 =	simm.s32 $0xA80;
	v44 =	vadd.f32 v0, v41;
	v0 =	vmul.f32 v43, v43;
	v41 =	vsub.f32 v3, v43;
	[tilespmem:s12+$0x60] =	vst v37  }
.LBB2_2:
0x134: {  	v5 =	vld [tilespmem:s15+$0x0]  }
0x135: {  	v10 =	vld [tilespmem:$0x1FEC0]  }
0x136: {  	v15 =	vld [tilespmem:$0x1FEE0]  }
0x137: {  	v21 =	vld [tilespmem:$0x1FF10]  }
0x138: {  	v20 =	vld [tilespmem:$0x1FF20]  }
0x139: {  	v17 =	vld [tilespmem:$0x1FED0]  }
0x13a: {  	v13 =	vld [tilespmem:$0x1FEF0]  }
0x13b: {  	v12 =	vld [tilespmem:$0x1FF00]  }
0x13c: {  	v16 =	vld [tilespmem:$0x1FF60]  }
0x13d: {  	v14 =	vld [tilespmem:$0x1FF70]  }
0x13e: {  	v19 =	vld [tilespmem:$0x1FF30]  }
0x13f: {  	v30 =	vld [tilespmem:$0x1FFA0]  }
0x140: {  	v29 =	vld [tilespmem:$0x1FFB0]  }
0x141: {  	v18 =	vld [tilespmem:$0x1FF40]  }
0x142: {  	v35 =	vld [tilespmem:$0x1FF50]  }
0x143: {  	v28 =	vld [tilespmem:$0x1FF80]  }
0x144: {  	v1 =	vsub.f32 v47, v43;
	v2 =	vld [tilespmem:$0x1FD50]  }
0x145: {  	v3 =	vld [tilespmem:$0x1FD80]  }
0x146: {  	s26 =	sadd.s32 $0x100, s26;
	v4 =	vld [tilespmem:$0x1FDC0];
	[tilespmem:$0x1FCF0] =	vst v1;
	v1 =	vsub.f32 v45, v43  }
0x147: {  	v6 =	vmul.f32 $7.812500000e-03, v44;
	v7 =	vld [tilespmem:s26+$0x0];
	v44 =	vmov v31  }
0x148: {  	v31 =	vld [tilespmem:$0x1FD60];
	[tilespmem:$0x1FD00] =	vst v1;
	v1 =	vsub.f32 v46, v43;
	v43 =	vmul.f32 v61, v59;
	v39 =	vmul.f32 v42, v10  }
0x149: {  	v0 =	vsub.f32 v6, v0;
	v46 =	vld [tilespmem:s15+$0x10];
	v42 =	vmul.f32 v61, v60;
	v57 =	vmul.f32 v57, v13  }
0x14a: {  	v59 =	vld [tilespmem:s26+$0x10];
	v24 =	vadd.f32 v63, v21;
	v58 =	vmul.f32 v58, v17;
	v6 =	vmul.f32 v43, v17  }
0x14b: {  	v63 =	vld [tilespmem:s15+$0x20];
	v49 =	vmul.f32 v49, v16;
	v47 =	vadd.f32 v39, v15;
	v27 =	vadd.f32 v57, v18  }
0x14c: {  	v58 =	vadd.f32 v58, v19;
	v45 =	vmul.f32 v42, v29;
	v6 =	vadd.f32 v6, v19;
	v19 =	vld [tilespmem:$0x1FD30]  }
0x14d: {  	s12 =	sadd.s32 $0x100, s12;
	v37 =	vadd.f32 v49, v28;
	[tilespmem:s13+$0xFFFFFFB0] =	vst v27;
	v27 =	vld [tilespmem:$0x1FF90]  }
0x14e: {  	v25 =	vadd.f32 v62, v20;
	[tilespmem:s12+$0x70] =	vst v47;
	v45 =	vadd.f32 v45, v20;
	v20 =	vld [tilespmem:$0x1FD20]  }
0x14f: {  	[tilespmem:s13+$0xFFFFFFD0] =	vst v37;
	v37 =	vld [tilespmem:$0x1FD90]  }
0x150: {  	v56 =	vmul.f32 v61, v56;
	v55 =	vmul.f32 v61, v55;
	v47 =	vld [tilespmem:s26+$0x20]  }
0x151: {  	v52 =	vmul.f32 v61, v52;
	v50 =	vmul.f32 v61, v50;
	v61 =	vld [tilespmem:s15+$0x30]  }
0x152: {  	v8 =	vld [tilespmem:s26+$0x30]  }
0x153: {  	v60 =	vld [tilespmem:s15+$0x40]  }
0x154: {  	v36 =	vld [tilespmem:s15+$0x50]  }
0x155: {  	v38 =	vld [tilespmem:s26+$0x50]  }
0x156: {  	[tilespmem:s13+$0xFFFFFF80] =	vst v24;
	v24 =	vld [tilespmem:s15+$0x70]  }
0x157: {  	v0 =	vadd.f32 $9.999999960e-13, v0;
	[tilespmem:s13+$0xFFFFFF90] =	vst v25;
	v25 =	vld [tilespmem:s26+$0x70]  }
0x158: {  	v39 =	vld [tilespmem:s15+$0x60]  }
0x159: {  	v26 =	vshra.s32 v0, $0x1;
	v0 =	vmul.f32 $5.000000000e-01, v0;
	v43 =	vld [tilespmem:s26+$0x60]  }
0x15a: {  	s28 =	sadd.s32 $0x2, s28;
	v53 =	vmul.f32 v53, v12;
	v54 =	vmul.f32 v54, v14;
	v62 =	vsub.s32 $0x5F3759DF, v26;
	v11 =	vld [tilespmem:s26+$0x40]  }
0x15b: {  	v10 =	vmul.f32 v48, v10;
	v5 =	vadd.f32 v7, v5;
	v9 =	vmul.f32 v62, v0;
	v34 =	vld [tilespmem:s28+$0x0]  }
0x15c: {  	v56 =	vmul.f32 v56, v13;
	v53 =	vadd.f32 v53, v35;
	v7 =	vadd.f32 v25, v24;
	v24 =	vld [tilespmem:$0x1FD40]  }
0x15d: {  	v10 =	vadd.f32 v10, v15;
	[tilespmem:s13+$0xFFFFFFA0] =	vst v58;
	v9 =	vmul.f32 v62, v9;
	v13 =	vadd.f32 v38, v36;
	v38 =	vld [tilespmem:$0x1FDD0]  }
0x15e: {  	[tilespmem:s13+$0xFFFFFFC0] =	vst v53;
	v42 =	vadd.f32 v54, v27;
	v54 =	vadd.f32 v43, v39;
	v43 =	vmov v33;
	v33 =	vld [tilespmem:$0x1FDA0]  }
0x15f: {  	[tilespmem:s13+$0xFFFFFFF0] =	vst v10;
	v9 =	vsub.f32 $1.500000000e+00, v9;
	v39 =	vld [tilespmem:$0x1FDE0]  }
0x160: {  	v51 =	vmul.f32 v51, v30;
	v36 =	vld [tilespmem:$0x1FE00];
	[tilespmem:s13+$0xFFFFFFE0] =	vst v42  }
0x161: {  	v48 =	vmul.f32 v50, v14;
	[tilespmem:$0x1FD10] =	vst v1;
	v1 =	vimm.s32 $0x0;
	v50 =	vmul.f32 v62, v9;
	v10 =	vld [tilespmem:s28+$0xFFFFFFFF]  }
0x162: {  	v55 =	vmul.f32 v55, v12;
	[tilespmem:s12+$0x20] =	vst v6;
	v23 =	vperm.xlane v34, v1;
	v6 =	vld [tilespmem:s15+$0xFFFFFF90]  }
0x163: {  	v49 =	vmul.f32 v52, v16;
	v11 =	vadd.f32 v11, v60;
	v0 =	vmul.f32 v50, v0;
	v60 =	vld [tilespmem:s26+$0xFFFFFF90]  }
0x164: {  	v22 =	vadd.f32 v51, v21;
	v56 =	vadd.f32 v56, v18;
	v51 =	vcvt.s32.f32 v23;
	v12 =	vld [tilespmem:s15+$0xFFFFFFA0]  }
0x165: {  	v26 =	vadd.f32 v55, v35;
	v8 =	vadd.f32 v8, v61;
	v61 =	vld [tilespmem:s26+$0xFFFFFFA0];
	v52 =	vmul.f32 v0, v50  }
0x166: {  	v46 =	vadd.f32 v59, v46;
	v42 =	vmovc v32;
	v32 =	vld [tilespmem:$0x1FD70];
	v34 =	vmul.f32 v51, v20;
	v35 =	vmul.f32 v51, v19  }
0x167: {  	[tilespmem:s12+$0x40] =	vst v26;
	v47 =	vadd.f32 v47, v63;
	v9 =	vld [tilespmem:s15+$0xFFFFFF80];
	v17 =	vmul.f32 v51, v3;
	v26 =	vmul.f32 v51, v38  }
0x168: {  	[tilespmem:s12+$0x10] =	vst v45;
	v0 =	vld [tilespmem:s26+$0xFFFFFF80];
	v16 =	vmul.f32 v51, v2;
	v45 =	vadd.f32 v34, v24;
	v55 =	vadd.f32 v35, v31  }
0x169: {  	[tilespmem:s12+$0x0] =	vst v22;
	v18 =	vmul.f32 v51, v37;
	v22 =	vadd.f32 v17, v33;
	v34 =	vld [tilespmem:$0x1FDB0];
	v25 =	vadd.f32 v26, v36  }
0x16a: {  	v23 =	vmul.f32 v51, v4;
	v35 =	vld [tilespmem:$0x1FDF0];
	v6 =	vadd.f32 v60, v6;
	v12 =	vadd.f32 v61, v12  }
0x16b: {  	v10 =	vperm.xlane v10, v1;
	v1 =	vld [tilespmem:$0x1FE10];
	v21 =	vadd.f32 v16, v32;
	v58 =	vadd.f32 v45, v5  }
0x16c: {  	[tilespmem:s12+$0x30] =	vst v56;
	v51 =	vmul.f32 v51, v39;
	v56 =	vadd.f32 v46, v55;
	v55 =	vadd.f32 v8, v22  }
0x16d: {  	v10 =	vcvt.s32.f32 v10;
	v54 =	vadd.f32 v54, v25;
	v0 =	vadd.f32 v0, v9  }
0x16e: {  	v59 =	vadd.f32 v47, v21;
	v15 =	vadd.f32 v56, v58;
	v46 =	vmul.f32 v58, v58  }
0x16f: {  	v63 =	vmul.f32 v56, v56;
	v53 =	vadd.f32 v18, v34;
	v23 =	vadd.f32 v23, v35  }
0x170: {  	v22 =	vmul.f32 v55, v55;
	v51 =	vadd.f32 v51, v1;
	v17 =	vadd.f32 v55, v59  }
0x171: {  	v14 =	vld [tilespmem:s15+$0xFFFFFFB0];
	v26 =	vmul.f32 v10, v20;
	v46 =	vadd.f32 v63, v46;
	v57 =	vadd.f32 v11, v53  }
0x172: {  	v16 =	vld [tilespmem:s26+$0xFFFFFFB0];
	v63 =	vmul.f32 v10, v4;
	v53 =	vadd.f32 v13, v23;
	v51 =	vadd.f32 v7, v51  }
0x173: {  	v4 =	vmul.f32 v10, v38;
	v11 =	vmul.f32 v10, v19;
	v8 =	vadd.f32 v26, v24  }
0x174: {  	v19 =	vmul.f32 v59, v59;
	v62 =	vadd.f32 v53, v57;
	v21 =	vadd.f32 v51, v54  }
0x175: {  	v5 =	vld [tilespmem:s26+$0xFFFFFFC0];
	v26 =	vmul.f32 v54, v54;
	v15 =	vadd.f32 v17, v15;
	v23 =	vmul.f32 v57, v57  }
0x176: {  	v45 =	vld [tilespmem:s15+$0xFFFFFFD0];
	v25 =	vmul.f32 v53, v53;
	v17 =	vadd.f32 v21, v62;
	v21 =	vmul.f32 v51, v51  }
0x177: {  	v14 =	vadd.f32 v16, v14;
	v19 =	vadd.f32 v22, v19;
	v62 =	vmul.f32 v10, v2;
	v2 =	vld [tilespmem:$0x1FFF0]  }
0x178: {  	v18 =	vld [tilespmem:s15+$0xFFFFFFC0];
	v22 =	vmul.f32 v10, v3;
	v23 =	vadd.f32 v25, v23;
	v21 =	vadd.f32 v21, v26  }
0x179: {  	v47 =	vld [tilespmem:s26+$0xFFFFFFE0];
	v25 =	vmul.f32 v10, v37;
	v19 =	vadd.f32 v19, v46;
	v10 =	vmul.f32 v10, v39  }
0x17a: {  	v13 =	vld [tilespmem:s26+$0xFFFFFFD0];
	v15 =	vadd.f32 v17, v15;
	v21 =	vadd.f32 v21, v23  }
0x17b: {  	v11 =	vadd.f32 v11, v31;
	v39 =	vadd.f32 v10, v1;
	v1 =	vld [tilespmem:$0x1FFC0]  }
0x17c: {  	v7 =	vld [tilespmem:s15+$0xFFFFFFE0];
	v8 =	vadd.f32 v8, v0;
	v37 =	vperm.xlane v15, v2;
	v19 =	vadd.f32 v21, v19  }
0x17d: {  	v20 =	vld [tilespmem:s15+$0xFFFFFFF0];
	v5 =	vadd.f32 v5, v18;
	v22 =	vadd.f32 v22, v33  }
0x17e: {  	v24 =	vld [tilespmem:s26+$0xFFFFFFF0];
	v6 =	vadd.f32 v6, v11;
	v15 =	vadd.f32 v15, v37;
	v38 =	vperm.xlane v19, v2  }
0x17f: {  	v3 =	vld [tilespmem:$0x1FFD0];
	v13 =	vadd.f32 v13, v45;
	v25 =	vadd.f32 v25, v34  }
0x180: {  	v32 =	vadd.f32 v62, v32;
	v62 =	vperm.xlane v15, v1;
	v19 =	vadd.f32 v19, v38  }
0x181: {  	v7 =	vadd.f32 v47, v7;
	v26 =	vadd.f32 v63, v35  }
0x182: {  	v17 =	vadd.f32 v4, v36;
	v10 =	vadd.f32 v15, v62;
	v63 =	vperm.xlane v19, v1  }
0x183: {  	v33 =	vmul.f32 v8, v8;
	v4 =	vld [tilespmem:$0x1FFE0];
	v36 =	vadd.f32 v6, v8;
	v5 =	vadd.f32 v5, v25  }
0x184: {  	v21 =	vadd.f32 v24, v20;
	v24 =	vperm.xlane v10, v3;
	v15 =	vadd.f32 v19, v63  }
0x185: {  	v35 =	vmul.f32 v6, v6;
	v11 =	vadd.f32 v12, v32;
	v12 =	vadd.f32 v14, v22  }
0x186: {  	v47 =	vadd.f32 v13, v26;
	v0 =	vadd.f32 v10, v24;
	v32 =	vperm.xlane v15, v3  }
0x187: {  	v45 =	vadd.f32 v7, v17;
	v7 =	vadd.f32 v35, v33  }
0x188: {  	v60 =	vmul.f32 v11, v11;
	v34 =	vperm.xlane v0, v4;
	v10 =	vadd.f32 v15, v32  }
0x189: {  	v22 =	vmul.f32 v47, v47;
	v23 =	vmul.f32 v45, v45;
	v46 =	vadd.f32 v21, v39  }
0x18a: {  	v38 =	vadd.f32 v12, v11;
	v0 =	vadd.f32 v0, v34;
	v37 =	vperm.xlane v10, v4  }
0x18b: {  	v39 =	vadd.f32 v47, v5;
	v61 =	vadd.f32 v46, v45;
	v62 =	vmul.f32 v12, v12  }
0x18c: {  	v9 =	vadd.f32 v38, v36;
	v0 =	vmul.f32 $7.812500000e-03, v0;
	v10 =	vadd.f32 v10, v37  }
0x18d: {  	v16 =	vadd.f32 v61, v39;
	v63 =	vmul.f32 v5, v5;
	v24 =	vmul.f32 v46, v46  }
0x18e: {  	v13 =	vadd.f32 v62, v60;
	v21 =	vmul.f32 v0, v0;
	v10 =	vmul.f32 $7.812500000e-03, v10  }
0x18f: {  	v9 =	vadd.f32 v16, v9;
	v14 =	vadd.f32 v22, v63  }
0x190: {  	v25 =	vadd.f32 v24, v23;
	v10 =	vsub.f32 v10, v21  }
0x191: {  	v7 =	vadd.f32 v13, v7;
	v26 =	vperm.xlane v9, v2  }
0x192: {  	v14 =	vadd.f32 v25, v14;
	v10 =	vadd.f32 $9.999999960e-13, v10  }
0x193: {  	v32 =	vsub.f32 $1.500000000e+00, v52;
	v9 =	vadd.f32 v9, v26  }
0x194: {  	v7 =	vadd.f32 v14, v7;
	v33 =	vshra.s32 v10, $0x1;
	v10 =	vmul.f32 $5.000000000e-01, v10  }
0x195: {  	v24 =	vmul.f32 v32, v50;
	v35 =	vperm.xlane v9, v1;
	v34 =	vsub.s32 $0x5F3759DF, v33  }
0x196: {  	v36 =	vperm.xlane v7, v2;
	v2 =	vld [tilespmem:$0x1FCF0];
	v25 =	vmul.f32 v34, v10  }
0x197: {  	v9 =	vadd.f32 v9, v35;
	v37 =	vmul.f32 v24, v41;
	v41 =	vadd.f32 v49, v28  }
0x198: {  	v26 =	vsub.f32 v58, v0;
	v60 =	vsub.f32 v56, v0;
	v14 =	vmul.f32 v34, v25  }
0x199: {  	v59 =	vsub.f32 v59, v0;
	v39 =	vperm.xlane v9, v3;
	v7 =	vadd.f32 v7, v36  }
0x19a: {  	v38 =	vmul.f32 v24, v40;
	v56 =	vsub.f32 v55, v0;
	v14 =	vsub.f32 $1.500000000e+00, v14  }
0x19b: {  	v9 =	vadd.f32 v9, v39;
	v40 =	vperm.xlane v7, v1;
	v49 =	vmul.f32 v24, v2;
	v2 =	vld [tilespmem:$0x1FD00]  }
0x19c: {  	v55 =	vsub.f32 v57, v0;
	v58 =	vmul.f32 v24, v42;
	v13 =	vmul.f32 v34, v14  }
0x19d: {  	v57 =	vmul.f32 v24, v43;
	v42 =	vperm.xlane v9, v4;
	v7 =	vadd.f32 v7, v40  }
0x19e: {  	v52 =	vsub.f32 v53, v0;
	v53 =	vmul.f32 v24, v44;
	v10 =	vmul.f32 v13, v10  }
0x19f: {  	v43 =	vadd.f32 v48, v27;
	v9 =	vadd.f32 v9, v42;
	v20 =	vperm.xlane v7, v3  }
0x1a0: {  	s14 =	sadd.s32 $0x2, s14;
	v50 =	vsub.f32 v54, v0;
	v54 =	vmul.f32 v24, v2;
	v2 =	vld [tilespmem:$0x1FD10];
	v10 =	vmul.f32 v10, v13  }
0x1a1: {  	p1 =	slt.u32 s14, $0x3E;
	v51 =	vsub.f32 v51, v0;
	v63 =	vmul.f32 v37, v30;
	[tilespmem:s12+$0x60] =	vst v43;
	v43 =	vmul.f32 $7.812500000e-03, v9  }
.Ltmp0:
0x1a2: {  	v62 =	vmul.f32 v38, v29;
	v7 =	vadd.f32 v7, v20;
	v10 =	vsub.f32 $1.500000000e+00, v10;
	(pc) =	sbr.rel @p1 .LBB2_2-.Ltmp0, $4  }
0x1a3: {  	[tilespmem:s12+$0x50] =	vst v41;
	v0 =	vmul.f32 v43, v43;
	v41 =	vsub.f32 v8, v43;
	v40 =	vsub.f32 v6, v43  }
0x1a4: {  	v32 =	vsub.f32 v11, v43;
	v44 =	vperm.xlane v7, v4;
	v61 =	vmul.f32 v10, v13  }
0x1a5: {  	v33 =	vsub.f32 v12, v43;
	v31 =	vsub.f32 v5, v43;
	v48 =	vmul.f32 v24, v2  }
0x1a6: {  	s13 =	smov.u32 s12;
	s15 =	sadd.s32 $0x100, s15;
	v44 =	vadd.f32 v7, v44;
	v42 =	vmul.f32 v61, v51;
	v51 =	vmul.f32 v61, v26  }
0x1a7: {  	v30 =	vld [tilespmem:$0x1FEC0];
	_ =	sdelay $0x1  }
0x1a8: {  	v21 =	vld [tilespmem:$0x1FEE0];
	_ =	sdelay $0x2  }
0x1a9: {  	v22 =	vld [tilespmem:$0x1FF10];
	v8 =	vmul.f32 v42, v30;
	_ =	sdelay $0x1  }
0x1aa: {  	v8 =	vadd.f32 v8, v21  }
0x1ab: {  	s12 =	sadd.s32 $0x100, s12;
	v5 =	vmul.f32 $7.812500000e-03, v44  }
0x1ac: {  	v24 =	vld [tilespmem:$0x1FED0];
	[tilespmem:s12+$0x70] =	vst v8  }
0x1ad: {  	v0 =	vsub.f32 v5, v0;
	v12 =	vadd.f32 v63, v22;
	v23 =	vld [tilespmem:$0x1FF20];
	_ =	sdelay $0x1  }
0x1ae: {  	v0 =	vadd.f32 $9.999999960e-13, v0;
	v25 =	vld [tilespmem:$0x1FEF0];
	[tilespmem:s13+$0xFFFFFF80] =	vst v12  }
0x1af: {  	v27 =	vld [tilespmem:$0x1FF30]  }
0x1b0: {  	v39 =	vshra.s32 v0, $0x1;
	v0 =	vmul.f32 $5.000000000e-01, v0  }
0x1b1: {  	v5 =	vsub.s32 $0x5F3759DF, v39;
	v44 =	vadd.f32 v62, v23  }
0x1b2: {  	v13 =	vmul.f32 v58, v24;
	v6 =	vmul.f32 v5, v0  }
0x1b3: {  	v29 =	vld [tilespmem:$0x1FF00];
	[tilespmem:s13+$0xFFFFFF90] =	vst v44  }
0x1b4: {  	v6 =	vmul.f32 v5, v6;
	v13 =	vadd.f32 v13, v27;
	v20 =	vld [tilespmem:$0x1FF60]  }
0x1b5: {  	v26 =	vld [tilespmem:$0x1FF40]  }
0x1b6: {  	v6 =	vsub.f32 $1.500000000e+00, v6;
	v4 =	vld [tilespmem:$0x1FF70];
	[tilespmem:s13+$0xFFFFFFA0] =	vst v13  }
0x1b7: {  	v28 =	vld [tilespmem:$0x1FF50]  }
0x1b8: {  	v14 =	vmul.f32 v57, v25;
	v5 =	vmul.f32 v5, v6  }
0x1b9: {  	v10 =	vsub.f32 v46, v43  }
0x1ba: {  	v46 =	vmul.f32 v53, v29;
	v0 =	vmul.f32 v5, v0;
	v14 =	vadd.f32 v14, v26  }
0x1bb: {  	v9 =	vsub.f32 v45, v43;
	v45 =	vmul.f32 v61, v59  }
0x1bc: {  	v15 =	vmul.f32 v61, v56;
	v0 =	vmul.f32 v0, v5;
	v12 =	vadd.f32 v46, v28;
	[tilespmem:s13+$0xFFFFFFB0] =	vst v14  }
0x1bd: {  	v7 =	vsub.f32 v47, v43;
	v47 =	vmul.f32 v49, v20;
	v49 =	vmul.f32 v48, v30;
	v19 =	vld [tilespmem:$0x1FF80]  }
0x1be: {  	v56 =	vmul.f32 v61, v52;
	v6 =	vmul.f32 v45, v24;
	v0 =	vsub.f32 $1.500000000e+00, v0;
	v2 =	vld [tilespmem:$0x1FFA0];
	[tilespmem:s13+$0xFFFFFFC0] =	vst v12  }
0x1bf: {  	v58 =	vmul.f32 v15, v25;
	v53 =	vmul.f32 v61, v55;
	v55 =	vadd.f32 v49, v21;
	v18 =	vld [tilespmem:$0x1FF90]  }
0x1c0: {  	v6 =	vadd.f32 v6, v27;
	v0 =	vmul.f32 v0, v5  }
0x1c1: {  	v59 =	vmul.f32 v61, v50;
	v13 =	vmul.f32 v56, v20;
	v12 =	vadd.f32 v58, v26;
	v3 =	vld [tilespmem:$0x1FFB0];
	[tilespmem:s13+$0xFFFFFFF0] =	vst v55  }
0x1c2: {  	v16 =	vmul.f32 v54, v4;
	v36 =	vmul.f32 v0, v9;
	[tilespmem:s12+$0x20] =	vst v6;
	v8 =	vadd.f32 v47, v19  }
0x1c3: {  	v5 =	vmul.f32 v59, v4;
	[tilespmem:s12+$0x30] =	vst v12;
	v63 =	vadd.f32 v13, v19  }
0x1c4: {  	v62 =	vmul.f32 v0, v40;
	v40 =	vmul.f32 v36, v4;
	v54 =	vadd.f32 v16, v18;
	[tilespmem:s13+$0xFFFFFFD0] =	vst v8  }
0x1c5: {  	v11 =	vmul.f32 v61, v60;
	v17 =	vmul.f32 v51, v2;
	v5 =	vadd.f32 v5, v18;
	[tilespmem:s12+$0x50] =	vst v63  }
0x1c6: {  	v60 =	vmul.f32 v53, v29;
	v61 =	vmul.f32 v0, v41;
	v42 =	vadd.f32 v40, v18;
	[tilespmem:s13+$0xFFFFFFE0] =	vst v54  }
0x1c7: {  	v7 =	vmul.f32 v0, v7;
	v11 =	vmul.f32 v11, v3;
	v57 =	vadd.f32 v17, v22;
	[tilespmem:s12+$0x60] =	vst v5  }
0x1c8: {  	v16 =	vmul.f32 v0, v32;
	v6 =	vmul.f32 v62, v3;
	v8 =	vadd.f32 v60, v28;
	[tilespmem:s12+$0xFFFFFFE0] =	vst v42  }
0x1c9: {  	v39 =	vmul.f32 v7, v20;
	v32 =	vmul.f32 v0, v31;
	v11 =	vadd.f32 v11, v23;
	[tilespmem:s12+$0x0] =	vst v57  }
0x1ca: {  	v17 =	vmul.f32 v0, v33;
	v33 =	vmul.f32 v16, v24;
	v34 =	vadd.f32 v6, v23;
	[tilespmem:s12+$0x40] =	vst v8  }
0x1cb: {  	v0 =	vmul.f32 v0, v10;
	v37 =	vmul.f32 v32, v29;
	v5 =	vadd.f32 v39, v19;
	[tilespmem:s12+$0x10] =	vst v11  }
0x1cc: {  	v35 =	vmul.f32 v17, v25;
	v38 =	vadd.f32 v33, v27;
	[tilespmem:s12+$0xFFFFFF90] =	vst v34  }
0x1cd: {  	v0 =	vmul.f32 v0, v30;
	v41 =	vadd.f32 v37, v28;
	[tilespmem:s12+$0xFFFFFFD0] =	vst v5  }
0x1ce: {  	v11 =	vmul.f32 v61, v2;
	v6 =	vadd.f32 v35, v26;
	[tilespmem:s12+$0xFFFFFFA0] =	vst v38  }
0x1cf: {  	v0 =	vadd.f32 v0, v21;
	[tilespmem:s12+$0xFFFFFFC0] =	vst v41  }
0x1d0: {  	v11 =	vadd.f32 v11, v22;
	[tilespmem:s12+$0xFFFFFFB0] =	vst v6  }
0x1d1: {  	[tilespmem:s12+$0xFFFFFFF0] =	vst v0  }
0x1d2: {  	s14 =	simm.s32 $0x800;
	s13 =	simm.s32 $0x400;
	[tilespmem:s12+$0xFFFFFF80] =	vst v11  }
0x1d3: {  	[tilespmem:s14], [sflag:$0x2] =	stream.indirect.gather [hbm4b:s0+s25], $0x80, s13, s25, $0xb8;
	[tilespmem:$0x14A00] =	vst v63  }
0x1d4: {  	s15 =	simm.s32 $0x480;
	s26 =	simm.s32 $0x4800  }
0x1d5: {  	[tilespmem:s26], [sflag:$0x3] =	stream.indirect.gather [spmem:s5], $0x80, s15, s25, $0xb8;
	[tilespmem:$0x14A00] =	vst v63  }
0x1d6: {  	s14 =	simm.s32 $0x8800  }
0x1d7: {  	[hbm4b:s11+s6] =	stream.linear.scatter [tilespmem:s14], [sflag:$0x6], $0x2000, $0x38;
	[tilespmem:$0x14A00] =	vst v63  }
0x1d8: {  	_ =	swait.ge [sflag:s2], $0x2000  }
0x1d9: {  	[sflag:s2] =	ssyncset.done $0x0  }
0x1da: {  	[sflag:s2] =	ssyncadd.s32 $0xFFFFE000  }
0x1db: {  	_ =	swait.ge [sflag:s3], $0x2000  }
0x1dc: {  	v27 =	vld [tilespmem:$0x1FD20]  }
0x1dd: {  	v28 =	vld [tilespmem:$0x1FD80]  }
0x1de: {  	v29 =	vld [tilespmem:$0x1FD90]  }
0x1df: {  	v36 =	vld [tilespmem:$0x1FDC0]  }
0x1e0: {  	v42 =	vld [tilespmem:$0x1FD40]  }
0x1e1: {  	v32 =	vld [tilespmem:$0x1FDA0]  }
0x1e2: {  	[sflag:s3] =	ssyncset.done $0x0;
	v30 =	vld [tilespmem:$0x1FDE0]  }
0x1e3: {  	s15 =	simm.s32 $0x2880;
	v33 =	vld [tilespmem:$0x1FDB0];
	[sflag:s3] =	ssyncadd.s32 $0xFFFFE000  }
0x1e4: {  	s26 =	simm.s32 $0x6880;
	v0 =	vld [tilespmem:s15+$0x0]  }
0x1e5: {  	v43 =	vld [tilespmem:s26+$0x0]  }
0x1e6: {  	v44 =	vld [tilespmem:s15+$0x10]  }
0x1e7: {  	v45 =	vld [tilespmem:s26+$0x10]  }
0x1e8: {  	v46 =	vld [tilespmem:s15+$0x20]  }
0x1e9: {  	v47 =	vld [tilespmem:s26+$0x20]  }
0x1ea: {  	v48 =	vld [tilespmem:s15+$0x30]  }
0x1eb: {  	v49 =	vld [tilespmem:s26+$0x30]  }
0x1ec: {  	v50 =	vld [tilespmem:s15+$0x40]  }
0x1ed: {  	s14 =	simm.s32 $0x301;
	v51 =	vld [tilespmem:s26+$0x40]  }
0x1ee: {  	v52 =	vld [tilespmem:s14+$0x0]  }
0x1ef: {  	v53 =	vld [tilespmem:s15+$0x50]  }
0x1f0: {  	v54 =	vld [tilespmem:s26+$0x50]  }
0x1f1: {  	v55 =	vld [tilespmem:s15+$0x60]  }
0x1f2: {  	v56 =	vld [tilespmem:s26+$0x60]  }
0x1f3: {  	v2 =	vimm.s32 $0x0;
	v57 =	vld [tilespmem:s15+$0x70]  }
0x1f4: {  	v58 =	vld [tilespmem:s26+$0x70];
	v14 =	vperm.xlane v52, v2  }
0x1f5: {  	v59 =	vadd.f32 v47, v46;
	v46 =	vld [tilespmem:$0x1FD30]  }
0x1f6: {  	v47 =	vld [tilespmem:$0x1FD50];
	v14 =	vcvt.s32.f32 v14  }
0x1f7: {  	v0 =	vadd.f32 v43, v0;
	v6 =	vadd.f32 v45, v44;
	v45 =	vld [tilespmem:$0x1FD60]  }
0x1f8: {  	v8 =	vadd.f32 v49, v48;
	v9 =	vadd.f32 v51, v50;
	v51 =	vld [tilespmem:$0x1FDD0];
	v60 =	vmul.f32 v14, v27  }
0x1f9: {  	v34 =	vld [tilespmem:$0x1FDF0];
	v62 =	vadd.f32 v54, v53;
	v17 =	vadd.f32 v56, v55;
	v25 =	vmul.f32 v14, v28  }
0x1fa: {  	v35 =	vld [tilespmem:$0x1FE00];
	v5 =	vadd.f32 v58, v57;
	v61 =	vmul.f32 v14, v46;
	v10 =	vadd.f32 v60, v42  }
0x1fb: {  	v41 =	vld [tilespmem:$0x1FE10];
	v26 =	vmul.f32 v14, v29;
	v39 =	vmul.f32 v14, v36;
	v16 =	vadd.f32 v25, v32  }
0x1fc: {  	v24 =	vmul.f32 v14, v47;
	v11 =	vadd.f32 v61, v45;
	v48 =	vadd.f32 v10, v0  }
0x1fd: {  	v63 =	vld [tilespmem:s14+$0xFFFFFFFF];
	v44 =	vmul.f32 v14, v51;
	v18 =	vadd.f32 v26, v33;
	v50 =	vadd.f32 v8, v16  }
0x1fe: {  	v14 =	vmul.f32 v14, v30;
	v20 =	vadd.f32 v39, v34;
	v49 =	vadd.f32 v6, v11;
	[tilespmem:$0x1FC80] =	vst v48  }
0x1ff: {  	v19 =	vadd.f32 v44, v35;
	v3 =	vadd.f32 v9, v18;
	[tilespmem:$0x1FCA0] =	vst v50  }
0x200: {  	v31 =	vld [tilespmem:$0x1FD70];
	v14 =	vadd.f32 v14, v41;
	v52 =	vadd.f32 v62, v20;
	[tilespmem:$0x1FC90] =	vst v49  }
0x201: {  	v2 =	vimm.s32 $0x0;
	v54 =	vadd.f32 v17, v19;
	v6 =	vld [tilespmem:s15+$0xFFFFFF80];
	[tilespmem:$0x1FCB0] =	vst v3  }
0x202: {  	v13 =	vperm.xlane v63, v2;
	v2 =	vadd.f32 v5, v14;
	[tilespmem:$0x1FCC0] =	vst v52  }
0x203: {  	v7 =	vld [tilespmem:s26+$0xFFFFFF80];
	[tilespmem:$0x1FCD0] =	vst v54  }
0x204: {  	v0 =	vcvt.s32.f32 v13;
	v17 =	vadd.f32 v2, v54;
	v40 =	vmul.f32 v2, v2;
	[tilespmem:$0x1FCE0] =	vst v2;
	v2 =	vld [tilespmem:$0x1FFF0]  }
0x205: {  	v15 =	vadd.f32 v24, v31;
	v5 =	vld [tilespmem:s15+$0xFFFFFF90]  }
0x206: {  	v53 =	vmul.f32 v0, v27;
	v58 =	vmul.f32 v48, v48;
	v12 =	vld [tilespmem:s26+$0xFFFFFF90]  }
0x207: {  	v56 =	vadd.f32 v59, v15;
	v61 =	vmul.f32 v50, v50;
	v62 =	vmul.f32 v3, v3;
	v16 =	vld [tilespmem:s15+$0xFFFFFFA0]  }
0x208: {  	v59 =	vadd.f32 v52, v3;
	v37 =	vmul.f32 v52, v52;
	v43 =	vmul.f32 v0, v46;
	v63 =	vld [tilespmem:s26+$0xFFFFFFA0]  }
0x209: {  	v55 =	vadd.f32 v49, v48;
	v57 =	vadd.f32 v50, v56;
	v60 =	vmul.f32 v49, v49;
	v23 =	vld [tilespmem:s15+$0xFFFFFFB0]  }
0x20a: {  	v15 =	vmul.f32 v56, v56;
	v38 =	vmul.f32 v54, v54;
	v39 =	vadd.f32 v17, v59;
	v17 =	vld [tilespmem:s26+$0xFFFFFFB0]  }
0x20b: {  	v49 =	vmul.f32 v0, v47;
	v8 =	vadd.f32 v53, v42;
	v19 =	vadd.f32 v37, v62;
	v48 =	vld [tilespmem:s15+$0xFFFFFFC0]  }
0x20c: {  	v52 =	vmul.f32 v0, v28;
	v24 =	vadd.f32 v43, v45;
	v9 =	vadd.f32 v57, v55;
	v50 =	vld [tilespmem:s26+$0xFFFFFFC0]  }
0x20d: {  	v53 =	vmul.f32 v0, v29;
	v11 =	vadd.f32 v60, v58;
	v44 =	vadd.f32 v61, v15;
	v54 =	vld [tilespmem:s15+$0xFFFFFFD0]  }
0x20e: {  	v13 =	vadd.f32 v40, v38;
	v55 =	vmul.f32 v0, v36;
	v18 =	vadd.f32 v49, v31;
	v57 =	vld [tilespmem:s26+$0xFFFFFFD0]  }
0x20f: {  	v58 =	vmul.f32 v0, v51;
	v37 =	vld [tilespmem:s15+$0xFFFFFFE0];
	v22 =	vadd.f32 v52, v32;
	v25 =	vadd.f32 v53, v33  }
0x210: {  	v0 =	vmul.f32 v0, v30;
	v38 =	vld [tilespmem:s26+$0xFFFFFFE0];
	v9 =	vadd.f32 v39, v9;
	v11 =	vadd.f32 v44, v11  }
0x211: {  	v61 =	vld [tilespmem:s26+$0xFFFFFFF0];
	v13 =	vadd.f32 v13, v19;
	v26 =	vadd.f32 v55, v34  }
0x212: {  	v39 =	vld [tilespmem:s15+$0xFFFFFFF0];
	v19 =	vadd.f32 v58, v35;
	v0 =	vadd.f32 v0, v41  }
0x213: {  	v11 =	vadd.f32 v13, v11;
	v6 =	vadd.f32 v7, v6  }
0x214: {  	v5 =	vadd.f32 v12, v5;
	v63 =	vadd.f32 v63, v16  }
0x215: {  	v59 =	vperm.xlane v9, v2;
	v20 =	vadd.f32 v17, v23;
	v15 =	vadd.f32 v50, v48  }
0x216: {  	v60 =	vperm.xlane v11, v2;
	v10 =	vadd.f32 v57, v54;
	v38 =	vadd.f32 v38, v37  }
0x217: {  	v9 =	vadd.f32 v9, v59;
	v39 =	vadd.f32 v61, v39  }
0x218: {  	v55 =	vadd.f32 v8, v6;
	v11 =	vadd.f32 v11, v60  }
0x219: {  	v54 =	vadd.f32 v5, v24;
	v53 =	vadd.f32 v63, v18  }
0x21a: {  	v4 =	vld [tilespmem:$0x1FFE0];
	v52 =	vadd.f32 v20, v22;
	v43 =	vadd.f32 v15, v25  }
0x21b: {  	v3 =	vld [tilespmem:$0x1FFD0];
	s15 =	simm.s32 $0x2980;
	v57 =	vadd.f32 v10, v26;
	v49 =	vadd.f32 v38, v19;
	v62 =	vperm.xlane v9, v1  }
0x21c: {  	s26 =	simm.s32 $0x6980;
	v13 =	vld [tilespmem:s15+$0x10];
	v48 =	vadd.f32 v39, v0;
	v59 =	vmul.f32 v55, v55;
	v23 =	vperm.xlane v11, v1  }
0x21d: {  	v17 =	vld [tilespmem:s26+$0x0];
	v0 =	vadd.f32 v54, v55;
	v40 =	vadd.f32 v52, v53;
	v60 =	vmul.f32 v54, v54  }
0x21e: {  	v5 =	vld [tilespmem:s15+$0x0];
	v50 =	vadd.f32 v57, v43;
	v63 =	vmul.f32 v52, v52;
	v20 =	vmul.f32 v43, v43  }
0x21f: {  	v15 =	vld [tilespmem:s26+$0x10];
	v21 =	vmul.f32 v57, v57;
	v22 =	vmul.f32 v49, v49;
	v58 =	vadd.f32 v48, v49  }
0x220: {  	v10 =	vld [tilespmem:s15+$0x20];
	v7 =	vadd.f32 v9, v62;
	v62 =	vmul.f32 v53, v53;
	v9 =	vadd.f32 v11, v23  }
0x221: {  	v39 =	vld [tilespmem:s26+$0x40];
	v16 =	vmul.f32 v48, v48;
	v0 =	vadd.f32 v40, v0;
	v61 =	vadd.f32 v58, v50  }
0x222: {  	v12 =	vadd.f32 v60, v59;
	v14 =	vadd.f32 v21, v20;
	v59 =	vld [tilespmem:s26+$0x50];
	v44 =	vperm.xlane v7, v3  }
0x223: {  	s28 =	simm.s32 $0x303;
	v8 =	vadd.f32 v63, v62;
	v58 =	vld [tilespmem:s15+$0x50];
	v11 =	vperm.xlane v9, v3;
	v0 =	vadd.f32 v61, v0  }
0x224: {  	v6 =	vadd.f32 v7, v44;
	v7 =	vadd.f32 v16, v22;
	v44 =	vld [tilespmem:s28+$0x0]  }
0x225: {  	v8 =	vadd.f32 v8, v12;
	v12 =	vld [tilespmem:s26+$0x20];
	v9 =	vadd.f32 v9, v11;
	v23 =	vperm.xlane v0, v2  }
0x226: {  	v5 =	vadd.f32 v17, v5;
	v24 =	vperm.xlane v6, v4;
	v7 =	vadd.f32 v7, v14;
	v14 =	vld [tilespmem:s15+$0x40]  }
0x227: {  	v63 =	vld [tilespmem:s26+$0x60];
	v13 =	vadd.f32 v15, v13;
	v26 =	vperm.xlane v9, v4;
	v0 =	vadd.f32 v0, v23  }
0x228: {  	v16 =	vld [tilespmem:s15+$0x30];
	v6 =	vadd.f32 v6, v24;
	v7 =	vadd.f32 v7, v8;
	v24 =	vimm.s32 $0x0  }
0x229: {  	v8 =	vld [tilespmem:s26+$0x30];
	v9 =	vadd.f32 v9, v26;
	v19 =	vperm.xlane v44, v24;
	v25 =	vperm.xlane v0, v1  }
0x22a: {  	v61 =	vld [tilespmem:s15+$0x60];
	v10 =	vadd.f32 v12, v10;
	v38 =	vmul.f32 $7.812500000e-03, v6;
	v37 =	vperm.xlane v7, v2  }
0x22b: {  	v9 =	vmul.f32 $7.812500000e-03, v9;
	v19 =	vcvt.s32.f32 v19;
	v11 =	vadd.f32 v39, v14  }
0x22c: {  	v0 =	vadd.f32 v0, v25;
	v50 =	vmul.f32 v38, v38;
	v6 =	vadd.f32 v7, v37  }
0x22d: {  	v7 =	vadd.f32 v59, v58;
	v37 =	vmul.f32 v19, v27;
	v39 =	vmul.f32 v19, v46  }
0x22e: {  	v26 =	vld [tilespmem:s26+$0x70];
	v8 =	vadd.f32 v8, v16;
	v44 =	vmul.f32 v19, v28;
	v40 =	vperm.xlane v0, v3  }
0x22f: {  	v25 =	vld [tilespmem:s15+$0x70];
	v9 =	vsub.f32 v9, v50;
	v60 =	vperm.xlane v6, v1;
	v50 =	vadd.f32 v63, v61  }
0x230: {  	v61 =	vmul.f32 v19, v29;
	v12 =	vadd.f32 v37, v42;
	v14 =	vadd.f32 v39, v45  }
0x231: {  	v63 =	vmul.f32 v19, v51;
	v16 =	vadd.f32 v44, v32;
	v0 =	vadd.f32 v0, v40  }
0x232: {  	v9 =	vadd.f32 $9.999999960e-13, v9;
	v6 =	vadd.f32 v6, v60  }
0x233: {  	v40 =	vmul.f32 v19, v47;
	v21 =	vadd.f32 v61, v33;
	v20 =	vadd.f32 v63, v35  }
0x234: {  	v17 =	vadd.f32 v26, v25;
	v63 =	vadd.f32 v12, v5  }
0x235: {  	v61 =	vadd.f32 v8, v16;
	v12 =	vld [tilespmem:s15+$0xFFFFFF80];
	v62 =	vperm.xlane v0, v4;
	v15 =	vadd.f32 v40, v31  }
0x236: {  	v16 =	vld [tilespmem:s26+$0xFFFFFF80];
	v58 =	vadd.f32 v11, v21;
	v25 =	vperm.xlane v6, v3;
	v50 =	vadd.f32 v50, v20  }
0x237: {  	v0 =	vadd.f32 v0, v62;
	v62 =	vmul.f32 v19, v36;
	v19 =	vmul.f32 v19, v30  }
0x238: {  	v60 =	vadd.f32 v10, v15;
	v5 =	vadd.f32 v6, v25  }
0x239: {  	v37 =	vmul.f32 v63, v63;
	v22 =	vadd.f32 v62, v34;
	v19 =	vadd.f32 v19, v41  }
0x23a: {  	v18 =	vld [tilespmem:s26+$0xFFFFFFB0];
	v40 =	vmul.f32 v61, v61;
	v62 =	vadd.f32 v13, v14;
	v10 =	vadd.f32 v61, v60  }
0x23b: {  	v23 =	vld [tilespmem:s15+$0xFFFFFFA0];
	v15 =	vmul.f32 v60, v60;
	v12 =	vadd.f32 v16, v12;
	v59 =	vadd.f32 v7, v22  }
0x23c: {  	v6 =	vld [tilespmem:s15+$0xFFFFFF90];
	v21 =	vmul.f32 v50, v50;
	v44 =	vadd.f32 v17, v19;
	v26 =	vadd.f32 v62, v63  }
0x23d: {  	v7 =	vld [tilespmem:s28+$0xFFFFFFFF];
	v14 =	vmul.f32 v62, v62;
	v19 =	vmul.f32 v58, v58;
	v40 =	vadd.f32 v40, v15  }
0x23e: {  	v22 =	vld [tilespmem:s26+$0xFFFFFF90];
	v39 =	vadd.f32 v59, v58;
	v17 =	vadd.f32 v44, v50;
	v25 =	vmul.f32 v59, v59  }
0x23f: {  	v20 =	vld [tilespmem:s15+$0xFFFFFFD0];
	v8 =	vadd.f32 v10, v26;
	v13 =	vmul.f32 v44, v44;
	v26 =	vperm.xlane v5, v4  }
0x240: {  	v11 =	vadd.f32 v14, v37;
	v37 =	vmul.f32 $7.812500000e-03, v0;
	v0 =	vld [tilespmem:s26+$0xFFFFFFA0];
	v10 =	vadd.f32 v17, v39  }
0x241: {  	v14 =	vld [tilespmem:s15+$0xFFFFFFC0];
	v25 =	vadd.f32 v25, v19;
	v13 =	vadd.f32 v13, v21  }
0x242: {  	v5 =	vadd.f32 v5, v26;
	v17 =	vld [tilespmem:s15+$0xFFFFFFB0];
	v11 =	vadd.f32 v40, v11;
	v7 =	vperm.xlane v7, v24  }
0x243: {  	v26 =	vmul.f32 v37, v37;
	v19 =	vld [tilespmem:s26+$0xFFFFFFC0];
	v6 =	vadd.f32 v22, v6;
	v13 =	vadd.f32 v13, v25  }
0x244: {  	v24 =	vld [tilespmem:s26+$0xFFFFFFD0];
	v8 =	vadd.f32 v10, v8;
	v5 =	vmul.f32 $7.812500000e-03, v5;
	v7 =	vcvt.s32.f32 v7  }
0x245: {  	v15 =	vshra.s32 v9, $0x1;
	v0 =	vadd.f32 v0, v23;
	v11 =	vadd.f32 v13, v11  }
0x246: {  	v16 =	vld [tilespmem:s26+$0xFFFFFFE0];
	v39 =	vperm.xlane v8, v2;
	v5 =	vsub.f32 v5, v26;
	v40 =	vmul.f32 v7, v27  }
0x247: {  	v25 =	vld [tilespmem:s15+$0xFFFFFFE0];
	v21 =	vmul.f32 v7, v46;
	v26 =	vmul.f32 v7, v47;
	v17 =	vadd.f32 v18, v17  }
0x248: {  	v14 =	vadd.f32 v19, v14;
	v47 =	vmul.f32 v7, v51;
	v8 =	vadd.f32 v8, v39  }
0x249: {  	v46 =	vperm.xlane v11, v2;
	v20 =	vadd.f32 v24, v20;
	v5 =	vadd.f32 $9.999999960e-13, v5  }
0x24a: {  	v39 =	vmul.f32 v7, v28;
	v10 =	vadd.f32 v40, v42;
	v21 =	vadd.f32 v21, v45  }
0x24b: {  	v13 =	vld [tilespmem:s15+$0xFFFFFFF0];
	v42 =	vmul.f32 v7, v29;
	v26 =	vadd.f32 v26, v31;
	v24 =	vadd.f32 v47, v35  }
0x24c: {  	v40 =	vld [tilespmem:s26+$0xFFFFFFF0];
	v16 =	vadd.f32 v16, v25;
	v27 =	vperm.xlane v8, v1;
	v11 =	vadd.f32 v11, v46  }
0x24d: {  	v46 =	vmul.f32 v7, v36;
	v23 =	vadd.f32 v39, v32;
	v19 =	vadd.f32 v42, v33  }
0x24e: {  	v7 =	vmul.f32 v7, v30;
	v39 =	vadd.f32 v10, v12;
	v42 =	vadd.f32 v0, v26  }
0x24f: {  	v9 =	vmul.f32 $5.000000000e-01, v9;
	v45 =	vadd.f32 v16, v24;
	v8 =	vadd.f32 v8, v27  }
0x250: {  	v22 =	vadd.f32 v46, v34;
	v51 =	vperm.xlane v11, v1;
	v7 =	vadd.f32 v7, v41  }
0x251: {  	v33 =	vmul.f32 v39, v39;
	v26 =	vmul.f32 v45, v45;
	v13 =	vadd.f32 v40, v13  }
0x252: {  	v27 =	vperm.xlane v8, v3;
	v11 =	vadd.f32 v11, v51;
	v40 =	vadd.f32 v6, v21  }
0x253: {  	v51 =	vadd.f32 v17, v23;
	v47 =	vadd.f32 v20, v22;
	v21 =	vmul.f32 v42, v42  }
0x254: {  	v0 =	vadd.f32 v8, v27;
	v32 =	vperm.xlane v11, v3;
	v27 =	vadd.f32 v14, v19  }
0x255: {  	v46 =	vadd.f32 v13, v7;
	v35 =	vmul.f32 v40, v40;
	v36 =	vadd.f32 v40, v39  }
0x256: {  	v20 =	vadd.f32 v51, v42;
	v23 =	vmul.f32 v51, v51;
	v6 =	vadd.f32 v11, v32  }
0x257: {  	v25 =	vmul.f32 v47, v47;
	v14 =	vadd.f32 v47, v27;
	v22 =	vadd.f32 v46, v45  }
0x258: {  	v11 =	vadd.f32 v20, v36;
	v24 =	vmul.f32 v27, v27;
	v32 =	vmul.f32 v46, v46  }
0x259: {  	v34 =	vperm.xlane v0, v4;
	v7 =	vadd.f32 v35, v33;
	v12 =	vadd.f32 v23, v21  }
0x25a: {  	v15 =	vsub.s32 $0x5F3759DF, v15;
	v13 =	vadd.f32 v25, v24;
	v8 =	vadd.f32 v32, v26  }
0x25b: {  	v10 =	vmul.f32 v15, v9;
	v0 =	vadd.f32 v0, v34;
	v14 =	vadd.f32 v22, v14;
	v34 =	vld [tilespmem:$0x1FC90]  }
0x25c: {  	v7 =	vadd.f32 v12, v7;
	v8 =	vadd.f32 v8, v13  }
0x25d: {  	v10 =	vmul.f32 v15, v10;
	v17 =	vsub.f32 v56, v38;
	v56 =	vld [tilespmem:$0x1FCD0];
	v41 =	vperm.xlane v6, v4  }
0x25e: {  	v33 =	vld [tilespmem:$0x1FC80];
	v11 =	vadd.f32 v14, v11;
	v7 =	vadd.f32 v8, v7  }
0x25f: {  	v10 =	vsub.f32 $1.500000000e+00, v10;
	v6 =	vadd.f32 v6, v41;
	v41 =	vld [tilespmem:$0x1FCC0]  }
0x260: {  	v35 =	vld [tilespmem:$0x1FCA0];
	v24 =	vperm.xlane v11, v2;
	v16 =	vsub.f32 v34, v38;
	v34 =	vperm.xlane v7, v2  }
0x261: {  	v10 =	vmul.f32 v15, v10;
	v23 =	vshra.s32 v5, $0x1;
	v5 =	vmul.f32 $5.000000000e-01, v5  }
0x262: {  	v36 =	vld [tilespmem:$0x1FCB0];
	v12 =	vsub.s32 $0x5F3759DF, v23;
	v11 =	vadd.f32 v11, v24;
	v7 =	vadd.f32 v7, v34  }
0x263: {  	v9 =	vmul.f32 v10, v9;
	v32 =	vmul.f32 v12, v5;
	v14 =	vsub.f32 v33, v38  }
0x264: {  	v19 =	vsub.f32 v41, v38;
	v33 =	vperm.xlane v11, v1;
	v41 =	vperm.xlane v7, v1  }
0x265: {  	v20 =	vsub.f32 v56, v38;
	v9 =	vmul.f32 v9, v10;
	v18 =	vsub.f32 v35, v38  }
0x266: {  	v22 =	vmul.f32 v12, v32;
	v8 =	vadd.f32 v11, v33;
	v7 =	vadd.f32 v7, v41  }
0x267: {  	v26 =	vld [tilespmem:$0x1FCE0];
	v15 =	vsub.f32 v36, v38;
	v9 =	vsub.f32 $1.500000000e+00, v9  }
0x268: {  	v35 =	vsub.f32 $1.500000000e+00, v22;
	v36 =	vperm.xlane v8, v3;
	v56 =	vperm.xlane v7, v3;
	v3 =	vld [tilespmem:$0x1FED0]  }
0x269: {  	v9 =	vmul.f32 v9, v10  }
0x26a: {  	v10 =	vmul.f32 v12, v35  }
0x26b: {  	v17 =	vmul.f32 v9, v17;
	v1 =	vld [tilespmem:$0x1FEC0]  }
0x26c: {  	v21 =	vsub.f32 v26, v38;
	v5 =	vmul.f32 v10, v5  }
0x26d: {  	v32 =	vmul.f32 v17, v3;
	v3 =	vld [tilespmem:$0x1FEE0]  }
0x26e: {  	v21 =	vmul.f32 v9, v21;
	v5 =	vmul.f32 v5, v10;
	_ =	sdelay $0x1  }
0x26f: {  	v41 =	vsub.f32 v57, v37;
	v5 =	vsub.f32 $1.500000000e+00, v5;
	v57 =	vmul.f32 v21, v1;
	_ =	sdelay $0x1  }
0x270: {  	v5 =	vmul.f32 v5, v10;
	v10 =	vadd.f32 v57, v3;
	v3 =	vld [tilespmem:$0x1FEF0];
	_ =	sdelay $0x2  }
0x271: {  	v18 =	vmul.f32 v9, v18  }
0x272: {  	v0 =	vmul.f32 $7.812500000e-03, v0  }
0x273: {  	v33 =	vmul.f32 v18, v3;
	v3 =	vld [tilespmem:$0x1FF00]  }
0x274: {  	v6 =	vmul.f32 $7.812500000e-03, v6;
	v25 =	vmul.f32 v0, v0;
	_ =	sdelay $0x1  }
0x275: {  	v6 =	vsub.f32 v6, v25;
	v15 =	vmul.f32 v9, v15;
	v1 =	vld [tilespmem:$0x1FFA0];
	_ =	sdelay $0x1  }
0x276: {  	v6 =	vadd.f32 $9.999999960e-13, v6;
	v15 =	vmul.f32 v15, v3;
	v3 =	vld [tilespmem:$0x1FF10]  }
0x277: {  	v14 =	vmul.f32 v9, v14  }
0x278: {  	v38 =	vshra.s32 v6, $0x1;
	v6 =	vmul.f32 $5.000000000e-01, v6  }
0x279: {  	v2 =	vld [tilespmem:$0x1FFB0];
	v12 =	vsub.s32 $0x5F3759DF, v38;
	v14 =	vmul.f32 v14, v1  }
0x27a: {  	v22 =	vsub.f32 v53, v37;
	v53 =	vmul.f32 v12, v6  }
0x27b: {  	v14 =	vadd.f32 v14, v3;
	v3 =	vld [tilespmem:$0x1FF20]  }
0x27c: {  	v16 =	vmul.f32 v9, v16;
	v11 =	vmul.f32 v12, v53;
	_ =	sdelay $0x1  }
0x27d: {  	v21 =	vmul.f32 v16, v2;
	v11 =	vsub.f32 $1.500000000e+00, v11;
	_ =	sdelay $0x1  }
0x27e: {  	v11 =	vmul.f32 v12, v11;
	v12 =	vadd.f32 v21, v3;
	v3 =	vld [tilespmem:$0x1FF30];
	_ =	sdelay $0x4  }
0x27f: {  	v16 =	vadd.f32 v32, v3;
	v3 =	vld [tilespmem:$0x1FF40];
	_ =	sdelay $0x4  }
0x280: {  	v17 =	vadd.f32 v33, v3;
	v3 =	vld [tilespmem:$0x1FF50];
	_ =	sdelay $0x2  }
0x281: {  	s12 =	simm.s32 $0xA880  }
0x282: {  	[tilespmem:s12+$0x70] =	vst v10  }
0x283: {  	v15 =	vadd.f32 v15, v3;
	v3 =	vld [tilespmem:$0x1FF60];
	_ =	sdelay $0x2  }
0x284: {  	v19 =	vmul.f32 v9, v19;
	[tilespmem:s12+$0x0] =	vst v14  }
0x285: {  	[tilespmem:s12+$0x10] =	vst v12  }
0x286: {  	v8 =	vadd.f32 v8, v36;
	v36 =	vmul.f32 v19, v3;
	v3 =	vld [tilespmem:$0x1FF70]  }
0x287: {  	v23 =	vsub.f32 v54, v37;
	v54 =	vsub.f32 v52, v37  }
0x288: {  	v13 =	vsub.f32 v55, v37;
	v35 =	vsub.f32 v43, v37  }
0x289: {  	v43 =	vsub.f32 v49, v37;
	v9 =	vmul.f32 v9, v20;
	v37 =	vsub.f32 v48, v37  }
0x28a: {  	v52 =	vsub.f32 v59, v0  }
0x28b: {  	v50 =	vsub.f32 v50, v0;
	v48 =	vmul.f32 v5, v37;
	v37 =	vmul.f32 v9, v3;
	v3 =	vld [tilespmem:$0x1FF80]  }
0x28c: {  	v25 =	vsub.f32 v63, v0;
	v63 =	vsub.f32 v62, v0;
	v6 =	vmul.f32 v11, v6  }
0x28d: {  	v62 =	vsub.f32 v60, v0;
	v60 =	vsub.f32 v61, v0;
	v55 =	vperm.xlane v8, v4  }
0x28e: {  	v38 =	vsub.f32 v44, v0;
	v7 =	vadd.f32 v7, v56;
	v6 =	vmul.f32 v6, v11;
	[tilespmem:s12+$0x20] =	vst v16  }
0x28f: {  	v13 =	vmul.f32 v5, v13;
	v34 =	vmul.f32 v5, v23;
	v8 =	vadd.f32 v8, v55;
	[tilespmem:s12+$0x30] =	vst v17  }
0x290: {  	v53 =	vmul.f32 v5, v35;
	v35 =	vsub.f32 $1.500000000e+00, v6;
	v6 =	vadd.f32 v36, v3;
	v3 =	vld [tilespmem:$0x1FF90]  }
0x291: {  	v56 =	vmul.f32 v5, v54;
	v55 =	vsub.f32 v58, v0;
	v0 =	vperm.xlane v7, v4  }
0x292: {  	v54 =	vmul.f32 v5, v43;
	v43 =	vmul.f32 $7.812500000e-03, v8  }
0x293: {  	v49 =	vmul.f32 v5, v41;
	v58 =	vmul.f32 v34, v2;
	v44 =	vadd.f32 v7, v0  }
0x294: {  	v59 =	vmul.f32 v13, v1;
	v41 =	vsub.f32 v39, v43;
	v40 =	vsub.f32 v40, v43  }
0x295: {  	v57 =	vmul.f32 v5, v22;
	v61 =	vmul.f32 v35, v11;
	[tilespmem:s12+$0x40] =	vst v15;
	v5 =	vadd.f32 v37, v3  }
0x296: {  	v0 =	vmul.f32 v43, v43;
	v31 =	vsub.f32 v27, v43;
	v32 =	vsub.f32 v42, v43;
	[tilespmem:s12+$0x50] =	vst v6  }
0x297: {  	s13 =	simm.s32 $0xA880;
	s14 =	simm.s32 $0x2;
	s15 =	simm.s32 $0x2A80;
	v42 =	vmul.f32 v61, v38;
	v33 =	vsub.f32 v51, v43;
	v51 =	vmul.f32 v61, v25;
	[tilespmem:s12+$0x60] =	vst v5  }
.LBB2_4:
0x298: {  	v5 =	vld [tilespmem:s15+$0x0]  }
0x299: {  	v34 =	vld [tilespmem:$0x1FEC0]  }
0x29a: {  	v10 =	vld [tilespmem:s15+$0x10]  }
0x29b: {  	v12 =	vmul.f32 v61, v60;
	v60 =	vld [tilespmem:$0x1FF10]  }
0x29c: {  	v15 =	vld [tilespmem:s15+$0x20]  }
0x29d: {  	v37 =	vld [tilespmem:$0x1FED0]  }
0x29e: {  	v28 =	vld [tilespmem:$0x1FEF0]  }
0x29f: {  	v27 =	vld [tilespmem:$0x1FF00]  }
0x2a0: {  	v38 =	vld [tilespmem:$0x1FF60]  }
0x2a1: {  	v30 =	vld [tilespmem:$0x1FFA0]  }
0x2a2: {  	v29 =	vld [tilespmem:$0x1FFB0]  }
0x2a3: {  	v9 =	vmul.f32 v61, v63;
	v63 =	vld [tilespmem:$0x1FF50]  }
0x2a4: {  	v2 =	vld [tilespmem:$0x1FD50]  }
0x2a5: {  	v3 =	vld [tilespmem:$0x1FD80]  }
0x2a6: {  	s26 =	sadd.s32 $0x100, s26;
	v4 =	vld [tilespmem:$0x1FD90]  }
0x2a7: {  	v8 =	vld [tilespmem:s26+$0x0]  }
0x2a8: {  	v35 =	vmul.f32 v61, v62;
	v62 =	vld [tilespmem:$0x1FEE0]  }
0x2a9: {  	v11 =	vld [tilespmem:s26+$0x10]  }
0x2aa: {  	v14 =	vadd.f32 v59, v60;
	v59 =	vld [tilespmem:$0x1FF20]  }
0x2ab: {  	v1 =	vsub.f32 v47, v43;
	v7 =	vmul.f32 v42, v34;
	v42 =	vld [tilespmem:$0x1FF70]  }
0x2ac: {  	v13 =	vmul.f32 v61, v55;
	v19 =	vmul.f32 v56, v28;
	v56 =	vld [tilespmem:$0x1FF30]  }
0x2ad: {  	[tilespmem:$0x1FC50] =	vst v1;
	v1 =	vsub.f32 v45, v43;
	v22 =	vmul.f32 v53, v27;
	v12 =	vmul.f32 v12, v28;
	v28 =	vld [tilespmem:$0x1FF80]  }
0x2ae: {  	v13 =	vmul.f32 v13, v27;
	v27 =	vld [tilespmem:$0x1FF90];
	v7 =	vadd.f32 v7, v62  }
0x2af: {  	s12 =	sadd.s32 $0x100, s12;
	[tilespmem:$0x1FC60] =	vst v1;
	v1 =	vsub.f32 v46, v43;
	v43 =	vmul.f32 v48, v34;
	v53 =	vld [tilespmem:$0x1FD20];
	v34 =	vadd.f32 v22, v63  }
0x2b0: {  	v18 =	vmul.f32 v57, v37;
	v57 =	vmul.f32 v51, v30;
	v51 =	vld [tilespmem:$0x1FD30];
	[tilespmem:s12+$0x70] =	vst v7  }
0x2b1: {  	[tilespmem:s13+$0xFFFFFFC0] =	vst v34;
	v34 =	vld [tilespmem:$0x1FDB0]  }
0x2b2: {  	v7 =	vld [tilespmem:s26+$0x20]  }
0x2b3: {  	v20 =	vld [tilespmem:s15+$0x30]  }
0x2b4: {  	v23 =	vld [tilespmem:s26+$0x30]  }
0x2b5: {  	v25 =	vld [tilespmem:s15+$0x40]  }
0x2b6: {  	v46 =	vld [tilespmem:s26+$0x40]  }
0x2b7: {  	s28 =	sadd.s32 $0x2, s28;
	v6 =	vmul.f32 $7.812500000e-03, v44;
	v36 =	vadd.f32 v58, v59;
	v58 =	vld [tilespmem:$0x1FF40]  }
0x2b8: {  	v16 =	vmul.f32 v61, v52;
	v17 =	vmul.f32 v61, v50;
	v61 =	vld [tilespmem:s28+$0x0]  }
0x2b9: {  	v0 =	vsub.f32 v6, v0;
	v6 =	vmul.f32 v35, v37;
	v35 =	vld [tilespmem:s15+$0x50]  }
0x2ba: {  	v39 =	vmul.f32 v49, v38;
	v37 =	vld [tilespmem:s15+$0x60]  }
0x2bb: {  	v24 =	vmul.f32 v54, v42;
	v48 =	vmul.f32 v17, v42;
	v42 =	vld [tilespmem:s26+$0x60]  }
0x2bc: {  	v0 =	vadd.f32 $9.999999960e-13, v0;
	[tilespmem:s13+$0xFFFFFF80] =	vst v14;
	v14 =	vadd.f32 v39, v28;
	v45 =	vld [tilespmem:s15+$0x70]  }
0x2bd: {  	v39 =	vadd.f32 v43, v62;
	v43 =	vadd.f32 v57, v60;
	v47 =	vld [tilespmem:s26+$0x70]  }
0x2be: {  	v49 =	vmul.f32 v16, v38;
	[tilespmem:s13+$0xFFFFFF90] =	vst v36;
	v36 =	vld [tilespmem:s26+$0x50];
	v38 =	vadd.f32 v24, v27  }
0x2bf: {  	v21 =	vshra.s32 v0, $0x1;
	v0 =	vmul.f32 $5.000000000e-01, v0;
	[tilespmem:s13+$0xFFFFFFF0] =	vst v39;
	v39 =	vld [tilespmem:$0x1FDE0]  }
0x2c0: {  	v9 =	vmul.f32 v9, v29;
	v21 =	vsub.s32 $0x5F3759DF, v21;
	[tilespmem:s13+$0xFFFFFFE0] =	vst v38;
	v38 =	vld [tilespmem:$0x1FDD0]  }
0x2c1: {  	v5 =	vadd.f32 v8, v5;
	v26 =	vmul.f32 v21, v0;
	[tilespmem:s12+$0x0] =	vst v43;
	v43 =	vmov v33;
	v33 =	vld [tilespmem:$0x1FDA0]  }
0x2c2: {  	[tilespmem:$0x1FC70] =	vst v1;
	v1 =	vimm.s32 $0x0;
	v18 =	vadd.f32 v18, v56;
	v16 =	vadd.f32 v42, v37;
	v37 =	vld [tilespmem:$0x1FDC0]  }
0x2c3: {  	v26 =	vmul.f32 v21, v26;
	v19 =	vadd.f32 v19, v58;
	v44 =	vperm.xlane v61, v1;
	v61 =	vld [tilespmem:$0x1FD40]  }
0x2c4: {  	v10 =	vadd.f32 v11, v10;
	v13 =	vadd.f32 v13, v63;
	[tilespmem:s13+$0xFFFFFFA0] =	vst v18;
	v42 =	vmov v32;
	v32 =	vld [tilespmem:$0x1FD70]  }
0x2c5: {  	v26 =	vsub.f32 $1.500000000e+00, v26;
	[tilespmem:s13+$0xFFFFFFB0] =	vst v19;
	v19 =	vadd.f32 v36, v35;
	v35 =	vld [tilespmem:$0x1FDF0]  }
0x2c6: {  	v9 =	vadd.f32 v9, v59;
	v6 =	vadd.f32 v6, v56;
	[tilespmem:s13+$0xFFFFFFD0] =	vst v14;
	v36 =	vld [tilespmem:$0x1FE00]  }
0x2c7: {  	v50 =	vmul.f32 v21, v26;
	v12 =	vadd.f32 v12, v58;
	v17 =	vcvt.s32.f32 v44;
	v14 =	vld [tilespmem:s28+$0xFFFFFFFF]  }
0x2c8: {  	[tilespmem:s12+$0x20] =	vst v6;
	v7 =	vadd.f32 v7, v15;
	v15 =	vadd.f32 v23, v20;
	v6 =	vld [tilespmem:s15+$0xFFFFFF90]  }
0x2c9: {  	v20 =	vadd.f32 v46, v25;
	v0 =	vmul.f32 v50, v0;
	[tilespmem:s12+$0x30] =	vst v12;
	v12 =	vld [tilespmem:s26+$0xFFFFFF90];
	v55 =	vmul.f32 v17, v53  }
0x2ca: {  	[tilespmem:s12+$0x40] =	vst v13;
	v8 =	vadd.f32 v47, v45;
	v13 =	vld [tilespmem:s15+$0xFFFFFFA0];
	v57 =	vmul.f32 v17, v2;
	v58 =	vmul.f32 v17, v3  }
0x2cb: {  	[tilespmem:s12+$0x10] =	vst v9;
	v26 =	vld [tilespmem:s26+$0xFFFFFFA0];
	v59 =	vmul.f32 v17, v4;
	v24 =	vmul.f32 v17, v37;
	v9 =	vadd.f32 v55, v61  }
0x2cc: {  	v44 =	vmovc v31;
	v31 =	vld [tilespmem:$0x1FD60];
	v63 =	vmul.f32 v17, v38;
	v22 =	vadd.f32 v57, v32;
	v23 =	vadd.f32 v58, v33  }
0x2cd: {  	v11 =	vld [tilespmem:s15+$0xFFFFFF80];
	v52 =	vmul.f32 v0, v50;
	v18 =	vadd.f32 v59, v34;
	v24 =	vadd.f32 v24, v35  }
0x2ce: {  	v0 =	vld [tilespmem:s26+$0xFFFFFF80];
	v56 =	vmul.f32 v17, v51;
	v25 =	vadd.f32 v63, v36;
	v58 =	vadd.f32 v9, v5  }
0x2cf: {  	v14 =	vperm.xlane v14, v1;
	v1 =	vld [tilespmem:$0x1FE10];
	v59 =	vadd.f32 v7, v22;
	v55 =	vadd.f32 v15, v23  }
0x2d0: {  	v57 =	vadd.f32 v20, v18;
	v6 =	vadd.f32 v12, v6  }
0x2d1: {  	v47 =	vld [tilespmem:s15+$0xFFFFFFC0];
	v17 =	vmul.f32 v17, v39;
	v13 =	vadd.f32 v26, v13;
	v21 =	vadd.f32 v56, v31  }
0x2d2: {  	v5 =	vld [tilespmem:s26+$0xFFFFFFC0];
	v54 =	vadd.f32 v16, v25;
	v14 =	vcvt.s32.f32 v14;
	v18 =	vmul.f32 v58, v58  }
0x2d3: {  	v9 =	vld [tilespmem:s15+$0xFFFFFFD0];
	v0 =	vadd.f32 v0, v11;
	v22 =	vmul.f32 v59, v59;
	v25 =	vmul.f32 v55, v55  }
0x2d4: {  	v15 =	vld [tilespmem:s26+$0xFFFFFFD0];
	v60 =	vmul.f32 v57, v57;
	v56 =	vadd.f32 v10, v21;
	v17 =	vadd.f32 v17, v1  }
0x2d5: {  	v63 =	vmul.f32 v54, v54;
	v7 =	vmul.f32 v14, v53;
	v53 =	vadd.f32 v19, v24  }
0x2d6: {  	v10 =	vmul.f32 v14, v51;
	v16 =	vadd.f32 v56, v58;
	v51 =	vadd.f32 v8, v17  }
0x2d7: {  	v21 =	vmul.f32 v56, v56;
	v5 =	vadd.f32 v5, v47;
	v20 =	vadd.f32 v53, v57  }
0x2d8: {  	v37 =	vmul.f32 v14, v37;
	v17 =	vadd.f32 v55, v59;
	v24 =	vadd.f32 v51, v54  }
0x2d9: {  	v9 =	vadd.f32 v15, v9;
	v62 =	vmul.f32 v53, v53;
	v18 =	vadd.f32 v21, v18  }
0x2da: {  	v45 =	vld [tilespmem:s15+$0xFFFFFFB0];
	v16 =	vadd.f32 v17, v16;
	v17 =	vadd.f32 v24, v20;
	v20 =	vmul.f32 v51, v51  }
0x2db: {  	v21 =	vadd.f32 v25, v22;
	v22 =	vmul.f32 v14, v3;
	v24 =	vmul.f32 v14, v2;
	v2 =	vld [tilespmem:$0x1FFF0]  }
0x2dc: {  	v46 =	vld [tilespmem:s26+$0xFFFFFFB0];
	v25 =	vadd.f32 v62, v60;
	v60 =	vmul.f32 v14, v4;
	v20 =	vadd.f32 v20, v63  }
0x2dd: {  	v23 =	vld [tilespmem:s15+$0xFFFFFFF0];
	v4 =	vmul.f32 v14, v38;
	v18 =	vadd.f32 v21, v18;
	v14 =	vmul.f32 v14, v39  }
0x2de: {  	v19 =	vld [tilespmem:s26+$0xFFFFFFE0];
	v16 =	vadd.f32 v17, v16;
	v20 =	vadd.f32 v20, v25  }
0x2df: {  	v7 =	vadd.f32 v7, v61;
	v38 =	vadd.f32 v14, v1;
	v1 =	vld [tilespmem:$0x1FFC0]  }
0x2e0: {  	v61 =	vld [tilespmem:s26+$0xFFFFFFF0];
	v22 =	vadd.f32 v22, v33;
	v33 =	vperm.xlane v16, v2;
	v18 =	vadd.f32 v20, v18  }
0x2e1: {  	v10 =	vadd.f32 v10, v31;
	v35 =	vadd.f32 v37, v35;
	v8 =	vld [tilespmem:s15+$0xFFFFFFE0]  }
0x2e2: {  	v62 =	vadd.f32 v46, v45;
	v16 =	vadd.f32 v16, v33;
	v37 =	vperm.xlane v18, v2  }
0x2e3: {  	v3 =	vld [tilespmem:$0x1FFD0];
	v7 =	vadd.f32 v7, v0;
	v6 =	vadd.f32 v6, v10  }
0x2e4: {  	v34 =	vadd.f32 v60, v34;
	v39 =	vperm.xlane v16, v1;
	v60 =	vadd.f32 v18, v37  }
0x2e5: {  	v47 =	vadd.f32 v9, v35;
	v23 =	vadd.f32 v61, v23  }
0x2e6: {  	v8 =	vadd.f32 v19, v8;
	v12 =	vadd.f32 v16, v39;
	v63 =	vperm.xlane v60, v1  }
0x2e7: {  	v32 =	vadd.f32 v24, v32;
	v17 =	vadd.f32 v4, v36;
	v4 =	vld [tilespmem:$0x1FFE0]  }
0x2e8: {  	v5 =	vadd.f32 v5, v34;
	v26 =	vperm.xlane v12, v3;
	v14 =	vadd.f32 v60, v63  }
0x2e9: {  	v35 =	vmul.f32 v6, v6;
	v36 =	vadd.f32 v6, v7;
	v10 =	vadd.f32 v13, v32  }
0x2ea: {  	v13 =	vadd.f32 v62, v22;
	v0 =	vadd.f32 v12, v26;
	v32 =	vperm.xlane v14, v3  }
0x2eb: {  	v45 =	vadd.f32 v8, v17;
	v46 =	vadd.f32 v23, v38;
	v22 =	vmul.f32 v47, v47  }
0x2ec: {  	v38 =	vadd.f32 v13, v10;
	v34 =	vperm.xlane v0, v4;
	v12 =	vadd.f32 v14, v32  }
0x2ed: {  	v61 =	vadd.f32 v46, v45;
	v62 =	vmul.f32 v13, v13;
	v23 =	vmul.f32 v45, v45  }
0x2ee: {  	v24 =	vmul.f32 v46, v46;
	v0 =	vadd.f32 v0, v34;
	v37 =	vperm.xlane v12, v4  }
0x2ef: {  	v33 =	vmul.f32 v7, v7;
	v11 =	vadd.f32 v38, v36;
	v39 =	vadd.f32 v47, v5  }
0x2f0: {  	v25 =	vadd.f32 v24, v23;
	v0 =	vmul.f32 $7.812500000e-03, v0;
	v9 =	vadd.f32 v12, v37  }
0x2f1: {  	v15 =	vadd.f32 v61, v39;
	v60 =	vmul.f32 v10, v10;
	v63 =	vmul.f32 v5, v5  }
0x2f2: {  	v8 =	vadd.f32 v35, v33;
	v21 =	vmul.f32 v0, v0;
	v9 =	vmul.f32 $7.812500000e-03, v9  }
0x2f3: {  	v11 =	vadd.f32 v15, v11;
	v14 =	vadd.f32 v22, v63  }
0x2f4: {  	v12 =	vadd.f32 v62, v60;
	v9 =	vsub.f32 v9, v21  }
0x2f5: {  	v26 =	vperm.xlane v11, v2;
	v14 =	vadd.f32 v25, v14  }
0x2f6: {  	v8 =	vadd.f32 v12, v8;
	v9 =	vadd.f32 $9.999999960e-13, v9  }
0x2f7: {  	v32 =	vsub.f32 $1.500000000e+00, v52;
	v11 =	vadd.f32 v11, v26  }
0x2f8: {  	v8 =	vadd.f32 v14, v8;
	v33 =	vshra.s32 v9, $0x1;
	v9 =	vmul.f32 $5.000000000e-01, v9  }
0x2f9: {  	v24 =	vmul.f32 v32, v50;
	v35 =	vperm.xlane v11, v1;
	v34 =	vsub.s32 $0x5F3759DF, v33  }
0x2fa: {  	v36 =	vperm.xlane v8, v2;
	v2 =	vld [tilespmem:$0x1FC50];
	v25 =	vmul.f32 v34, v9  }
0x2fb: {  	v37 =	vmul.f32 v24, v41;
	v41 =	vadd.f32 v49, v28;
	v11 =	vadd.f32 v11, v35  }
0x2fc: {  	v26 =	vsub.f32 v58, v0;
	v63 =	vsub.f32 v56, v0;
	v14 =	vmul.f32 v34, v25  }
0x2fd: {  	v62 =	vsub.f32 v59, v0;
	v39 =	vperm.xlane v11, v3;
	v8 =	vadd.f32 v8, v36  }
0x2fe: {  	v38 =	vmul.f32 v24, v40;
	v60 =	vsub.f32 v55, v0;
	v14 =	vsub.f32 $1.500000000e+00, v14  }
0x2ff: {  	v11 =	vadd.f32 v11, v39;
	v40 =	vperm.xlane v8, v1;
	v49 =	vmul.f32 v24, v2;
	v2 =	vld [tilespmem:$0x1FC60]  }
0x300: {  	v55 =	vsub.f32 v57, v0;
	v57 =	vmul.f32 v24, v42;
	v12 =	vmul.f32 v34, v14  }
0x301: {  	v56 =	vmul.f32 v24, v43;
	v42 =	vperm.xlane v11, v4;
	v8 =	vadd.f32 v8, v40  }
0x302: {  	v52 =	vsub.f32 v53, v0;
	v53 =	vmul.f32 v24, v44;
	v9 =	vmul.f32 v12, v9  }
0x303: {  	v43 =	vadd.f32 v48, v27;
	v11 =	vadd.f32 v11, v42;
	v20 =	vperm.xlane v8, v3  }
0x304: {  	s14 =	sadd.s32 $0x2, s14;
	v50 =	vsub.f32 v54, v0;
	v54 =	vmul.f32 v24, v2;
	v2 =	vld [tilespmem:$0x1FC70];
	v9 =	vmul.f32 v9, v12  }
0x305: {  	p1 =	slt.u32 s14, $0x3E;
	v51 =	vsub.f32 v51, v0;
	v59 =	vmul.f32 v37, v30;
	[tilespmem:s12+$0x60] =	vst v43;
	v43 =	vmul.f32 $7.812500000e-03, v11  }
.Ltmp1:
0x306: {  	v58 =	vmul.f32 v38, v29;
	v8 =	vadd.f32 v8, v20;
	v9 =	vsub.f32 $1.500000000e+00, v9;
	(pc) =	sbr.rel @p1 .LBB2_4-.Ltmp1, $4  }
0x307: {  	[tilespmem:s12+$0x50] =	vst v41;
	v0 =	vmul.f32 v43, v43;
	v41 =	vsub.f32 v7, v43;
	v40 =	vsub.f32 v6, v43  }
0x308: {  	v32 =	vsub.f32 v10, v43;
	v44 =	vperm.xlane v8, v4;
	v61 =	vmul.f32 v9, v12  }
0x309: {  	v33 =	vsub.f32 v13, v43;
	v31 =	vsub.f32 v5, v43;
	v48 =	vmul.f32 v24, v2  }
0x30a: {  	s13 =	smov.u32 s12;
	s15 =	sadd.s32 $0x100, s15;
	v44 =	vadd.f32 v8, v44;
	v42 =	vmul.f32 v61, v51;
	v51 =	vmul.f32 v61, v26  }
0x30b: {  	v30 =	vld [tilespmem:$0x1FEC0];
	_ =	sdelay $0x1  }
0x30c: {  	v21 =	vld [tilespmem:$0x1FEE0];
	_ =	sdelay $0x2  }
0x30d: {  	v22 =	vld [tilespmem:$0x1FF10];
	v8 =	vmul.f32 v42, v30;
	_ =	sdelay $0x1  }
0x30e: {  	v8 =	vadd.f32 v8, v21  }
0x30f: {  	s12 =	sadd.s32 $0x100, s12;
	v5 =	vmul.f32 $7.812500000e-03, v44  }
0x310: {  	v24 =	vld [tilespmem:$0x1FED0];
	[tilespmem:s12+$0x70] =	vst v8  }
0x311: {  	v0 =	vsub.f32 v5, v0;
	v12 =	vadd.f32 v59, v22;
	v23 =	vld [tilespmem:$0x1FF20];
	_ =	sdelay $0x1  }
0x312: {  	v0 =	vadd.f32 $9.999999960e-13, v0;
	v25 =	vld [tilespmem:$0x1FEF0];
	[tilespmem:s13+$0xFFFFFF80] =	vst v12  }
0x313: {  	v27 =	vld [tilespmem:$0x1FF30]  }
0x314: {  	v39 =	vshra.s32 v0, $0x1;
	v0 =	vmul.f32 $5.000000000e-01, v0  }
0x315: {  	v5 =	vsub.s32 $0x5F3759DF, v39;
	v44 =	vadd.f32 v58, v23  }
0x316: {  	v13 =	vmul.f32 v57, v24;
	v6 =	vmul.f32 v5, v0  }
0x317: {  	v29 =	vld [tilespmem:$0x1FF00];
	[tilespmem:s13+$0xFFFFFF90] =	vst v44  }
0x318: {  	v6 =	vmul.f32 v5, v6;
	v13 =	vadd.f32 v13, v27;
	v20 =	vld [tilespmem:$0x1FF60]  }
0x319: {  	v26 =	vld [tilespmem:$0x1FF40]  }
0x31a: {  	v6 =	vsub.f32 $1.500000000e+00, v6;
	v4 =	vld [tilespmem:$0x1FF70];
	[tilespmem:s13+$0xFFFFFFA0] =	vst v13  }
0x31b: {  	v28 =	vld [tilespmem:$0x1FF50]  }
0x31c: {  	v14 =	vmul.f32 v56, v25;
	v5 =	vmul.f32 v5, v6  }
0x31d: {  	v10 =	vsub.f32 v46, v43  }
0x31e: {  	v46 =	vmul.f32 v53, v29;
	v0 =	vmul.f32 v5, v0;
	v14 =	vadd.f32 v14, v26  }
0x31f: {  	v9 =	vsub.f32 v45, v43;
	v45 =	vmul.f32 v61, v62  }
0x320: {  	v15 =	vmul.f32 v61, v60;
	v0 =	vmul.f32 v0, v5;
	v12 =	vadd.f32 v46, v28;
	[tilespmem:s13+$0xFFFFFFB0] =	vst v14  }
0x321: {  	v7 =	vsub.f32 v47, v43;
	v47 =	vmul.f32 v49, v20;
	v49 =	vmul.f32 v48, v30;
	v19 =	vld [tilespmem:$0x1FF80]  }
0x322: {  	v56 =	vmul.f32 v61, v52;
	v6 =	vmul.f32 v45, v24;
	v0 =	vsub.f32 $1.500000000e+00, v0;
	v2 =	vld [tilespmem:$0x1FFA0];
	[tilespmem:s13+$0xFFFFFFC0] =	vst v12  }
0x323: {  	v58 =	vmul.f32 v15, v25;
	v53 =	vmul.f32 v61, v55;
	v55 =	vadd.f32 v49, v21;
	v18 =	vld [tilespmem:$0x1FF90]  }
0x324: {  	v6 =	vadd.f32 v6, v27;
	v0 =	vmul.f32 v0, v5  }
0x325: {  	v59 =	vmul.f32 v61, v50;
	v13 =	vmul.f32 v56, v20;
	v12 =	vadd.f32 v58, v26;
	v3 =	vld [tilespmem:$0x1FFB0];
	[tilespmem:s13+$0xFFFFFFF0] =	vst v55  }
0x326: {  	v16 =	vmul.f32 v54, v4;
	v36 =	vmul.f32 v0, v9;
	[tilespmem:s12+$0x20] =	vst v6;
	v8 =	vadd.f32 v47, v19  }
0x327: {  	v11 =	vmul.f32 v61, v63;
	v5 =	vmul.f32 v59, v4;
	[tilespmem:s12+$0x30] =	vst v12;
	v63 =	vadd.f32 v13, v19  }
0x328: {  	v62 =	vmul.f32 v0, v40;
	v40 =	vmul.f32 v36, v4;
	v54 =	vadd.f32 v16, v18;
	[tilespmem:s13+$0xFFFFFFD0] =	vst v8  }
0x329: {  	v17 =	vmul.f32 v51, v2;
	v5 =	vadd.f32 v5, v18;
	[tilespmem:s12+$0x50] =	vst v63  }
0x32a: {  	v60 =	vmul.f32 v53, v29;
	v61 =	vmul.f32 v0, v41;
	v42 =	vadd.f32 v40, v18;
	[tilespmem:s13+$0xFFFFFFE0] =	vst v54  }
0x32b: {  	v7 =	vmul.f32 v0, v7;
	v11 =	vmul.f32 v11, v3;
	v57 =	vadd.f32 v17, v22;
	[tilespmem:s12+$0x60] =	vst v5  }
0x32c: {  	v16 =	vmul.f32 v0, v32;
	v6 =	vmul.f32 v62, v3;
	v8 =	vadd.f32 v60, v28;
	[tilespmem:s12+$0xFFFFFFE0] =	vst v42  }
0x32d: {  	v39 =	vmul.f32 v7, v20;
	v32 =	vmul.f32 v0, v31;
	v11 =	vadd.f32 v11, v23;
	[tilespmem:s12+$0x0] =	vst v57  }
0x32e: {  	v17 =	vmul.f32 v0, v33;
	v33 =	vmul.f32 v16, v24;
	v34 =	vadd.f32 v6, v23;
	[tilespmem:s12+$0x40] =	vst v8  }
0x32f: {  	v0 =	vmul.f32 v0, v10;
	v37 =	vmul.f32 v32, v29;
	v5 =	vadd.f32 v39, v19;
	[tilespmem:s12+$0x10] =	vst v11  }
0x330: {  	v35 =	vmul.f32 v17, v25;
	v38 =	vadd.f32 v33, v27;
	[tilespmem:s12+$0xFFFFFF90] =	vst v34  }
0x331: {  	v0 =	vmul.f32 v0, v30;
	v41 =	vadd.f32 v37, v28;
	[tilespmem:s12+$0xFFFFFFD0] =	vst v5  }
0x332: {  	v11 =	vmul.f32 v61, v2;
	v6 =	vadd.f32 v35, v26;
	[tilespmem:s12+$0xFFFFFFA0] =	vst v38  }
0x333: {  	v0 =	vadd.f32 v0, v21;
	[tilespmem:s12+$0xFFFFFFC0] =	vst v41  }
0x334: {  	v11 =	vadd.f32 v11, v22;
	[tilespmem:s12+$0xFFFFFFB0] =	vst v6  }
0x335: {  	[tilespmem:s12+$0xFFFFFFF0] =	vst v0  }
0x336: {  	s14 =	simm.s32 $0x2800;
	s13 =	simm.s32 $0x600;
	[tilespmem:s12+$0xFFFFFF80] =	vst v11  }
0x337: {  	[tilespmem:s14], [sflag:$0x4] =	stream.indirect.gather [hbm4b:s0+s25], $0x80, s13, s25, $0xb8;
	[tilespmem:$0x14A00] =	vst v63  }
0x338: {  	s15 =	simm.s32 $0x680;
	s26 =	simm.s32 $0x6800  }
0x339: {  	[tilespmem:s26], [sflag:$0x5] =	stream.indirect.gather [spmem:s5], $0x80, s15, s25, $0xb8;
	[tilespmem:$0x14A00] =	vst v63  }
0x33a: {  	s13 =	rddreg [dreg:$0x8];
	s14 =	simm.s32 $0xA800  }
0x33b: {  	[hbm4b:s13+s6] =	stream.linear.scatter [tilespmem:s14], [sflag:$0x6], $0x2000, $0x38;
	[tilespmem:$0x14A00] =	vst v63  }
0x33c: {  	_ =	swait.ge [sflag:s30], $0x2000  }
0x33d: {  	[sflag:s30] =	ssyncset.done $0x0  }
0x33e: {  	[sflag:s30] =	ssyncadd.s32 $0xFFFFE000  }
0x33f: {  	_ =	swait.ge [sflag:s31], $0x2000  }
0x340: {  	v27 =	vld [tilespmem:$0x1FD20]  }
0x341: {  	v28 =	vld [tilespmem:$0x1FD80]  }
0x342: {  	v29 =	vld [tilespmem:$0x1FD90]  }
0x343: {  	v36 =	vld [tilespmem:$0x1FDC0]  }
0x344: {  	v42 =	vld [tilespmem:$0x1FD40]  }
0x345: {  	v32 =	vld [tilespmem:$0x1FDA0]  }
0x346: {  	[sflag:s31] =	ssyncset.done $0x0;
	v30 =	vld [tilespmem:$0x1FDE0]  }
0x347: {  	s15 =	simm.s32 $0x880;
	v33 =	vld [tilespmem:$0x1FDB0];
	[sflag:s31] =	ssyncadd.s32 $0xFFFFE000  }
0x348: {  	s26 =	simm.s32 $0x4880;
	v0 =	vld [tilespmem:s15+$0x0]  }
0x349: {  	v43 =	vld [tilespmem:s26+$0x0]  }
0x34a: {  	v44 =	vld [tilespmem:s15+$0x10]  }
0x34b: {  	v45 =	vld [tilespmem:s26+$0x10]  }
0x34c: {  	v46 =	vld [tilespmem:s15+$0x20]  }
0x34d: {  	v47 =	vld [tilespmem:s26+$0x20]  }
0x34e: {  	v48 =	vld [tilespmem:s15+$0x30]  }
0x34f: {  	v49 =	vld [tilespmem:s26+$0x30]  }
0x350: {  	v50 =	vld [tilespmem:s15+$0x40]  }
0x351: {  	s14 =	simm.s32 $0x501;
	v51 =	vld [tilespmem:s26+$0x40]  }
0x352: {  	v52 =	vld [tilespmem:s14+$0x0]  }
0x353: {  	v53 =	vld [tilespmem:s15+$0x50]  }
0x354: {  	v54 =	vld [tilespmem:s26+$0x50]  }
0x355: {  	v55 =	vld [tilespmem:s15+$0x60]  }
0x356: {  	v56 =	vld [tilespmem:s26+$0x60]  }
0x357: {  	v2 =	vimm.s32 $0x0;
	v57 =	vld [tilespmem:s15+$0x70]  }
0x358: {  	v58 =	vld [tilespmem:s26+$0x70];
	v14 =	vperm.xlane v52, v2  }
0x359: {  	v59 =	vadd.f32 v47, v46;
	v46 =	vld [tilespmem:$0x1FD30]  }
0x35a: {  	v47 =	vld [tilespmem:$0x1FD50];
	v14 =	vcvt.s32.f32 v14  }
0x35b: {  	v0 =	vadd.f32 v43, v0;
	v6 =	vadd.f32 v45, v44;
	v45 =	vld [tilespmem:$0x1FD60]  }
0x35c: {  	v8 =	vadd.f32 v49, v48;
	v9 =	vadd.f32 v51, v50;
	v51 =	vld [tilespmem:$0x1FDD0];
	v60 =	vmul.f32 v14, v27  }
0x35d: {  	v34 =	vld [tilespmem:$0x1FDF0];
	v62 =	vadd.f32 v54, v53;
	v17 =	vadd.f32 v56, v55;
	v25 =	vmul.f32 v14, v28  }
0x35e: {  	v35 =	vld [tilespmem:$0x1FE00];
	v5 =	vadd.f32 v58, v57;
	v61 =	vmul.f32 v14, v46;
	v10 =	vadd.f32 v60, v42  }
0x35f: {  	v41 =	vld [tilespmem:$0x1FE10];
	v26 =	vmul.f32 v14, v29;
	v39 =	vmul.f32 v14, v36;
	v16 =	vadd.f32 v25, v32  }
0x360: {  	v24 =	vmul.f32 v14, v47;
	v11 =	vadd.f32 v61, v45;
	v48 =	vadd.f32 v10, v0  }
0x361: {  	v63 =	vld [tilespmem:s14+$0xFFFFFFFF];
	v44 =	vmul.f32 v14, v51;
	v18 =	vadd.f32 v26, v33;
	v50 =	vadd.f32 v8, v16  }
0x362: {  	v14 =	vmul.f32 v14, v30;
	v20 =	vadd.f32 v39, v34;
	v49 =	vadd.f32 v6, v11;
	[tilespmem:$0x1FBE0] =	vst v48  }
0x363: {  	v19 =	vadd.f32 v44, v35;
	v3 =	vadd.f32 v9, v18;
	[tilespmem:$0x1FC00] =	vst v50  }
0x364: {  	v31 =	vld [tilespmem:$0x1FD70];
	v14 =	vadd.f32 v14, v41;
	v52 =	vadd.f32 v62, v20;
	[tilespmem:$0x1FBF0] =	vst v49  }
0x365: {  	v2 =	vimm.s32 $0x0;
	v54 =	vadd.f32 v17, v19;
	v6 =	vld [tilespmem:s15+$0xFFFFFF80];
	[tilespmem:$0x1FC10] =	vst v3  }
0x366: {  	v13 =	vperm.xlane v63, v2;
	v2 =	vadd.f32 v5, v14;
	[tilespmem:$0x1FC20] =	vst v52  }
0x367: {  	v7 =	vld [tilespmem:s26+$0xFFFFFF80];
	[tilespmem:$0x1FC30] =	vst v54  }
0x368: {  	v0 =	vcvt.s32.f32 v13;
	v17 =	vadd.f32 v2, v54;
	v40 =	vmul.f32 v2, v2;
	[tilespmem:$0x1FC40] =	vst v2;
	v2 =	vld [tilespmem:$0x1FFF0]  }
0x369: {  	v15 =	vadd.f32 v24, v31;
	v5 =	vld [tilespmem:s15+$0xFFFFFF90]  }
0x36a: {  	v53 =	vmul.f32 v0, v27;
	v58 =	vmul.f32 v48, v48;
	v12 =	vld [tilespmem:s26+$0xFFFFFF90]  }
0x36b: {  	v56 =	vadd.f32 v59, v15;
	v61 =	vmul.f32 v50, v50;
	v62 =	vmul.f32 v3, v3;
	v16 =	vld [tilespmem:s15+$0xFFFFFFA0]  }
0x36c: {  	v59 =	vadd.f32 v52, v3;
	v37 =	vmul.f32 v52, v52;
	v43 =	vmul.f32 v0, v46;
	v63 =	vld [tilespmem:s26+$0xFFFFFFA0]  }
0x36d: {  	v55 =	vadd.f32 v49, v48;
	v57 =	vadd.f32 v50, v56;
	v60 =	vmul.f32 v49, v49;
	v23 =	vld [tilespmem:s15+$0xFFFFFFB0]  }
0x36e: {  	v15 =	vmul.f32 v56, v56;
	v38 =	vmul.f32 v54, v54;
	v39 =	vadd.f32 v17, v59;
	v17 =	vld [tilespmem:s26+$0xFFFFFFB0]  }
0x36f: {  	v49 =	vmul.f32 v0, v47;
	v8 =	vadd.f32 v53, v42;
	v19 =	vadd.f32 v37, v62;
	v48 =	vld [tilespmem:s15+$0xFFFFFFC0]  }
0x370: {  	v52 =	vmul.f32 v0, v28;
	v24 =	vadd.f32 v43, v45;
	v9 =	vadd.f32 v57, v55;
	v50 =	vld [tilespmem:s26+$0xFFFFFFC0]  }
0x371: {  	v53 =	vmul.f32 v0, v29;
	v11 =	vadd.f32 v60, v58;
	v44 =	vadd.f32 v61, v15;
	v54 =	vld [tilespmem:s15+$0xFFFFFFD0]  }
0x372: {  	v13 =	vadd.f32 v40, v38;
	v55 =	vmul.f32 v0, v36;
	v18 =	vadd.f32 v49, v31;
	v57 =	vld [tilespmem:s26+$0xFFFFFFD0]  }
0x373: {  	v58 =	vmul.f32 v0, v51;
	v37 =	vld [tilespmem:s15+$0xFFFFFFE0];
	v22 =	vadd.f32 v52, v32;
	v25 =	vadd.f32 v53, v33  }
0x374: {  	v0 =	vmul.f32 v0, v30;
	v38 =	vld [tilespmem:s26+$0xFFFFFFE0];
	v9 =	vadd.f32 v39, v9;
	v11 =	vadd.f32 v44, v11  }
0x375: {  	v61 =	vld [tilespmem:s26+$0xFFFFFFF0];
	v13 =	vadd.f32 v13, v19;
	v26 =	vadd.f32 v55, v34  }
0x376: {  	v39 =	vld [tilespmem:s15+$0xFFFFFFF0];
	v19 =	vadd.f32 v58, v35;
	v0 =	vadd.f32 v0, v41  }
0x377: {  	v11 =	vadd.f32 v13, v11;
	v6 =	vadd.f32 v7, v6  }
0x378: {  	v5 =	vadd.f32 v12, v5;
	v63 =	vadd.f32 v63, v16  }
0x379: {  	v59 =	vperm.xlane v9, v2;
	v20 =	vadd.f32 v17, v23;
	v15 =	vadd.f32 v50, v48  }
0x37a: {  	v60 =	vperm.xlane v11, v2;
	v10 =	vadd.f32 v57, v54;
	v38 =	vadd.f32 v38, v37  }
0x37b: {  	v9 =	vadd.f32 v9, v59;
	v39 =	vadd.f32 v61, v39  }
0x37c: {  	v55 =	vadd.f32 v8, v6;
	v11 =	vadd.f32 v11, v60  }
0x37d: {  	v54 =	vadd.f32 v5, v24;
	v53 =	vadd.f32 v63, v18  }
0x37e: {  	v4 =	vld [tilespmem:$0x1FFE0];
	v52 =	vadd.f32 v20, v22;
	v43 =	vadd.f32 v15, v25  }
0x37f: {  	v3 =	vld [tilespmem:$0x1FFD0];
	s15 =	simm.s32 $0x980;
	v57 =	vadd.f32 v10, v26;
	v49 =	vadd.f32 v38, v19;
	v62 =	vperm.xlane v9, v1  }
0x380: {  	s26 =	simm.s32 $0x4980;
	v13 =	vld [tilespmem:s15+$0x10];
	v48 =	vadd.f32 v39, v0;
	v59 =	vmul.f32 v55, v55;
	v23 =	vperm.xlane v11, v1  }
0x381: {  	v17 =	vld [tilespmem:s26+$0x0];
	v0 =	vadd.f32 v54, v55;
	v40 =	vadd.f32 v52, v53;
	v60 =	vmul.f32 v54, v54  }
0x382: {  	v5 =	vld [tilespmem:s15+$0x0];
	v50 =	vadd.f32 v57, v43;
	v63 =	vmul.f32 v52, v52;
	v20 =	vmul.f32 v43, v43  }
0x383: {  	v15 =	vld [tilespmem:s26+$0x10];
	v21 =	vmul.f32 v57, v57;
	v22 =	vmul.f32 v49, v49;
	v58 =	vadd.f32 v48, v49  }
0x384: {  	v10 =	vld [tilespmem:s15+$0x20];
	v7 =	vadd.f32 v9, v62;
	v62 =	vmul.f32 v53, v53;
	v9 =	vadd.f32 v11, v23  }
0x385: {  	v39 =	vld [tilespmem:s26+$0x40];
	v16 =	vmul.f32 v48, v48;
	v0 =	vadd.f32 v40, v0;
	v61 =	vadd.f32 v58, v50  }
0x386: {  	v12 =	vadd.f32 v60, v59;
	v14 =	vadd.f32 v21, v20;
	v59 =	vld [tilespmem:s26+$0x50];
	v44 =	vperm.xlane v7, v3  }
0x387: {  	s28 =	simm.s32 $0x503;
	v8 =	vadd.f32 v63, v62;
	v58 =	vld [tilespmem:s15+$0x50];
	v11 =	vperm.xlane v9, v3;
	v0 =	vadd.f32 v61, v0  }
0x388: {  	v6 =	vadd.f32 v7, v44;
	v7 =	vadd.f32 v16, v22;
	v44 =	vld [tilespmem:s28+$0x0]  }
0x389: {  	v8 =	vadd.f32 v8, v12;
	v12 =	vld [tilespmem:s26+$0x20];
	v9 =	vadd.f32 v9, v11;
	v23 =	vperm.xlane v0, v2  }
0x38a: {  	v5 =	vadd.f32 v17, v5;
	v24 =	vperm.xlane v6, v4;
	v7 =	vadd.f32 v7, v14;
	v14 =	vld [tilespmem:s15+$0x40]  }
0x38b: {  	v63 =	vld [tilespmem:s26+$0x60];
	v13 =	vadd.f32 v15, v13;
	v26 =	vperm.xlane v9, v4;
	v0 =	vadd.f32 v0, v23  }
0x38c: {  	v16 =	vld [tilespmem:s15+$0x30];
	v6 =	vadd.f32 v6, v24;
	v7 =	vadd.f32 v7, v8;
	v24 =	vimm.s32 $0x0  }
0x38d: {  	v8 =	vld [tilespmem:s26+$0x30];
	v9 =	vadd.f32 v9, v26;
	v19 =	vperm.xlane v44, v24;
	v25 =	vperm.xlane v0, v1  }
0x38e: {  	v61 =	vld [tilespmem:s15+$0x60];
	v10 =	vadd.f32 v12, v10;
	v38 =	vmul.f32 $7.812500000e-03, v6;
	v37 =	vperm.xlane v7, v2  }
0x38f: {  	v9 =	vmul.f32 $7.812500000e-03, v9;
	v19 =	vcvt.s32.f32 v19;
	v11 =	vadd.f32 v39, v14  }
0x390: {  	v0 =	vadd.f32 v0, v25;
	v50 =	vmul.f32 v38, v38;
	v6 =	vadd.f32 v7, v37  }
0x391: {  	v7 =	vadd.f32 v59, v58;
	v37 =	vmul.f32 v19, v27;
	v39 =	vmul.f32 v19, v46  }
0x392: {  	v26 =	vld [tilespmem:s26+$0x70];
	v8 =	vadd.f32 v8, v16;
	v44 =	vmul.f32 v19, v28;
	v40 =	vperm.xlane v0, v3  }
0x393: {  	v25 =	vld [tilespmem:s15+$0x70];
	v9 =	vsub.f32 v9, v50;
	v60 =	vperm.xlane v6, v1;
	v50 =	vadd.f32 v63, v61  }
0x394: {  	v61 =	vmul.f32 v19, v29;
	v12 =	vadd.f32 v37, v42;
	v14 =	vadd.f32 v39, v45  }
0x395: {  	v63 =	vmul.f32 v19, v51;
	v16 =	vadd.f32 v44, v32;
	v0 =	vadd.f32 v0, v40  }
0x396: {  	v9 =	vadd.f32 $9.999999960e-13, v9;
	v6 =	vadd.f32 v6, v60  }
0x397: {  	v40 =	vmul.f32 v19, v47;
	v21 =	vadd.f32 v61, v33;
	v20 =	vadd.f32 v63, v35  }
0x398: {  	v17 =	vadd.f32 v26, v25;
	v63 =	vadd.f32 v12, v5  }
0x399: {  	v61 =	vadd.f32 v8, v16;
	v12 =	vld [tilespmem:s15+$0xFFFFFF80];
	v62 =	vperm.xlane v0, v4;
	v15 =	vadd.f32 v40, v31  }
0x39a: {  	v16 =	vld [tilespmem:s26+$0xFFFFFF80];
	v58 =	vadd.f32 v11, v21;
	v25 =	vperm.xlane v6, v3;
	v50 =	vadd.f32 v50, v20  }
0x39b: {  	v0 =	vadd.f32 v0, v62;
	v62 =	vmul.f32 v19, v36;
	v19 =	vmul.f32 v19, v30  }
0x39c: {  	v60 =	vadd.f32 v10, v15;
	v5 =	vadd.f32 v6, v25  }
0x39d: {  	v37 =	vmul.f32 v63, v63;
	v22 =	vadd.f32 v62, v34;
	v19 =	vadd.f32 v19, v41  }
0x39e: {  	v18 =	vld [tilespmem:s26+$0xFFFFFFB0];
	v40 =	vmul.f32 v61, v61;
	v62 =	vadd.f32 v13, v14;
	v10 =	vadd.f32 v61, v60  }
0x39f: {  	v23 =	vld [tilespmem:s15+$0xFFFFFFA0];
	v15 =	vmul.f32 v60, v60;
	v12 =	vadd.f32 v16, v12;
	v59 =	vadd.f32 v7, v22  }
0x3a0: {  	v6 =	vld [tilespmem:s15+$0xFFFFFF90];
	v21 =	vmul.f32 v50, v50;
	v44 =	vadd.f32 v17, v19;
	v26 =	vadd.f32 v62, v63  }
0x3a1: {  	v7 =	vld [tilespmem:s28+$0xFFFFFFFF];
	v14 =	vmul.f32 v62, v62;
	v19 =	vmul.f32 v58, v58;
	v40 =	vadd.f32 v40, v15  }
0x3a2: {  	v22 =	vld [tilespmem:s26+$0xFFFFFF90];
	v39 =	vadd.f32 v59, v58;
	v17 =	vadd.f32 v44, v50;
	v25 =	vmul.f32 v59, v59  }
0x3a3: {  	v20 =	vld [tilespmem:s15+$0xFFFFFFD0];
	v8 =	vadd.f32 v10, v26;
	v13 =	vmul.f32 v44, v44;
	v26 =	vperm.xlane v5, v4  }
0x3a4: {  	v11 =	vadd.f32 v14, v37;
	v37 =	vmul.f32 $7.812500000e-03, v0;
	v0 =	vld [tilespmem:s26+$0xFFFFFFA0];
	v10 =	vadd.f32 v17, v39  }
0x3a5: {  	v14 =	vld [tilespmem:s15+$0xFFFFFFC0];
	v25 =	vadd.f32 v25, v19;
	v13 =	vadd.f32 v13, v21  }
0x3a6: {  	v5 =	vadd.f32 v5, v26;
	v17 =	vld [tilespmem:s15+$0xFFFFFFB0];
	v11 =	vadd.f32 v40, v11;
	v7 =	vperm.xlane v7, v24  }
0x3a7: {  	v26 =	vmul.f32 v37, v37;
	v19 =	vld [tilespmem:s26+$0xFFFFFFC0];
	v6 =	vadd.f32 v22, v6;
	v13 =	vadd.f32 v13, v25  }
0x3a8: {  	v24 =	vld [tilespmem:s26+$0xFFFFFFD0];
	v8 =	vadd.f32 v10, v8;
	v5 =	vmul.f32 $7.812500000e-03, v5;
	v7 =	vcvt.s32.f32 v7  }
0x3a9: {  	v15 =	vshra.s32 v9, $0x1;
	v0 =	vadd.f32 v0, v23;
	v11 =	vadd.f32 v13, v11  }
0x3aa: {  	v16 =	vld [tilespmem:s26+$0xFFFFFFE0];
	v39 =	vperm.xlane v8, v2;
	v5 =	vsub.f32 v5, v26;
	v40 =	vmul.f32 v7, v27  }
0x3ab: {  	v25 =	vld [tilespmem:s15+$0xFFFFFFE0];
	v21 =	vmul.f32 v7, v46;
	v26 =	vmul.f32 v7, v47;
	v17 =	vadd.f32 v18, v17  }
0x3ac: {  	v14 =	vadd.f32 v19, v14;
	v47 =	vmul.f32 v7, v51;
	v8 =	vadd.f32 v8, v39  }
0x3ad: {  	v46 =	vperm.xlane v11, v2;
	v20 =	vadd.f32 v24, v20;
	v5 =	vadd.f32 $9.999999960e-13, v5  }
0x3ae: {  	v39 =	vmul.f32 v7, v28;
	v10 =	vadd.f32 v40, v42;
	v21 =	vadd.f32 v21, v45  }
0x3af: {  	v13 =	vld [tilespmem:s15+$0xFFFFFFF0];
	v42 =	vmul.f32 v7, v29;
	v26 =	vadd.f32 v26, v31;
	v24 =	vadd.f32 v47, v35  }
0x3b0: {  	v40 =	vld [tilespmem:s26+$0xFFFFFFF0];
	v16 =	vadd.f32 v16, v25;
	v27 =	vperm.xlane v8, v1;
	v11 =	vadd.f32 v11, v46  }
0x3b1: {  	v46 =	vmul.f32 v7, v36;
	v23 =	vadd.f32 v39, v32;
	v19 =	vadd.f32 v42, v33  }
0x3b2: {  	v7 =	vmul.f32 v7, v30;
	v39 =	vadd.f32 v10, v12;
	v42 =	vadd.f32 v0, v26  }
0x3b3: {  	v9 =	vmul.f32 $5.000000000e-01, v9;
	v45 =	vadd.f32 v16, v24;
	v8 =	vadd.f32 v8, v27  }
0x3b4: {  	v22 =	vadd.f32 v46, v34;
	v51 =	vperm.xlane v11, v1;
	v7 =	vadd.f32 v7, v41  }
0x3b5: {  	v33 =	vmul.f32 v39, v39;
	v26 =	vmul.f32 v45, v45;
	v13 =	vadd.f32 v40, v13  }
0x3b6: {  	v27 =	vperm.xlane v8, v3;
	v11 =	vadd.f32 v11, v51;
	v40 =	vadd.f32 v6, v21  }
0x3b7: {  	v51 =	vadd.f32 v17, v23;
	v47 =	vadd.f32 v20, v22;
	v21 =	vmul.f32 v42, v42  }
0x3b8: {  	v0 =	vadd.f32 v8, v27;
	v32 =	vperm.xlane v11, v3;
	v27 =	vadd.f32 v14, v19  }
0x3b9: {  	v46 =	vadd.f32 v13, v7;
	v35 =	vmul.f32 v40, v40;
	v36 =	vadd.f32 v40, v39  }
0x3ba: {  	v20 =	vadd.f32 v51, v42;
	v23 =	vmul.f32 v51, v51;
	v6 =	vadd.f32 v11, v32  }
0x3bb: {  	v25 =	vmul.f32 v47, v47;
	v14 =	vadd.f32 v47, v27;
	v22 =	vadd.f32 v46, v45  }
0x3bc: {  	v11 =	vadd.f32 v20, v36;
	v24 =	vmul.f32 v27, v27;
	v32 =	vmul.f32 v46, v46  }
0x3bd: {  	v34 =	vperm.xlane v0, v4;
	v7 =	vadd.f32 v35, v33;
	v12 =	vadd.f32 v23, v21  }
0x3be: {  	v15 =	vsub.s32 $0x5F3759DF, v15;
	v13 =	vadd.f32 v25, v24;
	v8 =	vadd.f32 v32, v26  }
0x3bf: {  	v10 =	vmul.f32 v15, v9;
	v0 =	vadd.f32 v0, v34;
	v14 =	vadd.f32 v22, v14;
	v34 =	vld [tilespmem:$0x1FBF0]  }
0x3c0: {  	v7 =	vadd.f32 v12, v7;
	v8 =	vadd.f32 v8, v13  }
0x3c1: {  	v10 =	vmul.f32 v15, v10;
	v17 =	vsub.f32 v56, v38;
	v56 =	vld [tilespmem:$0x1FC30];
	v41 =	vperm.xlane v6, v4  }
0x3c2: {  	v33 =	vld [tilespmem:$0x1FBE0];
	v11 =	vadd.f32 v14, v11;
	v7 =	vadd.f32 v8, v7  }
0x3c3: {  	v10 =	vsub.f32 $1.500000000e+00, v10;
	v6 =	vadd.f32 v6, v41;
	v41 =	vld [tilespmem:$0x1FC20]  }
0x3c4: {  	v35 =	vld [tilespmem:$0x1FC00];
	v24 =	vperm.xlane v11, v2;
	v16 =	vsub.f32 v34, v38;
	v34 =	vperm.xlane v7, v2  }
0x3c5: {  	v10 =	vmul.f32 v15, v10;
	v23 =	vshra.s32 v5, $0x1;
	v5 =	vmul.f32 $5.000000000e-01, v5  }
0x3c6: {  	v36 =	vld [tilespmem:$0x1FC10];
	v12 =	vsub.s32 $0x5F3759DF, v23;
	v11 =	vadd.f32 v11, v24;
	v7 =	vadd.f32 v7, v34  }
0x3c7: {  	v9 =	vmul.f32 v10, v9;
	v32 =	vmul.f32 v12, v5;
	v14 =	vsub.f32 v33, v38  }
0x3c8: {  	v19 =	vsub.f32 v41, v38;
	v33 =	vperm.xlane v11, v1;
	v41 =	vperm.xlane v7, v1  }
0x3c9: {  	v20 =	vsub.f32 v56, v38;
	v9 =	vmul.f32 v9, v10;
	v18 =	vsub.f32 v35, v38  }
0x3ca: {  	v22 =	vmul.f32 v12, v32;
	v8 =	vadd.f32 v11, v33;
	v7 =	vadd.f32 v7, v41  }
0x3cb: {  	v26 =	vld [tilespmem:$0x1FC40];
	v15 =	vsub.f32 v36, v38;
	v9 =	vsub.f32 $1.500000000e+00, v9  }
0x3cc: {  	v35 =	vsub.f32 $1.500000000e+00, v22;
	v36 =	vperm.xlane v8, v3;
	v56 =	vperm.xlane v7, v3;
	v3 =	vld [tilespmem:$0x1FED0]  }
0x3cd: {  	v9 =	vmul.f32 v9, v10  }
0x3ce: {  	v10 =	vmul.f32 v12, v35  }
0x3cf: {  	v17 =	vmul.f32 v9, v17;
	v1 =	vld [tilespmem:$0x1FEC0]  }
0x3d0: {  	v21 =	vsub.f32 v26, v38;
	v5 =	vmul.f32 v10, v5  }
0x3d1: {  	v32 =	vmul.f32 v17, v3;
	v3 =	vld [tilespmem:$0x1FEE0]  }
0x3d2: {  	v21 =	vmul.f32 v9, v21;
	v5 =	vmul.f32 v5, v10;
	_ =	sdelay $0x1  }
0x3d3: {  	v41 =	vsub.f32 v57, v37;
	v5 =	vsub.f32 $1.500000000e+00, v5;
	v57 =	vmul.f32 v21, v1;
	_ =	sdelay $0x1  }
0x3d4: {  	v5 =	vmul.f32 v5, v10;
	v10 =	vadd.f32 v57, v3;
	v3 =	vld [tilespmem:$0x1FEF0];
	_ =	sdelay $0x2  }
0x3d5: {  	v18 =	vmul.f32 v9, v18  }
0x3d6: {  	v0 =	vmul.f32 $7.812500000e-03, v0  }
0x3d7: {  	v33 =	vmul.f32 v18, v3;
	v3 =	vld [tilespmem:$0x1FF00]  }
0x3d8: {  	v6 =	vmul.f32 $7.812500000e-03, v6;
	v25 =	vmul.f32 v0, v0;
	_ =	sdelay $0x1  }
0x3d9: {  	v6 =	vsub.f32 v6, v25;
	v15 =	vmul.f32 v9, v15;
	v1 =	vld [tilespmem:$0x1FFA0];
	_ =	sdelay $0x1  }
0x3da: {  	v6 =	vadd.f32 $9.999999960e-13, v6;
	v15 =	vmul.f32 v15, v3;
	v3 =	vld [tilespmem:$0x1FF10]  }
0x3db: {  	v14 =	vmul.f32 v9, v14  }
0x3dc: {  	v38 =	vshra.s32 v6, $0x1;
	v6 =	vmul.f32 $5.000000000e-01, v6  }
0x3dd: {  	v2 =	vld [tilespmem:$0x1FFB0];
	v12 =	vsub.s32 $0x5F3759DF, v38;
	v14 =	vmul.f32 v14, v1  }
0x3de: {  	v22 =	vsub.f32 v53, v37;
	v53 =	vmul.f32 v12, v6  }
0x3df: {  	v14 =	vadd.f32 v14, v3;
	v3 =	vld [tilespmem:$0x1FF20]  }
0x3e0: {  	v16 =	vmul.f32 v9, v16;
	v11 =	vmul.f32 v12, v53;
	_ =	sdelay $0x1  }
0x3e1: {  	v21 =	vmul.f32 v16, v2;
	v11 =	vsub.f32 $1.500000000e+00, v11;
	_ =	sdelay $0x1  }
0x3e2: {  	v11 =	vmul.f32 v12, v11;
	v12 =	vadd.f32 v21, v3;
	v3 =	vld [tilespmem:$0x1FF30];
	_ =	sdelay $0x4  }
0x3e3: {  	v16 =	vadd.f32 v32, v3;
	v3 =	vld [tilespmem:$0x1FF40];
	_ =	sdelay $0x4  }
0x3e4: {  	v17 =	vadd.f32 v33, v3;
	v3 =	vld [tilespmem:$0x1FF50];
	_ =	sdelay $0x2  }
0x3e5: {  	s12 =	simm.s32 $0xC880  }
0x3e6: {  	[tilespmem:s12+$0x70] =	vst v10  }
0x3e7: {  	v15 =	vadd.f32 v15, v3;
	v3 =	vld [tilespmem:$0x1FF60];
	_ =	sdelay $0x2  }
0x3e8: {  	v19 =	vmul.f32 v9, v19;
	[tilespmem:s12+$0x0] =	vst v14  }
0x3e9: {  	[tilespmem:s12+$0x10] =	vst v12  }
0x3ea: {  	v8 =	vadd.f32 v8, v36;
	v36 =	vmul.f32 v19, v3;
	v3 =	vld [tilespmem:$0x1FF70]  }
0x3eb: {  	v23 =	vsub.f32 v54, v37;
	v54 =	vsub.f32 v52, v37  }
0x3ec: {  	v13 =	vsub.f32 v55, v37;
	v35 =	vsub.f32 v43, v37  }
0x3ed: {  	v43 =	vsub.f32 v49, v37;
	v9 =	vmul.f32 v9, v20;
	v37 =	vsub.f32 v48, v37  }
0x3ee: {  	v52 =	vsub.f32 v59, v0  }
0x3ef: {  	v50 =	vsub.f32 v50, v0;
	v48 =	vmul.f32 v5, v37;
	v37 =	vmul.f32 v9, v3;
	v3 =	vld [tilespmem:$0x1FF80]  }
0x3f0: {  	v25 =	vsub.f32 v63, v0;
	v63 =	vsub.f32 v62, v0;
	v6 =	vmul.f32 v11, v6  }
0x3f1: {  	v62 =	vsub.f32 v60, v0;
	v60 =	vsub.f32 v61, v0;
	v55 =	vperm.xlane v8, v4  }
0x3f2: {  	v38 =	vsub.f32 v44, v0;
	v7 =	vadd.f32 v7, v56;
	v6 =	vmul.f32 v6, v11;
	[tilespmem:s12+$0x20] =	vst v16  }
0x3f3: {  	v13 =	vmul.f32 v5, v13;
	v34 =	vmul.f32 v5, v23;
	v8 =	vadd.f32 v8, v55;
	[tilespmem:s12+$0x30] =	vst v17  }
0x3f4: {  	v53 =	vmul.f32 v5, v35;
	v35 =	vsub.f32 $1.500000000e+00, v6;
	v6 =	vadd.f32 v36, v3;
	v3 =	vld [tilespmem:$0x1FF90]  }
0x3f5: {  	v56 =	vmul.f32 v5, v54;
	v55 =	vsub.f32 v58, v0;
	v0 =	vperm.xlane v7, v4  }
0x3f6: {  	v54 =	vmul.f32 v5, v43;
	v43 =	vmul.f32 $7.812500000e-03, v8  }
0x3f7: {  	v49 =	vmul.f32 v5, v41;
	v58 =	vmul.f32 v34, v2;
	v44 =	vadd.f32 v7, v0  }
0x3f8: {  	v59 =	vmul.f32 v13, v1;
	v41 =	vsub.f32 v39, v43;
	v40 =	vsub.f32 v40, v43  }
0x3f9: {  	v57 =	vmul.f32 v5, v22;
	v61 =	vmul.f32 v35, v11;
	[tilespmem:s12+$0x40] =	vst v15;
	v5 =	vadd.f32 v37, v3  }
0x3fa: {  	v0 =	vmul.f32 v43, v43;
	v31 =	vsub.f32 v27, v43;
	v32 =	vsub.f32 v42, v43;
	[tilespmem:s12+$0x50] =	vst v6  }
0x3fb: {  	s13 =	simm.s32 $0xC880;
	s14 =	simm.s32 $0x2;
	s15 =	simm.s32 $0xA80;
	v42 =	vmul.f32 v61, v38;
	v33 =	vsub.f32 v51, v43;
	v51 =	vmul.f32 v61, v25;
	[tilespmem:s12+$0x60] =	vst v5  }
.LBB2_6:
0x3fc: {  	v5 =	vld [tilespmem:s15+$0x0]  }
0x3fd: {  	v34 =	vld [tilespmem:$0x1FEC0]  }
0x3fe: {  	v10 =	vld [tilespmem:s15+$0x10]  }
0x3ff: {  	v12 =	vmul.f32 v61, v60;
	v60 =	vld [tilespmem:$0x1FF10]  }
0x400: {  	v15 =	vld [tilespmem:s15+$0x20]  }
0x401: {  	v37 =	vld [tilespmem:$0x1FED0]  }
0x402: {  	v28 =	vld [tilespmem:$0x1FEF0]  }
0x403: {  	v27 =	vld [tilespmem:$0x1FF00]  }
0x404: {  	v38 =	vld [tilespmem:$0x1FF60]  }
0x405: {  	v30 =	vld [tilespmem:$0x1FFA0]  }
0x406: {  	v29 =	vld [tilespmem:$0x1FFB0]  }
0x407: {  	v9 =	vmul.f32 v61, v63;
	v63 =	vld [tilespmem:$0x1FF50]  }
0x408: {  	v2 =	vld [tilespmem:$0x1FD50]  }
0x409: {  	v3 =	vld [tilespmem:$0x1FD80]  }
0x40a: {  	s26 =	sadd.s32 $0x100, s26;
	v4 =	vld [tilespmem:$0x1FD90]  }
0x40b: {  	v8 =	vld [tilespmem:s26+$0x0]  }
0x40c: {  	v35 =	vmul.f32 v61, v62;
	v62 =	vld [tilespmem:$0x1FEE0]  }
0x40d: {  	v11 =	vld [tilespmem:s26+$0x10]  }
0x40e: {  	v14 =	vadd.f32 v59, v60;
	v59 =	vld [tilespmem:$0x1FF20]  }
0x40f: {  	v1 =	vsub.f32 v47, v43;
	v7 =	vmul.f32 v42, v34;
	v42 =	vld [tilespmem:$0x1FF70]  }
0x410: {  	v13 =	vmul.f32 v61, v55;
	v19 =	vmul.f32 v56, v28;
	v56 =	vld [tilespmem:$0x1FF30]  }
0x411: {  	[tilespmem:$0x1FBB0] =	vst v1;
	v1 =	vsub.f32 v45, v43;
	v22 =	vmul.f32 v53, v27;
	v12 =	vmul.f32 v12, v28;
	v28 =	vld [tilespmem:$0x1FF80]  }
0x412: {  	v13 =	vmul.f32 v13, v27;
	v27 =	vld [tilespmem:$0x1FF90];
	v7 =	vadd.f32 v7, v62  }
0x413: {  	s12 =	sadd.s32 $0x100, s12;
	[tilespmem:$0x1FBC0] =	vst v1;
	v1 =	vsub.f32 v46, v43;
	v43 =	vmul.f32 v48, v34;
	v53 =	vld [tilespmem:$0x1FD20];
	v34 =	vadd.f32 v22, v63  }
0x414: {  	v18 =	vmul.f32 v57, v37;
	v57 =	vmul.f32 v51, v30;
	v51 =	vld [tilespmem:$0x1FD30];
	[tilespmem:s12+$0x70] =	vst v7  }
0x415: {  	[tilespmem:s13+$0xFFFFFFC0] =	vst v34;
	v34 =	vld [tilespmem:$0x1FDB0]  }
0x416: {  	v7 =	vld [tilespmem:s26+$0x20]  }
0x417: {  	v20 =	vld [tilespmem:s15+$0x30]  }
0x418: {  	v23 =	vld [tilespmem:s26+$0x30]  }
0x419: {  	v25 =	vld [tilespmem:s15+$0x40]  }
0x41a: {  	v46 =	vld [tilespmem:s26+$0x40]  }
0x41b: {  	s28 =	sadd.s32 $0x2, s28;
	v6 =	vmul.f32 $7.812500000e-03, v44;
	v36 =	vadd.f32 v58, v59;
	v58 =	vld [tilespmem:$0x1FF40]  }
0x41c: {  	v16 =	vmul.f32 v61, v52;
	v17 =	vmul.f32 v61, v50;
	v61 =	vld [tilespmem:s28+$0x0]  }
0x41d: {  	v0 =	vsub.f32 v6, v0;
	v6 =	vmul.f32 v35, v37;
	v35 =	vld [tilespmem:s15+$0x50]  }
0x41e: {  	v39 =	vmul.f32 v49, v38;
	v37 =	vld [tilespmem:s15+$0x60]  }
0x41f: {  	v24 =	vmul.f32 v54, v42;
	v48 =	vmul.f32 v17, v42;
	v42 =	vld [tilespmem:s26+$0x60]  }
0x420: {  	v0 =	vadd.f32 $9.999999960e-13, v0;
	[tilespmem:s13+$0xFFFFFF80] =	vst v14;
	v14 =	vadd.f32 v39, v28;
	v45 =	vld [tilespmem:s15+$0x70]  }
0x421: {  	v39 =	vadd.f32 v43, v62;
	v43 =	vadd.f32 v57, v60;
	v47 =	vld [tilespmem:s26+$0x70]  }
0x422: {  	v49 =	vmul.f32 v16, v38;
	[tilespmem:s13+$0xFFFFFF90] =	vst v36;
	v36 =	vld [tilespmem:s26+$0x50];
	v38 =	vadd.f32 v24, v27  }
0x423: {  	v21 =	vshra.s32 v0, $0x1;
	v0 =	vmul.f32 $5.000000000e-01, v0;
	[tilespmem:s13+$0xFFFFFFF0] =	vst v39;
	v39 =	vld [tilespmem:$0x1FDE0]  }
0x424: {  	v9 =	vmul.f32 v9, v29;
	v21 =	vsub.s32 $0x5F3759DF, v21;
	[tilespmem:s13+$0xFFFFFFE0] =	vst v38;
	v38 =	vld [tilespmem:$0x1FDD0]  }
0x425: {  	v5 =	vadd.f32 v8, v5;
	v26 =	vmul.f32 v21, v0;
	[tilespmem:s12+$0x0] =	vst v43;
	v43 =	vmov v33;
	v33 =	vld [tilespmem:$0x1FDA0]  }
0x426: {  	[tilespmem:$0x1FBD0] =	vst v1;
	v1 =	vimm.s32 $0x0;
	v18 =	vadd.f32 v18, v56;
	v16 =	vadd.f32 v42, v37;
	v37 =	vld [tilespmem:$0x1FDC0]  }
0x427: {  	v26 =	vmul.f32 v21, v26;
	v19 =	vadd.f32 v19, v58;
	v44 =	vperm.xlane v61, v1;
	v61 =	vld [tilespmem:$0x1FD40]  }
0x428: {  	v10 =	vadd.f32 v11, v10;
	v13 =	vadd.f32 v13, v63;
	[tilespmem:s13+$0xFFFFFFA0] =	vst v18;
	v42 =	vmov v32;
	v32 =	vld [tilespmem:$0x1FD70]  }
0x429: {  	v26 =	vsub.f32 $1.500000000e+00, v26;
	[tilespmem:s13+$0xFFFFFFB0] =	vst v19;
	v19 =	vadd.f32 v36, v35;
	v35 =	vld [tilespmem:$0x1FDF0]  }
0x42a: {  	v9 =	vadd.f32 v9, v59;
	v6 =	vadd.f32 v6, v56;
	[tilespmem:s13+$0xFFFFFFD0] =	vst v14;
	v36 =	vld [tilespmem:$0x1FE00]  }
0x42b: {  	v50 =	vmul.f32 v21, v26;
	v12 =	vadd.f32 v12, v58;
	v17 =	vcvt.s32.f32 v44;
	v14 =	vld [tilespmem:s28+$0xFFFFFFFF]  }
0x42c: {  	[tilespmem:s12+$0x20] =	vst v6;
	v7 =	vadd.f32 v7, v15;
	v15 =	vadd.f32 v23, v20;
	v6 =	vld [tilespmem:s15+$0xFFFFFF90]  }
0x42d: {  	v20 =	vadd.f32 v46, v25;
	v0 =	vmul.f32 v50, v0;
	[tilespmem:s12+$0x30] =	vst v12;
	v12 =	vld [tilespmem:s26+$0xFFFFFF90];
	v55 =	vmul.f32 v17, v53  }
0x42e: {  	[tilespmem:s12+$0x40] =	vst v13;
	v8 =	vadd.f32 v47, v45;
	v13 =	vld [tilespmem:s15+$0xFFFFFFA0];
	v57 =	vmul.f32 v17, v2;
	v58 =	vmul.f32 v17, v3  }
0x42f: {  	[tilespmem:s12+$0x10] =	vst v9;
	v26 =	vld [tilespmem:s26+$0xFFFFFFA0];
	v59 =	vmul.f32 v17, v4;
	v24 =	vmul.f32 v17, v37;
	v9 =	vadd.f32 v55, v61  }
0x430: {  	v44 =	vmovc v31;
	v31 =	vld [tilespmem:$0x1FD60];
	v63 =	vmul.f32 v17, v38;
	v22 =	vadd.f32 v57, v32;
	v23 =	vadd.f32 v58, v33  }
0x431: {  	v11 =	vld [tilespmem:s15+$0xFFFFFF80];
	v52 =	vmul.f32 v0, v50;
	v18 =	vadd.f32 v59, v34;
	v24 =	vadd.f32 v24, v35  }
0x432: {  	v0 =	vld [tilespmem:s26+$0xFFFFFF80];
	v56 =	vmul.f32 v17, v51;
	v25 =	vadd.f32 v63, v36;
	v58 =	vadd.f32 v9, v5  }
0x433: {  	v14 =	vperm.xlane v14, v1;
	v1 =	vld [tilespmem:$0x1FE10];
	v59 =	vadd.f32 v7, v22;
	v55 =	vadd.f32 v15, v23  }
0x434: {  	v57 =	vadd.f32 v20, v18;
	v6 =	vadd.f32 v12, v6  }
0x435: {  	v47 =	vld [tilespmem:s15+$0xFFFFFFC0];
	v17 =	vmul.f32 v17, v39;
	v13 =	vadd.f32 v26, v13;
	v21 =	vadd.f32 v56, v31  }
0x436: {  	v5 =	vld [tilespmem:s26+$0xFFFFFFC0];
	v54 =	vadd.f32 v16, v25;
	v14 =	vcvt.s32.f32 v14;
	v18 =	vmul.f32 v58, v58  }
0x437: {  	v9 =	vld [tilespmem:s15+$0xFFFFFFD0];
	v0 =	vadd.f32 v0, v11;
	v22 =	vmul.f32 v59, v59;
	v25 =	vmul.f32 v55, v55  }
0x438: {  	v15 =	vld [tilespmem:s26+$0xFFFFFFD0];
	v60 =	vmul.f32 v57, v57;
	v56 =	vadd.f32 v10, v21;
	v17 =	vadd.f32 v17, v1  }
0x439: {  	v63 =	vmul.f32 v54, v54;
	v7 =	vmul.f32 v14, v53;
	v53 =	vadd.f32 v19, v24  }
0x43a: {  	v10 =	vmul.f32 v14, v51;
	v16 =	vadd.f32 v56, v58;
	v51 =	vadd.f32 v8, v17  }
0x43b: {  	v21 =	vmul.f32 v56, v56;
	v5 =	vadd.f32 v5, v47;
	v20 =	vadd.f32 v53, v57  }
0x43c: {  	v37 =	vmul.f32 v14, v37;
	v17 =	vadd.f32 v55, v59;
	v24 =	vadd.f32 v51, v54  }
0x43d: {  	v9 =	vadd.f32 v15, v9;
	v62 =	vmul.f32 v53, v53;
	v18 =	vadd.f32 v21, v18  }
0x43e: {  	v45 =	vld [tilespmem:s15+$0xFFFFFFB0];
	v16 =	vadd.f32 v17, v16;
	v17 =	vadd.f32 v24, v20;
	v20 =	vmul.f32 v51, v51  }
0x43f: {  	v21 =	vadd.f32 v25, v22;
	v22 =	vmul.f32 v14, v3;
	v24 =	vmul.f32 v14, v2;
	v2 =	vld [tilespmem:$0x1FFF0]  }
0x440: {  	v46 =	vld [tilespmem:s26+$0xFFFFFFB0];
	v25 =	vadd.f32 v62, v60;
	v60 =	vmul.f32 v14, v4;
	v20 =	vadd.f32 v20, v63  }
0x441: {  	v23 =	vld [tilespmem:s15+$0xFFFFFFF0];
	v4 =	vmul.f32 v14, v38;
	v18 =	vadd.f32 v21, v18;
	v14 =	vmul.f32 v14, v39  }
0x442: {  	v19 =	vld [tilespmem:s26+$0xFFFFFFE0];
	v16 =	vadd.f32 v17, v16;
	v20 =	vadd.f32 v20, v25  }
0x443: {  	v7 =	vadd.f32 v7, v61;
	v38 =	vadd.f32 v14, v1;
	v1 =	vld [tilespmem:$0x1FFC0]  }
0x444: {  	v61 =	vld [tilespmem:s26+$0xFFFFFFF0];
	v22 =	vadd.f32 v22, v33;
	v33 =	vperm.xlane v16, v2;
	v18 =	vadd.f32 v20, v18  }
0x445: {  	v10 =	vadd.f32 v10, v31;
	v35 =	vadd.f32 v37, v35;
	v8 =	vld [tilespmem:s15+$0xFFFFFFE0]  }
0x446: {  	v62 =	vadd.f32 v46, v45;
	v16 =	vadd.f32 v16, v33;
	v37 =	vperm.xlane v18, v2  }
0x447: {  	v3 =	vld [tilespmem:$0x1FFD0];
	v7 =	vadd.f32 v7, v0;
	v6 =	vadd.f32 v6, v10  }
0x448: {  	v34 =	vadd.f32 v60, v34;
	v39 =	vperm.xlane v16, v1;
	v60 =	vadd.f32 v18, v37  }
0x449: {  	v47 =	vadd.f32 v9, v35;
	v23 =	vadd.f32 v61, v23  }
0x44a: {  	v8 =	vadd.f32 v19, v8;
	v12 =	vadd.f32 v16, v39;
	v63 =	vperm.xlane v60, v1  }
0x44b: {  	v32 =	vadd.f32 v24, v32;
	v17 =	vadd.f32 v4, v36;
	v4 =	vld [tilespmem:$0x1FFE0]  }
0x44c: {  	v5 =	vadd.f32 v5, v34;
	v26 =	vperm.xlane v12, v3;
	v14 =	vadd.f32 v60, v63  }
0x44d: {  	v35 =	vmul.f32 v6, v6;
	v36 =	vadd.f32 v6, v7;
	v10 =	vadd.f32 v13, v32  }
0x44e: {  	v13 =	vadd.f32 v62, v22;
	v0 =	vadd.f32 v12, v26;
	v32 =	vperm.xlane v14, v3  }
0x44f: {  	v45 =	vadd.f32 v8, v17;
	v46 =	vadd.f32 v23, v38;
	v22 =	vmul.f32 v47, v47  }
0x450: {  	v38 =	vadd.f32 v13, v10;
	v34 =	vperm.xlane v0, v4;
	v12 =	vadd.f32 v14, v32  }
0x451: {  	v61 =	vadd.f32 v46, v45;
	v62 =	vmul.f32 v13, v13;
	v23 =	vmul.f32 v45, v45  }
0x452: {  	v24 =	vmul.f32 v46, v46;
	v0 =	vadd.f32 v0, v34;
	v37 =	vperm.xlane v12, v4  }
0x453: {  	v33 =	vmul.f32 v7, v7;
	v11 =	vadd.f32 v38, v36;
	v39 =	vadd.f32 v47, v5  }
0x454: {  	v25 =	vadd.f32 v24, v23;
	v0 =	vmul.f32 $7.812500000e-03, v0;
	v9 =	vadd.f32 v12, v37  }
0x455: {  	v15 =	vadd.f32 v61, v39;
	v60 =	vmul.f32 v10, v10;
	v63 =	vmul.f32 v5, v5  }
0x456: {  	v8 =	vadd.f32 v35, v33;
	v21 =	vmul.f32 v0, v0;
	v9 =	vmul.f32 $7.812500000e-03, v9  }
0x457: {  	v11 =	vadd.f32 v15, v11;
	v14 =	vadd.f32 v22, v63  }
0x458: {  	v12 =	vadd.f32 v62, v60;
	v9 =	vsub.f32 v9, v21  }
0x459: {  	v26 =	vperm.xlane v11, v2;
	v14 =	vadd.f32 v25, v14  }
0x45a: {  	v8 =	vadd.f32 v12, v8;
	v9 =	vadd.f32 $9.999999960e-13, v9  }
0x45b: {  	v32 =	vsub.f32 $1.500000000e+00, v52;
	v11 =	vadd.f32 v11, v26  }
0x45c: {  	v8 =	vadd.f32 v14, v8;
	v33 =	vshra.s32 v9, $0x1;
	v9 =	vmul.f32 $5.000000000e-01, v9  }
0x45d: {  	v24 =	vmul.f32 v32, v50;
	v35 =	vperm.xlane v11, v1;
	v34 =	vsub.s32 $0x5F3759DF, v33  }
0x45e: {  	v36 =	vperm.xlane v8, v2;
	v2 =	vld [tilespmem:$0x1FBB0];
	v25 =	vmul.f32 v34, v9  }
0x45f: {  	v37 =	vmul.f32 v24, v41;
	v41 =	vadd.f32 v49, v28;
	v11 =	vadd.f32 v11, v35  }
0x460: {  	v26 =	vsub.f32 v58, v0;
	v63 =	vsub.f32 v56, v0;
	v14 =	vmul.f32 v34, v25  }
0x461: {  	v62 =	vsub.f32 v59, v0;
	v39 =	vperm.xlane v11, v3;
	v8 =	vadd.f32 v8, v36  }
0x462: {  	v38 =	vmul.f32 v24, v40;
	v60 =	vsub.f32 v55, v0;
	v14 =	vsub.f32 $1.500000000e+00, v14  }
0x463: {  	v11 =	vadd.f32 v11, v39;
	v40 =	vperm.xlane v8, v1;
	v49 =	vmul.f32 v24, v2;
	v2 =	vld [tilespmem:$0x1FBC0]  }
0x464: {  	v55 =	vsub.f32 v57, v0;
	v57 =	vmul.f32 v24, v42;
	v12 =	vmul.f32 v34, v14  }
0x465: {  	v56 =	vmul.f32 v24, v43;
	v42 =	vperm.xlane v11, v4;
	v8 =	vadd.f32 v8, v40  }
0x466: {  	v52 =	vsub.f32 v53, v0;
	v53 =	vmul.f32 v24, v44;
	v9 =	vmul.f32 v12, v9  }
0x467: {  	v43 =	vadd.f32 v48, v27;
	v11 =	vadd.f32 v11, v42;
	v20 =	vperm.xlane v8, v3  }
0x468: {  	s14 =	sadd.s32 $0x2, s14;
	v50 =	vsub.f32 v54, v0;
	v54 =	vmul.f32 v24, v2;
	v2 =	vld [tilespmem:$0x1FBD0];
	v9 =	vmul.f32 v9, v12  }
0x469: {  	p1 =	slt.u32 s14, $0x3E;
	v51 =	vsub.f32 v51, v0;
	v59 =	vmul.f32 v37, v30;
	[tilespmem:s12+$0x60] =	vst v43;
	v43 =	vmul.f32 $7.812500000e-03, v11  }
.Ltmp2:
0x46a: {  	v58 =	vmul.f32 v38, v29;
	v8 =	vadd.f32 v8, v20;
	v9 =	vsub.f32 $1.500000000e+00, v9;
	(pc) =	sbr.rel @p1 .LBB2_6-.Ltmp2, $4  }
0x46b: {  	[tilespmem:s12+$0x50] =	vst v41;
	v0 =	vmul.f32 v43, v43;
	v41 =	vsub.f32 v7, v43;
	v40 =	vsub.f32 v6, v43  }
0x46c: {  	v32 =	vsub.f32 v10, v43;
	v44 =	vperm.xlane v8, v4;
	v61 =	vmul.f32 v9, v12  }
0x46d: {  	v33 =	vsub.f32 v13, v43;
	v31 =	vsub.f32 v5, v43;
	v48 =	vmul.f32 v24, v2  }
0x46e: {  	s13 =	smov.u32 s12;
	s15 =	sadd.s32 $0x100, s15;
	v44 =	vadd.f32 v8, v44;
	v42 =	vmul.f32 v61, v51;
	v51 =	vmul.f32 v61, v26  }
0x46f: {  	v30 =	vld [tilespmem:$0x1FEC0];
	_ =	sdelay $0x1  }
0x470: {  	v21 =	vld [tilespmem:$0x1FEE0]  }
0x471: {  	v5 =	vmul.f32 $7.812500000e-03, v44;
	_ =	sdelay $0x1  }
0x472: {  	v22 =	vld [tilespmem:$0x1FF10];
	v0 =	vsub.f32 v5, v0;
	v8 =	vmul.f32 v42, v30;
	_ =	sdelay $0x1  }
0x473: {  	v0 =	vadd.f32 $9.999999960e-13, v0;
	v8 =	vadd.f32 v8, v21  }
0x474: {  	s12 =	sadd.s32 $0x100, s12  }
0x475: {  	v24 =	vld [tilespmem:$0x1FED0];
	v5 =	vshra.s32 v0, $0x1;
	v0 =	vmul.f32 $5.000000000e-01, v0;
	[tilespmem:s12+$0x70] =	vst v8  }
0x476: {  	v12 =	vadd.f32 v59, v22;
	v5 =	vsub.s32 $0x5F3759DF, v5;
	v23 =	vld [tilespmem:$0x1FF20]  }
0x477: {  	v6 =	vmul.f32 v5, v0  }
0x478: {  	v25 =	vld [tilespmem:$0x1FEF0];
	[tilespmem:s13+$0xFFFFFF80] =	vst v12  }
0x479: {  	v6 =	vmul.f32 v5, v6;
	v27 =	vld [tilespmem:$0x1FF30]  }
0x47a: {  	v7 =	vsub.f32 v47, v43  }
0x47b: {  	v6 =	vsub.f32 $1.500000000e+00, v6;
	v47 =	vadd.f32 v58, v23  }
0x47c: {  	v13 =	vmul.f32 v57, v24  }
0x47d: {  	v29 =	vld [tilespmem:$0x1FF00];
	v5 =	vmul.f32 v5, v6;
	[tilespmem:s13+$0xFFFFFF90] =	vst v47  }
0x47e: {  	v13 =	vadd.f32 v13, v27;
	v20 =	vld [tilespmem:$0x1FF60]  }
0x47f: {  	v0 =	vmul.f32 v5, v0;
	v26 =	vld [tilespmem:$0x1FF40]  }
0x480: {  	v4 =	vld [tilespmem:$0x1FF70];
	[tilespmem:s13+$0xFFFFFFA0] =	vst v13  }
0x481: {  	v11 =	vmul.f32 v61, v63;
	v28 =	vld [tilespmem:$0x1FF50];
	v0 =	vmul.f32 v0, v5  }
0x482: {  	v15 =	vmul.f32 v61, v60;
	v14 =	vmul.f32 v56, v25  }
0x483: {  	v34 =	vmul.f32 v61, v52;
	v59 =	vmul.f32 v48, v30;
	v0 =	vsub.f32 $1.500000000e+00, v0  }
0x484: {  	v6 =	vmul.f32 v61, v62;
	v57 =	vmul.f32 v53, v29;
	v14 =	vadd.f32 v14, v26  }
0x485: {  	v9 =	vsub.f32 v45, v43;
	v36 =	vmul.f32 v15, v25;
	v0 =	vmul.f32 v0, v5  }
0x486: {  	v6 =	vmul.f32 v6, v24;
	v58 =	vmul.f32 v49, v20;
	v12 =	vadd.f32 v57, v28;
	[tilespmem:s13+$0xFFFFFFB0] =	vst v14  }
0x487: {  	v10 =	vsub.f32 v46, v43;
	v13 =	vmul.f32 v34, v20;
	v42 =	vmul.f32 v0, v31;
	v19 =	vld [tilespmem:$0x1FF80]  }
0x488: {  	v6 =	vadd.f32 v6, v27;
	v38 =	vmul.f32 v0, v41;
	v41 =	vmul.f32 v0, v33;
	v2 =	vld [tilespmem:$0x1FFA0];
	[tilespmem:s13+$0xFFFFFFC0] =	vst v12  }
0x489: {  	v63 =	vadd.f32 v59, v21;
	v7 =	vmul.f32 v0, v7;
	v18 =	vld [tilespmem:$0x1FF90];
	v45 =	vmul.f32 v42, v29  }
0x48a: {  	v12 =	vadd.f32 v36, v26;
	v3 =	vld [tilespmem:$0x1FFB0];
	[tilespmem:s12+$0x20] =	vst v6;
	v6 =	vmul.f32 v0, v40;
	v40 =	vmul.f32 v0, v32  }
0x48b: {  	v44 =	vmul.f32 v0, v9;
	[tilespmem:s13+$0xFFFFFFF0] =	vst v63;
	v0 =	vmul.f32 v0, v10;
	v47 =	vadd.f32 v45, v28  }
0x48c: {  	[tilespmem:s12+$0x30] =	vst v12;
	v43 =	vmul.f32 v40, v24;
	v8 =	vadd.f32 v58, v19  }
0x48d: {  	v5 =	vmul.f32 v61, v50;
	v0 =	vmul.f32 v0, v30;
	v39 =	vadd.f32 v13, v19;
	[tilespmem:s12+$0xFFFFFFC0] =	vst v47  }
0x48e: {  	v16 =	vmul.f32 v54, v4;
	v46 =	vadd.f32 v43, v27;
	[tilespmem:s13+$0xFFFFFFD0] =	vst v8  }
0x48f: {  	v5 =	vmul.f32 v5, v4;
	v0 =	vadd.f32 v0, v21;
	[tilespmem:s12+$0x50] =	vst v39  }
0x490: {  	v17 =	vmul.f32 v51, v2;
	v62 =	vadd.f32 v16, v18;
	[tilespmem:s12+$0xFFFFFFA0] =	vst v46  }
0x491: {  	v60 =	vmul.f32 v61, v55;
	v11 =	vmul.f32 v11, v3;
	v5 =	vadd.f32 v5, v18;
	[tilespmem:s12+$0xFFFFFFF0] =	vst v0  }
0x492: {  	v6 =	vmul.f32 v6, v3;
	v35 =	vadd.f32 v17, v22;
	[tilespmem:s13+$0xFFFFFFE0] =	vst v62  }
0x493: {  	v37 =	vmul.f32 v60, v29;
	v11 =	vadd.f32 v11, v23;
	[tilespmem:s12+$0x60] =	vst v5  }
0x494: {  	v5 =	vadd.f32 v6, v23;
	v6 =	vmul.f32 v41, v25;
	[tilespmem:s12+$0x0] =	vst v35  }
0x495: {  	v8 =	vadd.f32 v37, v28;
	[tilespmem:s12+$0x10] =	vst v11;
	v11 =	vmul.f32 v38, v2  }
0x496: {  	[tilespmem:s12+$0xFFFFFF90] =	vst v5;
	v5 =	vmul.f32 v7, v20;
	v6 =	vadd.f32 v6, v26  }
0x497: {  	[tilespmem:s12+$0x40] =	vst v8;
	v7 =	vmul.f32 v44, v4;
	v11 =	vadd.f32 v11, v22  }
0x498: {  	[tilespmem:s12+$0xFFFFFFB0] =	vst v6;
	v5 =	vadd.f32 v5, v19  }
0x499: {  	v6 =	vadd.f32 v7, v18;
	[tilespmem:s12+$0xFFFFFF80] =	vst v11  }
0x49a: {  	[tilespmem:s12+$0xFFFFFFD0] =	vst v5  }
0x49b: {  	[tilespmem:s12+$0xFFFFFFE0] =	vst v6  }
0x49c: {  	s14 =	simm.s32 $0xC800;
	s12 =	rddreg [dreg:$0x9]  }
0x49d: {  	[hbm4b:s12+s6] =	stream.linear.scatter [tilespmem:s14], [sflag:$0x6], $0x2000, $0x38;
	[tilespmem:$0x14A00] =	vst v63  }
0x49e: {  	_ =	swait.ge [sflag:s2], $0x2000  }
0x49f: {  	[sflag:s2] =	ssyncset.done $0x0  }
0x4a0: {  	[sflag:s2] =	ssyncadd.s32 $0xFFFFE000  }
0x4a1: {  	_ =	swait.ge [sflag:s3], $0x2000  }
0x4a2: {  	v27 =	vld [tilespmem:$0x1FD20]  }
0x4a3: {  	v46 =	vld [tilespmem:$0x1FD30]  }
0x4a4: {  	v47 =	vld [tilespmem:$0x1FD50]  }
0x4a5: {  	v28 =	vld [tilespmem:$0x1FD80]  }
0x4a6: {  	v29 =	vld [tilespmem:$0x1FD90]  }
0x4a7: {  	v36 =	vld [tilespmem:$0x1FDC0]  }
0x4a8: {  	v42 =	vld [tilespmem:$0x1FD40]  }
0x4a9: {  	v45 =	vld [tilespmem:$0x1FD60]  }
0x4aa: {  	[sflag:s3] =	ssyncset.done $0x0;
	v32 =	vld [tilespmem:$0x1FDA0]  }
0x4ab: {  	s15 =	simm.s32 $0x2880;
	v30 =	vld [tilespmem:$0x1FDE0];
	[sflag:s3] =	ssyncadd.s32 $0xFFFFE000  }
0x4ac: {  	s26 =	simm.s32 $0x6880;
	v0 =	vld [tilespmem:s15+$0x0]  }
0x4ad: {  	v5 =	vld [tilespmem:s26+$0x0]  }
0x4ae: {  	v6 =	vld [tilespmem:s15+$0x10]  }
0x4af: {  	v7 =	vld [tilespmem:s26+$0x10]  }
0x4b0: {  	v48 =	vld [tilespmem:s15+$0x20]  }
0x4b1: {  	v49 =	vld [tilespmem:s26+$0x20]  }
0x4b2: {  	v50 =	vld [tilespmem:s15+$0x30]  }
0x4b3: {  	v51 =	vld [tilespmem:s26+$0x30]  }
0x4b4: {  	s14 =	simm.s32 $0x701;
	v52 =	vld [tilespmem:s15+$0x40]  }
0x4b5: {  	v54 =	vld [tilespmem:s14+$0x0]  }
0x4b6: {  	v53 =	vld [tilespmem:s26+$0x40]  }
0x4b7: {  	v55 =	vld [tilespmem:s15+$0x50]  }
0x4b8: {  	v56 =	vld [tilespmem:s26+$0x50]  }
0x4b9: {  	v2 =	vimm.s32 $0x0;
	v57 =	vld [tilespmem:s15+$0x60]  }
0x4ba: {  	v58 =	vld [tilespmem:s26+$0x60];
	v14 =	vperm.xlane v54, v2  }
0x4bb: {  	v59 =	vld [tilespmem:s15+$0x70]  }
0x4bc: {  	v0 =	vadd.f32 v5, v0;
	v5 =	vld [tilespmem:s26+$0x70];
	v14 =	vcvt.s32.f32 v14  }
0x4bd: {  	v33 =	vld [tilespmem:$0x1FDB0];
	v6 =	vadd.f32 v7, v6;
	v7 =	vadd.f32 v49, v48  }
0x4be: {  	v8 =	vadd.f32 v51, v50;
	v9 =	vadd.f32 v53, v52;
	v51 =	vld [tilespmem:$0x1FDD0];
	v60 =	vmul.f32 v14, v27  }
0x4bf: {  	v34 =	vld [tilespmem:$0x1FDF0];
	v62 =	vadd.f32 v56, v55;
	v17 =	vadd.f32 v58, v57;
	v61 =	vmul.f32 v14, v46  }
0x4c0: {  	v35 =	vld [tilespmem:$0x1FE00];
	v24 =	vmul.f32 v14, v47;
	v25 =	vmul.f32 v14, v28;
	v10 =	vadd.f32 v60, v42  }
0x4c1: {  	v41 =	vld [tilespmem:$0x1FE10];
	v26 =	vmul.f32 v14, v29;
	v5 =	vadd.f32 v5, v59;
	v11 =	vadd.f32 v61, v45  }
0x4c2: {  	v31 =	vld [tilespmem:$0x1FD70];
	v38 =	vmul.f32 v14, v36;
	v16 =	vadd.f32 v25, v32;
	v40 =	vadd.f32 v10, v0  }
0x4c3: {  	v63 =	vld [tilespmem:s14+$0xFFFFFFFF];
	v39 =	vmul.f32 v14, v51;
	v18 =	vadd.f32 v26, v33;
	v43 =	vadd.f32 v6, v11  }
0x4c4: {  	v14 =	vmul.f32 v14, v30;
	v20 =	vadd.f32 v38, v34;
	v44 =	vadd.f32 v8, v16;
	[tilespmem:$0x1FB40] =	vst v40  }
0x4c5: {  	v19 =	vadd.f32 v39, v35;
	v3 =	vadd.f32 v9, v18;
	[tilespmem:$0x1FB50] =	vst v43  }
0x4c6: {  	v14 =	vadd.f32 v14, v41;
	v4 =	vadd.f32 v62, v20;
	[tilespmem:$0x1FB60] =	vst v44  }
0x4c7: {  	v2 =	vimm.s32 $0x0;
	v15 =	vadd.f32 v24, v31;
	v49 =	vadd.f32 v17, v19;
	v6 =	vld [tilespmem:s15+$0xFFFFFF80];
	[tilespmem:$0x1FB70] =	vst v3  }
0x4c8: {  	v13 =	vperm.xlane v63, v2;
	v2 =	vadd.f32 v5, v14;
	[tilespmem:$0x1FB80] =	vst v4  }
0x4c9: {  	v56 =	vadd.f32 v7, v15;
	v7 =	vld [tilespmem:s26+$0xFFFFFF80];
	[tilespmem:$0x1FB90] =	vst v49  }
0x4ca: {  	v0 =	vcvt.s32.f32 v13;
	v17 =	vadd.f32 v2, v49;
	v62 =	vmul.f32 v2, v2;
	[tilespmem:$0x1FBA0] =	vst v2;
	v2 =	vld [tilespmem:$0x1FFF0]  }
0x4cb: {  	v5 =	vld [tilespmem:s15+$0xFFFFFF90]  }
0x4cc: {  	v48 =	vmul.f32 v0, v27;
	v50 =	vadd.f32 v43, v40;
	v53 =	vmul.f32 v40, v40;
	v12 =	vld [tilespmem:s26+$0xFFFFFF90]  }
0x4cd: {  	v52 =	vadd.f32 v44, v56;
	v55 =	vmul.f32 v43, v43;
	v15 =	vmul.f32 v56, v56;
	v16 =	vld [tilespmem:s15+$0xFFFFFFA0]  }
0x4ce: {  	v54 =	vadd.f32 v4, v3;
	v57 =	vmul.f32 v44, v44;
	v58 =	vmul.f32 v3, v3;
	v20 =	vld [tilespmem:s26+$0xFFFFFFA0]  }
0x4cf: {  	v59 =	vmul.f32 v4, v4;
	v43 =	vmul.f32 v0, v46;
	v8 =	vadd.f32 v48, v42;
	v23 =	vld [tilespmem:s15+$0xFFFFFFB0]  }
0x4d0: {  	v60 =	vmul.f32 v49, v49;
	v9 =	vadd.f32 v52, v50;
	v11 =	vadd.f32 v55, v53;
	v63 =	vld [tilespmem:s26+$0xFFFFFFB0]  }
0x4d1: {  	v44 =	vadd.f32 v57, v15;
	v49 =	vmul.f32 v0, v47;
	v19 =	vadd.f32 v59, v58;
	v48 =	vld [tilespmem:s15+$0xFFFFFFC0]  }
0x4d2: {  	v52 =	vmul.f32 v0, v28;
	v53 =	vmul.f32 v0, v29;
	v24 =	vadd.f32 v43, v45;
	v50 =	vld [tilespmem:s26+$0xFFFFFFC0]  }
0x4d3: {  	v55 =	vmul.f32 v0, v36;
	v61 =	vadd.f32 v17, v54;
	v13 =	vadd.f32 v62, v60;
	v54 =	vld [tilespmem:s15+$0xFFFFFFD0]  }
0x4d4: {  	v58 =	vmul.f32 v0, v51;
	v57 =	vld [tilespmem:s26+$0xFFFFFFD0];
	v11 =	vadd.f32 v44, v11;
	v18 =	vadd.f32 v49, v31  }
0x4d5: {  	v0 =	vmul.f32 v0, v30;
	v37 =	vld [tilespmem:s15+$0xFFFFFFE0];
	v22 =	vadd.f32 v52, v32;
	v25 =	vadd.f32 v53, v33  }
0x4d6: {  	v38 =	vld [tilespmem:s26+$0xFFFFFFE0];
	v26 =	vadd.f32 v55, v34;
	v13 =	vadd.f32 v13, v19  }
0x4d7: {  	v39 =	vld [tilespmem:s15+$0xFFFFFFF0];
	v0 =	vadd.f32 v0, v41;
	v9 =	vadd.f32 v61, v9  }
0x4d8: {  	v19 =	vadd.f32 v58, v35;
	v61 =	vld [tilespmem:s26+$0xFFFFFFF0];
	v11 =	vadd.f32 v13, v11  }
0x4d9: {  	v6 =	vadd.f32 v7, v6;
	v5 =	vadd.f32 v12, v5  }
0x4da: {  	v59 =	vperm.xlane v9, v2;
	v62 =	vadd.f32 v20, v16;
	v63 =	vadd.f32 v63, v23  }
0x4db: {  	v15 =	vadd.f32 v50, v48;
	v10 =	vadd.f32 v57, v54  }
0x4dc: {  	v21 =	vadd.f32 v38, v37;
	v9 =	vadd.f32 v9, v59  }
0x4dd: {  	v55 =	vadd.f32 v8, v6;
	v23 =	vadd.f32 v61, v39  }
0x4de: {  	v54 =	vadd.f32 v5, v24;
	v53 =	vadd.f32 v62, v18  }
0x4df: {  	v60 =	vperm.xlane v11, v2;
	v52 =	vadd.f32 v63, v22;
	v43 =	vadd.f32 v15, v25  }
0x4e0: {  	v57 =	vadd.f32 v10, v26;
	v49 =	vadd.f32 v21, v19;
	v7 =	vperm.xlane v9, v1  }
0x4e1: {  	v3 =	vld [tilespmem:$0x1FFD0];
	v11 =	vadd.f32 v11, v60;
	v38 =	vmul.f32 v55, v55;
	v48 =	vadd.f32 v23, v0  }
0x4e2: {  	v4 =	vld [tilespmem:$0x1FFE0];
	s15 =	simm.s32 $0x2980;
	v0 =	vadd.f32 v54, v55;
	v5 =	vadd.f32 v52, v53;
	v39 =	vmul.f32 v54, v54  }
0x4e3: {  	s26 =	simm.s32 $0x6980;
	v13 =	vld [tilespmem:s15+$0x10];
	v26 =	vadd.f32 v57, v43;
	v40 =	vmul.f32 v53, v53;
	v44 =	vmul.f32 v52, v52  }
0x4e4: {  	v15 =	vld [tilespmem:s26+$0x10];
	v50 =	vmul.f32 v43, v43;
	v58 =	vmul.f32 v57, v57;
	v7 =	vadd.f32 v9, v7  }
0x4e5: {  	s28 =	simm.s32 $0x703;
	v10 =	vld [tilespmem:s15+$0x20];
	v20 =	vperm.xlane v11, v1;
	v37 =	vadd.f32 v48, v49;
	v0 =	vadd.f32 v5, v0  }
0x4e6: {  	v12 =	vadd.f32 v39, v38;
	v8 =	vadd.f32 v44, v40;
	v40 =	vld [tilespmem:s28+$0x0];
	v6 =	vperm.xlane v7, v3  }
0x4e7: {  	v63 =	vld [tilespmem:s15+$0x40];
	v16 =	vmul.f32 v48, v48;
	v9 =	vadd.f32 v11, v20;
	v5 =	vadd.f32 v37, v26  }
0x4e8: {  	v8 =	vadd.f32 v8, v12;
	v12 =	vld [tilespmem:s26+$0x20];
	v6 =	vadd.f32 v7, v6;
	v7 =	vmul.f32 v49, v49  }
0x4e9: {  	v24 =	vimm.s32 $0x0;
	v14 =	vadd.f32 v58, v50;
	v37 =	vld [tilespmem:s26+$0x40]  }
0x4ea: {  	v11 =	vperm.xlane v9, v3;
	v0 =	vadd.f32 v5, v0;
	v7 =	vadd.f32 v16, v7  }
0x4eb: {  	v17 =	vld [tilespmem:s26+$0x0];
	v13 =	vadd.f32 v15, v13;
	v60 =	vperm.xlane v6, v4;
	v19 =	vperm.xlane v40, v24  }
0x4ec: {  	v5 =	vld [tilespmem:s15+$0x0];
	v9 =	vadd.f32 v9, v11;
	v59 =	vperm.xlane v0, v2;
	v7 =	vadd.f32 v7, v14  }
0x4ed: {  	v6 =	vadd.f32 v6, v60;
	v19 =	vcvt.s32.f32 v19;
	v10 =	vadd.f32 v12, v10  }
0x4ee: {  	v62 =	vperm.xlane v9, v4;
	v11 =	vadd.f32 v37, v63;
	v0 =	vadd.f32 v0, v59  }
0x4ef: {  	v26 =	vld [tilespmem:s26+$0x70];
	v7 =	vadd.f32 v7, v8;
	v38 =	vmul.f32 $7.812500000e-03, v6;
	v37 =	vmul.f32 v19, v27  }
0x4f0: {  	v16 =	vld [tilespmem:s15+$0x30];
	v9 =	vadd.f32 v9, v62;
	v40 =	vmul.f32 v19, v47;
	v63 =	vmul.f32 v19, v29  }
0x4f1: {  	v8 =	vld [tilespmem:s26+$0x30];
	v5 =	vadd.f32 v17, v5;
	v25 =	vmul.f32 v19, v36;
	v61 =	vperm.xlane v0, v1  }
0x4f2: {  	v62 =	vld [tilespmem:s15+$0x70];
	v6 =	vperm.xlane v7, v2;
	v9 =	vmul.f32 $7.812500000e-03, v9;
	v12 =	vadd.f32 v37, v42  }
0x4f3: {  	v50 =	vld [tilespmem:s26+$0x50];
	v44 =	vmul.f32 v38, v38;
	v15 =	vadd.f32 v40, v31;
	v21 =	vadd.f32 v63, v33  }
0x4f4: {  	v59 =	vld [tilespmem:s15+$0x60];
	v22 =	vadd.f32 v25, v34;
	v0 =	vadd.f32 v0, v61  }
0x4f5: {  	v61 =	vld [tilespmem:s26+$0x60];
	v6 =	vadd.f32 v7, v6;
	v9 =	vsub.f32 v9, v44  }
0x4f6: {  	v7 =	vld [tilespmem:s15+$0x50];
	v44 =	vmul.f32 v19, v28;
	v63 =	vadd.f32 v12, v5;
	v39 =	vperm.xlane v0, v3  }
0x4f7: {  	v8 =	vadd.f32 v8, v16;
	v17 =	vadd.f32 v26, v62;
	v26 =	vmul.f32 v19, v51  }
0x4f8: {  	v58 =	vperm.xlane v6, v1;
	v9 =	vadd.f32 $9.999999960e-13, v9;
	v16 =	vadd.f32 v44, v32  }
0x4f9: {  	v0 =	vadd.f32 v0, v39;
	v39 =	vmul.f32 v19, v46;
	v20 =	vadd.f32 v26, v35  }
0x4fa: {  	v19 =	vmul.f32 v19, v30;
	v6 =	vadd.f32 v6, v58;
	v58 =	vadd.f32 v11, v21  }
0x4fb: {  	v60 =	vperm.xlane v0, v4;
	v7 =	vadd.f32 v50, v7;
	v50 =	vadd.f32 v61, v59  }
0x4fc: {  	v14 =	vadd.f32 v39, v45;
	v19 =	vadd.f32 v19, v41  }
0x4fd: {  	v18 =	vld [tilespmem:s26+$0xFFFFFFB0];
	v61 =	vadd.f32 v8, v16;
	v0 =	vadd.f32 v0, v60  }
0x4fe: {  	v12 =	vld [tilespmem:s15+$0xFFFFFF80];
	v5 =	vperm.xlane v6, v3;
	v62 =	vadd.f32 v13, v14;
	v60 =	vadd.f32 v10, v15  }
0x4ff: {  	v39 =	vmul.f32 v63, v63;
	v16 =	vld [tilespmem:s26+$0xFFFFFF80];
	v59 =	vadd.f32 v7, v22;
	v50 =	vadd.f32 v50, v20  }
0x500: {  	v23 =	vld [tilespmem:s15+$0xFFFFFFA0];
	v44 =	vadd.f32 v17, v19;
	v25 =	vmul.f32 v61, v61;
	v5 =	vadd.f32 v6, v5  }
0x501: {  	v7 =	vld [tilespmem:s28+$0xFFFFFFFF];
	v19 =	vmul.f32 v58, v58;
	v37 =	vadd.f32 v62, v63;
	v10 =	vadd.f32 v61, v60  }
0x502: {  	v22 =	vld [tilespmem:s26+$0xFFFFFF90];
	v40 =	vadd.f32 v59, v58;
	v14 =	vmul.f32 v62, v62;
	v15 =	vmul.f32 v60, v60  }
0x503: {  	v20 =	vld [tilespmem:s15+$0xFFFFFFD0];
	v17 =	vadd.f32 v44, v50;
	v26 =	vmul.f32 v59, v59;
	v21 =	vmul.f32 v50, v50  }
0x504: {  	v6 =	vld [tilespmem:s15+$0xFFFFFF90];
	v13 =	vmul.f32 v44, v44;
	v12 =	vadd.f32 v16, v12;
	v8 =	vadd.f32 v10, v37  }
0x505: {  	v10 =	vadd.f32 v17, v40;
	v11 =	vadd.f32 v14, v39;
	v37 =	vmul.f32 $7.812500000e-03, v0;
	v0 =	vld [tilespmem:s26+$0xFFFFFFA0]  }
0x506: {  	v40 =	vperm.xlane v5, v4;
	v25 =	vadd.f32 v25, v15;
	v26 =	vadd.f32 v26, v19;
	v17 =	vld [tilespmem:s15+$0xFFFFFFB0]  }
0x507: {  	v13 =	vadd.f32 v13, v21;
	v14 =	vld [tilespmem:s15+$0xFFFFFFC0];
	v15 =	vshra.s32 v9, $0x1;
	v7 =	vperm.xlane v7, v24  }
0x508: {  	v19 =	vld [tilespmem:s26+$0xFFFFFFC0];
	v9 =	vmul.f32 $5.000000000e-01, v9;
	v5 =	vadd.f32 v5, v40;
	v8 =	vadd.f32 v10, v8  }
0x509: {  	v24 =	vld [tilespmem:s26+$0xFFFFFFD0];
	v11 =	vadd.f32 v25, v11;
	v13 =	vadd.f32 v13, v26;
	v7 =	vcvt.s32.f32 v7  }
0x50a: {  	v16 =	vld [tilespmem:s26+$0xFFFFFFE0];
	v39 =	vmul.f32 v37, v37;
	v6 =	vadd.f32 v22, v6;
	v5 =	vmul.f32 $7.812500000e-03, v5  }
0x50b: {  	v25 =	vld [tilespmem:s15+$0xFFFFFFE0];
	v11 =	vadd.f32 v13, v11;
	v40 =	vperm.xlane v8, v2;
	v21 =	vmul.f32 v7, v46  }
0x50c: {  	v26 =	vmul.f32 v7, v47;
	v0 =	vadd.f32 v0, v23;
	v17 =	vadd.f32 v18, v17  }
0x50d: {  	v47 =	vmul.f32 v7, v28;
	v14 =	vadd.f32 v19, v14;
	v5 =	vsub.f32 v5, v39  }
0x50e: {  	v39 =	vmul.f32 v7, v27;
	v8 =	vadd.f32 v8, v40;
	v20 =	vadd.f32 v24, v20  }
0x50f: {  	v40 =	vperm.xlane v11, v2;
	v21 =	vadd.f32 v21, v45;
	v26 =	vadd.f32 v26, v31  }
0x510: {  	v23 =	vadd.f32 v47, v32;
	v16 =	vadd.f32 v16, v25;
	v46 =	vperm.xlane v8, v1  }
0x511: {  	v10 =	vadd.f32 v39, v42;
	v11 =	vadd.f32 v11, v40;
	v40 =	vmul.f32 v7, v29  }
0x512: {  	v13 =	vld [tilespmem:s15+$0xFFFFFFF0];
	v42 =	vmul.f32 v7, v36;
	v5 =	vadd.f32 $9.999999960e-13, v5;
	v8 =	vadd.f32 v8, v46  }
0x513: {  	v39 =	vld [tilespmem:s26+$0xFFFFFFF0];
	v46 =	vmul.f32 v7, v51;
	v7 =	vmul.f32 v7, v30;
	v19 =	vadd.f32 v40, v33  }
0x514: {  	v22 =	vadd.f32 v42, v34;
	v47 =	vperm.xlane v11, v1;
	v40 =	vadd.f32 v6, v21  }
0x515: {  	v15 =	vsub.s32 $0x5F3759DF, v15;
	v42 =	vadd.f32 v0, v26;
	v24 =	vadd.f32 v46, v35  }
0x516: {  	v7 =	vadd.f32 v7, v41;
	v51 =	vperm.xlane v8, v3;
	v11 =	vadd.f32 v11, v47  }
0x517: {  	v28 =	vadd.f32 v14, v19;
	v47 =	vadd.f32 v20, v22;
	v35 =	vmul.f32 v42, v42  }
0x518: {  	v13 =	vadd.f32 v39, v13;
	v39 =	vadd.f32 v10, v12;
	v10 =	vmul.f32 v15, v9  }
0x519: {  	v0 =	vadd.f32 v8, v51;
	v6 =	vperm.xlane v11, v3;
	v51 =	vadd.f32 v17, v23  }
0x51a: {  	v45 =	vadd.f32 v16, v24;
	v14 =	vadd.f32 v47, v28;
	v21 =	vmul.f32 v28, v28  }
0x51b: {  	v22 =	vmul.f32 v47, v47;
	v17 =	vsub.f32 v56, v38;
	v25 =	vmul.f32 v39, v39  }
0x51c: {  	v46 =	vadd.f32 v13, v7;
	v7 =	vmul.f32 v40, v40;
	v32 =	vadd.f32 v40, v39  }
0x51d: {  	v10 =	vmul.f32 v15, v10;
	v26 =	vperm.xlane v0, v4;
	v6 =	vadd.f32 v11, v6  }
0x51e: {  	v34 =	vadd.f32 v51, v42;
	v41 =	vmul.f32 v51, v51;
	v13 =	vadd.f32 v22, v21  }
0x51f: {  	v23 =	vmul.f32 v45, v45;
	v36 =	vadd.f32 v46, v45;
	v7 =	vadd.f32 v7, v25  }
0x520: {  	v24 =	vmul.f32 v46, v46;
	v25 =	vld [tilespmem:$0x1FB40];
	v10 =	vsub.f32 $1.500000000e+00, v10;
	v0 =	vadd.f32 v0, v26  }
0x521: {  	v11 =	vadd.f32 v34, v32;
	v12 =	vadd.f32 v41, v35;
	v26 =	vld [tilespmem:$0x1FB50]  }
0x522: {  	v33 =	vperm.xlane v6, v4;
	v32 =	vld [tilespmem:$0x1FB60];
	v14 =	vadd.f32 v36, v14;
	v8 =	vadd.f32 v24, v23  }
0x523: {  	v34 =	vld [tilespmem:$0x1FB80];
	v10 =	vmul.f32 v15, v10;
	v36 =	vshra.s32 v5, $0x1;
	v23 =	vsub.f32 v54, v37  }
0x524: {  	v35 =	vld [tilespmem:$0x1FB90];
	v5 =	vmul.f32 $5.000000000e-01, v5;
	v6 =	vadd.f32 v6, v33;
	v7 =	vadd.f32 v12, v7  }
0x525: {  	v0 =	vmul.f32 $7.812500000e-03, v0;
	v12 =	vsub.s32 $0x5F3759DF, v36;
	v11 =	vadd.f32 v14, v11  }
0x526: {  	v24 =	vld [tilespmem:$0x1FBA0];
	v8 =	vadd.f32 v8, v13;
	v9 =	vmul.f32 v10, v9;
	v13 =	vsub.f32 v55, v37  }
0x527: {  	v33 =	vld [tilespmem:$0x1FB70];
	v14 =	vsub.f32 v25, v38;
	v6 =	vmul.f32 $7.812500000e-03, v6;
	v50 =	vsub.f32 v50, v0  }
0x528: {  	v56 =	vmul.f32 v0, v0;
	v16 =	vsub.f32 v26, v38;
	v18 =	vsub.f32 v32, v38  }
0x529: {  	v25 =	vmul.f32 v12, v5;
	v19 =	vsub.f32 v34, v38;
	v20 =	vsub.f32 v35, v38  }
0x52a: {  	v41 =	vperm.xlane v11, v2;
	v9 =	vmul.f32 v9, v10;
	v7 =	vadd.f32 v8, v7  }
0x52b: {  	v21 =	vsub.f32 v24, v38;
	v6 =	vsub.f32 v6, v56;
	v22 =	vmul.f32 v12, v25  }
0x52c: {  	v15 =	vsub.f32 v33, v38;
	v9 =	vsub.f32 $1.500000000e+00, v9  }
0x52d: {  	v11 =	vadd.f32 v11, v41;
	v32 =	vperm.xlane v7, v2;
	v33 =	vsub.f32 $1.500000000e+00, v22  }
0x52e: {  	v24 =	vsub.f32 v52, v37;
	v6 =	vadd.f32 $9.999999960e-13, v6;
	v9 =	vmul.f32 v9, v10  }
0x52f: {  	v2 =	vld [tilespmem:$0x1FEC0];
	v26 =	vperm.xlane v11, v1;
	v7 =	vadd.f32 v7, v32;
	v10 =	vmul.f32 v12, v33  }
0x530: {  	v35 =	vshra.s32 v6, $0x1;
	v6 =	vmul.f32 $5.000000000e-01, v6;
	v21 =	vmul.f32 v9, v21  }
0x531: {  	v27 =	vld [tilespmem:$0x1FFB0];
	v25 =	vsub.f32 v43, v37;
	v36 =	vperm.xlane v7, v1;
	v14 =	vmul.f32 v9, v14  }
0x532: {  	v56 =	vld [tilespmem:$0x1FED0];
	v12 =	vsub.s32 $0x5F3759DF, v35;
	v16 =	vmul.f32 v9, v16;
	v5 =	vmul.f32 v10, v5  }
0x533: {  	v41 =	vsub.f32 v57, v37;
	v57 =	vld [tilespmem:$0x1FEE0];
	v17 =	vmul.f32 v9, v17;
	v38 =	vmul.f32 v12, v6  }
0x534: {  	v8 =	vadd.f32 v11, v26;
	v54 =	vmul.f32 v21, v2;
	v2 =	vld [tilespmem:$0x1FFA0];
	v5 =	vmul.f32 v5, v10  }
0x535: {  	v43 =	vsub.f32 v49, v37;
	v18 =	vmul.f32 v9, v18;
	v21 =	vld [tilespmem:$0x1FEF0];
	v11 =	vmul.f32 v12, v38  }
0x536: {  	v34 =	vperm.xlane v8, v3;
	v7 =	vadd.f32 v7, v36;
	v5 =	vsub.f32 $1.500000000e+00, v5  }
0x537: {  	v55 =	vmul.f32 v16, v27;
	v16 =	vmul.f32 v17, v56;
	v11 =	vsub.f32 $1.500000000e+00, v11  }
0x538: {  	v22 =	vsub.f32 v53, v37;
	v33 =	vld [tilespmem:$0x1FF10];
	v53 =	vperm.xlane v7, v3;
	v5 =	vmul.f32 v5, v10  }
0x539: {  	v8 =	vadd.f32 v8, v34;
	v34 =	vld [tilespmem:$0x1FF20];
	v11 =	vmul.f32 v12, v11;
	v14 =	vmul.f32 v14, v2  }
0x53a: {  	v10 =	vadd.f32 v54, v57;
	v17 =	vmul.f32 v18, v21;
	v57 =	vld [tilespmem:$0x1FF40];
	v13 =	vmul.f32 v5, v13  }
0x53b: {  	v37 =	vsub.f32 v48, v37;
	v35 =	vld [tilespmem:$0x1FF30];
	v36 =	vmul.f32 v5, v23;
	v6 =	vmul.f32 v11, v6  }
0x53c: {  	v7 =	vadd.f32 v7, v53;
	v56 =	vmul.f32 v5, v24;
	v53 =	vmul.f32 v5, v25  }
0x53d: {  	s12 =	simm.s32 $0xE880;
	v32 =	vld [tilespmem:$0x1FF00];
	v14 =	vadd.f32 v14, v33;
	v49 =	vmul.f32 v5, v41;
	v6 =	vmul.f32 v6, v11  }
0x53e: {  	v12 =	vadd.f32 v55, v34;
	v24 =	vld [tilespmem:$0x1FF50];
	v54 =	vmul.f32 v5, v43;
	v48 =	vmul.f32 v5, v37;
	[tilespmem:s12+$0x70] =	vst v10  }
0x53f: {  	v17 =	vadd.f32 v17, v57;
	v57 =	vmul.f32 v5, v22;
	v5 =	vsub.f32 $1.500000000e+00, v6;
	v6 =	vld [tilespmem:$0x1FF60];
	[tilespmem:s12+$0x0] =	vst v14  }
0x540: {  	v15 =	vmul.f32 v9, v15;
	v19 =	vmul.f32 v9, v19;
	v16 =	vadd.f32 v16, v35;
	[tilespmem:s12+$0x10] =	vst v12  }
0x541: {  	v52 =	vperm.xlane v8, v4;
	v25 =	vsub.f32 v63, v0;
	v63 =	vsub.f32 v62, v0;
	v38 =	vld [tilespmem:$0x1FF80]  }
0x542: {  	v62 =	vsub.f32 v60, v0;
	v60 =	vsub.f32 v61, v0;
	v61 =	vmul.f32 v5, v11;
	v5 =	vld [tilespmem:$0x1FF70];
	[tilespmem:s12+$0x20] =	vst v16  }
0x543: {  	v9 =	vmul.f32 v9, v20;
	v8 =	vadd.f32 v8, v52;
	v52 =	vsub.f32 v59, v0;
	[tilespmem:s12+$0x30] =	vst v17  }
0x544: {  	v55 =	vsub.f32 v58, v0;
	v41 =	vsub.f32 v44, v0;
	v0 =	vperm.xlane v7, v4;
	v59 =	vld [tilespmem:$0x1FF90]  }
0x545: {  	v15 =	vmul.f32 v15, v32;
	v43 =	vmul.f32 $7.812500000e-03, v8  }
0x546: {  	v44 =	vadd.f32 v7, v0;
	v6 =	vmul.f32 v19, v6  }
0x547: {  	v30 =	vsub.f32 v39, v43;
	v15 =	vadd.f32 v15, v24;
	v5 =	vmul.f32 v9, v5  }
0x548: {  	v58 =	vmul.f32 v36, v27;
	v36 =	vsub.f32 v40, v43;
	v6 =	vadd.f32 v6, v38  }
0x549: {  	v0 =	vmul.f32 v43, v43;
	v34 =	vsub.f32 v42, v43;
	[tilespmem:s12+$0x40] =	vst v15;
	v5 =	vadd.f32 v5, v59  }
0x54a: {  	v35 =	vsub.f32 v51, v43;
	v29 =	vsub.f32 v28, v43;
	v42 =	vmul.f32 v61, v41;
	[tilespmem:s12+$0x50] =	vst v6  }
0x54b: {  	s13 =	simm.s32 $0xE880;
	s14 =	simm.s32 $0x2;
	s15 =	simm.s32 $0x2A80;
	v51 =	vmul.f32 v61, v25;
	v59 =	vmul.f32 v13, v2;
	v2 =	vmovc v3;
	v3 =	vmov v1;
	[tilespmem:s12+$0x60] =	vst v5  }
.LBB2_8:
0x54c: {  	v5 =	vld [tilespmem:s15+$0x0]  }
0x54d: {  	v37 =	vld [tilespmem:$0x1FEC0]  }
0x54e: {  	v10 =	vld [tilespmem:s15+$0x10]  }
0x54f: {  	v12 =	vmul.f32 v61, v60;
	v60 =	vld [tilespmem:$0x1FF10]  }
0x550: {  	v15 =	vld [tilespmem:s15+$0x20]  }
0x551: {  	v39 =	vld [tilespmem:$0x1FED0]  }
0x552: {  	v28 =	vld [tilespmem:$0x1FEF0]  }
0x553: {  	v27 =	vld [tilespmem:$0x1FF00]  }
0x554: {  	v40 =	vld [tilespmem:$0x1FF60]  }
0x555: {  	s26 =	sadd.s32 $0x100, s26;
	v31 =	vld [tilespmem:$0x1FD60]  }
0x556: {  	v6 =	vmul.f32 $7.812500000e-03, v44;
	v8 =	vld [tilespmem:s26+$0x0]  }
0x557: {  	v11 =	vld [tilespmem:s26+$0x10]  }
0x558: {  	v1 =	vsub.f32 v47, v43;
	v0 =	vsub.f32 v6, v0;
	v6 =	vmul.f32 v61, v62;
	v62 =	vld [tilespmem:$0x1FEE0]  }
0x559: {  	v14 =	vadd.f32 v59, v60;
	v59 =	vld [tilespmem:$0x1FF20]  }
0x55a: {  	v13 =	vmul.f32 v61, v55;
	[tilespmem:$0x1FB00] =	vst v1;
	v1 =	vsub.f32 v45, v43;
	v7 =	vmul.f32 v42, v37;
	v42 =	vld [tilespmem:$0x1FF70]  }
0x55b: {  	v16 =	vmul.f32 v61, v52;
	v19 =	vmul.f32 v56, v28;
	v56 =	vld [tilespmem:$0x1FF30]  }
0x55c: {  	[tilespmem:$0x1FB20] =	vst v1;
	v1 =	vsub.f32 v46, v43;
	v22 =	vmul.f32 v53, v27;
	v12 =	vmul.f32 v12, v28;
	v28 =	vld [tilespmem:$0x1FF80]  }
0x55d: {  	v43 =	vmul.f32 v48, v37;
	v13 =	vmul.f32 v13, v27;
	v27 =	vld [tilespmem:$0x1FF90]  }
0x55e: {  	v41 =	vmul.f32 v49, v40;
	[tilespmem:$0x1FB30] =	vst v1;
	v1 =	vld [tilespmem:$0x1FFA0];
	v7 =	vadd.f32 v7, v62  }
0x55f: {  	s12 =	sadd.s32 $0x100, s12;
	v49 =	vmul.f32 v16, v40;
	v40 =	vadd.f32 v43, v62;
	v38 =	vadd.f32 v58, v59;
	v58 =	vld [tilespmem:$0x1FF50]  }
0x560: {  	[tilespmem:s12+$0x70] =	vst v7;
	v24 =	vmul.f32 v54, v42;
	v54 =	vld [tilespmem:$0x1FD30]  }
0x561: {  	[tilespmem:s13+$0xFFFFFFF0] =	vst v40;
	v40 =	vld [tilespmem:$0x1FDC0]  }
0x562: {  	v7 =	vld [tilespmem:s26+$0x20]  }
0x563: {  	v20 =	vld [tilespmem:s15+$0x30]  }
0x564: {  	v23 =	vld [tilespmem:s26+$0x30]  }
0x565: {  	v25 =	vld [tilespmem:s15+$0x40]  }
0x566: {  	v46 =	vld [tilespmem:s26+$0x40]  }
0x567: {  	s28 =	sadd.s32 $0x2, s28;
	v37 =	vmul.f32 v51, v1;
	v1 =	vld [tilespmem:$0x1FFB0]  }
0x568: {  	v18 =	vmul.f32 v57, v39;
	v57 =	vld [tilespmem:s28+$0x0]  }
0x569: {  	v9 =	vmul.f32 v61, v63;
	v0 =	vadd.f32 $9.999999960e-13, v0;
	v63 =	vld [tilespmem:s15+$0x50]  }
0x56a: {  	v32 =	vld [tilespmem:s26+$0x50]  }
0x56b: {  	v21 =	vshra.s32 v0, $0x1;
	v0 =	vmul.f32 $5.000000000e-01, v0;
	v33 =	vld [tilespmem:s15+$0x60]  }
0x56c: {  	[tilespmem:s13+$0xFFFFFF80] =	vst v14;
	v21 =	vsub.s32 $0x5F3759DF, v21;
	v14 =	vadd.f32 v41, v28;
	v41 =	vld [tilespmem:s26+$0x60]  }
0x56d: {  	v26 =	vmul.f32 v21, v0;
	v44 =	vld [tilespmem:s15+$0x70]  }
0x56e: {  	v17 =	vmul.f32 v61, v50;
	v6 =	vmul.f32 v6, v39;
	v45 =	vld [tilespmem:s26+$0x70]  }
0x56f: {  	v5 =	vadd.f32 v8, v5;
	v26 =	vmul.f32 v21, v26;
	[tilespmem:s13+$0xFFFFFF90] =	vst v38;
	v38 =	vld [tilespmem:$0x1FF40];
	v39 =	vadd.f32 v24, v27  }
0x570: {  	v10 =	vadd.f32 v11, v10;
	v51 =	vld [tilespmem:$0x1FD20];
	v9 =	vmul.f32 v9, v1;
	v1 =	vmul.f32 v17, v42  }
0x571: {  	v18 =	vadd.f32 v18, v56;
	v6 =	vadd.f32 v6, v56;
	[tilespmem:s13+$0xFFFFFFE0] =	vst v39;
	v39 =	vld [tilespmem:$0x1FD90]  }
0x572: {  	v26 =	vsub.f32 $1.500000000e+00, v26;
	v42 =	vadd.f32 v37, v60;
	v37 =	vld [tilespmem:$0x1FD50];
	[tilespmem:$0x1FB10] =	vst v1;
	v1 =	vimm.s32 $0x0  }
0x573: {  	[tilespmem:s13+$0xFFFFFFA0] =	vst v18;
	v61 =	vadd.f32 v22, v58;
	v16 =	vadd.f32 v41, v33;
	v33 =	vld [tilespmem:$0x1FDA0];
	v43 =	vperm.xlane v57, v1  }
0x574: {  	[tilespmem:s13+$0xFFFFFFD0] =	vst v14;
	v19 =	vadd.f32 v19, v38;
	v12 =	vadd.f32 v12, v38;
	v38 =	vld [tilespmem:$0x1FD80]  }
0x575: {  	v50 =	vmul.f32 v21, v26;
	v13 =	vadd.f32 v13, v58;
	[tilespmem:s13+$0xFFFFFFC0] =	vst v61;
	v61 =	vld [tilespmem:$0x1FD40];
	v47 =	vcvt.s32.f32 v43  }
0x576: {  	v7 =	vadd.f32 v7, v15;
	[tilespmem:s13+$0xFFFFFFB0] =	vst v19;
	v19 =	vadd.f32 v32, v63;
	v32 =	vld [tilespmem:$0x1FD70]  }
0x577: {  	v15 =	vadd.f32 v23, v20;
	v0 =	vmul.f32 v50, v0;
	v14 =	vld [tilespmem:s28+$0xFFFFFFFF];
	v48 =	vmul.f32 v47, v51  }
0x578: {  	v8 =	vadd.f32 v45, v44;
	v44 =	vmov v34;
	v34 =	vld [tilespmem:$0x1FDB0];
	v9 =	vadd.f32 v9, v59  }
0x579: {  	v20 =	vadd.f32 v46, v25;
	v41 =	vld [tilespmem:$0x1FDE0];
	v52 =	vmul.f32 v0, v50;
	v56 =	vmul.f32 v47, v54  }
0x57a: {  	[tilespmem:s12+$0x10] =	vst v9;
	v57 =	vmul.f32 v47, v37;
	v58 =	vmul.f32 v47, v38;
	v43 =	vmov v35;
	v35 =	vld [tilespmem:$0x1FDF0]  }
0x57b: {  	v59 =	vmul.f32 v47, v39;
	v9 =	vadd.f32 v48, v61;
	v21 =	vadd.f32 v56, v31;
	v48 =	vmovc v29;
	v29 =	vld [tilespmem:$0x1FDD0]  }
0x57c: {  	[tilespmem:s12+$0x0] =	vst v42;
	v22 =	vadd.f32 v57, v32;
	v23 =	vadd.f32 v58, v33;
	v14 =	vperm.xlane v14, v1;
	v1 =	vld [tilespmem:$0x1FE10]  }
0x57d: {  	v42 =	vmovc v36;
	v36 =	vld [tilespmem:$0x1FE00];
	v24 =	vmul.f32 v47, v40;
	v18 =	vadd.f32 v59, v34;
	v58 =	vadd.f32 v9, v5  }
0x57e: {  	v14 =	vcvt.s32.f32 v14;
	v56 =	vadd.f32 v10, v21;
	v59 =	vadd.f32 v7, v22  }
0x57f: {  	v17 =	vmul.f32 v47, v41;
	v55 =	vadd.f32 v15, v23;
	v57 =	vadd.f32 v20, v18  }
0x580: {  	v24 =	vadd.f32 v24, v35;
	v7 =	vmul.f32 v14, v51;
	v63 =	vmul.f32 v47, v29  }
0x581: {  	v18 =	vmul.f32 v58, v58;
	v21 =	vmul.f32 v56, v56;
	v17 =	vadd.f32 v17, v1  }
0x582: {  	v10 =	vmul.f32 v14, v54;
	v53 =	vadd.f32 v19, v24;
	v25 =	vadd.f32 v63, v36  }
0x583: {  	v22 =	vmul.f32 v59, v59;
	v18 =	vadd.f32 v21, v18;
	v51 =	vadd.f32 v8, v17  }
0x584: {  	v60 =	vmul.f32 v57, v57;
	v17 =	vadd.f32 v55, v59;
	v54 =	vadd.f32 v16, v25  }
0x585: {  	v20 =	vadd.f32 v53, v57;
	v16 =	vadd.f32 v56, v58;
	v25 =	vmul.f32 v55, v55  }
0x586: {  	v62 =	vmul.f32 v53, v53;
	v24 =	vadd.f32 v51, v54;
	v63 =	vmul.f32 v54, v54  }
0x587: {  	v16 =	vadd.f32 v17, v16;
	v21 =	vadd.f32 v25, v22;
	v22 =	vmul.f32 v14, v38  }
0x588: {  	v11 =	vld [tilespmem:s15+$0xFFFFFF80];
	v38 =	vmul.f32 v14, v39;
	v17 =	vadd.f32 v24, v20;
	v20 =	vmul.f32 v51, v51  }
0x589: {  	v39 =	vmul.f32 v14, v40;
	v40 =	vmul.f32 v14, v29;
	v29 =	vld [tilespmem:$0x1FFF0]  }
0x58a: {  	v0 =	vld [tilespmem:s26+$0xFFFFFF80];
	v24 =	vmul.f32 v14, v37;
	v37 =	vadd.f32 v62, v60;
	v20 =	vadd.f32 v20, v63  }
0x58b: {  	[tilespmem:s12+$0x20] =	vst v6;
	v6 =	vld [tilespmem:s15+$0xFFFFFF90];
	v18 =	vadd.f32 v21, v18  }
0x58c: {  	[tilespmem:s12+$0x30] =	vst v12;
	v12 =	vld [tilespmem:s26+$0xFFFFFF90];
	v16 =	vadd.f32 v17, v16;
	v20 =	vadd.f32 v20, v37  }
0x58d: {  	[tilespmem:s12+$0x40] =	vst v13;
	v13 =	vld [tilespmem:s15+$0xFFFFFFA0]  }
0x58e: {  	v26 =	vld [tilespmem:s26+$0xFFFFFFA0];
	v14 =	vmul.f32 v14, v41;
	v41 =	vperm.xlane v16, v29;
	v18 =	vadd.f32 v20, v18  }
0x58f: {  	v45 =	vld [tilespmem:s15+$0xFFFFFFB0]  }
0x590: {  	v46 =	vld [tilespmem:s26+$0xFFFFFFB0];
	v22 =	vadd.f32 v22, v33;
	v16 =	vadd.f32 v16, v41;
	v33 =	vperm.xlane v18, v29  }
0x591: {  	v5 =	vld [tilespmem:s26+$0xFFFFFFC0];
	v21 =	vadd.f32 v24, v32;
	v32 =	vadd.f32 v39, v35  }
0x592: {  	v9 =	vld [tilespmem:s15+$0xFFFFFFD0];
	v17 =	vadd.f32 v40, v36;
	v35 =	vperm.xlane v16, v3;
	v36 =	vadd.f32 v18, v33  }
0x593: {  	v6 =	vadd.f32 v12, v6;
	v15 =	vld [tilespmem:s26+$0xFFFFFFD0]  }
0x594: {  	v23 =	vld [tilespmem:s15+$0xFFFFFFF0];
	v63 =	vadd.f32 v38, v34;
	v12 =	vadd.f32 v16, v35;
	v38 =	vperm.xlane v36, v3  }
0x595: {  	v0 =	vadd.f32 v0, v11;
	v7 =	vadd.f32 v7, v61;
	v61 =	vld [tilespmem:s26+$0xFFFFFFF0]  }
0x596: {  	v47 =	vld [tilespmem:s15+$0xFFFFFFC0];
	v34 =	vadd.f32 v14, v1;
	v40 =	vperm.xlane v12, v2;
	v14 =	vadd.f32 v36, v38  }
0x597: {  	v13 =	vadd.f32 v26, v13;
	v19 =	vld [tilespmem:s26+$0xFFFFFFE0]  }
0x598: {  	v8 =	vld [tilespmem:s15+$0xFFFFFFE0];
	v7 =	vadd.f32 v7, v0;
	v0 =	vadd.f32 v12, v40;
	v41 =	vperm.xlane v14, v2  }
0x599: {  	v10 =	vadd.f32 v10, v31;
	v9 =	vadd.f32 v15, v9  }
0x59a: {  	v39 =	vadd.f32 v61, v23;
	v61 =	vperm.xlane v0, v4;
	v12 =	vadd.f32 v14, v41  }
0x59b: {  	v6 =	vadd.f32 v6, v10;
	v5 =	vadd.f32 v5, v47  }
0x59c: {  	v10 =	vadd.f32 v13, v21;
	v0 =	vadd.f32 v0, v61;
	v21 =	vperm.xlane v12, v4  }
0x59d: {  	v8 =	vadd.f32 v19, v8;
	v60 =	vmul.f32 v7, v7;
	v37 =	vadd.f32 v46, v45  }
0x59e: {  	v47 =	vadd.f32 v9, v32;
	v0 =	vmul.f32 $7.812500000e-03, v0;
	v9 =	vadd.f32 v12, v21  }
0x59f: {  	v62 =	vmul.f32 v6, v6;
	v5 =	vadd.f32 v5, v63;
	v45 =	vadd.f32 v8, v17  }
0x5a0: {  	v46 =	vadd.f32 v39, v34;
	v33 =	vmul.f32 v0, v0;
	v9 =	vmul.f32 $7.812500000e-03, v9  }
0x5a1: {  	v8 =	vadd.f32 v62, v60;
	v13 =	vadd.f32 v37, v22;
	v24 =	vmul.f32 v10, v10  }
0x5a2: {  	v32 =	vmul.f32 v5, v5;
	v34 =	vmul.f32 v47, v47;
	v9 =	vsub.f32 v9, v33  }
0x5a3: {  	v23 =	vadd.f32 v47, v5;
	v35 =	vmul.f32 v45, v45;
	v36 =	vmul.f32 v46, v46  }
0x5a4: {  	v25 =	vadd.f32 v46, v45;
	v26 =	vmul.f32 v13, v13;
	v9 =	vadd.f32 $9.999999960e-13, v9  }
0x5a5: {  	v37 =	vadd.f32 v36, v35;
	v14 =	vadd.f32 v34, v32  }
0x5a6: {  	v12 =	vadd.f32 v26, v24;
	v40 =	vshra.s32 v9, $0x1;
	v9 =	vmul.f32 $5.000000000e-01, v9  }
0x5a7: {  	v15 =	vadd.f32 v25, v23;
	v41 =	vsub.s32 $0x5F3759DF, v40  }
0x5a8: {  	v14 =	vadd.f32 v37, v14;
	v8 =	vadd.f32 v12, v8;
	v25 =	vmul.f32 v41, v9  }
0x5a9: {  	v1 =	vld [tilespmem:$0x1FB00]  }
0x5aa: {  	v39 =	vsub.f32 $1.500000000e+00, v52;
	v8 =	vadd.f32 v14, v8;
	v14 =	vmul.f32 v41, v25  }
0x5ab: {  	v63 =	vadd.f32 v6, v7;
	v22 =	vadd.f32 v13, v10  }
0x5ac: {  	v24 =	vmul.f32 v39, v50;
	v14 =	vsub.f32 $1.500000000e+00, v14  }
0x5ad: {  	v11 =	vadd.f32 v22, v63  }
0x5ae: {  	v12 =	vmul.f32 v41, v14;
	v41 =	vadd.f32 v49, v28;
	v49 =	vmul.f32 v24, v1;
	v1 =	vld [tilespmem:$0x1FB10];
	_ =	sdelay $0x1  }
0x5af: {  	v11 =	vadd.f32 v15, v11;
	_ =	sdelay $0x1  }
0x5b0: {  	v38 =	vperm.xlane v11, v29  }
0x5b1: {  	v63 =	vsub.f32 v56, v0;
	v56 =	vmul.f32 v24, v43;
	v43 =	vadd.f32 v1, v27;
	v1 =	vld [tilespmem:$0x1FB20];
	_ =	sdelay $0x1  }
0x5b2: {  	v11 =	vadd.f32 v11, v38  }
0x5b3: {  	v36 =	vperm.xlane v8, v29  }
0x5b4: {  	v35 =	vperm.xlane v11, v3  }
0x5b5: {  	v50 =	vsub.f32 v54, v0;
	v8 =	vadd.f32 v8, v36;
	v54 =	vmul.f32 v24, v1;
	v1 =	vld [tilespmem:$0x1FB30]  }
0x5b6: {  	v11 =	vadd.f32 v11, v35  }
0x5b7: {  	v40 =	vperm.xlane v8, v3  }
0x5b8: {  	v39 =	vperm.xlane v11, v2  }
0x5b9: {  	v52 =	vsub.f32 v53, v0;
	v8 =	vadd.f32 v8, v40  }
0x5ba: {  	v11 =	vadd.f32 v11, v39;
	v53 =	vmul.f32 v24, v48;
	v48 =	vmul.f32 v24, v1;
	v1 =	vld [tilespmem:$0x1FFA0]  }
0x5bb: {  	v62 =	vsub.f32 v59, v0;
	v20 =	vperm.xlane v8, v2;
	v9 =	vmul.f32 v12, v9  }
0x5bc: {  	v60 =	vsub.f32 v55, v0;
	v38 =	vmul.f32 v24, v42;
	v42 =	vperm.xlane v11, v4  }
0x5bd: {  	v37 =	vmul.f32 v24, v30;
	v8 =	vadd.f32 v8, v20;
	v9 =	vmul.f32 v9, v12  }
0x5be: {  	s14 =	sadd.s32 $0x2, s14;
	v55 =	vsub.f32 v57, v0;
	v57 =	vmul.f32 v24, v44;
	v11 =	vadd.f32 v11, v42  }
0x5bf: {  	p1 =	slt.u32 s14, $0x3E;
	v44 =	vperm.xlane v8, v4;
	v9 =	vsub.f32 $1.500000000e+00, v9;
	v59 =	vmul.f32 v37, v1;
	v1 =	vld [tilespmem:$0x1FFB0]  }
.Ltmp3:
0x5c0: {  	v26 =	vsub.f32 v58, v0;
	[tilespmem:s12+$0x60] =	vst v43;
	v43 =	vmul.f32 $7.812500000e-03, v11;
	(pc) =	sbr.rel @p1 .LBB2_8-.Ltmp3, $4  }
0x5c1: {  	v51 =	vsub.f32 v51, v0;
	v44 =	vadd.f32 v8, v44;
	v61 =	vmul.f32 v9, v12  }
0x5c2: {  	v0 =	vmul.f32 v43, v43;
	v30 =	vsub.f32 v7, v43;
	v36 =	vsub.f32 v6, v43  }
0x5c3: {  	v34 =	vsub.f32 v10, v43;
	v35 =	vsub.f32 v13, v43;
	v42 =	vmul.f32 v61, v51  }
0x5c4: {  	s13 =	smov.u32 s12;
	s15 =	sadd.s32 $0x100, s15;
	[tilespmem:s12+$0x50] =	vst v41;
	v29 =	vsub.f32 v5, v43;
	v51 =	vmul.f32 v61, v26;
	v58 =	vmul.f32 v38, v1  }
0x5c5: {  	v18 =	vld [tilespmem:$0x1FEC0];
	_ =	sdelay $0x1  }
0x5c6: {  	v5 =	vmul.f32 $7.812500000e-03, v44;
	v20 =	vld [tilespmem:$0x1FEE0];
	_ =	sdelay $0x1  }
0x5c7: {  	v0 =	vsub.f32 v5, v0  }
0x5c8: {  	v33 =	vld [tilespmem:$0x1FF10];
	v8 =	vmul.f32 v42, v18  }
0x5c9: {  	v0 =	vadd.f32 $9.999999960e-13, v0  }
0x5ca: {  	v8 =	vadd.f32 v8, v20  }
0x5cb: {  	s12 =	sadd.s32 $0x100, s12;
	v5 =	vshra.s32 v0, $0x1;
	v0 =	vmul.f32 $5.000000000e-01, v0  }
0x5cc: {  	v28 =	vld [tilespmem:$0x1FED0];
	v5 =	vsub.s32 $0x5F3759DF, v5;
	[tilespmem:s12+$0x70] =	vst v8  }
0x5cd: {  	v12 =	vadd.f32 v59, v33;
	v6 =	vmul.f32 v5, v0;
	v31 =	vld [tilespmem:$0x1FF20];
	_ =	sdelay $0x1  }
0x5ce: {  	v6 =	vmul.f32 v5, v6;
	v26 =	vld [tilespmem:$0x1FEF0];
	[tilespmem:s13+$0xFFFFFF80] =	vst v12  }
0x5cf: {  	v1 =	vld [tilespmem:$0x1FF30]  }
0x5d0: {  	v6 =	vsub.f32 $1.500000000e+00, v6  }
0x5d1: {  	v42 =	vadd.f32 v58, v31  }
0x5d2: {  	v13 =	vmul.f32 v57, v28;
	v5 =	vmul.f32 v5, v6  }
0x5d3: {  	v24 =	vld [tilespmem:$0x1FF00];
	[tilespmem:s13+$0xFFFFFF90] =	vst v42  }
0x5d4: {  	v13 =	vadd.f32 v13, v1;
	v0 =	vmul.f32 v5, v0;
	v21 =	vld [tilespmem:$0x1FF60]  }
0x5d5: {  	v11 =	vmul.f32 v61, v63;
	v27 =	vld [tilespmem:$0x1FF40]  }
0x5d6: {  	v9 =	vsub.f32 v45, v43;
	v15 =	vmul.f32 v61, v60;
	v19 =	vld [tilespmem:$0x1FF70];
	[tilespmem:s13+$0xFFFFFFA0] =	vst v13;
	v0 =	vmul.f32 v0, v5  }
0x5d7: {  	v10 =	vsub.f32 v46, v43;
	v46 =	vmul.f32 v61, v55;
	v6 =	vmul.f32 v61, v62;
	v25 =	vld [tilespmem:$0x1FF50]  }
0x5d8: {  	v45 =	vmul.f32 v48, v18;
	v14 =	vmul.f32 v56, v26;
	v0 =	vsub.f32 $1.500000000e+00, v0  }
0x5d9: {  	v7 =	vsub.f32 v47, v43;
	v43 =	vmul.f32 v53, v24;
	v6 =	vmul.f32 v6, v28  }
0x5da: {  	v0 =	vmul.f32 v0, v5;
	v5 =	vmul.f32 v61, v50;
	v14 =	vadd.f32 v14, v27  }
0x5db: {  	v44 =	vmul.f32 v49, v21;
	v16 =	vmul.f32 v54, v19  }
0x5dc: {  	v49 =	vmul.f32 v61, v52;
	v52 =	vmul.f32 v15, v26;
	v12 =	vadd.f32 v43, v25;
	[tilespmem:s13+$0xFFFFFFB0] =	vst v14  }
0x5dd: {  	v54 =	vmul.f32 v0, v30;
	v56 =	vmul.f32 v0, v34;
	v23 =	vld [tilespmem:$0x1FF80]  }
0x5de: {  	v48 =	vadd.f32 v45, v20;
	v57 =	vmul.f32 v0, v35;
	v58 =	vmul.f32 v0, v29;
	v32 =	vld [tilespmem:$0x1FFA0];
	[tilespmem:s13+$0xFFFFFFC0] =	vst v12  }
0x5df: {  	v6 =	vadd.f32 v6, v1;
	v7 =	vmul.f32 v0, v7;
	v59 =	vmul.f32 v56, v28;
	v22 =	vld [tilespmem:$0x1FF90]  }
0x5e0: {  	v60 =	vmul.f32 v0, v9;
	v12 =	vadd.f32 v52, v27;
	v61 =	vmul.f32 v58, v24;
	v2 =	vld [tilespmem:$0x1FFB0];
	[tilespmem:s13+$0xFFFFFFF0] =	vst v48  }
0x5e1: {  	[tilespmem:s12+$0x20] =	vst v6;
	v6 =	vmul.f32 v0, v36;
	v0 =	vmul.f32 v0, v10;
	v62 =	vadd.f32 v59, v1  }
0x5e2: {  	v13 =	vmul.f32 v49, v21;
	[tilespmem:s12+$0x30] =	vst v12;
	v63 =	vadd.f32 v61, v25  }
0x5e3: {  	v0 =	vmul.f32 v0, v18;
	[tilespmem:s12+$0xFFFFFFA0] =	vst v62;
	v8 =	vadd.f32 v44, v23  }
0x5e4: {  	[tilespmem:s12+$0xFFFFFFC0] =	vst v63;
	v55 =	vadd.f32 v13, v23  }
0x5e5: {  	v5 =	vmul.f32 v5, v19;
	v0 =	vadd.f32 v0, v20;
	[tilespmem:s13+$0xFFFFFFD0] =	vst v8  }
0x5e6: {  	v17 =	vmul.f32 v51, v32;
	v47 =	vadd.f32 v16, v22;
	[tilespmem:s12+$0x50] =	vst v55  }
0x5e7: {  	v11 =	vmul.f32 v11, v2;
	v5 =	vadd.f32 v5, v22;
	[tilespmem:s12+$0xFFFFFFF0] =	vst v0  }
0x5e8: {  	v6 =	vmul.f32 v6, v2;
	v51 =	vadd.f32 v17, v33;
	[tilespmem:s13+$0xFFFFFFE0] =	vst v47  }
0x5e9: {  	v53 =	vmul.f32 v46, v24;
	v11 =	vadd.f32 v11, v31;
	[tilespmem:s12+$0x60] =	vst v5  }
0x5ea: {  	v5 =	vadd.f32 v6, v31;
	v6 =	vmul.f32 v57, v26;
	[tilespmem:s12+$0x0] =	vst v51  }
0x5eb: {  	v8 =	vadd.f32 v53, v25;
	[tilespmem:s12+$0x10] =	vst v11;
	v11 =	vmul.f32 v54, v32  }
0x5ec: {  	[tilespmem:s12+$0xFFFFFF90] =	vst v5;
	v5 =	vmul.f32 v7, v21;
	v6 =	vadd.f32 v6, v27  }
0x5ed: {  	[tilespmem:s12+$0x40] =	vst v8;
	v7 =	vmul.f32 v60, v19;
	v11 =	vadd.f32 v11, v33  }
0x5ee: {  	[tilespmem:s12+$0xFFFFFFB0] =	vst v6;
	v5 =	vadd.f32 v5, v23  }
0x5ef: {  	v6 =	vadd.f32 v7, v22;
	[tilespmem:s12+$0xFFFFFF80] =	vst v11  }
0x5f0: {  	[tilespmem:s12+$0xFFFFFFD0] =	vst v5  }
0x5f1: {  	[tilespmem:s12+$0xFFFFFFE0] =	vst v6  }
0x5f2: {  	s26 =	simm.s32 $0xE800;
	s12 =	rddreg [dreg:$0xa]  }
0x5f3: {  	[hbm4b:s12+s6] =	stream.linear.scatter [tilespmem:s26], [sflag:$0x6], $0x2000, $0x38;
	[tilespmem:$0x14A00] =	vst v63  }
0x5f4: {  	_ =	swait.ge [sflag:s1], $0x2000  }
0x5f5: {  	[sflag:s1] =	ssyncset.done $0x0  }
0x5f6: {  	[sflag:s1] =	ssyncadd.s32 $0xFFFFE000  }
0x5f7: {  	_ =	swait.ge [sflag:s1], $0x2000  }
0x5f8: {  	[sflag:s1] =	ssyncset.done $0x0  }
0x5f9: {  	[sflag:s1] =	ssyncadd.s32 $0xFFFFE000  }
0x5fa: {  	_ =	swait.ge [sflag:s1], $0x2000  }
0x5fb: {  	[sflag:s1] =	ssyncset.done $0x0  }
0x5fc: {  	[sflag:s1] =	ssyncadd.s32 $0xFFFFE000  }
0x5fd: {  	_ =	swait.ge [sflag:s1], $0x2000  }
0x5fe: {  	s24 =	sadd.s32 $0x1, s24;
	s28 =	rddreg [dreg:$0xb]  }
0x5ff: {  	p1 =	sne.s32 s24, s28  }
.Ltmp4:
0x600: {  	_ = 	snop;
	(pc) =	sbr.rel @p1 .LBB2_1-.Ltmp4, $3  }
0x601: {  	_ =	sdelay $0x1  }
0x602: {  	[sflag:s1] =	ssyncset.done $0x0  }
0x603: {  	v5 =	vimm.s32 $0x0;
	v1 =	vld [tilespmem:$0x1FFF0];
	[sflag:s1] =	ssyncadd.s32 $0xFFFFE000  }
0x604: {  	_ =	sfence.sel $0x180000  }
0x605: {  	[bflag:$0x0] =	sbarrier.arrive $0xFFFF  }
0x606: {  	_ =	strace $0x90000047  }
0x607: {  	[bflag:$0x2] =	sbarrier.arrive $0xFFFF  }
0x608: {  	s0 =	rddreg [dreg:$0x7]  }
0x609: {  	s0 =	sadd.s32 @!p0 $0x100000, s0  }
0x60a: {  	[sflag:s0] =	ssyncadd.tile.s32 @!p0 $0x1;
	_ =	shalt  }
.Lfunc_end2:
_tile_overlayer_lowered:
.L_overlay_start_2:
0x60b: {  	(tag) =	ssettag $0x2  }
0x60c: {  	s0 =	rddreg [dreg:$0x0];
	s2 =	stileid.u32  }
0x60d: {  	s1 =	rddreg [dreg:$0x1];
	p0 =	sne.s32 s2, $0x0  }
0x60e: {  	s3 =	rddreg [dreg:$0x2];
	[bflag:$0x3] =	sbarrier.arrive $0xFFFF;
	s2 =	simm.s32 @!p0 $0x1C07  }
0x60f: {  	[timem:s3], [sflag:s2] =	dma.local @!p0 [hbm:s0], s1  }
0x610: {  	s0 =	simm.s32 @!p0 $0x7  }
0x611: {  	_ =	swait.ge @!p0 [sflag:s0], s1  }
0x612: {  	s1 =	ssub.s32 @!p0 $0x0, s1;
	[sflag:s0] =	ssyncset.done @!p0 $0x0  }
0x613: {  	[sflag:s0] =	ssyncadd.s32 @!p0 s1  }
0x614: {  	[bflag:$0x3] =	sbarrier.arrive $0xFFFF  }
0x615: {  	_ =	shalt  }

</sc_bundles>
